<compile_context>
chip_gen: v7x
topology: tpu7x:2x2x1
jax: 0.10.2.dev20260603
libtpu: 0.0.44.dev20260713+nightly
codegen_flags: <defaults>
</compile_context>

<pallas_src>
import jax
import jax.numpy as jnp
from jax import lax
from jax.experimental import pallas as pl
from jax.experimental.pallas import tpu as pltpu
from jax.experimental.pallas import tpu_sc as plsc

B = 16384
ROWS = (1, 5, 3, 2)
WORDS = (2, 3, 1, 1)
NC, NS, L = 2, 16, 16
NW = NC * NS
NB = B // NW
CHUNK = 64
NCHUNK = NB // CHUNK


def _sc_body(x_hbm, out_hbm, buf, ov, sem):
    wid = lax.axis_index("s") * NC + lax.axis_index("c")
    base = wid * NB

    j = lax.iota(jnp.int32, L)
    zero = j * 0

    def stage(chunk, slot):
        cbase = base + chunk * CHUNK
        return [
            pltpu.async_copy(
                x_hbm.at[ROWS[i], pl.ds(cbase, CHUNK), :],
                buf.at[slot, i], sem)
            for i in range(4)
        ]

    in_d = {0: stage(0, 0), 1: stage(1, 1)}
    for chunk in range(NCHUNK):
        slot = chunk % 3
        if chunk + 2 < NCHUNK:
            in_d[(chunk + 2) % 3] = stage(chunk + 2, (chunk + 2) % 3)
        for d in in_d[slot]:
            d.wait()

        for c in range(CHUNK // L):
            b_vec = c * L + j
            for i in range(4):
                val = plsc.load_gather(
                    buf, [zero + slot, zero + i, b_vec, zero + WORDS[i]])
                ov[i, pl.ds(chunk * CHUNK + c * L, L)] = val

    pltpu.sync_copy(ov, out_hbm.at[:, pl.ds(base, NB)])


@jax.jit
def _sc_call(xt):
    mesh = plsc.VectorSubcoreMesh(
        core_axis_name="c", subcore_axis_name="s",
        num_cores=NC, num_subcores=NS)
    return pl.kernel(
        _sc_body,
        out_type=jax.ShapeDtypeStruct((4, B), jnp.float32),
        mesh=mesh,
        scratch_types=[
            pltpu.VMEM((3, 4, CHUNK, 128), jnp.float32),
            pltpu.VMEM((4, NB), jnp.float32),
            pltpu.SemaphoreType.DMA,
        ],
        compiler_params=pltpu.CompilerParams(needs_layout_passes=False),
    )(xt)


def kernel(X):
    return jnp.transpose(_sc_call(jnp.transpose(X, (1, 0, 2))))

# --- scband reference (transcript-rebuilt; emitter-appended) ---
"""Pipeline reference for scband-index-module-30631706755748 (READ-ONLY COPY).

The authoritative reference and input builder live on the scoring server;
editing this copy changes nothing except your own understanding.
"""

import jax, jax.numpy as jnp
import numpy as np

INDEX_1 = jnp.array([1, 5, 3, 2], dtype=jnp.int32)
INDEX_2 = jnp.array([2, 3, 1, 1], dtype=jnp.int32)

def setup_inputs(seed: int = 0) -> dict:
    key = jax.random.key(seed)
    X = jax.random.normal(key, (16384, 50, 128), dtype=jnp.float32)
    return {"X": X}

def reference(X):
    # Faithful translation of X[:, index_1, index_2] advanced indexing:
    # result[b, i] = X[b, index_1[i], index_2[i]] -> shape [B, 4]
    V = X[:, INDEX_1, INDEX_2]
    return V

if __name__ == "__main__":
    import jax
    _d = setup_inputs()
    print(jax.jit(kernel)(*tuple(_d.values())))

</pallas_src>

<mosaic_0001>
#map = affine_map<(d0, d1) -> (0, 0, 0)>
#map1 = affine_map<(d0, d1) -> (0, 0)>
module attributes {stable_mosaic.version = 14 : i64} {
  func.func @_sc_body(%arg0: i32, %arg1: i32, %arg2: memref<50x16384x128xf32, #tpu.memory_space<hbm>>, %arg3: memref<4x16384xf32, #tpu.memory_space<hbm>>, %arg4: memref<3x4x64x128xf32, #tpu.memory_space<vmem>>, %arg5: memref<4x512xf32, #tpu.memory_space<vmem>>, %arg6: memref<!tpu.dma_semaphore, #tpu.memory_space<semaphore_mem>>) attributes {dimension_semantics = [#tpu.dimension_semantics<core_parallel>, #tpu.dimension_semantics<subcore_parallel>], iteration_bounds = array<i64: 2, 16>, scalar_prefetch = 0 : i64, scratch_operands = 3 : i64, tpu.core_type = #tpu.core_type<sc_vector_subcore>, window_params = [{transform_indices = #map}, {transform_indices = #map1}]} {
    %mul3A = arith.constant 2 : i32
    %mul3A_0 = arith.muli %arg1, %mul3A : i32
    %add3A = arith.addi %mul3A_0, %arg0 : i32
    %mul3A_1 = arith.constant 512 : i32
    %mul3A_2 = arith.muli %add3A, %mul3A_1 : i32
    %iota3A = tpu.iota {dimensions = array<i32: 0>} : vector<16xi32>
    %mul3A_3 = arith.constant 0 : i32
    %mul3A_4 = vector.broadcast %mul3A_3 : i32 to vector<16xi32>
    %mul3A_5 = arith.muli %iota3A, %mul3A_4 : vector<16xi32>
    %add3A_6 = arith.constant 0 : i32
    %add3A_7 = arith.addi %mul3A_2, %add3A_6 : i32
    %dma_start3A = arith.constant 1 : i32
    %dma_start3A_8 = arith.constant 0 : i32
    %dma_start3A_9 = arith.constant 0 : i32
    %dma_start3A_10 = arith.constant 0 : i32
    %dma_start3A_11 = arith.constant 0 : i32
    %dma_start3A_12 = tpu.memref_slice %arg4[%dma_start3A_8, %dma_start3A_9, %dma_start3A_10, %dma_start3A_11] : memref<3x4x64x128xf32, #tpu.memory_space<vmem>> -> memref<1x1x64x128xf32, #tpu.memory_space<vmem>>
    %dma_start3A_13 = tpu.memref_squeeze %dma_start3A_12 : memref<1x1x64x128xf32, #tpu.memory_space<vmem>> -> memref<64x128xf32, #tpu.memory_space<vmem>>
    %dma_start3A_14 = arith.constant 0 : i32
    %dma_start3A_15 = tpu.memref_slice %arg2[%dma_start3A, %add3A_7, %dma_start3A_14] : memref<50x16384x128xf32, #tpu.memory_space<hbm>> -> memref<1x64x128xf32, #tpu.memory_space<hbm>>
    %dma_start3A_16 = tpu.memref_squeeze %dma_start3A_15 : memref<1x64x128xf32, #tpu.memory_space<hbm>> -> memref<64x128xf32, #tpu.memory_space<hbm>>
    %dma_start3A_17 = arith.constant 0 : i32
    %dma_start3A_18 = arith.constant 0 : i32
    %dma_start3A_19 = tpu.memref_slice %arg4[%dma_start3A_8, %dma_start3A_9, %dma_start3A_17, %dma_start3A_18] : memref<3x4x64x128xf32, #tpu.memory_space<vmem>> -> memref<1x1x64x128xf32, #tpu.memory_space<vmem>>
    %dma_start3A_20 = tpu.memref_squeeze %dma_start3A_19 : memref<1x1x64x128xf32, #tpu.memory_space<vmem>> -> memref<64x128xf32, #tpu.memory_space<vmem>>
    %dma_start3A_21 = arith.constant 0 : i32
    %dma_start3A_22 = tpu.memref_slice %arg2[%dma_start3A, %add3A_7, %dma_start3A_21] : memref<50x16384x128xf32, #tpu.memory_space<hbm>> -> memref<1x64x128xf32, #tpu.memory_space<hbm>>
    %dma_start3A_23 = tpu.memref_squeeze %dma_start3A_22 : memref<1x64x128xf32, #tpu.memory_space<hbm>> -> memref<64x128xf32, #tpu.memory_space<hbm>>
    tpu.enqueue_dma source(%dma_start3A_23 : memref<64x128xf32, #tpu.memory_space<hbm>>) target(%dma_start3A_20 : memref<64x128xf32, #tpu.memory_space<vmem>>) target_semaphore(%arg6 : memref<!tpu.dma_semaphore, #tpu.memory_space<semaphore_mem>>)
    %dma_start3A_24 = arith.constant 5 : i32
    %dma_start3A_25 = arith.constant 0 : i32
    %dma_start3A_26 = arith.constant 1 : i32
    %dma_start3A_27 = arith.constant 0 : i32
    %dma_start3A_28 = arith.constant 0 : i32
    %dma_start3A_29 = tpu.memref_slice %arg4[%dma_start3A_25, %dma_start3A_26, %dma_start3A_27, %dma_start3A_28] : memref<3x4x64x128xf32, #tpu.memory_space<vmem>> -> memref<1x1x64x128xf32, #tpu.memory_space<vmem>>
    %dma_start3A_30 = tpu.memref_squeeze %dma_start3A_29 : memref<1x1x64x128xf32, #tpu.memory_space<vmem>> -> memref<64x128xf32, #tpu.memory_space<vmem>>
    %dma_start3A_31 = arith.constant 0 : i32
    %dma_start3A_32 = tpu.memref_slice %arg2[%dma_start3A_24, %add3A_7, %dma_start3A_31] : memref<50x16384x128xf32, #tpu.memory_space<hbm>> -> memref<1x64x128xf32, #tpu.memory_space<hbm>>
    %dma_start3A_33 = tpu.memref_squeeze %dma_start3A_32 : memref<1x64x128xf32, #tpu.memory_space<hbm>> -> memref<64x128xf32, #tpu.memory_space<hbm>>
    %dma_start3A_34 = arith.constant 0 : i32
    %dma_start3A_35 = arith.constant 0 : i32
    %dma_start3A_36 = tpu.memref_slice %arg4[%dma_start3A_25, %dma_start3A_26, %dma_start3A_34, %dma_start3A_35] : memref<3x4x64x128xf32, #tpu.memory_space<vmem>> -> memref<1x1x64x128xf32, #tpu.memory_space<vmem>>
    %dma_start3A_37 = tpu.memref_squeeze %dma_start3A_36 : memref<1x1x64x128xf32, #tpu.memory_space<vmem>> -> memref<64x128xf32, #tpu.memory_space<vmem>>
    %dma_start3A_38 = arith.constant 0 : i32
    %dma_start3A_39 = tpu.memref_slice %arg2[%dma_start3A_24, %add3A_7, %dma_start3A_38] : memref<50x16384x128xf32, #tpu.memory_space<hbm>> -> memref<1x64x128xf32, #tpu.memory_space<hbm>>
    %dma_start3A_40 = tpu.memref_squeeze %dma_start3A_39 : memref<1x64x128xf32, #tpu.memory_space<hbm>> -> memref<64x128xf32, #tpu.memory_space<hbm>>
    tpu.enqueue_dma source(%dma_start3A_40 : memref<64x128xf32, #tpu.memory_space<hbm>>) target(%dma_start3A_37 : memref<64x128xf32, #tpu.memory_space<vmem>>) target_semaphore(%arg6 : memref<!tpu.dma_semaphore, #tpu.memory_space<semaphore_mem>>)
    %dma_start3A_41 = arith.constant 3 : i32
    %dma_start3A_42 = arith.constant 0 : i32
    %dma_start3A_43 = arith.constant 2 : i32
    %dma_start3A_44 = arith.constant 0 : i32
    %dma_start3A_45 = arith.constant 0 : i32
    %dma_start3A_46 = tpu.memref_slice %arg4[%dma_start3A_42, %dma_start3A_43, %dma_start3A_44, %dma_start3A_45] : memref<3x4x64x128xf32, #tpu.memory_space<vmem>> -> memref<1x1x64x128xf32, #tpu.memory_space<vmem>>
    %dma_start3A_47 = tpu.memref_squeeze %dma_start3A_46 : memref<1x1x64x128xf32, #tpu.memory_space<vmem>> -> memref<64x128xf32, #tpu.memory_space<vmem>>
    %dma_start3A_48 = arith.constant 0 : i32
    %dma_start3A_49 = tpu.memref_slice %arg2[%dma_start3A_41, %add3A_7, %dma_start3A_48] : memref<50x16384x128xf32, #tpu.memory_space<hbm>> -> memref<1x64x128xf32, #tpu.memory_space<hbm>>
    %dma_start3A_50 = tpu.memref_squeeze %dma_start3A_49 : memref<1x64x128xf32, #tpu.memory_space<hbm>> -> memref<64x128xf32, #tpu.memory_space<hbm>>
    %dma_start3A_51 = arith.constant 0 : i32
    %dma_start3A_52 = arith.constant 0 : i32
    %dma_start3A_53 = tpu.memref_slice %arg4[%dma_start3A_42, %dma_start3A_43, %dma_start3A_51, %dma_start3A_52] : memref<3x4x64x128xf32, #tpu.memory_space<vmem>> -> memref<1x1x64x128xf32, #tpu.memory_space<vmem>>
    %dma_start3A_54 = tpu.memref_squeeze %dma_start3A_53 : memref<1x1x64x128xf32, #tpu.memory_space<vmem>> -> memref<64x128xf32, #tpu.memory_space<vmem>>
    %dma_start3A_55 = arith.constant 0 : i32
    %dma_start3A_56 = tpu.memref_slice %arg2[%dma_start3A_41, %add3A_7, %dma_start3A_55] : memref<50x16384x128xf32, #tpu.memory_space<hbm>> -> memref<1x64x128xf32, #tpu.memory_space<hbm>>
    %dma_start3A_57 = tpu.memref_squeeze %dma_start3A_56 : memref<1x64x128xf32, #tpu.memory_space<hbm>> -> memref<64x128xf32, #tpu.memory_space<hbm>>
    tpu.enqueue_dma source(%dma_start3A_57 : memref<64x128xf32, #tpu.memory_space<hbm>>) target(%dma_start3A_54 : memref<64x128xf32, #tpu.memory_space<vmem>>) target_semaphore(%arg6 : memref<!tpu.dma_semaphore, #tpu.memory_space<semaphore_mem>>)
    %dma_start3A_58 = arith.constant 2 : i32
    %dma_start3A_59 = arith.constant 0 : i32
    %dma_start3A_60 = arith.constant 3 : i32
    %dma_start3A_61 = arith.constant 0 : i32
    %dma_start3A_62 = arith.constant 0 : i32
    %dma_start3A_63 = tpu.memref_slice %arg4[%dma_start3A_59, %dma_start3A_60, %dma_start3A_61, %dma_start3A_62] : memref<3x4x64x128xf32, #tpu.memory_space<vmem>> -> memref<1x1x64x128xf32, #tpu.memory_space<vmem>>
    %dma_start3A_64 = tpu.memref_squeeze %dma_start3A_63 : memref<1x1x64x128xf32, #tpu.memory_space<vmem>> -> memref<64x128xf32, #tpu.memory_space<vmem>>
    %dma_start3A_65 = arith.constant 0 : i32
    %dma_start3A_66 = tpu.memref_slice %arg2[%dma_start3A_58, %add3A_7, %dma_start3A_65] : memref<50x16384x128xf32, #tpu.memory_space<hbm>> -> memref<1x64x128xf32, #tpu.memory_space<hbm>>
    %dma_start3A_67 = tpu.memref_squeeze %dma_start3A_66 : memref<1x64x128xf32, #tpu.memory_space<hbm>> -> memref<64x128xf32, #tpu.memory_space<hbm>>
    %dma_start3A_68 = arith.constant 0 : i32
    %dma_start3A_69 = arith.constant 0 : i32
    %dma_start3A_70 = tpu.memref_slice %arg4[%dma_start3A_59, %dma_start3A_60, %dma_start3A_68, %dma_start3A_69] : memref<3x4x64x128xf32, #tpu.memory_space<vmem>> -> memref<1x1x64x128xf32, #tpu.memory_space<vmem>>
    %dma_start3A_71 = tpu.memref_squeeze %dma_start3A_70 : memref<1x1x64x128xf32, #tpu.memory_space<vmem>> -> memref<64x128xf32, #tpu.memory_space<vmem>>
    %dma_start3A_72 = arith.constant 0 : i32
    %dma_start3A_73 = tpu.memref_slice %arg2[%dma_start3A_58, %add3A_7, %dma_start3A_72] : memref<50x16384x128xf32, #tpu.memory_space<hbm>> -> memref<1x64x128xf32, #tpu.memory_space<hbm>>
    %dma_start3A_74 = tpu.memref_squeeze %dma_start3A_73 : memref<1x64x128xf32, #tpu.memory_space<hbm>> -> memref<64x128xf32, #tpu.memory_space<hbm>>
    tpu.enqueue_dma source(%dma_start3A_74 : memref<64x128xf32, #tpu.memory_space<hbm>>) target(%dma_start3A_71 : memref<64x128xf32, #tpu.memory_space<vmem>>) target_semaphore(%arg6 : memref<!tpu.dma_semaphore, #tpu.memory_space<semaphore_mem>>)
    %add3A_75 = arith.constant 64 : i32
    %add3A_76 = arith.addi %mul3A_2, %add3A_75 : i32
    %dma_start3A_77 = arith.constant 1 : i32
    %dma_start3A_78 = arith.constant 1 : i32
    %dma_start3A_79 = arith.constant 0 : i32
    %dma_start3A_80 = arith.constant 0 : i32
    %dma_start3A_81 = arith.constant 0 : i32
    %dma_start3A_82 = tpu.memref_slice %arg4[%dma_start3A_78, %dma_start3A_79, %dma_start3A_80, %dma_start3A_81] : memref<3x4x64x128xf32, #tpu.memory_space<vmem>> -> memref<1x1x64x128xf32, #tpu.memory_space<vmem>>
    %dma_start3A_83 = tpu.memref_squeeze %dma_start3A_82 : memref<1x1x64x128xf32, #tpu.memory_space<vmem>> -> memref<64x128xf32, #tpu.memory_space<vmem>>
    %dma_start3A_84 = arith.constant 0 : i32
    %dma_start3A_85 = tpu.memref_slice %arg2[%dma_start3A_77, %add3A_76, %dma_start3A_84] : memref<50x16384x128xf32, #tpu.memory_space<hbm>> -> memref<1x64x128xf32, #tpu.memory_space<hbm>>
    %dma_start3A_86 = tpu.memref_squeeze %dma_start3A_85 : memref<1x64x128xf32, #tpu.memory_space<hbm>> -> memref<64x128xf32, #tpu.memory_space<hbm>>
    %dma_start3A_87 = arith.constant 0 : i32
    %dma_start3A_88 = arith.constant 0 : i32
    %dma_start3A_89 = tpu.memref_slice %arg4[%dma_start3A_78, %dma_start3A_79, %dma_start3A_87, %dma_start3A_88] : memref<3x4x64x128xf32, #tpu.memory_space<vmem>> -> memref<1x1x64x128xf32, #tpu.memory_space<vmem>>
    %dma_start3A_90 = tpu.memref_squeeze %dma_start3A_89 : memref<1x1x64x128xf32, #tpu.memory_space<vmem>> -> memref<64x128xf32, #tpu.memory_space<vmem>>
    %dma_start3A_91 = arith.constant 0 : i32
    %dma_start3A_92 = tpu.memref_slice %arg2[%dma_start3A_77, %add3A_76, %dma_start3A_91] : memref<50x16384x128xf32, #tpu.memory_space<hbm>> -> memref<1x64x128xf32, #tpu.memory_space<hbm>>
    %dma_start3A_93 = tpu.memref_squeeze %dma_start3A_92 : memref<1x64x128xf32, #tpu.memory_space<hbm>> -> memref<64x128xf32, #tpu.memory_space<hbm>>
    tpu.enqueue_dma source(%dma_start3A_93 : memref<64x128xf32, #tpu.memory_space<hbm>>) target(%dma_start3A_90 : memref<64x128xf32, #tpu.memory_space<vmem>>) target_semaphore(%arg6 : memref<!tpu.dma_semaphore, #tpu.memory_space<semaphore_mem>>)
    %dma_start3A_94 = arith.constant 5 : i32
    %dma_start3A_95 = arith.constant 1 : i32
    %dma_start3A_96 = arith.constant 1 : i32
    %dma_start3A_97 = arith.constant 0 : i32
    %dma_start3A_98 = arith.constant 0 : i32
    %dma_start3A_99 = tpu.memref_slice %arg4[%dma_start3A_95, %dma_start3A_96, %dma_start3A_97, %dma_start3A_98] : memref<3x4x64x128xf32, #tpu.memory_space<vmem>> -> memref<1x1x64x128xf32, #tpu.memory_space<vmem>>
    %dma_start3A_100 = tpu.memref_squeeze %dma_start3A_99 : memref<1x1x64x128xf32, #tpu.memory_space<vmem>> -> memref<64x128xf32, #tpu.memory_space<vmem>>
    %dma_start3A_101 = arith.constant 0 : i32
    %dma_start3A_102 = tpu.memref_slice %arg2[%dma_start3A_94, %add3A_76, %dma_start3A_101] : memref<50x16384x128xf32, #tpu.memory_space<hbm>> -> memref<1x64x128xf32, #tpu.memory_space<hbm>>
    %dma_start3A_103 = tpu.memref_squeeze %dma_start3A_102 : memref<1x64x128xf32, #tpu.memory_space<hbm>> -> memref<64x128xf32, #tpu.memory_space<hbm>>
    %dma_start3A_104 = arith.constant 0 : i32
    %dma_start3A_105 = arith.constant 0 : i32
    %dma_start3A_106 = tpu.memref_slice %arg4[%dma_start3A_95, %dma_start3A_96, %dma_start3A_104, %dma_start3A_105] : memref<3x4x64x128xf32, #tpu.memory_space<vmem>> -> memref<1x1x64x128xf32, #tpu.memory_space<vmem>>
    %dma_start3A_107 = tpu.memref_squeeze %dma_start3A_106 : memref<1x1x64x128xf32, #tpu.memory_space<vmem>> -> memref<64x128xf32, #tpu.memory_space<vmem>>
    %dma_start3A_108 = arith.constant 0 : i32
    %dma_start3A_109 = tpu.memref_slice %arg2[%dma_start3A_94, %add3A_76, %dma_start3A_108] : memref<50x16384x128xf32, #tpu.memory_space<hbm>> -> memref<1x64x128xf32, #tpu.memory_space<hbm>>
    %dma_start3A_110 = tpu.memref_squeeze %dma_start3A_109 : memref<1x64x128xf32, #tpu.memory_space<hbm>> -> memref<64x128xf32, #tpu.memory_space<hbm>>
    tpu.enqueue_dma source(%dma_start3A_110 : memref<64x128xf32, #tpu.memory_space<hbm>>) target(%dma_start3A_107 : memref<64x128xf32, #tpu.memory_space<vmem>>) target_semaphore(%arg6 : memref<!tpu.dma_semaphore, #tpu.memory_space<semaphore_mem>>)
    %dma_start3A_111 = arith.constant 3 : i32
    %dma_start3A_112 = arith.constant 1 : i32
    %dma_start3A_113 = arith.constant 2 : i32
    %dma_start3A_114 = arith.constant 0 : i32
    %dma_start3A_115 = arith.constant 0 : i32
    %dma_start3A_116 = tpu.memref_slice %arg4[%dma_start3A_112, %dma_start3A_113, %dma_start3A_114, %dma_start3A_115] : memref<3x4x64x128xf32, #tpu.memory_space<vmem>> -> memref<1x1x64x128xf32, #tpu.memory_space<vmem>>
    %dma_start3A_117 = tpu.memref_squeeze %dma_start3A_116 : memref<1x1x64x128xf32, #tpu.memory_space<vmem>> -> memref<64x128xf32, #tpu.memory_space<vmem>>
    %dma_start3A_118 = arith.constant 0 : i32
    %dma_start3A_119 = tpu.memref_slice %arg2[%dma_start3A_111, %add3A_76, %dma_start3A_118] : memref<50x16384x128xf32, #tpu.memory_space<hbm>> -> memref<1x64x128xf32, #tpu.memory_space<hbm>>
    %dma_start3A_120 = tpu.memref_squeeze %dma_start3A_119 : memref<1x64x128xf32, #tpu.memory_space<hbm>> -> memref<64x128xf32, #tpu.memory_space<hbm>>
    %dma_start3A_121 = arith.constant 0 : i32
    %dma_start3A_122 = arith.constant 0 : i32
    %dma_start3A_123 = tpu.memref_slice %arg4[%dma_start3A_112, %dma_start3A_113, %dma_start3A_121, %dma_start3A_122] : memref<3x4x64x128xf32, #tpu.memory_space<vmem>> -> memref<1x1x64x128xf32, #tpu.memory_space<vmem>>
    %dma_start3A_124 = tpu.memref_squeeze %dma_start3A_123 : memref<1x1x64x128xf32, #tpu.memory_space<vmem>> -> memref<64x128xf32, #tpu.memory_space<vmem>>
    %dma_start3A_125 = arith.constant 0 : i32
    %dma_start3A_126 = tpu.memref_slice %arg2[%dma_start3A_111, %add3A_76, %dma_start3A_125] : memref<50x16384x128xf32, #tpu.memory_space<hbm>> -> memref<1x64x128xf32, #tpu.memory_space<hbm>>
    %dma_start3A_127 = tpu.memref_squeeze %dma_start3A_126 : memref<1x64x128xf32, #tpu.memory_space<hbm>> -> memref<64x128xf32, #tpu.memory_space<hbm>>
    tpu.enqueue_dma source(%dma_start3A_127 : memref<64x128xf32, #tpu.memory_space<hbm>>) target(%dma_start3A_124 : memref<64x128xf32, #tpu.memory_space<vmem>>) target_semaphore(%arg6 : memref<!tpu.dma_semaphore, #tpu.memory_space<semaphore_mem>>)
    %dma_start3A_128 = arith.constant 2 : i32
    %dma_start3A_129 = arith.constant 1 : i32
    %dma_start3A_130 = arith.constant 3 : i32
    %dma_start3A_131 = arith.constant 0 : i32
    %dma_start3A_132 = arith.constant 0 : i32
    %dma_start3A_133 = tpu.memref_slice %arg4[%dma_start3A_129, %dma_start3A_130, %dma_start3A_131, %dma_start3A_132] : memref<3x4x64x128xf32, #tpu.memory_space<vmem>> -> memref<1x1x64x128xf32, #tpu.memory_space<vmem>>
    %dma_start3A_134 = tpu.memref_squeeze %dma_start3A_133 : memref<1x1x64x128xf32, #tpu.memory_space<vmem>> -> memref<64x128xf32, #tpu.memory_space<vmem>>
    %dma_start3A_135 = arith.constant 0 : i32
    %dma_start3A_136 = tpu.memref_slice %arg2[%dma_start3A_128, %add3A_76, %dma_start3A_135] : memref<50x16384x128xf32, #tpu.memory_space<hbm>> -> memref<1x64x128xf32, #tpu.memory_space<hbm>>
    %dma_start3A_137 = tpu.memref_squeeze %dma_start3A_136 : memref<1x64x128xf32, #tpu.memory_space<hbm>> -> memref<64x128xf32, #tpu.memory_space<hbm>>
    %dma_start3A_138 = arith.constant 0 : i32
    %dma_start3A_139 = arith.constant 0 : i32
    %dma_start3A_140 = tpu.memref_slice %arg4[%dma_start3A_129, %dma_start3A_130, %dma_start3A_138, %dma_start3A_139] : memref<3x4x64x128xf32, #tpu.memory_space<vmem>> -> memref<1x1x64x128xf32, #tpu.memory_space<vmem>>
    %dma_start3A_141 = tpu.memref_squeeze %dma_start3A_140 : memref<1x1x64x128xf32, #tpu.memory_space<vmem>> -> memref<64x128xf32, #tpu.memory_space<vmem>>
    %dma_start3A_142 = arith.constant 0 : i32
    %dma_start3A_143 = tpu.memref_slice %arg2[%dma_start3A_128, %add3A_76, %dma_start3A_142] : memref<50x16384x128xf32, #tpu.memory_space<hbm>> -> memref<1x64x128xf32, #tpu.memory_space<hbm>>
    %dma_start3A_144 = tpu.memref_squeeze %dma_start3A_143 : memref<1x64x128xf32, #tpu.memory_space<hbm>> -> memref<64x128xf32, #tpu.memory_space<hbm>>
    tpu.enqueue_dma source(%dma_start3A_144 : memref<64x128xf32, #tpu.memory_space<hbm>>) target(%dma_start3A_141 : memref<64x128xf32, #tpu.memory_space<vmem>>) target_semaphore(%arg6 : memref<!tpu.dma_semaphore, #tpu.memory_space<semaphore_mem>>)
    %add3A_145 = arith.constant 128 : i32
    %add3A_146 = arith.addi %mul3A_2, %add3A_145 : i32
    %dma_start3A_147 = arith.constant 1 : i32
    %dma_start3A_148 = arith.constant 2 : i32
    %dma_start3A_149 = arith.constant 0 : i32
    %dma_start3A_150 = arith.constant 0 : i32
    %dma_start3A_151 = arith.constant 0 : i32
    %dma_start3A_152 = tpu.memref_slice %arg4[%dma_start3A_148, %dma_start3A_149, %dma_start3A_150, %dma_start3A_151] : memref<3x4x64x128xf32, #tpu.memory_space<vmem>> -> memref<1x1x64x128xf32, #tpu.memory_space<vmem>>
    %dma_start3A_153 = tpu.memref_squeeze %dma_start3A_152 : memref<1x1x64x128xf32, #tpu.memory_space<vmem>> -> memref<64x128xf32, #tpu.memory_space<vmem>>
    %dma_start3A_154 = arith.constant 0 : i32
    %dma_start3A_155 = tpu.memref_slice %arg2[%dma_start3A_147, %add3A_146, %dma_start3A_154] : memref<50x16384x128xf32, #tpu.memory_space<hbm>> -> memref<1x64x128xf32, #tpu.memory_space<hbm>>
    %dma_start3A_156 = tpu.memref_squeeze %dma_start3A_155 : memref<1x64x128xf32, #tpu.memory_space<hbm>> -> memref<64x128xf32, #tpu.memory_space<hbm>>
    %dma_start3A_157 = arith.constant 0 : i32
    %dma_start3A_158 = arith.constant 0 : i32
    %dma_start3A_159 = tpu.memref_slice %arg4[%dma_start3A_148, %dma_start3A_149, %dma_start3A_157, %dma_start3A_158] : memref<3x4x64x128xf32, #tpu.memory_space<vmem>> -> memref<1x1x64x128xf32, #tpu.memory_space<vmem>>
    %dma_start3A_160 = tpu.memref_squeeze %dma_start3A_159 : memref<1x1x64x128xf32, #tpu.memory_space<vmem>> -> memref<64x128xf32, #tpu.memory_space<vmem>>
    %dma_start3A_161 = arith.constant 0 : i32
    %dma_start3A_162 = tpu.memref_slice %arg2[%dma_start3A_147, %add3A_146, %dma_start3A_161] : memref<50x16384x128xf32, #tpu.memory_space<hbm>> -> memref<1x64x128xf32, #tpu.memory_space<hbm>>
    %dma_start3A_163 = tpu.memref_squeeze %dma_start3A_162 : memref<1x64x128xf32, #tpu.memory_space<hbm>> -> memref<64x128xf32, #tpu.memory_space<hbm>>
    tpu.enqueue_dma source(%dma_start3A_163 : memref<64x128xf32, #tpu.memory_space<hbm>>) target(%dma_start3A_160 : memref<64x128xf32, #tpu.memory_space<vmem>>) target_semaphore(%arg6 : memref<!tpu.dma_semaphore, #tpu.memory_space<semaphore_mem>>)
    %dma_start3A_164 = arith.constant 5 : i32
    %dma_start3A_165 = arith.constant 2 : i32
    %dma_start3A_166 = arith.constant 1 : i32
    %dma_start3A_167 = arith.constant 0 : i32
    %dma_start3A_168 = arith.constant 0 : i32
    %dma_start3A_169 = tpu.memref_slice %arg4[%dma_start3A_165, %dma_start3A_166, %dma_start3A_167, %dma_start3A_168] : memref<3x4x64x128xf32, #tpu.memory_space<vmem>> -> memref<1x1x64x128xf32, #tpu.memory_space<vmem>>
    %dma_start3A_170 = tpu.memref_squeeze %dma_start3A_169 : memref<1x1x64x128xf32, #tpu.memory_space<vmem>> -> memref<64x128xf32, #tpu.memory_space<vmem>>
    %dma_start3A_171 = arith.constant 0 : i32
    %dma_start3A_172 = tpu.memref_slice %arg2[%dma_start3A_164, %add3A_146, %dma_start3A_171] : memref<50x16384x128xf32, #tpu.memory_space<hbm>> -> memref<1x64x128xf32, #tpu.memory_space<hbm>>
    %dma_start3A_173 = tpu.memref_squeeze %dma_start3A_172 : memref<1x64x128xf32, #tpu.memory_space<hbm>> -> memref<64x128xf32, #tpu.memory_space<hbm>>
    %dma_start3A_174 = arith.constant 0 : i32
    %dma_start3A_175 = arith.constant 0 : i32
    %dma_start3A_176 = tpu.memref_slice %arg4[%dma_start3A_165, %dma_start3A_166, %dma_start3A_174, %dma_start3A_175] : memref<3x4x64x128xf32, #tpu.memory_space<vmem>> -> memref<1x1x64x128xf32, #tpu.memory_space<vmem>>
    %dma_start3A_177 = tpu.memref_squeeze %dma_start3A_176 : memref<1x1x64x128xf32, #tpu.memory_space<vmem>> -> memref<64x128xf32, #tpu.memory_space<vmem>>
    %dma_start3A_178 = arith.constant 0 : i32
    %dma_start3A_179 = tpu.memref_slice %arg2[%dma_start3A_164, %add3A_146, %dma_start3A_178] : memref<50x16384x128xf32, #tpu.memory_space<hbm>> -> memref<1x64x128xf32, #tpu.memory_space<hbm>>
    %dma_start3A_180 = tpu.memref_squeeze %dma_start3A_179 : memref<1x64x128xf32, #tpu.memory_space<hbm>> -> memref<64x128xf32, #tpu.memory_space<hbm>>
    tpu.enqueue_dma source(%dma_start3A_180 : memref<64x128xf32, #tpu.memory_space<hbm>>) target(%dma_start3A_177 : memref<64x128xf32, #tpu.memory_space<vmem>>) target_semaphore(%arg6 : memref<!tpu.dma_semaphore, #tpu.memory_space<semaphore_mem>>)
    %dma_start3A_181 = arith.constant 3 : i32
    %dma_start3A_182 = arith.constant 2 : i32
    %dma_start3A_183 = arith.constant 2 : i32
    %dma_start3A_184 = arith.constant 0 : i32
    %dma_start3A_185 = arith.constant 0 : i32
    %dma_start3A_186 = tpu.memref_slice %arg4[%dma_start3A_182, %dma_start3A_183, %dma_start3A_184, %dma_start3A_185] : memref<3x4x64x128xf32, #tpu.memory_space<vmem>> -> memref<1x1x64x128xf32, #tpu.memory_space<vmem>>
    %dma_start3A_187 = tpu.memref_squeeze %dma_start3A_186 : memref<1x1x64x128xf32, #tpu.memory_space<vmem>> -> memref<64x128xf32, #tpu.memory_space<vmem>>
    %dma_start3A_188 = arith.constant 0 : i32
    %dma_start3A_189 = tpu.memref_slice %arg2[%dma_start3A_181, %add3A_146, %dma_start3A_188] : memref<50x16384x128xf32, #tpu.memory_space<hbm>> -> memref<1x64x128xf32, #tpu.memory_space<hbm>>
    %dma_start3A_190 = tpu.memref_squeeze %dma_start3A_189 : memref<1x64x128xf32, #tpu.memory_space<hbm>> -> memref<64x128xf32, #tpu.memory_space<hbm>>
    %dma_start3A_191 = arith.constant 0 : i32
    %dma_start3A_192 = arith.constant 0 : i32
    %dma_start3A_193 = tpu.memref_slice %arg4[%dma_start3A_182, %dma_start3A_183, %dma_start3A_191, %dma_start3A_192] : memref<3x4x64x128xf32, #tpu.memory_space<vmem>> -> memref<1x1x64x128xf32, #tpu.memory_space<vmem>>
    %dma_start3A_194 = tpu.memref_squeeze %dma_start3A_193 : memref<1x1x64x128xf32, #tpu.memory_space<vmem>> -> memref<64x128xf32, #tpu.memory_space<vmem>>
    %dma_start3A_195 = arith.constant 0 : i32
    %dma_start3A_196 = tpu.memref_slice %arg2[%dma_start3A_181, %add3A_146, %dma_start3A_195] : memref<50x16384x128xf32, #tpu.memory_space<hbm>> -> memref<1x64x128xf32, #tpu.memory_space<hbm>>
    %dma_start3A_197 = tpu.memref_squeeze %dma_start3A_196 : memref<1x64x128xf32, #tpu.memory_space<hbm>> -> memref<64x128xf32, #tpu.memory_space<hbm>>
    tpu.enqueue_dma source(%dma_start3A_197 : memref<64x128xf32, #tpu.memory_space<hbm>>) target(%dma_start3A_194 : memref<64x128xf32, #tpu.memory_space<vmem>>) target_semaphore(%arg6 : memref<!tpu.dma_semaphore, #tpu.memory_space<semaphore_mem>>)
    %dma_start3A_198 = arith.constant 2 : i32
    %dma_start3A_199 = arith.constant 2 : i32
    %dma_start3A_200 = arith.constant 3 : i32
    %dma_start3A_201 = arith.constant 0 : i32
    %dma_start3A_202 = arith.constant 0 : i32
    %dma_start3A_203 = tpu.memref_slice %arg4[%dma_start3A_199, %dma_start3A_200, %dma_start3A_201, %dma_start3A_202] : memref<3x4x64x128xf32, #tpu.memory_space<vmem>> -> memref<1x1x64x128xf32, #tpu.memory_space<vmem>>
    %dma_start3A_204 = tpu.memref_squeeze %dma_start3A_203 : memref<1x1x64x128xf32, #tpu.memory_space<vmem>> -> memref<64x128xf32, #tpu.memory_space<vmem>>
    %dma_start3A_205 = arith.constant 0 : i32
    %dma_start3A_206 = tpu.memref_slice %arg2[%dma_start3A_198, %add3A_146, %dma_start3A_205] : memref<50x16384x128xf32, #tpu.memory_space<hbm>> -> memref<1x64x128xf32, #tpu.memory_space<hbm>>
    %dma_start3A_207 = tpu.memref_squeeze %dma_start3A_206 : memref<1x64x128xf32, #tpu.memory_space<hbm>> -> memref<64x128xf32, #tpu.memory_space<hbm>>
    %dma_start3A_208 = arith.constant 0 : i32
    %dma_start3A_209 = arith.constant 0 : i32
    %dma_start3A_210 = tpu.memref_slice %arg4[%dma_start3A_199, %dma_start3A_200, %dma_start3A_208, %dma_start3A_209] : memref<3x4x64x128xf32, #tpu.memory_space<vmem>> -> memref<1x1x64x128xf32, #tpu.memory_space<vmem>>
    %dma_start3A_211 = tpu.memref_squeeze %dma_start3A_210 : memref<1x1x64x128xf32, #tpu.memory_space<vmem>> -> memref<64x128xf32, #tpu.memory_space<vmem>>
    %dma_start3A_212 = arith.constant 0 : i32
    %dma_start3A_213 = tpu.memref_slice %arg2[%dma_start3A_198, %add3A_146, %dma_start3A_212] : memref<50x16384x128xf32, #tpu.memory_space<hbm>> -> memref<1x64x128xf32, #tpu.memory_space<hbm>>
    %dma_start3A_214 = tpu.memref_squeeze %dma_start3A_213 : memref<1x64x128xf32, #tpu.memory_space<hbm>> -> memref<64x128xf32, #tpu.memory_space<hbm>>
    tpu.enqueue_dma source(%dma_start3A_214 : memref<64x128xf32, #tpu.memory_space<hbm>>) target(%dma_start3A_211 : memref<64x128xf32, #tpu.memory_space<vmem>>) target_semaphore(%arg6 : memref<!tpu.dma_semaphore, #tpu.memory_space<semaphore_mem>>)
    %dma_wait3A = arith.constant 1 : i32
    %dma_wait3A_215 = arith.constant 0 : i32
    %dma_wait3A_216 = arith.constant 0 : i32
    %dma_wait3A_217 = arith.constant 0 : i32
    %dma_wait3A_218 = arith.constant 0 : i32
    %dma_wait3A_219 = tpu.memref_slice %arg4[%dma_wait3A_215, %dma_wait3A_216, %dma_wait3A_217, %dma_wait3A_218] : memref<3x4x64x128xf32, #tpu.memory_space<vmem>> -> memref<1x1x64x128xf32, #tpu.memory_space<vmem>>
    %dma_wait3A_220 = tpu.memref_squeeze %dma_wait3A_219 : memref<1x1x64x128xf32, #tpu.memory_space<vmem>> -> memref<64x128xf32, #tpu.memory_space<vmem>>
    %dma_wait3A_221 = arith.constant 0 : i32
    %dma_wait3A_222 = tpu.memref_slice %arg2[%dma_wait3A, %add3A_7, %dma_wait3A_221] : memref<50x16384x128xf32, #tpu.memory_space<hbm>> -> memref<1x64x128xf32, #tpu.memory_space<hbm>>
    %dma_wait3A_223 = tpu.memref_squeeze %dma_wait3A_222 : memref<1x64x128xf32, #tpu.memory_space<hbm>> -> memref<64x128xf32, #tpu.memory_space<hbm>>
    %dma_wait3A_224 = arith.constant 0 : i32
    %dma_wait3A_225 = arith.constant 0 : i32
    %dma_wait3A_226 = tpu.memref_slice %arg4[%dma_wait3A_215, %dma_wait3A_216, %dma_wait3A_224, %dma_wait3A_225] : memref<3x4x64x128xf32, #tpu.memory_space<vmem>> -> memref<1x1x64x128xf32, #tpu.memory_space<vmem>>
    %dma_wait3A_227 = tpu.memref_squeeze %dma_wait3A_226 : memref<1x1x64x128xf32, #tpu.memory_space<vmem>> -> memref<64x128xf32, #tpu.memory_space<vmem>>
    %dma_wait3A_228 = arith.constant 0 : i32
    %dma_wait3A_229 = tpu.memref_slice %arg2[%dma_wait3A, %add3A_7, %dma_wait3A_228] : memref<50x16384x128xf32, #tpu.memory_space<hbm>> -> memref<1x64x128xf32, #tpu.memory_space<hbm>>
    %dma_wait3A_230 = tpu.memref_squeeze %dma_wait3A_229 : memref<1x64x128xf32, #tpu.memory_space<hbm>> -> memref<64x128xf32, #tpu.memory_space<hbm>>
    tpu.wait_dma2 semaphore(%arg6 : memref<!tpu.dma_semaphore, #tpu.memory_space<semaphore_mem>>) src(%dma_wait3A_230 : memref<64x128xf32, #tpu.memory_space<hbm>>) dst(%dma_wait3A_227 : memref<64x128xf32, #tpu.memory_space<vmem>>)
    %dma_wait3A_231 = arith.constant 5 : i32
    %dma_wait3A_232 = arith.constant 0 : i32
    %dma_wait3A_233 = arith.constant 1 : i32
    %dma_wait3A_234 = arith.constant 0 : i32
    %dma_wait3A_235 = arith.constant 0 : i32
    %dma_wait3A_236 = tpu.memref_slice %arg4[%dma_wait3A_232, %dma_wait3A_233, %dma_wait3A_234, %dma_wait3A_235] : memref<3x4x64x128xf32, #tpu.memory_space<vmem>> -> memref<1x1x64x128xf32, #tpu.memory_space<vmem>>
    %dma_wait3A_237 = tpu.memref_squeeze %dma_wait3A_236 : memref<1x1x64x128xf32, #tpu.memory_space<vmem>> -> memref<64x128xf32, #tpu.memory_space<vmem>>
    %dma_wait3A_238 = arith.constant 0 : i32
    %dma_wait3A_239 = tpu.memref_slice %arg2[%dma_wait3A_231, %add3A_7, %dma_wait3A_238] : memref<50x16384x128xf32, #tpu.memory_space<hbm>> -> memref<1x64x128xf32, #tpu.memory_space<hbm>>
    %dma_wait3A_240 = tpu.memref_squeeze %dma_wait3A_239 : memref<1x64x128xf32, #tpu.memory_space<hbm>> -> memref<64x128xf32, #tpu.memory_space<hbm>>
    %dma_wait3A_241 = arith.constant 0 : i32
    %dma_wait3A_242 = arith.constant 0 : i32
    %dma_wait3A_243 = tpu.memref_slice %arg4[%dma_wait3A_232, %dma_wait3A_233, %dma_wait3A_241, %dma_wait3A_242] : memref<3x4x64x128xf32, #tpu.memory_space<vmem>> -> memref<1x1x64x128xf32, #tpu.memory_space<vmem>>
    %dma_wait3A_244 = tpu.memref_squeeze %dma_wait3A_243 : memref<1x1x64x128xf32, #tpu.memory_space<vmem>> -> memref<64x128xf32, #tpu.memory_space<vmem>>
    %dma_wait3A_245 = arith.constant 0 : i32
    %dma_wait3A_246 = tpu.memref_slice %arg2[%dma_wait3A_231, %add3A_7, %dma_wait3A_245] : memref<50x16384x128xf32, #tpu.memory_space<hbm>> -> memref<1x64x128xf32, #tpu.memory_space<hbm>>
    %dma_wait3A_247 = tpu.memref_squeeze %dma_wait3A_246 : memref<1x64x128xf32, #tpu.memory_space<hbm>> -> memref<64x128xf32, #tpu.memory_space<hbm>>
    tpu.wait_dma2 semaphore(%arg6 : memref<!tpu.dma_semaphore, #tpu.memory_space<semaphore_mem>>) src(%dma_wait3A_247 : memref<64x128xf32, #tpu.memory_space<hbm>>) dst(%dma_wait3A_244 : memref<64x128xf32, #tpu.memory_space<vmem>>)
    %dma_wait3A_248 = arith.constant 3 : i32
    %dma_wait3A_249 = arith.constant 0 : i32
    %dma_wait3A_250 = arith.constant 2 : i32
    %dma_wait3A_251 = arith.constant 0 : i32
    %dma_wait3A_252 = arith.constant 0 : i32
    %dma_wait3A_253 = tpu.memref_slice %arg4[%dma_wait3A_249, %dma_wait3A_250, %dma_wait3A_251, %dma_wait3A_252] : memref<3x4x64x128xf32, #tpu.memory_space<vmem>> -> memref<1x1x64x128xf32, #tpu.memory_space<vmem>>
    %dma_wait3A_254 = tpu.memref_squeeze %dma_wait3A_253 : memref<1x1x64x128xf32, #tpu.memory_space<vmem>> -> memref<64x128xf32, #tpu.memory_space<vmem>>
    %dma_wait3A_255 = arith.constant 0 : i32
    %dma_wait3A_256 = tpu.memref_slice %arg2[%dma_wait3A_248, %add3A_7, %dma_wait3A_255] : memref<50x16384x128xf32, #tpu.memory_space<hbm>> -> memref<1x64x128xf32, #tpu.memory_space<hbm>>
    %dma_wait3A_257 = tpu.memref_squeeze %dma_wait3A_256 : memref<1x64x128xf32, #tpu.memory_space<hbm>> -> memref<64x128xf32, #tpu.memory_space<hbm>>
    %dma_wait3A_258 = arith.constant 0 : i32
    %dma_wait3A_259 = arith.constant 0 : i32
    %dma_wait3A_260 = tpu.memref_slice %arg4[%dma_wait3A_249, %dma_wait3A_250, %dma_wait3A_258, %dma_wait3A_259] : memref<3x4x64x128xf32, #tpu.memory_space<vmem>> -> memref<1x1x64x128xf32, #tpu.memory_space<vmem>>
    %dma_wait3A_261 = tpu.memref_squeeze %dma_wait3A_260 : memref<1x1x64x128xf32, #tpu.memory_space<vmem>> -> memref<64x128xf32, #tpu.memory_space<vmem>>
    %dma_wait3A_262 = arith.constant 0 : i32
    %dma_wait3A_263 = tpu.memref_slice %arg2[%dma_wait3A_248, %add3A_7, %dma_wait3A_262] : memref<50x16384x128xf32, #tpu.memory_space<hbm>> -> memref<1x64x128xf32, #tpu.memory_space<hbm>>
    %dma_wait3A_264 = tpu.memref_squeeze %dma_wait3A_263 : memref<1x64x128xf32, #tpu.memory_space<hbm>> -> memref<64x128xf32, #tpu.memory_space<hbm>>
    tpu.wait_dma2 semaphore(%arg6 : memref<!tpu.dma_semaphore, #tpu.memory_space<semaphore_mem>>) src(%dma_wait3A_264 : memref<64x128xf32, #tpu.memory_space<hbm>>) dst(%dma_wait3A_261 : memref<64x128xf32, #tpu.memory_space<vmem>>)
    %dma_wait3A_265 = arith.constant 2 : i32
    %dma_wait3A_266 = arith.constant 0 : i32
    %dma_wait3A_267 = arith.constant 3 : i32
    %dma_wait3A_268 = arith.constant 0 : i32
    %dma_wait3A_269 = arith.constant 0 : i32
    %dma_wait3A_270 = tpu.memref_slice %arg4[%dma_wait3A_266, %dma_wait3A_267, %dma_wait3A_268, %dma_wait3A_269] : memref<3x4x64x128xf32, #tpu.memory_space<vmem>> -> memref<1x1x64x128xf32, #tpu.memory_space<vmem>>
    %dma_wait3A_271 = tpu.memref_squeeze %dma_wait3A_270 : memref<1x1x64x128xf32, #tpu.memory_space<vmem>> -> memref<64x128xf32, #tpu.memory_space<vmem>>
    %dma_wait3A_272 = arith.constant 0 : i32
    %dma_wait3A_273 = tpu.memref_slice %arg2[%dma_wait3A_265, %add3A_7, %dma_wait3A_272] : memref<50x16384x128xf32, #tpu.memory_space<hbm>> -> memref<1x64x128xf32, #tpu.memory_space<hbm>>
    %dma_wait3A_274 = tpu.memref_squeeze %dma_wait3A_273 : memref<1x64x128xf32, #tpu.memory_space<hbm>> -> memref<64x128xf32, #tpu.memory_space<hbm>>
    %dma_wait3A_275 = arith.constant 0 : i32
    %dma_wait3A_276 = arith.constant 0 : i32
    %dma_wait3A_277 = tpu.memref_slice %arg4[%dma_wait3A_266, %dma_wait3A_267, %dma_wait3A_275, %dma_wait3A_276] : memref<3x4x64x128xf32, #tpu.memory_space<vmem>> -> memref<1x1x64x128xf32, #tpu.memory_space<vmem>>
    %dma_wait3A_278 = tpu.memref_squeeze %dma_wait3A_277 : memref<1x1x64x128xf32, #tpu.memory_space<vmem>> -> memref<64x128xf32, #tpu.memory_space<vmem>>
    %dma_wait3A_279 = arith.constant 0 : i32
    %dma_wait3A_280 = tpu.memref_slice %arg2[%dma_wait3A_265, %add3A_7, %dma_wait3A_279] : memref<50x16384x128xf32, #tpu.memory_space<hbm>> -> memref<1x64x128xf32, #tpu.memory_space<hbm>>
    %dma_wait3A_281 = tpu.memref_squeeze %dma_wait3A_280 : memref<1x64x128xf32, #tpu.memory_space<hbm>> -> memref<64x128xf32, #tpu.memory_space<hbm>>
    tpu.wait_dma2 semaphore(%arg6 : memref<!tpu.dma_semaphore, #tpu.memory_space<semaphore_mem>>) src(%dma_wait3A_281 : memref<64x128xf32, #tpu.memory_space<hbm>>) dst(%dma_wait3A_278 : memref<64x128xf32, #tpu.memory_space<vmem>>)
    %add3A_282 = arith.constant 0 : i32
    %add3A_283 = vector.broadcast %add3A_282 : i32 to vector<16xi32>
    %add3A_284 = arith.addi %add3A_283, %iota3A : vector<16xi32>
    %add3A_285 = arith.constant 0 : i32
    %add3A_286 = vector.broadcast %add3A_285 : i32 to vector<16xi32>
    %add3A_287 = arith.addi %mul3A_5, %add3A_286 : vector<16xi32>
    %add3A_288 = arith.constant 0 : i32
    %add3A_289 = vector.broadcast %add3A_288 : i32 to vector<16xi32>
    %add3A_290 = arith.addi %mul3A_5, %add3A_289 : vector<16xi32>
    %add3A_291 = arith.constant 2 : i32
    %add3A_292 = vector.broadcast %add3A_291 : i32 to vector<16xi32>
    %add3A_293 = arith.addi %mul3A_5, %add3A_292 : vector<16xi32>
    %gather3A = tpu.vector_load_idx %arg4[%add3A_287, %add3A_290, %add3A_284, %add3A_293] : memref<3x4x64x128xf32, #tpu.memory_space<vmem>>[vector<16xi32>, vector<16xi32>, vector<16xi32>, vector<16xi32>], vector<16xf32>,
    %swap3A = arith.constant 0 : i32
    %swap3A_294 = arith.index_cast %swap3A : i32 to index
    %swap3A_295 = arith.constant 0 : index
    %swap3A_296 = tpu.vector_load %arg5[%swap3A_294, %swap3A_295] {strides = array<i32>} : memref<4x512xf32, #tpu.memory_space<vmem>>, vector<16xf32>,
    tpu.vector_store %arg5[%swap3A_294, %swap3A_295], %gather3A {strides = array<i32>} : memref<4x512xf32, #tpu.memory_space<vmem>>, vector<16xf32>,
    %add3A_297 = arith.constant 0 : i32
    %add3A_298 = vector.broadcast %add3A_297 : i32 to vector<16xi32>
    %add3A_299 = arith.addi %mul3A_5, %add3A_298 : vector<16xi32>
    %add3A_300 = arith.constant 1 : i32
    %add3A_301 = vector.broadcast %add3A_300 : i32 to vector<16xi32>
    %add3A_302 = arith.addi %mul3A_5, %add3A_301 : vector<16xi32>
    %add3A_303 = arith.constant 3 : i32
    %add3A_304 = vector.broadcast %add3A_303 : i32 to vector<16xi32>
    %add3A_305 = arith.addi %mul3A_5, %add3A_304 : vector<16xi32>
    %gather3A_306 = tpu.vector_load_idx %arg4[%add3A_299, %add3A_302, %add3A_284, %add3A_305] : memref<3x4x64x128xf32, #tpu.memory_space<vmem>>[vector<16xi32>, vector<16xi32>, vector<16xi32>, vector<16xi32>], vector<16xf32>,
    %swap3A_307 = arith.constant 1 : i32
    %swap3A_308 = arith.index_cast %swap3A_307 : i32 to index
    %swap3A_309 = arith.constant 0 : index
    %swap3A_310 = tpu.vector_load %arg5[%swap3A_308, %swap3A_309] {strides = array<i32>} : memref<4x512xf32, #tpu.memory_space<vmem>>, vector<16xf32>,
    tpu.vector_store %arg5[%swap3A_308, %swap3A_309], %gather3A_306 {strides = array<i32>} : memref<4x512xf32, #tpu.memory_space<vmem>>, vector<16xf32>,
    %add3A_311 = arith.constant 0 : i32
    %add3A_312 = vector.broadcast %add3A_311 : i32 to vector<16xi32>
    %add3A_313 = arith.addi %mul3A_5, %add3A_312 : vector<16xi32>
    %add3A_314 = arith.constant 2 : i32
    %add3A_315 = vector.broadcast %add3A_314 : i32 to vector<16xi32>
    %add3A_316 = arith.addi %mul3A_5, %add3A_315 : vector<16xi32>
    %add3A_317 = arith.constant 1 : i32
    %add3A_318 = vector.broadcast %add3A_317 : i32 to vector<16xi32>
    %add3A_319 = arith.addi %mul3A_5, %add3A_318 : vector<16xi32>
    %gather3A_320 = tpu.vector_load_idx %arg4[%add3A_313, %add3A_316, %add3A_284, %add3A_319] : memref<3x4x64x128xf32, #tpu.memory_space<vmem>>[vector<16xi32>, vector<16xi32>, vector<16xi32>, vector<16xi32>], vector<16xf32>,
    %swap3A_321 = arith.constant 2 : i32
    %swap3A_322 = arith.index_cast %swap3A_321 : i32 to index
    %swap3A_323 = arith.constant 0 : index
    %swap3A_324 = tpu.vector_load %arg5[%swap3A_322, %swap3A_323] {strides = array<i32>} : memref<4x512xf32, #tpu.memory_space<vmem>>, vector<16xf32>,
    tpu.vector_store %arg5[%swap3A_322, %swap3A_323], %gather3A_320 {strides = array<i32>} : memref<4x512xf32, #tpu.memory_space<vmem>>, vector<16xf32>,
    %add3A_325 = arith.constant 0 : i32
    %add3A_326 = vector.broadcast %add3A_325 : i32 to vector<16xi32>
    %add3A_327 = arith.addi %mul3A_5, %add3A_326 : vector<16xi32>
    %add3A_328 = arith.constant 3 : i32
    %add3A_329 = vector.broadcast %add3A_328 : i32 to vector<16xi32>
    %add3A_330 = arith.addi %mul3A_5, %add3A_329 : vector<16xi32>
    %add3A_331 = arith.constant 1 : i32
    %add3A_332 = vector.broadcast %add3A_331 : i32 to vector<16xi32>
    %add3A_333 = arith.addi %mul3A_5, %add3A_332 : vector<16xi32>
    %gather3A_334 = tpu.vector_load_idx %arg4[%add3A_327, %add3A_330, %add3A_284, %add3A_333] : memref<3x4x64x128xf32, #tpu.memory_space<vmem>>[vector<16xi32>, vector<16xi32>, vector<16xi32>, vector<16xi32>], vector<16xf32>,
    %swap3A_335 = arith.constant 3 : i32
    %swap3A_336 = arith.index_cast %swap3A_335 : i32 to index
    %swap3A_337 = arith.constant 0 : index
    %swap3A_338 = tpu.vector_load %arg5[%swap3A_336, %swap3A_337] {strides = array<i32>} : memref<4x512xf32, #tpu.memory_space<vmem>>, vector<16xf32>,
    tpu.vector_store %arg5[%swap3A_336, %swap3A_337], %gather3A_334 {strides = array<i32>} : memref<4x512xf32, #tpu.memory_space<vmem>>, vector<16xf32>,
    %add3A_339 = arith.constant 16 : i32
    %add3A_340 = vector.broadcast %add3A_339 : i32 to vector<16xi32>
    %add3A_341 = arith.addi %add3A_340, %iota3A : vector<16xi32>
    %add3A_342 = arith.constant 0 : i32
    %add3A_343 = vector.broadcast %add3A_342 : i32 to vector<16xi32>
    %add3A_344 = arith.addi %mul3A_5, %add3A_343 : vector<16xi32>
    %add3A_345 = arith.constant 0 : i32
    %add3A_346 = vector.broadcast %add3A_345 : i32 to vector<16xi32>
    %add3A_347 = arith.addi %mul3A_5, %add3A_346 : vector<16xi32>
    %add3A_348 = arith.constant 2 : i32
    %add3A_349 = vector.broadcast %add3A_348 : i32 to vector<16xi32>
    %add3A_350 = arith.addi %mul3A_5, %add3A_349 : vector<16xi32>
    %gather3A_351 = tpu.vector_load_idx %arg4[%add3A_344, %add3A_347, %add3A_341, %add3A_350] : memref<3x4x64x128xf32, #tpu.memory_space<vmem>>[vector<16xi32>, vector<16xi32>, vector<16xi32>, vector<16xi32>], vector<16xf32>,
    %swap3A_352 = arith.constant 0 : i32
    %swap3A_353 = arith.index_cast %swap3A_352 : i32 to index
    %swap3A_354 = arith.constant 16 : index
    %swap3A_355 = tpu.vector_load %arg5[%swap3A_353, %swap3A_354] {strides = array<i32>} : memref<4x512xf32, #tpu.memory_space<vmem>>, vector<16xf32>,
    tpu.vector_store %arg5[%swap3A_353, %swap3A_354], %gather3A_351 {strides = array<i32>} : memref<4x512xf32, #tpu.memory_space<vmem>>, vector<16xf32>,
    %add3A_356 = arith.constant 0 : i32
    %add3A_357 = vector.broadcast %add3A_356 : i32 to vector<16xi32>
    %add3A_358 = arith.addi %mul3A_5, %add3A_357 : vector<16xi32>
    %add3A_359 = arith.constant 1 : i32
    %add3A_360 = vector.broadcast %add3A_359 : i32 to vector<16xi32>
    %add3A_361 = arith.addi %mul3A_5, %add3A_360 : vector<16xi32>
    %add3A_362 = arith.constant 3 : i32
    %add3A_363 = vector.broadcast %add3A_362 : i32 to vector<16xi32>
    %add3A_364 = arith.addi %mul3A_5, %add3A_363 : vector<16xi32>
    %gather3A_365 = tpu.vector_load_idx %arg4[%add3A_358, %add3A_361, %add3A_341, %add3A_364] : memref<3x4x64x128xf32, #tpu.memory_space<vmem>>[vector<16xi32>, vector<16xi32>, vector<16xi32>, vector<16xi32>], vector<16xf32>,
    %swap3A_366 = arith.constant 1 : i32
    %swap3A_367 = arith.index_cast %swap3A_366 : i32 to index
    %swap3A_368 = arith.constant 16 : index
    %swap3A_369 = tpu.vector_load %arg5[%swap3A_367, %swap3A_368] {strides = array<i32>} : memref<4x512xf32, #tpu.memory_space<vmem>>, vector<16xf32>,
    tpu.vector_store %arg5[%swap3A_367, %swap3A_368], %gather3A_365 {strides = array<i32>} : memref<4x512xf32, #tpu.memory_space<vmem>>, vector<16xf32>,
    %add3A_370 = arith.constant 0 : i32
    %add3A_371 = vector.broadcast %add3A_370 : i32 to vector<16xi32>
    %add3A_372 = arith.addi %mul3A_5, %add3A_371 : vector<16xi32>
    %add3A_373 = arith.constant 2 : i32
    %add3A_374 = vector.broadcast %add3A_373 : i32 to vector<16xi32>
    %add3A_375 = arith.addi %mul3A_5, %add3A_374 : vector<16xi32>
    %add3A_376 = arith.constant 1 : i32
    %add3A_377 = vector.broadcast %add3A_376 : i32 to vector<16xi32>
    %add3A_378 = arith.addi %mul3A_5, %add3A_377 : vector<16xi32>
    %gather3A_379 = tpu.vector_load_idx %arg4[%add3A_372, %add3A_375, %add3A_341, %add3A_378] : memref<3x4x64x128xf32, #tpu.memory_space<vmem>>[vector<16xi32>, vector<16xi32>, vector<16xi32>, vector<16xi32>], vector<16xf32>,
    %swap3A_380 = arith.constant 2 : i32
    %swap3A_381 = arith.index_cast %swap3A_380 : i32 to index
    %swap3A_382 = arith.constant 16 : index
    %swap3A_383 = tpu.vector_load %arg5[%swap3A_381, %swap3A_382] {strides = array<i32>} : memref<4x512xf32, #tpu.memory_space<vmem>>, vector<16xf32>,
    tpu.vector_store %arg5[%swap3A_381, %swap3A_382], %gather3A_379 {strides = array<i32>} : memref<4x512xf32, #tpu.memory_space<vmem>>, vector<16xf32>,
    %add3A_384 = arith.constant 0 : i32
    %add3A_385 = vector.broadcast %add3A_384 : i32 to vector<16xi32>
    %add3A_386 = arith.addi %mul3A_5, %add3A_385 : vector<16xi32>
    %add3A_387 = arith.constant 3 : i32
    %add3A_388 = vector.broadcast %add3A_387 : i32 to vector<16xi32>
    %add3A_389 = arith.addi %mul3A_5, %add3A_388 : vector<16xi32>
    %add3A_390 = arith.constant 1 : i32
    %add3A_391 = vector.broadcast %add3A_390 : i32 to vector<16xi32>
    %add3A_392 = arith.addi %mul3A_5, %add3A_391 : vector<16xi32>
    %gather3A_393 = tpu.vector_load_idx %arg4[%add3A_386, %add3A_389, %add3A_341, %add3A_392] : memref<3x4x64x128xf32, #tpu.memory_space<vmem>>[vector<16xi32>, vector<16xi32>, vector<16xi32>, vector<16xi32>], vector<16xf32>,
    %swap3A_394 = arith.constant 3 : i32
    %swap3A_395 = arith.index_cast %swap3A_394 : i32 to index
    %swap3A_396 = arith.constant 16 : index
    %swap3A_397 = tpu.vector_load %arg5[%swap3A_395, %swap3A_396] {strides = array<i32>} : memref<4x512xf32, #tpu.memory_space<vmem>>, vector<16xf32>,
    tpu.vector_store %arg5[%swap3A_395, %swap3A_396], %gather3A_393 {strides = array<i32>} : memref<4x512xf32, #tpu.memory_space<vmem>>, vector<16xf32>,
    %add3A_398 = arith.constant 32 : i32
    %add3A_399 = vector.broadcast %add3A_398 : i32 to vector<16xi32>
    %add3A_400 = arith.addi %add3A_399, %iota3A : vector<16xi32>
    %add3A_401 = arith.constant 0 : i32
    %add3A_402 = vector.broadcast %add3A_401 : i32 to vector<16xi32>
    %add3A_403 = arith.addi %mul3A_5, %add3A_402 : vector<16xi32>
    %add3A_404 = arith.constant 0 : i32
    %add3A_405 = vector.broadcast %add3A_404 : i32 to vector<16xi32>
    %add3A_406 = arith.addi %mul3A_5, %add3A_405 : vector<16xi32>
    %add3A_407 = arith.constant 2 : i32
    %add3A_408 = vector.broadcast %add3A_407 : i32 to vector<16xi32>
    %add3A_409 = arith.addi %mul3A_5, %add3A_408 : vector<16xi32>
    %gather3A_410 = tpu.vector_load_idx %arg4[%add3A_403, %add3A_406, %add3A_400, %add3A_409] : memref<3x4x64x128xf32, #tpu.memory_space<vmem>>[vector<16xi32>, vector<16xi32>, vector<16xi32>, vector<16xi32>], vector<16xf32>,
    %swap3A_411 = arith.constant 0 : i32
    %swap3A_412 = arith.index_cast %swap3A_411 : i32 to index
    %swap3A_413 = arith.constant 32 : index
    %swap3A_414 = tpu.vector_load %arg5[%swap3A_412, %swap3A_413] {strides = array<i32>} : memref<4x512xf32, #tpu.memory_space<vmem>>, vector<16xf32>,
    tpu.vector_store %arg5[%swap3A_412, %swap3A_413], %gather3A_410 {strides = array<i32>} : memref<4x512xf32, #tpu.memory_space<vmem>>, vector<16xf32>,
    %add3A_415 = arith.constant 0 : i32
    %add3A_416 = vector.broadcast %add3A_415 : i32 to vector<16xi32>
    %add3A_417 = arith.addi %mul3A_5, %add3A_416 : vector<16xi32>
    %add3A_418 = arith.constant 1 : i32
    %add3A_419 = vector.broadcast %add3A_418 : i32 to vector<16xi32>
    %add3A_420 = arith.addi %mul3A_5, %add3A_419 : vector<16xi32>
    %add3A_421 = arith.constant 3 : i32
    %add3A_422 = vector.broadcast %add3A_421 : i32 to vector<16xi32>
    %add3A_423 = arith.addi %mul3A_5, %add3A_422 : vector<16xi32>
    %gather3A_424 = tpu.vector_load_idx %arg4[%add3A_417, %add3A_420, %add3A_400, %add3A_423] : memref<3x4x64x128xf32, #tpu.memory_space<vmem>>[vector<16xi32>, vector<16xi32>, vector<16xi32>, vector<16xi32>], vector<16xf32>,
    %swap3A_425 = arith.constant 1 : i32
    %swap3A_426 = arith.index_cast %swap3A_425 : i32 to index
    %swap3A_427 = arith.constant 32 : index
    %swap3A_428 = tpu.vector_load %arg5[%swap3A_426, %swap3A_427] {strides = array<i32>} : memref<4x512xf32, #tpu.memory_space<vmem>>, vector<16xf32>,
    tpu.vector_store %arg5[%swap3A_426, %swap3A_427], %gather3A_424 {strides = array<i32>} : memref<4x512xf32, #tpu.memory_space<vmem>>, vector<16xf32>,
    %add3A_429 = arith.constant 0 : i32
    %add3A_430 = vector.broadcast %add3A_429 : i32 to vector<16xi32>
    %add3A_431 = arith.addi %mul3A_5, %add3A_430 : vector<16xi32>
    %add3A_432 = arith.constant 2 : i32
    %add3A_433 = vector.broadcast %add3A_432 : i32 to vector<16xi32>
    %add3A_434 = arith.addi %mul3A_5, %add3A_433 : vector<16xi32>
    %add3A_435 = arith.constant 1 : i32
    %add3A_436 = vector.broadcast %add3A_435 : i32 to vector<16xi32>
    %add3A_437 = arith.addi %mul3A_5, %add3A_436 : vector<16xi32>
    %gather3A_438 = tpu.vector_load_idx %arg4[%add3A_431, %add3A_434, %add3A_400, %add3A_437] : memref<3x4x64x128xf32, #tpu.memory_space<vmem>>[vector<16xi32>, vector<16xi32>, vector<16xi32>, vector<16xi32>], vector<16xf32>,
    %swap3A_439 = arith.constant 2 : i32
    %swap3A_440 = arith.index_cast %swap3A_439 : i32 to index
    %swap3A_441 = arith.constant 32 : index
    %swap3A_442 = tpu.vector_load %arg5[%swap3A_440, %swap3A_441] {strides = array<i32>} : memref<4x512xf32, #tpu.memory_space<vmem>>, vector<16xf32>,
    tpu.vector_store %arg5[%swap3A_440, %swap3A_441], %gather3A_438 {strides = array<i32>} : memref<4x512xf32, #tpu.memory_space<vmem>>, vector<16xf32>,
    %add3A_443 = arith.constant 0 : i32
    %add3A_444 = vector.broadcast %add3A_443 : i32 to vector<16xi32>
    %add3A_445 = arith.addi %mul3A_5, %add3A_444 : vector<16xi32>
    %add3A_446 = arith.constant 3 : i32
    %add3A_447 = vector.broadcast %add3A_446 : i32 to vector<16xi32>
    %add3A_448 = arith.addi %mul3A_5, %add3A_447 : vector<16xi32>
    %add3A_449 = arith.constant 1 : i32
    %add3A_450 = vector.broadcast %add3A_449 : i32 to vector<16xi32>
    %add3A_451 = arith.addi %mul3A_5, %add3A_450 : vector<16xi32>
    %gather3A_452 = tpu.vector_load_idx %arg4[%add3A_445, %add3A_448, %add3A_400, %add3A_451] : memref<3x4x64x128xf32, #tpu.memory_space<vmem>>[vector<16xi32>, vector<16xi32>, vector<16xi32>, vector<16xi32>], vector<16xf32>,
    %swap3A_453 = arith.constant 3 : i32
    %swap3A_454 = arith.index_cast %swap3A_453 : i32 to index
    %swap3A_455 = arith.constant 32 : index
    %swap3A_456 = tpu.vector_load %arg5[%swap3A_454, %swap3A_455] {strides = array<i32>} : memref<4x512xf32, #tpu.memory_space<vmem>>, vector<16xf32>,
    tpu.vector_store %arg5[%swap3A_454, %swap3A_455], %gather3A_452 {strides = array<i32>} : memref<4x512xf32, #tpu.memory_space<vmem>>, vector<16xf32>,
    %add3A_457 = arith.constant 48 : i32
    %add3A_458 = vector.broadcast %add3A_457 : i32 to vector<16xi32>
    %add3A_459 = arith.addi %add3A_458, %iota3A : vector<16xi32>
    %add3A_460 = arith.constant 0 : i32
    %add3A_461 = vector.broadcast %add3A_460 : i32 to vector<16xi32>
    %add3A_462 = arith.addi %mul3A_5, %add3A_461 : vector<16xi32>
    %add3A_463 = arith.constant 0 : i32
    %add3A_464 = vector.broadcast %add3A_463 : i32 to vector<16xi32>
    %add3A_465 = arith.addi %mul3A_5, %add3A_464 : vector<16xi32>
    %add3A_466 = arith.constant 2 : i32
    %add3A_467 = vector.broadcast %add3A_466 : i32 to vector<16xi32>
    %add3A_468 = arith.addi %mul3A_5, %add3A_467 : vector<16xi32>
    %gather3A_469 = tpu.vector_load_idx %arg4[%add3A_462, %add3A_465, %add3A_459, %add3A_468] : memref<3x4x64x128xf32, #tpu.memory_space<vmem>>[vector<16xi32>, vector<16xi32>, vector<16xi32>, vector<16xi32>], vector<16xf32>,
    %swap3A_470 = arith.constant 0 : i32
    %swap3A_471 = arith.index_cast %swap3A_470 : i32 to index
    %swap3A_472 = arith.constant 48 : index
    %swap3A_473 = tpu.vector_load %arg5[%swap3A_471, %swap3A_472] {strides = array<i32>} : memref<4x512xf32, #tpu.memory_space<vmem>>, vector<16xf32>,
    tpu.vector_store %arg5[%swap3A_471, %swap3A_472], %gather3A_469 {strides = array<i32>} : memref<4x512xf32, #tpu.memory_space<vmem>>, vector<16xf32>,
    %add3A_474 = arith.constant 0 : i32
    %add3A_475 = vector.broadcast %add3A_474 : i32 to vector<16xi32>
    %add3A_476 = arith.addi %mul3A_5, %add3A_475 : vector<16xi32>
    %add3A_477 = arith.constant 1 : i32
    %add3A_478 = vector.broadcast %add3A_477 : i32 to vector<16xi32>
    %add3A_479 = arith.addi %mul3A_5, %add3A_478 : vector<16xi32>
    %add3A_480 = arith.constant 3 : i32
    %add3A_481 = vector.broadcast %add3A_480 : i32 to vector<16xi32>
    %add3A_482 = arith.addi %mul3A_5, %add3A_481 : vector<16xi32>
    %gather3A_483 = tpu.vector_load_idx %arg4[%add3A_476, %add3A_479, %add3A_459, %add3A_482] : memref<3x4x64x128xf32, #tpu.memory_space<vmem>>[vector<16xi32>, vector<16xi32>, vector<16xi32>, vector<16xi32>], vector<16xf32>,
    %swap3A_484 = arith.constant 1 : i32
    %swap3A_485 = arith.index_cast %swap3A_484 : i32 to index
    %swap3A_486 = arith.constant 48 : index
    %swap3A_487 = tpu.vector_load %arg5[%swap3A_485, %swap3A_486] {strides = array<i32>} : memref<4x512xf32, #tpu.memory_space<vmem>>, vector<16xf32>,
    tpu.vector_store %arg5[%swap3A_485, %swap3A_486], %gather3A_483 {strides = array<i32>} : memref<4x512xf32, #tpu.memory_space<vmem>>, vector<16xf32>,
    %add3A_488 = arith.constant 0 : i32
    %add3A_489 = vector.broadcast %add3A_488 : i32 to vector<16xi32>
    %add3A_490 = arith.addi %mul3A_5, %add3A_489 : vector<16xi32>
    %add3A_491 = arith.constant 2 : i32
    %add3A_492 = vector.broadcast %add3A_491 : i32 to vector<16xi32>
    %add3A_493 = arith.addi %mul3A_5, %add3A_492 : vector<16xi32>
    %add3A_494 = arith.constant 1 : i32
    %add3A_495 = vector.broadcast %add3A_494 : i32 to vector<16xi32>
    %add3A_496 = arith.addi %mul3A_5, %add3A_495 : vector<16xi32>
    %gather3A_497 = tpu.vector_load_idx %arg4[%add3A_490, %add3A_493, %add3A_459, %add3A_496] : memref<3x4x64x128xf32, #tpu.memory_space<vmem>>[vector<16xi32>, vector<16xi32>, vector<16xi32>, vector<16xi32>], vector<16xf32>,
    %swap3A_498 = arith.constant 2 : i32
    %swap3A_499 = arith.index_cast %swap3A_498 : i32 to index
    %swap3A_500 = arith.constant 48 : index
    %swap3A_501 = tpu.vector_load %arg5[%swap3A_499, %swap3A_500] {strides = array<i32>} : memref<4x512xf32, #tpu.memory_space<vmem>>, vector<16xf32>,
    tpu.vector_store %arg5[%swap3A_499, %swap3A_500], %gather3A_497 {strides = array<i32>} : memref<4x512xf32, #tpu.memory_space<vmem>>, vector<16xf32>,
    %add3A_502 = arith.constant 0 : i32
    %add3A_503 = vector.broadcast %add3A_502 : i32 to vector<16xi32>
    %add3A_504 = arith.addi %mul3A_5, %add3A_503 : vector<16xi32>
    %add3A_505 = arith.constant 3 : i32
    %add3A_506 = vector.broadcast %add3A_505 : i32 to vector<16xi32>
    %add3A_507 = arith.addi %mul3A_5, %add3A_506 : vector<16xi32>
    %add3A_508 = arith.constant 1 : i32
    %add3A_509 = vector.broadcast %add3A_508 : i32 to vector<16xi32>
    %add3A_510 = arith.addi %mul3A_5, %add3A_509 : vector<16xi32>
    %gather3A_511 = tpu.vector_load_idx %arg4[%add3A_504, %add3A_507, %add3A_459, %add3A_510] : memref<3x4x64x128xf32, #tpu.memory_space<vmem>>[vector<16xi32>, vector<16xi32>, vector<16xi32>, vector<16xi32>], vector<16xf32>,
    %swap3A_512 = arith.constant 3 : i32
    %swap3A_513 = arith.index_cast %swap3A_512 : i32 to index
    %swap3A_514 = arith.constant 48 : index
    %swap3A_515 = tpu.vector_load %arg5[%swap3A_513, %swap3A_514] {strides = array<i32>} : memref<4x512xf32, #tpu.memory_space<vmem>>, vector<16xf32>,
    tpu.vector_store %arg5[%swap3A_513, %swap3A_514], %gather3A_511 {strides = array<i32>} : memref<4x512xf32, #tpu.memory_space<vmem>>, vector<16xf32>,
    %add3A_516 = arith.constant 192 : i32
    %add3A_517 = arith.addi %mul3A_2, %add3A_516 : i32
    %dma_start3A_518 = arith.constant 1 : i32
    %dma_start3A_519 = arith.constant 0 : i32
    %dma_start3A_520 = arith.constant 0 : i32
    %dma_start3A_521 = arith.constant 0 : i32
    %dma_start3A_522 = arith.constant 0 : i32
    %dma_start3A_523 = tpu.memref_slice %arg4[%dma_start3A_519, %dma_start3A_520, %dma_start3A_521, %dma_start3A_522] : memref<3x4x64x128xf32, #tpu.memory_space<vmem>> -> memref<1x1x64x128xf32, #tpu.memory_space<vmem>>
    %dma_start3A_524 = tpu.memref_squeeze %dma_start3A_523 : memref<1x1x64x128xf32, #tpu.memory_space<vmem>> -> memref<64x128xf32, #tpu.memory_space<vmem>>
    %dma_start3A_525 = arith.constant 0 : i32
    %dma_start3A_526 = tpu.memref_slice %arg2[%dma_start3A_518, %add3A_517, %dma_start3A_525] : memref<50x16384x128xf32, #tpu.memory_space<hbm>> -> memref<1x64x128xf32, #tpu.memory_space<hbm>>
    %dma_start3A_527 = tpu.memref_squeeze %dma_start3A_526 : memref<1x64x128xf32, #tpu.memory_space<hbm>> -> memref<64x128xf32, #tpu.memory_space<hbm>>
    %dma_start3A_528 = arith.constant 0 : i32
    %dma_start3A_529 = arith.constant 0 : i32
    %dma_start3A_530 = tpu.memref_slice %arg4[%dma_start3A_519, %dma_start3A_520, %dma_start3A_528, %dma_start3A_529] : memref<3x4x64x128xf32, #tpu.memory_space<vmem>> -> memref<1x1x64x128xf32, #tpu.memory_space<vmem>>
    %dma_start3A_531 = tpu.memref_squeeze %dma_start3A_530 : memref<1x1x64x128xf32, #tpu.memory_space<vmem>> -> memref<64x128xf32, #tpu.memory_space<vmem>>
    %dma_start3A_532 = arith.constant 0 : i32
    %dma_start3A_533 = tpu.memref_slice %arg2[%dma_start3A_518, %add3A_517, %dma_start3A_532] : memref<50x16384x128xf32, #tpu.memory_space<hbm>> -> memref<1x64x128xf32, #tpu.memory_space<hbm>>
    %dma_start3A_534 = tpu.memref_squeeze %dma_start3A_533 : memref<1x64x128xf32, #tpu.memory_space<hbm>> -> memref<64x128xf32, #tpu.memory_space<hbm>>
    tpu.enqueue_dma source(%dma_start3A_534 : memref<64x128xf32, #tpu.memory_space<hbm>>) target(%dma_start3A_531 : memref<64x128xf32, #tpu.memory_space<vmem>>) target_semaphore(%arg6 : memref<!tpu.dma_semaphore, #tpu.memory_space<semaphore_mem>>)
    %dma_start3A_535 = arith.constant 5 : i32
    %dma_start3A_536 = arith.constant 0 : i32
    %dma_start3A_537 = arith.constant 1 : i32
    %dma_start3A_538 = arith.constant 0 : i32
    %dma_start3A_539 = arith.constant 0 : i32
    %dma_start3A_540 = tpu.memref_slice %arg4[%dma_start3A_536, %dma_start3A_537, %dma_start3A_538, %dma_start3A_539] : memref<3x4x64x128xf32, #tpu.memory_space<vmem>> -> memref<1x1x64x128xf32, #tpu.memory_space<vmem>>
    %dma_start3A_541 = tpu.memref_squeeze %dma_start3A_540 : memref<1x1x64x128xf32, #tpu.memory_space<vmem>> -> memref<64x128xf32, #tpu.memory_space<vmem>>
    %dma_start3A_542 = arith.constant 0 : i32
    %dma_start3A_543 = tpu.memref_slice %arg2[%dma_start3A_535, %add3A_517, %dma_start3A_542] : memref<50x16384x128xf32, #tpu.memory_space<hbm>> -> memref<1x64x128xf32, #tpu.memory_space<hbm>>
    %dma_start3A_544 = tpu.memref_squeeze %dma_start3A_543 : memref<1x64x128xf32, #tpu.memory_space<hbm>> -> memref<64x128xf32, #tpu.memory_space<hbm>>
    %dma_start3A_545 = arith.constant 0 : i32
    %dma_start3A_546 = arith.constant 0 : i32
    %dma_start3A_547 = tpu.memref_slice %arg4[%dma_start3A_536, %dma_start3A_537, %dma_start3A_545, %dma_start3A_546] : memref<3x4x64x128xf32, #tpu.memory_space<vmem>> -> memref<1x1x64x128xf32, #tpu.memory_space<vmem>>
    %dma_start3A_548 = tpu.memref_squeeze %dma_start3A_547 : memref<1x1x64x128xf32, #tpu.memory_space<vmem>> -> memref<64x128xf32, #tpu.memory_space<vmem>>
    %dma_start3A_549 = arith.constant 0 : i32
    %dma_start3A_550 = tpu.memref_slice %arg2[%dma_start3A_535, %add3A_517, %dma_start3A_549] : memref<50x16384x128xf32, #tpu.memory_space<hbm>> -> memref<1x64x128xf32, #tpu.memory_space<hbm>>
    %dma_start3A_551 = tpu.memref_squeeze %dma_start3A_550 : memref<1x64x128xf32, #tpu.memory_space<hbm>> -> memref<64x128xf32, #tpu.memory_space<hbm>>
    tpu.enqueue_dma source(%dma_start3A_551 : memref<64x128xf32, #tpu.memory_space<hbm>>) target(%dma_start3A_548 : memref<64x128xf32, #tpu.memory_space<vmem>>) target_semaphore(%arg6 : memref<!tpu.dma_semaphore, #tpu.memory_space<semaphore_mem>>)
    %dma_start3A_552 = arith.constant 3 : i32
    %dma_start3A_553 = arith.constant 0 : i32
    %dma_start3A_554 = arith.constant 2 : i32
    %dma_start3A_555 = arith.constant 0 : i32
    %dma_start3A_556 = arith.constant 0 : i32
    %dma_start3A_557 = tpu.memref_slice %arg4[%dma_start3A_553, %dma_start3A_554, %dma_start3A_555, %dma_start3A_556] : memref<3x4x64x128xf32, #tpu.memory_space<vmem>> -> memref<1x1x64x128xf32, #tpu.memory_space<vmem>>
    %dma_start3A_558 = tpu.memref_squeeze %dma_start3A_557 : memref<1x1x64x128xf32, #tpu.memory_space<vmem>> -> memref<64x128xf32, #tpu.memory_space<vmem>>
    %dma_start3A_559 = arith.constant 0 : i32
    %dma_start3A_560 = tpu.memref_slice %arg2[%dma_start3A_552, %add3A_517, %dma_start3A_559] : memref<50x16384x128xf32, #tpu.memory_space<hbm>> -> memref<1x64x128xf32, #tpu.memory_space<hbm>>
    %dma_start3A_561 = tpu.memref_squeeze %dma_start3A_560 : memref<1x64x128xf32, #tpu.memory_space<hbm>> -> memref<64x128xf32, #tpu.memory_space<hbm>>
    %dma_start3A_562 = arith.constant 0 : i32
    %dma_start3A_563 = arith.constant 0 : i32
    %dma_start3A_564 = tpu.memref_slice %arg4[%dma_start3A_553, %dma_start3A_554, %dma_start3A_562, %dma_start3A_563] : memref<3x4x64x128xf32, #tpu.memory_space<vmem>> -> memref<1x1x64x128xf32, #tpu.memory_space<vmem>>
    %dma_start3A_565 = tpu.memref_squeeze %dma_start3A_564 : memref<1x1x64x128xf32, #tpu.memory_space<vmem>> -> memref<64x128xf32, #tpu.memory_space<vmem>>
    %dma_start3A_566 = arith.constant 0 : i32
    %dma_start3A_567 = tpu.memref_slice %arg2[%dma_start3A_552, %add3A_517, %dma_start3A_566] : memref<50x16384x128xf32, #tpu.memory_space<hbm>> -> memref<1x64x128xf32, #tpu.memory_space<hbm>>
    %dma_start3A_568 = tpu.memref_squeeze %dma_start3A_567 : memref<1x64x128xf32, #tpu.memory_space<hbm>> -> memref<64x128xf32, #tpu.memory_space<hbm>>
    tpu.enqueue_dma source(%dma_start3A_568 : memref<64x128xf32, #tpu.memory_space<hbm>>) target(%dma_start3A_565 : memref<64x128xf32, #tpu.memory_space<vmem>>) target_semaphore(%arg6 : memref<!tpu.dma_semaphore, #tpu.memory_space<semaphore_mem>>)
    %dma_start3A_569 = arith.constant 2 : i32
    %dma_start3A_570 = arith.constant 0 : i32
    %dma_start3A_571 = arith.constant 3 : i32
    %dma_start3A_572 = arith.constant 0 : i32
    %dma_start3A_573 = arith.constant 0 : i32
    %dma_start3A_574 = tpu.memref_slice %arg4[%dma_start3A_570, %dma_start3A_571, %dma_start3A_572, %dma_start3A_573] : memref<3x4x64x128xf32, #tpu.memory_space<vmem>> -> memref<1x1x64x128xf32, #tpu.memory_space<vmem>>
    %dma_start3A_575 = tpu.memref_squeeze %dma_start3A_574 : memref<1x1x64x128xf32, #tpu.memory_space<vmem>> -> memref<64x128xf32, #tpu.memory_space<vmem>>
    %dma_start3A_576 = arith.constant 0 : i32
    %dma_start3A_577 = tpu.memref_slice %arg2[%dma_start3A_569, %add3A_517, %dma_start3A_576] : memref<50x16384x128xf32, #tpu.memory_space<hbm>> -> memref<1x64x128xf32, #tpu.memory_space<hbm>>
    %dma_start3A_578 = tpu.memref_squeeze %dma_start3A_577 : memref<1x64x128xf32, #tpu.memory_space<hbm>> -> memref<64x128xf32, #tpu.memory_space<hbm>>
    %dma_start3A_579 = arith.constant 0 : i32
    %dma_start3A_580 = arith.constant 0 : i32
    %dma_start3A_581 = tpu.memref_slice %arg4[%dma_start3A_570, %dma_start3A_571, %dma_start3A_579, %dma_start3A_580] : memref<3x4x64x128xf32, #tpu.memory_space<vmem>> -> memref<1x1x64x128xf32, #tpu.memory_space<vmem>>
    %dma_start3A_582 = tpu.memref_squeeze %dma_start3A_581 : memref<1x1x64x128xf32, #tpu.memory_space<vmem>> -> memref<64x128xf32, #tpu.memory_space<vmem>>
    %dma_start3A_583 = arith.constant 0 : i32
    %dma_start3A_584 = tpu.memref_slice %arg2[%dma_start3A_569, %add3A_517, %dma_start3A_583] : memref<50x16384x128xf32, #tpu.memory_space<hbm>> -> memref<1x64x128xf32, #tpu.memory_space<hbm>>
    %dma_start3A_585 = tpu.memref_squeeze %dma_start3A_584 : memref<1x64x128xf32, #tpu.memory_space<hbm>> -> memref<64x128xf32, #tpu.memory_space<hbm>>
    tpu.enqueue_dma source(%dma_start3A_585 : memref<64x128xf32, #tpu.memory_space<hbm>>) target(%dma_start3A_582 : memref<64x128xf32, #tpu.memory_space<vmem>>) target_semaphore(%arg6 : memref<!tpu.dma_semaphore, #tpu.memory_space<semaphore_mem>>)
    %dma_wait3A_586 = arith.constant 1 : i32
    %dma_wait3A_587 = arith.constant 1 : i32
    %dma_wait3A_588 = arith.constant 0 : i32
    %dma_wait3A_589 = arith.constant 0 : i32
    %dma_wait3A_590 = arith.constant 0 : i32
    %dma_wait3A_591 = tpu.memref_slice %arg4[%dma_wait3A_587, %dma_wait3A_588, %dma_wait3A_589, %dma_wait3A_590] : memref<3x4x64x128xf32, #tpu.memory_space<vmem>> -> memref<1x1x64x128xf32, #tpu.memory_space<vmem>>
    %dma_wait3A_592 = tpu.memref_squeeze %dma_wait3A_591 : memref<1x1x64x128xf32, #tpu.memory_space<vmem>> -> memref<64x128xf32, #tpu.memory_space<vmem>>
    %dma_wait3A_593 = arith.constant 0 : i32
    %dma_wait3A_594 = tpu.memref_slice %arg2[%dma_wait3A_586, %add3A_76, %dma_wait3A_593] : memref<50x16384x128xf32, #tpu.memory_space<hbm>> -> memref<1x64x128xf32, #tpu.memory_space<hbm>>
    %dma_wait3A_595 = tpu.memref_squeeze %dma_wait3A_594 : memref<1x64x128xf32, #tpu.memory_space<hbm>> -> memref<64x128xf32, #tpu.memory_space<hbm>>
    %dma_wait3A_596 = arith.constant 0 : i32
    %dma_wait3A_597 = arith.constant 0 : i32
    %dma_wait3A_598 = tpu.memref_slice %arg4[%dma_wait3A_587, %dma_wait3A_588, %dma_wait3A_596, %dma_wait3A_597] : memref<3x4x64x128xf32, #tpu.memory_space<vmem>> -> memref<1x1x64x128xf32, #tpu.memory_space<vmem>>
    %dma_wait3A_599 = tpu.memref_squeeze %dma_wait3A_598 : memref<1x1x64x128xf32, #tpu.memory_space<vmem>> -> memref<64x128xf32, #tpu.memory_space<vmem>>
    %dma_wait3A_600 = arith.constant 0 : i32
    %dma_wait3A_601 = tpu.memref_slice %arg2[%dma_wait3A_586, %add3A_76, %dma_wait3A_600] : memref<50x16384x128xf32, #tpu.memory_space<hbm>> -> memref<1x64x128xf32, #tpu.memory_space<hbm>>
    %dma_wait3A_602 = tpu.memref_squeeze %dma_wait3A_601 : memref<1x64x128xf32, #tpu.memory_space<hbm>> -> memref<64x128xf32, #tpu.memory_space<hbm>>
    tpu.wait_dma2 semaphore(%arg6 : memref<!tpu.dma_semaphore, #tpu.memory_space<semaphore_mem>>) src(%dma_wait3A_602 : memref<64x128xf32, #tpu.memory_space<hbm>>) dst(%dma_wait3A_599 : memref<64x128xf32, #tpu.memory_space<vmem>>)
    %dma_wait3A_603 = arith.constant 5 : i32
    %dma_wait3A_604 = arith.constant 1 : i32
    %dma_wait3A_605 = arith.constant 1 : i32
    %dma_wait3A_606 = arith.constant 0 : i32
    %dma_wait3A_607 = arith.constant 0 : i32
    %dma_wait3A_608 = tpu.memref_slice %arg4[%dma_wait3A_604, %dma_wait3A_605, %dma_wait3A_606, %dma_wait3A_607] : memref<3x4x64x128xf32, #tpu.memory_space<vmem>> -> memref<1x1x64x128xf32, #tpu.memory_space<vmem>>
    %dma_wait3A_609 = tpu.memref_squeeze %dma_wait3A_608 : memref<1x1x64x128xf32, #tpu.memory_space<vmem>> -> memref<64x128xf32, #tpu.memory_space<vmem>>
    %dma_wait3A_610 = arith.constant 0 : i32
    %dma_wait3A_611 = tpu.memref_slice %arg2[%dma_wait3A_603, %add3A_76, %dma_wait3A_610] : memref<50x16384x128xf32, #tpu.memory_space<hbm>> -> memref<1x64x128xf32, #tpu.memory_space<hbm>>
    %dma_wait3A_612 = tpu.memref_squeeze %dma_wait3A_611 : memref<1x64x128xf32, #tpu.memory_space<hbm>> -> memref<64x128xf32, #tpu.memory_space<hbm>>
    %dma_wait3A_613 = arith.constant 0 : i32
    %dma_wait3A_614 = arith.constant 0 : i32
    %dma_wait3A_615 = tpu.memref_slice %arg4[%dma_wait3A_604, %dma_wait3A_605, %dma_wait3A_613, %dma_wait3A_614] : memref<3x4x64x128xf32, #tpu.memory_space<vmem>> -> memref<1x1x64x128xf32, #tpu.memory_space<vmem>>
    %dma_wait3A_616 = tpu.memref_squeeze %dma_wait3A_615 : memref<1x1x64x128xf32, #tpu.memory_space<vmem>> -> memref<64x128xf32, #tpu.memory_space<vmem>>
    %dma_wait3A_617 = arith.constant 0 : i32
    %dma_wait3A_618 = tpu.memref_slice %arg2[%dma_wait3A_603, %add3A_76, %dma_wait3A_617] : memref<50x16384x128xf32, #tpu.memory_space<hbm>> -> memref<1x64x128xf32, #tpu.memory_space<hbm>>
    %dma_wait3A_619 = tpu.memref_squeeze %dma_wait3A_618 : memref<1x64x128xf32, #tpu.memory_space<hbm>> -> memref<64x128xf32, #tpu.memory_space<hbm>>
    tpu.wait_dma2 semaphore(%arg6 : memref<!tpu.dma_semaphore, #tpu.memory_space<semaphore_mem>>) src(%dma_wait3A_619 : memref<64x128xf32, #tpu.memory_space<hbm>>) dst(%dma_wait3A_616 : memref<64x128xf32, #tpu.memory_space<vmem>>)
    %dma_wait3A_620 = arith.constant 3 : i32
    %dma_wait3A_621 = arith.constant 1 : i32
    %dma_wait3A_622 = arith.constant 2 : i32
    %dma_wait3A_623 = arith.constant 0 : i32
    %dma_wait3A_624 = arith.constant 0 : i32
    %dma_wait3A_625 = tpu.memref_slice %arg4[%dma_wait3A_621, %dma_wait3A_622, %dma_wait3A_623, %dma_wait3A_624] : memref<3x4x64x128xf32, #tpu.memory_space<vmem>> -> memref<1x1x64x128xf32, #tpu.memory_space<vmem>>
    %dma_wait3A_626 = tpu.memref_squeeze %dma_wait3A_625 : memref<1x1x64x128xf32, #tpu.memory_space<vmem>> -> memref<64x128xf32, #tpu.memory_space<vmem>>
    %dma_wait3A_627 = arith.constant 0 : i32
    %dma_wait3A_628 = tpu.memref_slice %arg2[%dma_wait3A_620, %add3A_76, %dma_wait3A_627] : memref<50x16384x128xf32, #tpu.memory_space<hbm>> -> memref<1x64x128xf32, #tpu.memory_space<hbm>>
    %dma_wait3A_629 = tpu.memref_squeeze %dma_wait3A_628 : memref<1x64x128xf32, #tpu.memory_space<hbm>> -> memref<64x128xf32, #tpu.memory_space<hbm>>
    %dma_wait3A_630 = arith.constant 0 : i32
    %dma_wait3A_631 = arith.constant 0 : i32
    %dma_wait3A_632 = tpu.memref_slice %arg4[%dma_wait3A_621, %dma_wait3A_622, %dma_wait3A_630, %dma_wait3A_631] : memref<3x4x64x128xf32, #tpu.memory_space<vmem>> -> memref<1x1x64x128xf32, #tpu.memory_space<vmem>>
    %dma_wait3A_633 = tpu.memref_squeeze %dma_wait3A_632 : memref<1x1x64x128xf32, #tpu.memory_space<vmem>> -> memref<64x128xf32, #tpu.memory_space<vmem>>
    %dma_wait3A_634 = arith.constant 0 : i32
    %dma_wait3A_635 = tpu.memref_slice %arg2[%dma_wait3A_620, %add3A_76, %dma_wait3A_634] : memref<50x16384x128xf32, #tpu.memory_space<hbm>> -> memref<1x64x128xf32, #tpu.memory_space<hbm>>
    %dma_wait3A_636 = tpu.memref_squeeze %dma_wait3A_635 : memref<1x64x128xf32, #tpu.memory_space<hbm>> -> memref<64x128xf32, #tpu.memory_space<hbm>>
    tpu.wait_dma2 semaphore(%arg6 : memref<!tpu.dma_semaphore, #tpu.memory_space<semaphore_mem>>) src(%dma_wait3A_636 : memref<64x128xf32, #tpu.memory_space<hbm>>) dst(%dma_wait3A_633 : memref<64x128xf32, #tpu.memory_space<vmem>>)
    %dma_wait3A_637 = arith.constant 2 : i32
    %dma_wait3A_638 = arith.constant 1 : i32
    %dma_wait3A_639 = arith.constant 3 : i32
    %dma_wait3A_640 = arith.constant 0 : i32
    %dma_wait3A_641 = arith.constant 0 : i32
    %dma_wait3A_642 = tpu.memref_slice %arg4[%dma_wait3A_638, %dma_wait3A_639, %dma_wait3A_640, %dma_wait3A_641] : memref<3x4x64x128xf32, #tpu.memory_space<vmem>> -> memref<1x1x64x128xf32, #tpu.memory_space<vmem>>
    %dma_wait3A_643 = tpu.memref_squeeze %dma_wait3A_642 : memref<1x1x64x128xf32, #tpu.memory_space<vmem>> -> memref<64x128xf32, #tpu.memory_space<vmem>>
    %dma_wait3A_644 = arith.constant 0 : i32
    %dma_wait3A_645 = tpu.memref_slice %arg2[%dma_wait3A_637, %add3A_76, %dma_wait3A_644] : memref<50x16384x128xf32, #tpu.memory_space<hbm>> -> memref<1x64x128xf32, #tpu.memory_space<hbm>>
    %dma_wait3A_646 = tpu.memref_squeeze %dma_wait3A_645 : memref<1x64x128xf32, #tpu.memory_space<hbm>> -> memref<64x128xf32, #tpu.memory_space<hbm>>
    %dma_wait3A_647 = arith.constant 0 : i32
    %dma_wait3A_648 = arith.constant 0 : i32
    %dma_wait3A_649 = tpu.memref_slice %arg4[%dma_wait3A_638, %dma_wait3A_639, %dma_wait3A_647, %dma_wait3A_648] : memref<3x4x64x128xf32, #tpu.memory_space<vmem>> -> memref<1x1x64x128xf32, #tpu.memory_space<vmem>>
    %dma_wait3A_650 = tpu.memref_squeeze %dma_wait3A_649 : memref<1x1x64x128xf32, #tpu.memory_space<vmem>> -> memref<64x128xf32, #tpu.memory_space<vmem>>
    %dma_wait3A_651 = arith.constant 0 : i32
    %dma_wait3A_652 = tpu.memref_slice %arg2[%dma_wait3A_637, %add3A_76, %dma_wait3A_651] : memref<50x16384x128xf32, #tpu.memory_space<hbm>> -> memref<1x64x128xf32, #tpu.memory_space<hbm>>
    %dma_wait3A_653 = tpu.memref_squeeze %dma_wait3A_652 : memref<1x64x128xf32, #tpu.memory_space<hbm>> -> memref<64x128xf32, #tpu.memory_space<hbm>>
    tpu.wait_dma2 semaphore(%arg6 : memref<!tpu.dma_semaphore, #tpu.memory_space<semaphore_mem>>) src(%dma_wait3A_653 : memref<64x128xf32, #tpu.memory_space<hbm>>) dst(%dma_wait3A_650 : memref<64x128xf32, #tpu.memory_space<vmem>>)
    %add3A_654 = arith.constant 0 : i32
    %add3A_655 = vector.broadcast %add3A_654 : i32 to vector<16xi32>
    %add3A_656 = arith.addi %add3A_655, %iota3A : vector<16xi32>
    %add3A_657 = arith.constant 1 : i32
    %add3A_658 = vector.broadcast %add3A_657 : i32 to vector<16xi32>
    %add3A_659 = arith.addi %mul3A_5, %add3A_658 : vector<16xi32>
    %add3A_660 = arith.constant 0 : i32
    %add3A_661 = vector.broadcast %add3A_660 : i32 to vector<16xi32>
    %add3A_662 = arith.addi %mul3A_5, %add3A_661 : vector<16xi32>
    %add3A_663 = arith.constant 2 : i32
    %add3A_664 = vector.broadcast %add3A_663 : i32 to vector<16xi32>
    %add3A_665 = arith.addi %mul3A_5, %add3A_664 : vector<16xi32>
    %gather3A_666 = tpu.vector_load_idx %arg4[%add3A_659, %add3A_662, %add3A_656, %add3A_665] : memref<3x4x64x128xf32, #tpu.memory_space<vmem>>[vector<16xi32>, vector<16xi32>, vector<16xi32>, vector<16xi32>], vector<16xf32>,
    %swap3A_667 = arith.constant 0 : i32
    %swap3A_668 = arith.index_cast %swap3A_667 : i32 to index
    %swap3A_669 = arith.constant 64 : index
    %swap3A_670 = tpu.vector_load %arg5[%swap3A_668, %swap3A_669] {strides = array<i32>} : memref<4x512xf32, #tpu.memory_space<vmem>>, vector<16xf32>,
    tpu.vector_store %arg5[%swap3A_668, %swap3A_669], %gather3A_666 {strides = array<i32>} : memref<4x512xf32, #tpu.memory_space<vmem>>, vector<16xf32>,
    %add3A_671 = arith.constant 1 : i32
    %add3A_672 = vector.broadcast %add3A_671 : i32 to vector<16xi32>
    %add3A_673 = arith.addi %mul3A_5, %add3A_672 : vector<16xi32>
    %add3A_674 = arith.constant 1 : i32
    %add3A_675 = vector.broadcast %add3A_674 : i32 to vector<16xi32>
    %add3A_676 = arith.addi %mul3A_5, %add3A_675 : vector<16xi32>
    %add3A_677 = arith.constant 3 : i32
    %add3A_678 = vector.broadcast %add3A_677 : i32 to vector<16xi32>
    %add3A_679 = arith.addi %mul3A_5, %add3A_678 : vector<16xi32>
    %gather3A_680 = tpu.vector_load_idx %arg4[%add3A_673, %add3A_676, %add3A_656, %add3A_679] : memref<3x4x64x128xf32, #tpu.memory_space<vmem>>[vector<16xi32>, vector<16xi32>, vector<16xi32>, vector<16xi32>], vector<16xf32>,
    %swap3A_681 = arith.constant 1 : i32
    %swap3A_682 = arith.index_cast %swap3A_681 : i32 to index
    %swap3A_683 = arith.constant 64 : index
    %swap3A_684 = tpu.vector_load %arg5[%swap3A_682, %swap3A_683] {strides = array<i32>} : memref<4x512xf32, #tpu.memory_space<vmem>>, vector<16xf32>,
    tpu.vector_store %arg5[%swap3A_682, %swap3A_683], %gather3A_680 {strides = array<i32>} : memref<4x512xf32, #tpu.memory_space<vmem>>, vector<16xf32>,
    %add3A_685 = arith.constant 1 : i32
    %add3A_686 = vector.broadcast %add3A_685 : i32 to vector<16xi32>
    %add3A_687 = arith.addi %mul3A_5, %add3A_686 : vector<16xi32>
    %add3A_688 = arith.constant 2 : i32
    %add3A_689 = vector.broadcast %add3A_688 : i32 to vector<16xi32>
    %add3A_690 = arith.addi %mul3A_5, %add3A_689 : vector<16xi32>
    %add3A_691 = arith.constant 1 : i32
    %add3A_692 = vector.broadcast %add3A_691 : i32 to vector<16xi32>
    %add3A_693 = arith.addi %mul3A_5, %add3A_692 : vector<16xi32>
    %gather3A_694 = tpu.vector_load_idx %arg4[%add3A_687, %add3A_690, %add3A_656, %add3A_693] : memref<3x4x64x128xf32, #tpu.memory_space<vmem>>[vector<16xi32>, vector<16xi32>, vector<16xi32>, vector<16xi32>], vector<16xf32>,
    %swap3A_695 = arith.constant 2 : i32
    %swap3A_696 = arith.index_cast %swap3A_695 : i32 to index
    %swap3A_697 = arith.constant 64 : index
    %swap3A_698 = tpu.vector_load %arg5[%swap3A_696, %swap3A_697] {strides = array<i32>} : memref<4x512xf32, #tpu.memory_space<vmem>>, vector<16xf32>,
    tpu.vector_store %arg5[%swap3A_696, %swap3A_697], %gather3A_694 {strides = array<i32>} : memref<4x512xf32, #tpu.memory_space<vmem>>, vector<16xf32>,
    %add3A_699 = arith.constant 1 : i32
    %add3A_700 = vector.broadcast %add3A_699 : i32 to vector<16xi32>
    %add3A_701 = arith.addi %mul3A_5, %add3A_700 : vector<16xi32>
    %add3A_702 = arith.constant 3 : i32
    %add3A_703 = vector.broadcast %add3A_702 : i32 to vector<16xi32>
    %add3A_704 = arith.addi %mul3A_5, %add3A_703 : vector<16xi32>
    %add3A_705 = arith.constant 1 : i32
    %add3A_706 = vector.broadcast %add3A_705 : i32 to vector<16xi32>
    %add3A_707 = arith.addi %mul3A_5, %add3A_706 : vector<16xi32>
    %gather3A_708 = tpu.vector_load_idx %arg4[%add3A_701, %add3A_704, %add3A_656, %add3A_707] : memref<3x4x64x128xf32, #tpu.memory_space<vmem>>[vector<16xi32>, vector<16xi32>, vector<16xi32>, vector<16xi32>], vector<16xf32>,
    %swap3A_709 = arith.constant 3 : i32
    %swap3A_710 = arith.index_cast %swap3A_709 : i32 to index
    %swap3A_711 = arith.constant 64 : index
    %swap3A_712 = tpu.vector_load %arg5[%swap3A_710, %swap3A_711] {strides = array<i32>} : memref<4x512xf32, #tpu.memory_space<vmem>>, vector<16xf32>,
    tpu.vector_store %arg5[%swap3A_710, %swap3A_711], %gather3A_708 {strides = array<i32>} : memref<4x512xf32, #tpu.memory_space<vmem>>, vector<16xf32>,
    %add3A_713 = arith.constant 16 : i32
    %add3A_714 = vector.broadcast %add3A_713 : i32 to vector<16xi32>
    %add3A_715 = arith.addi %add3A_714, %iota3A : vector<16xi32>
    %add3A_716 = arith.constant 1 : i32
    %add3A_717 = vector.broadcast %add3A_716 : i32 to vector<16xi32>
    %add3A_718 = arith.addi %mul3A_5, %add3A_717 : vector<16xi32>
    %add3A_719 = arith.constant 0 : i32
    %add3A_720 = vector.broadcast %add3A_719 : i32 to vector<16xi32>
    %add3A_721 = arith.addi %mul3A_5, %add3A_720 : vector<16xi32>
    %add3A_722 = arith.constant 2 : i32
    %add3A_723 = vector.broadcast %add3A_722 : i32 to vector<16xi32>
    %add3A_724 = arith.addi %mul3A_5, %add3A_723 : vector<16xi32>
    %gather3A_725 = tpu.vector_load_idx %arg4[%add3A_718, %add3A_721, %add3A_715, %add3A_724] : memref<3x4x64x128xf32, #tpu.memory_space<vmem>>[vector<16xi32>, vector<16xi32>, vector<16xi32>, vector<16xi32>], vector<16xf32>,
    %swap3A_726 = arith.constant 0 : i32
    %swap3A_727 = arith.index_cast %swap3A_726 : i32 to index
    %swap3A_728 = arith.constant 80 : index
    %swap3A_729 = tpu.vector_load %arg5[%swap3A_727, %swap3A_728] {strides = array<i32>} : memref<4x512xf32, #tpu.memory_space<vmem>>, vector<16xf32>,
    tpu.vector_store %arg5[%swap3A_727, %swap3A_728], %gather3A_725 {strides = array<i32>} : memref<4x512xf32, #tpu.memory_space<vmem>>, vector<16xf32>,
    %add3A_730 = arith.constant 1 : i32
    %add3A_731 = vector.broadcast %add3A_730 : i32 to vector<16xi32>
    %add3A_732 = arith.addi %mul3A_5, %add3A_731 : vector<16xi32>
    %add3A_733 = arith.constant 1 : i32
    %add3A_734 = vector.broadcast %add3A_733 : i32 to vector<16xi32>
    %add3A_735 = arith.addi %mul3A_5, %add3A_734 : vector<16xi32>
    %add3A_736 = arith.constant 3 : i32
    %add3A_737 = vector.broadcast %add3A_736 : i32 to vector<16xi32>
    %add3A_738 = arith.addi %mul3A_5, %add3A_737 : vector<16xi32>
    %gather3A_739 = tpu.vector_load_idx %arg4[%add3A_732, %add3A_735, %add3A_715, %add3A_738] : memref<3x4x64x128xf32, #tpu.memory_space<vmem>>[vector<16xi32>, vector<16xi32>, vector<16xi32>, vector<16xi32>], vector<16xf32>,
    %swap3A_740 = arith.constant 1 : i32
    %swap3A_741 = arith.index_cast %swap3A_740 : i32 to index
    %swap3A_742 = arith.constant 80 : index
    %swap3A_743 = tpu.vector_load %arg5[%swap3A_741, %swap3A_742] {strides = array<i32>} : memref<4x512xf32, #tpu.memory_space<vmem>>, vector<16xf32>,
    tpu.vector_store %arg5[%swap3A_741, %swap3A_742], %gather3A_739 {strides = array<i32>} : memref<4x512xf32, #tpu.memory_space<vmem>>, vector<16xf32>,
    %add3A_744 = arith.constant 1 : i32
    %add3A_745 = vector.broadcast %add3A_744 : i32 to vector<16xi32>
    %add3A_746 = arith.addi %mul3A_5, %add3A_745 : vector<16xi32>
    %add3A_747 = arith.constant 2 : i32
    %add3A_748 = vector.broadcast %add3A_747 : i32 to vector<16xi32>
    %add3A_749 = arith.addi %mul3A_5, %add3A_748 : vector<16xi32>
    %add3A_750 = arith.constant 1 : i32
    %add3A_751 = vector.broadcast %add3A_750 : i32 to vector<16xi32>
    %add3A_752 = arith.addi %mul3A_5, %add3A_751 : vector<16xi32>
    %gather3A_753 = tpu.vector_load_idx %arg4[%add3A_746, %add3A_749, %add3A_715, %add3A_752] : memref<3x4x64x128xf32, #tpu.memory_space<vmem>>[vector<16xi32>, vector<16xi32>, vector<16xi32>, vector<16xi32>], vector<16xf32>,
    %swap3A_754 = arith.constant 2 : i32
    %swap3A_755 = arith.index_cast %swap3A_754 : i32 to index
    %swap3A_756 = arith.constant 80 : index
    %swap3A_757 = tpu.vector_load %arg5[%swap3A_755, %swap3A_756] {strides = array<i32>} : memref<4x512xf32, #tpu.memory_space<vmem>>, vector<16xf32>,
    tpu.vector_store %arg5[%swap3A_755, %swap3A_756], %gather3A_753 {strides = array<i32>} : memref<4x512xf32, #tpu.memory_space<vmem>>, vector<16xf32>,
    %add3A_758 = arith.constant 1 : i32
    %add3A_759 = vector.broadcast %add3A_758 : i32 to vector<16xi32>
    %add3A_760 = arith.addi %mul3A_5, %add3A_759 : vector<16xi32>
    %add3A_761 = arith.constant 3 : i32
    %add3A_762 = vector.broadcast %add3A_761 : i32 to vector<16xi32>
    %add3A_763 = arith.addi %mul3A_5, %add3A_762 : vector<16xi32>
    %add3A_764 = arith.constant 1 : i32
    %add3A_765 = vector.broadcast %add3A_764 : i32 to vector<16xi32>
    %add3A_766 = arith.addi %mul3A_5, %add3A_765 : vector<16xi32>
    %gather3A_767 = tpu.vector_load_idx %arg4[%add3A_760, %add3A_763, %add3A_715, %add3A_766] : memref<3x4x64x128xf32, #tpu.memory_space<vmem>>[vector<16xi32>, vector<16xi32>, vector<16xi32>, vector<16xi32>], vector<16xf32>,
    %swap3A_768 = arith.constant 3 : i32
    %swap3A_769 = arith.index_cast %swap3A_768 : i32 to index
    %swap3A_770 = arith.constant 80 : index
    %swap3A_771 = tpu.vector_load %arg5[%swap3A_769, %swap3A_770] {strides = array<i32>} : memref<4x512xf32, #tpu.memory_space<vmem>>, vector<16xf32>,
    tpu.vector_store %arg5[%swap3A_769, %swap3A_770], %gather3A_767 {strides = array<i32>} : memref<4x512xf32, #tpu.memory_space<vmem>>, vector<16xf32>,
    %add3A_772 = arith.constant 32 : i32
    %add3A_773 = vector.broadcast %add3A_772 : i32 to vector<16xi32>
    %add3A_774 = arith.addi %add3A_773, %iota3A : vector<16xi32>
    %add3A_775 = arith.constant 1 : i32
    %add3A_776 = vector.broadcast %add3A_775 : i32 to vector<16xi32>
    %add3A_777 = arith.addi %mul3A_5, %add3A_776 : vector<16xi32>
    %add3A_778 = arith.constant 0 : i32
    %add3A_779 = vector.broadcast %add3A_778 : i32 to vector<16xi32>
    %add3A_780 = arith.addi %mul3A_5, %add3A_779 : vector<16xi32>
    %add3A_781 = arith.constant 2 : i32
    %add3A_782 = vector.broadcast %add3A_781 : i32 to vector<16xi32>
    %add3A_783 = arith.addi %mul3A_5, %add3A_782 : vector<16xi32>
    %gather3A_784 = tpu.vector_load_idx %arg4[%add3A_777, %add3A_780, %add3A_774, %add3A_783] : memref<3x4x64x128xf32, #tpu.memory_space<vmem>>[vector<16xi32>, vector<16xi32>, vector<16xi32>, vector<16xi32>], vector<16xf32>,
    %swap3A_785 = arith.constant 0 : i32
    %swap3A_786 = arith.index_cast %swap3A_785 : i32 to index
    %swap3A_787 = arith.constant 96 : index
    %swap3A_788 = tpu.vector_load %arg5[%swap3A_786, %swap3A_787] {strides = array<i32>} : memref<4x512xf32, #tpu.memory_space<vmem>>, vector<16xf32>,
    tpu.vector_store %arg5[%swap3A_786, %swap3A_787], %gather3A_784 {strides = array<i32>} : memref<4x512xf32, #tpu.memory_space<vmem>>, vector<16xf32>,
    %add3A_789 = arith.constant 1 : i32
    %add3A_790 = vector.broadcast %add3A_789 : i32 to vector<16xi32>
    %add3A_791 = arith.addi %mul3A_5, %add3A_790 : vector<16xi32>
    %add3A_792 = arith.constant 1 : i32
    %add3A_793 = vector.broadcast %add3A_792 : i32 to vector<16xi32>
    %add3A_794 = arith.addi %mul3A_5, %add3A_793 : vector<16xi32>
    %add3A_795 = arith.constant 3 : i32
    %add3A_796 = vector.broadcast %add3A_795 : i32 to vector<16xi32>
    %add3A_797 = arith.addi %mul3A_5, %add3A_796 : vector<16xi32>
    %gather3A_798 = tpu.vector_load_idx %arg4[%add3A_791, %add3A_794, %add3A_774, %add3A_797] : memref<3x4x64x128xf32, #tpu.memory_space<vmem>>[vector<16xi32>, vector<16xi32>, vector<16xi32>, vector<16xi32>], vector<16xf32>,
    %swap3A_799 = arith.constant 1 : i32
    %swap3A_800 = arith.index_cast %swap3A_799 : i32 to index
    %swap3A_801 = arith.constant 96 : index
    %swap3A_802 = tpu.vector_load %arg5[%swap3A_800, %swap3A_801] {strides = array<i32>} : memref<4x512xf32, #tpu.memory_space<vmem>>, vector<16xf32>,
    tpu.vector_store %arg5[%swap3A_800, %swap3A_801], %gather3A_798 {strides = array<i32>} : memref<4x512xf32, #tpu.memory_space<vmem>>, vector<16xf32>,
    %add3A_803 = arith.constant 1 : i32
    %add3A_804 = vector.broadcast %add3A_803 : i32 to vector<16xi32>
    %add3A_805 = arith.addi %mul3A_5, %add3A_804 : vector<16xi32>
    %add3A_806 = arith.constant 2 : i32
    %add3A_807 = vector.broadcast %add3A_806 : i32 to vector<16xi32>
    %add3A_808 = arith.addi %mul3A_5, %add3A_807 : vector<16xi32>
    %add3A_809 = arith.constant 1 : i32
    %add3A_810 = vector.broadcast %add3A_809 : i32 to vector<16xi32>
    %add3A_811 = arith.addi %mul3A_5, %add3A_810 : vector<16xi32>
    %gather3A_812 = tpu.vector_load_idx %arg4[%add3A_805, %add3A_808, %add3A_774, %add3A_811] : memref<3x4x64x128xf32, #tpu.memory_space<vmem>>[vector<16xi32>, vector<16xi32>, vector<16xi32>, vector<16xi32>], vector<16xf32>,
    %swap3A_813 = arith.constant 2 : i32
    %swap3A_814 = arith.index_cast %swap3A_813 : i32 to index
    %swap3A_815 = arith.constant 96 : index
    %swap3A_816 = tpu.vector_load %arg5[%swap3A_814, %swap3A_815] {strides = array<i32>} : memref<4x512xf32, #tpu.memory_space<vmem>>, vector<16xf32>,
    tpu.vector_store %arg5[%swap3A_814, %swap3A_815], %gather3A_812 {strides = array<i32>} : memref<4x512xf32, #tpu.memory_space<vmem>>, vector<16xf32>,
    %add3A_817 = arith.constant 1 : i32
    %add3A_818 = vector.broadcast %add3A_817 : i32 to vector<16xi32>
    %add3A_819 = arith.addi %mul3A_5, %add3A_818 : vector<16xi32>
    %add3A_820 = arith.constant 3 : i32
    %add3A_821 = vector.broadcast %add3A_820 : i32 to vector<16xi32>
    %add3A_822 = arith.addi %mul3A_5, %add3A_821 : vector<16xi32>
    %add3A_823 = arith.constant 1 : i32
    %add3A_824 = vector.broadcast %add3A_823 : i32 to vector<16xi32>
    %add3A_825 = arith.addi %mul3A_5, %add3A_824 : vector<16xi32>
    %gather3A_826 = tpu.vector_load_idx %arg4[%add3A_819, %add3A_822, %add3A_774, %add3A_825] : memref<3x4x64x128xf32, #tpu.memory_space<vmem>>[vector<16xi32>, vector<16xi32>, vector<16xi32>, vector<16xi32>], vector<16xf32>,
    %swap3A_827 = arith.constant 3 : i32
    %swap3A_828 = arith.index_cast %swap3A_827 : i32 to index
    %swap3A_829 = arith.constant 96 : index
    %swap3A_830 = tpu.vector_load %arg5[%swap3A_828, %swap3A_829] {strides = array<i32>} : memref<4x512xf32, #tpu.memory_space<vmem>>, vector<16xf32>,
    tpu.vector_store %arg5[%swap3A_828, %swap3A_829], %gather3A_826 {strides = array<i32>} : memref<4x512xf32, #tpu.memory_space<vmem>>, vector<16xf32>,
    %add3A_831 = arith.constant 48 : i32
    %add3A_832 = vector.broadcast %add3A_831 : i32 to vector<16xi32>
    %add3A_833 = arith.addi %add3A_832, %iota3A : vector<16xi32>
    %add3A_834 = arith.constant 1 : i32
    %add3A_835 = vector.broadcast %add3A_834 : i32 to vector<16xi32>
    %add3A_836 = arith.addi %mul3A_5, %add3A_835 : vector<16xi32>
    %add3A_837 = arith.constant 0 : i32
    %add3A_838 = vector.broadcast %add3A_837 : i32 to vector<16xi32>
    %add3A_839 = arith.addi %mul3A_5, %add3A_838 : vector<16xi32>
    %add3A_840 = arith.constant 2 : i32
    %add3A_841 = vector.broadcast %add3A_840 : i32 to vector<16xi32>
    %add3A_842 = arith.addi %mul3A_5, %add3A_841 : vector<16xi32>
    %gather3A_843 = tpu.vector_load_idx %arg4[%add3A_836, %add3A_839, %add3A_833, %add3A_842] : memref<3x4x64x128xf32, #tpu.memory_space<vmem>>[vector<16xi32>, vector<16xi32>, vector<16xi32>, vector<16xi32>], vector<16xf32>,
    %swap3A_844 = arith.constant 0 : i32
    %swap3A_845 = arith.index_cast %swap3A_844 : i32 to index
    %swap3A_846 = arith.constant 112 : index
    %swap3A_847 = tpu.vector_load %arg5[%swap3A_845, %swap3A_846] {strides = array<i32>} : memref<4x512xf32, #tpu.memory_space<vmem>>, vector<16xf32>,
    tpu.vector_store %arg5[%swap3A_845, %swap3A_846], %gather3A_843 {strides = array<i32>} : memref<4x512xf32, #tpu.memory_space<vmem>>, vector<16xf32>,
    %add3A_848 = arith.constant 1 : i32
    %add3A_849 = vector.broadcast %add3A_848 : i32 to vector<16xi32>
    %add3A_850 = arith.addi %mul3A_5, %add3A_849 : vector<16xi32>
    %add3A_851 = arith.constant 1 : i32
    %add3A_852 = vector.broadcast %add3A_851 : i32 to vector<16xi32>
    %add3A_853 = arith.addi %mul3A_5, %add3A_852 : vector<16xi32>
    %add3A_854 = arith.constant 3 : i32
    %add3A_855 = vector.broadcast %add3A_854 : i32 to vector<16xi32>
    %add3A_856 = arith.addi %mul3A_5, %add3A_855 : vector<16xi32>
    %gather3A_857 = tpu.vector_load_idx %arg4[%add3A_850, %add3A_853, %add3A_833, %add3A_856] : memref<3x4x64x128xf32, #tpu.memory_space<vmem>>[vector<16xi32>, vector<16xi32>, vector<16xi32>, vector<16xi32>], vector<16xf32>,
    %swap3A_858 = arith.constant 1 : i32
    %swap3A_859 = arith.index_cast %swap3A_858 : i32 to index
    %swap3A_860 = arith.constant 112 : index
    %swap3A_861 = tpu.vector_load %arg5[%swap3A_859, %swap3A_860] {strides = array<i32>} : memref<4x512xf32, #tpu.memory_space<vmem>>, vector<16xf32>,
    tpu.vector_store %arg5[%swap3A_859, %swap3A_860], %gather3A_857 {strides = array<i32>} : memref<4x512xf32, #tpu.memory_space<vmem>>, vector<16xf32>,
    %add3A_862 = arith.constant 1 : i32
    %add3A_863 = vector.broadcast %add3A_862 : i32 to vector<16xi32>
    %add3A_864 = arith.addi %mul3A_5, %add3A_863 : vector<16xi32>
    %add3A_865 = arith.constant 2 : i32
    %add3A_866 = vector.broadcast %add3A_865 : i32 to vector<16xi32>
    %add3A_867 = arith.addi %mul3A_5, %add3A_866 : vector<16xi32>
    %add3A_868 = arith.constant 1 : i32
    %add3A_869 = vector.broadcast %add3A_868 : i32 to vector<16xi32>
    %add3A_870 = arith.addi %mul3A_5, %add3A_869 : vector<16xi32>
    %gather3A_871 = tpu.vector_load_idx %arg4[%add3A_864, %add3A_867, %add3A_833, %add3A_870] : memref<3x4x64x128xf32, #tpu.memory_space<vmem>>[vector<16xi32>, vector<16xi32>, vector<16xi32>, vector<16xi32>], vector<16xf32>,
    %swap3A_872 = arith.constant 2 : i32
    %swap3A_873 = arith.index_cast %swap3A_872 : i32 to index
    %swap3A_874 = arith.constant 112 : index
    %swap3A_875 = tpu.vector_load %arg5[%swap3A_873, %swap3A_874] {strides = array<i32>} : memref<4x512xf32, #tpu.memory_space<vmem>>, vector<16xf32>,
    tpu.vector_store %arg5[%swap3A_873, %swap3A_874], %gather3A_871 {strides = array<i32>} : memref<4x512xf32, #tpu.memory_space<vmem>>, vector<16xf32>,
    %add3A_876 = arith.constant 1 : i32
    %add3A_877 = vector.broadcast %add3A_876 : i32 to vector<16xi32>
    %add3A_878 = arith.addi %mul3A_5, %add3A_877 : vector<16xi32>
    %add3A_879 = arith.constant 3 : i32
    %add3A_880 = vector.broadcast %add3A_879 : i32 to vector<16xi32>
    %add3A_881 = arith.addi %mul3A_5, %add3A_880 : vector<16xi32>
    %add3A_882 = arith.constant 1 : i32
    %add3A_883 = vector.broadcast %add3A_882 : i32 to vector<16xi32>
    %add3A_884 = arith.addi %mul3A_5, %add3A_883 : vector<16xi32>
    %gather3A_885 = tpu.vector_load_idx %arg4[%add3A_878, %add3A_881, %add3A_833, %add3A_884] : memref<3x4x64x128xf32, #tpu.memory_space<vmem>>[vector<16xi32>, vector<16xi32>, vector<16xi32>, vector<16xi32>], vector<16xf32>,
    %swap3A_886 = arith.constant 3 : i32
    %swap3A_887 = arith.index_cast %swap3A_886 : i32 to index
    %swap3A_888 = arith.constant 112 : index
    %swap3A_889 = tpu.vector_load %arg5[%swap3A_887, %swap3A_888] {strides = array<i32>} : memref<4x512xf32, #tpu.memory_space<vmem>>, vector<16xf32>,
    tpu.vector_store %arg5[%swap3A_887, %swap3A_888], %gather3A_885 {strides = array<i32>} : memref<4x512xf32, #tpu.memory_space<vmem>>, vector<16xf32>,
    %add3A_890 = arith.constant 256 : i32
    %add3A_891 = arith.addi %mul3A_2, %add3A_890 : i32
    %dma_start3A_892 = arith.constant 1 : i32
    %dma_start3A_893 = arith.constant 1 : i32
    %dma_start3A_894 = arith.constant 0 : i32
    %dma_start3A_895 = arith.constant 0 : i32
    %dma_start3A_896 = arith.constant 0 : i32
    %dma_start3A_897 = tpu.memref_slice %arg4[%dma_start3A_893, %dma_start3A_894, %dma_start3A_895, %dma_start3A_896] : memref<3x4x64x128xf32, #tpu.memory_space<vmem>> -> memref<1x1x64x128xf32, #tpu.memory_space<vmem>>
    %dma_start3A_898 = tpu.memref_squeeze %dma_start3A_897 : memref<1x1x64x128xf32, #tpu.memory_space<vmem>> -> memref<64x128xf32, #tpu.memory_space<vmem>>
    %dma_start3A_899 = arith.constant 0 : i32
    %dma_start3A_900 = tpu.memref_slice %arg2[%dma_start3A_892, %add3A_891, %dma_start3A_899] : memref<50x16384x128xf32, #tpu.memory_space<hbm>> -> memref<1x64x128xf32, #tpu.memory_space<hbm>>
    %dma_start3A_901 = tpu.memref_squeeze %dma_start3A_900 : memref<1x64x128xf32, #tpu.memory_space<hbm>> -> memref<64x128xf32, #tpu.memory_space<hbm>>
    %dma_start3A_902 = arith.constant 0 : i32
    %dma_start3A_903 = arith.constant 0 : i32
    %dma_start3A_904 = tpu.memref_slice %arg4[%dma_start3A_893, %dma_start3A_894, %dma_start3A_902, %dma_start3A_903] : memref<3x4x64x128xf32, #tpu.memory_space<vmem>> -> memref<1x1x64x128xf32, #tpu.memory_space<vmem>>
    %dma_start3A_905 = tpu.memref_squeeze %dma_start3A_904 : memref<1x1x64x128xf32, #tpu.memory_space<vmem>> -> memref<64x128xf32, #tpu.memory_space<vmem>>
    %dma_start3A_906 = arith.constant 0 : i32
    %dma_start3A_907 = tpu.memref_slice %arg2[%dma_start3A_892, %add3A_891, %dma_start3A_906] : memref<50x16384x128xf32, #tpu.memory_space<hbm>> -> memref<1x64x128xf32, #tpu.memory_space<hbm>>
    %dma_start3A_908 = tpu.memref_squeeze %dma_start3A_907 : memref<1x64x128xf32, #tpu.memory_space<hbm>> -> memref<64x128xf32, #tpu.memory_space<hbm>>
    tpu.enqueue_dma source(%dma_start3A_908 : memref<64x128xf32, #tpu.memory_space<hbm>>) target(%dma_start3A_905 : memref<64x128xf32, #tpu.memory_space<vmem>>) target_semaphore(%arg6 : memref<!tpu.dma_semaphore, #tpu.memory_space<semaphore_mem>>)
    %dma_start3A_909 = arith.constant 5 : i32
    %dma_start3A_910 = arith.constant 1 : i32
    %dma_start3A_911 = arith.constant 1 : i32
    %dma_start3A_912 = arith.constant 0 : i32
    %dma_start3A_913 = arith.constant 0 : i32
    %dma_start3A_914 = tpu.memref_slice %arg4[%dma_start3A_910, %dma_start3A_911, %dma_start3A_912, %dma_start3A_913] : memref<3x4x64x128xf32, #tpu.memory_space<vmem>> -> memref<1x1x64x128xf32, #tpu.memory_space<vmem>>
    %dma_start3A_915 = tpu.memref_squeeze %dma_start3A_914 : memref<1x1x64x128xf32, #tpu.memory_space<vmem>> -> memref<64x128xf32, #tpu.memory_space<vmem>>
    %dma_start3A_916 = arith.constant 0 : i32
    %dma_start3A_917 = tpu.memref_slice %arg2[%dma_start3A_909, %add3A_891, %dma_start3A_916] : memref<50x16384x128xf32, #tpu.memory_space<hbm>> -> memref<1x64x128xf32, #tpu.memory_space<hbm>>
    %dma_start3A_918 = tpu.memref_squeeze %dma_start3A_917 : memref<1x64x128xf32, #tpu.memory_space<hbm>> -> memref<64x128xf32, #tpu.memory_space<hbm>>
    %dma_start3A_919 = arith.constant 0 : i32
    %dma_start3A_920 = arith.constant 0 : i32
    %dma_start3A_921 = tpu.memref_slice %arg4[%dma_start3A_910, %dma_start3A_911, %dma_start3A_919, %dma_start3A_920] : memref<3x4x64x128xf32, #tpu.memory_space<vmem>> -> memref<1x1x64x128xf32, #tpu.memory_space<vmem>>
    %dma_start3A_922 = tpu.memref_squeeze %dma_start3A_921 : memref<1x1x64x128xf32, #tpu.memory_space<vmem>> -> memref<64x128xf32, #tpu.memory_space<vmem>>
    %dma_start3A_923 = arith.constant 0 : i32
    %dma_start3A_924 = tpu.memref_slice %arg2[%dma_start3A_909, %add3A_891, %dma_start3A_923] : memref<50x16384x128xf32, #tpu.memory_space<hbm>> -> memref<1x64x128xf32, #tpu.memory_space<hbm>>
    %dma_start3A_925 = tpu.memref_squeeze %dma_start3A_924 : memref<1x64x128xf32, #tpu.memory_space<hbm>> -> memref<64x128xf32, #tpu.memory_space<hbm>>
    tpu.enqueue_dma source(%dma_start3A_925 : memref<64x128xf32, #tpu.memory_space<hbm>>) target(%dma_start3A_922 : memref<64x128xf32, #tpu.memory_space<vmem>>) target_semaphore(%arg6 : memref<!tpu.dma_semaphore, #tpu.memory_space<semaphore_mem>>)
    %dma_start3A_926 = arith.constant 3 : i32
    %dma_start3A_927 = arith.constant 1 : i32
    %dma_start3A_928 = arith.constant 2 : i32
    %dma_start3A_929 = arith.constant 0 : i32
    %dma_start3A_930 = arith.constant 0 : i32
    %dma_start3A_931 = tpu.memref_slice %arg4[%dma_start3A_927, %dma_start3A_928, %dma_start3A_929, %dma_start3A_930] : memref<3x4x64x128xf32, #tpu.memory_space<vmem>> -> memref<1x1x64x128xf32, #tpu.memory_space<vmem>>
    %dma_start3A_932 = tpu.memref_squeeze %dma_start3A_931 : memref<1x1x64x128xf32, #tpu.memory_space<vmem>> -> memref<64x128xf32, #tpu.memory_space<vmem>>
    %dma_start3A_933 = arith.constant 0 : i32
    %dma_start3A_934 = tpu.memref_slice %arg2[%dma_start3A_926, %add3A_891, %dma_start3A_933] : memref<50x16384x128xf32, #tpu.memory_space<hbm>> -> memref<1x64x128xf32, #tpu.memory_space<hbm>>
    %dma_start3A_935 = tpu.memref_squeeze %dma_start3A_934 : memref<1x64x128xf32, #tpu.memory_space<hbm>> -> memref<64x128xf32, #tpu.memory_space<hbm>>
    %dma_start3A_936 = arith.constant 0 : i32
    %dma_start3A_937 = arith.constant 0 : i32
    %dma_start3A_938 = tpu.memref_slice %arg4[%dma_start3A_927, %dma_start3A_928, %dma_start3A_936, %dma_start3A_937] : memref<3x4x64x128xf32, #tpu.memory_space<vmem>> -> memref<1x1x64x128xf32, #tpu.memory_space<vmem>>
    %dma_start3A_939 = tpu.memref_squeeze %dma_start3A_938 : memref<1x1x64x128xf32, #tpu.memory_space<vmem>> -> memref<64x128xf32, #tpu.memory_space<vmem>>
    %dma_start3A_940 = arith.constant 0 : i32
    %dma_start3A_941 = tpu.memref_slice %arg2[%dma_start3A_926, %add3A_891, %dma_start3A_940] : memref<50x16384x128xf32, #tpu.memory_space<hbm>> -> memref<1x64x128xf32, #tpu.memory_space<hbm>>
    %dma_start3A_942 = tpu.memref_squeeze %dma_start3A_941 : memref<1x64x128xf32, #tpu.memory_space<hbm>> -> memref<64x128xf32, #tpu.memory_space<hbm>>
    tpu.enqueue_dma source(%dma_start3A_942 : memref<64x128xf32, #tpu.memory_space<hbm>>) target(%dma_start3A_939 : memref<64x128xf32, #tpu.memory_space<vmem>>) target_semaphore(%arg6 : memref<!tpu.dma_semaphore, #tpu.memory_space<semaphore_mem>>)
    %dma_start3A_943 = arith.constant 2 : i32
    %dma_start3A_944 = arith.constant 1 : i32
    %dma_start3A_945 = arith.constant 3 : i32
    %dma_start3A_946 = arith.constant 0 : i32
    %dma_start3A_947 = arith.constant 0 : i32
    %dma_start3A_948 = tpu.memref_slice %arg4[%dma_start3A_944, %dma_start3A_945, %dma_start3A_946, %dma_start3A_947] : memref<3x4x64x128xf32, #tpu.memory_space<vmem>> -> memref<1x1x64x128xf32, #tpu.memory_space<vmem>>
    %dma_start3A_949 = tpu.memref_squeeze %dma_start3A_948 : memref<1x1x64x128xf32, #tpu.memory_space<vmem>> -> memref<64x128xf32, #tpu.memory_space<vmem>>
    %dma_start3A_950 = arith.constant 0 : i32
    %dma_start3A_951 = tpu.memref_slice %arg2[%dma_start3A_943, %add3A_891, %dma_start3A_950] : memref<50x16384x128xf32, #tpu.memory_space<hbm>> -> memref<1x64x128xf32, #tpu.memory_space<hbm>>
    %dma_start3A_952 = tpu.memref_squeeze %dma_start3A_951 : memref<1x64x128xf32, #tpu.memory_space<hbm>> -> memref<64x128xf32, #tpu.memory_space<hbm>>
    %dma_start3A_953 = arith.constant 0 : i32
    %dma_start3A_954 = arith.constant 0 : i32
    %dma_start3A_955 = tpu.memref_slice %arg4[%dma_start3A_944, %dma_start3A_945, %dma_start3A_953, %dma_start3A_954] : memref<3x4x64x128xf32, #tpu.memory_space<vmem>> -> memref<1x1x64x128xf32, #tpu.memory_space<vmem>>
    %dma_start3A_956 = tpu.memref_squeeze %dma_start3A_955 : memref<1x1x64x128xf32, #tpu.memory_space<vmem>> -> memref<64x128xf32, #tpu.memory_space<vmem>>
    %dma_start3A_957 = arith.constant 0 : i32
    %dma_start3A_958 = tpu.memref_slice %arg2[%dma_start3A_943, %add3A_891, %dma_start3A_957] : memref<50x16384x128xf32, #tpu.memory_space<hbm>> -> memref<1x64x128xf32, #tpu.memory_space<hbm>>
    %dma_start3A_959 = tpu.memref_squeeze %dma_start3A_958 : memref<1x64x128xf32, #tpu.memory_space<hbm>> -> memref<64x128xf32, #tpu.memory_space<hbm>>
    tpu.enqueue_dma source(%dma_start3A_959 : memref<64x128xf32, #tpu.memory_space<hbm>>) target(%dma_start3A_956 : memref<64x128xf32, #tpu.memory_space<vmem>>) target_semaphore(%arg6 : memref<!tpu.dma_semaphore, #tpu.memory_space<semaphore_mem>>)
    %dma_wait3A_960 = arith.constant 1 : i32
    %dma_wait3A_961 = arith.constant 2 : i32
    %dma_wait3A_962 = arith.constant 0 : i32
    %dma_wait3A_963 = arith.constant 0 : i32
    %dma_wait3A_964 = arith.constant 0 : i32
    %dma_wait3A_965 = tpu.memref_slice %arg4[%dma_wait3A_961, %dma_wait3A_962, %dma_wait3A_963, %dma_wait3A_964] : memref<3x4x64x128xf32, #tpu.memory_space<vmem>> -> memref<1x1x64x128xf32, #tpu.memory_space<vmem>>
    %dma_wait3A_966 = tpu.memref_squeeze %dma_wait3A_965 : memref<1x1x64x128xf32, #tpu.memory_space<vmem>> -> memref<64x128xf32, #tpu.memory_space<vmem>>
    %dma_wait3A_967 = arith.constant 0 : i32
    %dma_wait3A_968 = tpu.memref_slice %arg2[%dma_wait3A_960, %add3A_146, %dma_wait3A_967] : memref<50x16384x128xf32, #tpu.memory_space<hbm>> -> memref<1x64x128xf32, #tpu.memory_space<hbm>>
    %dma_wait3A_969 = tpu.memref_squeeze %dma_wait3A_968 : memref<1x64x128xf32, #tpu.memory_space<hbm>> -> memref<64x128xf32, #tpu.memory_space<hbm>>
    %dma_wait3A_970 = arith.constant 0 : i32
    %dma_wait3A_971 = arith.constant 0 : i32
    %dma_wait3A_972 = tpu.memref_slice %arg4[%dma_wait3A_961, %dma_wait3A_962, %dma_wait3A_970, %dma_wait3A_971] : memref<3x4x64x128xf32, #tpu.memory_space<vmem>> -> memref<1x1x64x128xf32, #tpu.memory_space<vmem>>
    %dma_wait3A_973 = tpu.memref_squeeze %dma_wait3A_972 : memref<1x1x64x128xf32, #tpu.memory_space<vmem>> -> memref<64x128xf32, #tpu.memory_space<vmem>>
    %dma_wait3A_974 = arith.constant 0 : i32
    %dma_wait3A_975 = tpu.memref_slice %arg2[%dma_wait3A_960, %add3A_146, %dma_wait3A_974] : memref<50x16384x128xf32, #tpu.memory_space<hbm>> -> memref<1x64x128xf32, #tpu.memory_space<hbm>>
    %dma_wait3A_976 = tpu.memref_squeeze %dma_wait3A_975 : memref<1x64x128xf32, #tpu.memory_space<hbm>> -> memref<64x128xf32, #tpu.memory_space<hbm>>
    tpu.wait_dma2 semaphore(%arg6 : memref<!tpu.dma_semaphore, #tpu.memory_space<semaphore_mem>>) src(%dma_wait3A_976 : memref<64x128xf32, #tpu.memory_space<hbm>>) dst(%dma_wait3A_973 : memref<64x128xf32, #tpu.memory_space<vmem>>)
    %dma_wait3A_977 = arith.constant 5 : i32
    %dma_wait3A_978 = arith.constant 2 : i32
    %dma_wait3A_979 = arith.constant 1 : i32
    %dma_wait3A_980 = arith.constant 0 : i32
    %dma_wait3A_981 = arith.constant 0 : i32
    %dma_wait3A_982 = tpu.memref_slice %arg4[%dma_wait3A_978, %dma_wait3A_979, %dma_wait3A_980, %dma_wait3A_981] : memref<3x4x64x128xf32, #tpu.memory_space<vmem>> -> memref<1x1x64x128xf32, #tpu.memory_space<vmem>>
    %dma_wait3A_983 = tpu.memref_squeeze %dma_wait3A_982 : memref<1x1x64x128xf32, #tpu.memory_space<vmem>> -> memref<64x128xf32, #tpu.memory_space<vmem>>
    %dma_wait3A_984 = arith.constant 0 : i32
    %dma_wait3A_985 = tpu.memref_slice %arg2[%dma_wait3A_977, %add3A_146, %dma_wait3A_984] : memref<50x16384x128xf32, #tpu.memory_space<hbm>> -> memref<1x64x128xf32, #tpu.memory_space<hbm>>
    %dma_wait3A_986 = tpu.memref_squeeze %dma_wait3A_985 : memref<1x64x128xf32, #tpu.memory_space<hbm>> -> memref<64x128xf32, #tpu.memory_space<hbm>>
    %dma_wait3A_987 = arith.constant 0 : i32
    %dma_wait3A_988 = arith.constant 0 : i32
    %dma_wait3A_989 = tpu.memref_slice %arg4[%dma_wait3A_978, %dma_wait3A_979, %dma_wait3A_987, %dma_wait3A_988] : memref<3x4x64x128xf32, #tpu.memory_space<vmem>> -> memref<1x1x64x128xf32, #tpu.memory_space<vmem>>
    %dma_wait3A_990 = tpu.memref_squeeze %dma_wait3A_989 : memref<1x1x64x128xf32, #tpu.memory_space<vmem>> -> memref<64x128xf32, #tpu.memory_space<vmem>>
    %dma_wait3A_991 = arith.constant 0 : i32
    %dma_wait3A_992 = tpu.memref_slice %arg2[%dma_wait3A_977, %add3A_146, %dma_wait3A_991] : memref<50x16384x128xf32, #tpu.memory_space<hbm>> -> memref<1x64x128xf32, #tpu.memory_space<hbm>>
    %dma_wait3A_993 = tpu.memref_squeeze %dma_wait3A_992 : memref<1x64x128xf32, #tpu.memory_space<hbm>> -> memref<64x128xf32, #tpu.memory_space<hbm>>
    tpu.wait_dma2 semaphore(%arg6 : memref<!tpu.dma_semaphore, #tpu.memory_space<semaphore_mem>>) src(%dma_wait3A_993 : memref<64x128xf32, #tpu.memory_space<hbm>>) dst(%dma_wait3A_990 : memref<64x128xf32, #tpu.memory_space<vmem>>)
    %dma_wait3A_994 = arith.constant 3 : i32
    %dma_wait3A_995 = arith.constant 2 : i32
    %dma_wait3A_996 = arith.constant 2 : i32
    %dma_wait3A_997 = arith.constant 0 : i32
    %dma_wait3A_998 = arith.constant 0 : i32
    %dma_wait3A_999 = tpu.memref_slice %arg4[%dma_wait3A_995, %dma_wait3A_996, %dma_wait3A_997, %dma_wait3A_998] : memref<3x4x64x128xf32, #tpu.memory_space<vmem>> -> memref<1x1x64x128xf32, #tpu.memory_space<vmem>>
    %dma_wait3A_1000 = tpu.memref_squeeze %dma_wait3A_999 : memref<1x1x64x128xf32, #tpu.memory_space<vmem>> -> memref<64x128xf32, #tpu.memory_space<vmem>>
    %dma_wait3A_1001 = arith.constant 0 : i32
    %dma_wait3A_1002 = tpu.memref_slice %arg2[%dma_wait3A_994, %add3A_146, %dma_wait3A_1001] : memref<50x16384x128xf32, #tpu.memory_space<hbm>> -> memref<1x64x128xf32, #tpu.memory_space<hbm>>
    %dma_wait3A_1003 = tpu.memref_squeeze %dma_wait3A_1002 : memref<1x64x128xf32, #tpu.memory_space<hbm>> -> memref<64x128xf32, #tpu.memory_space<hbm>>
    %dma_wait3A_1004 = arith.constant 0 : i32
    %dma_wait3A_1005 = arith.constant 0 : i32
    %dma_wait3A_1006 = tpu.memref_slice %arg4[%dma_wait3A_995, %dma_wait3A_996, %dma_wait3A_1004, %dma_wait3A_1005] : memref<3x4x64x128xf32, #tpu.memory_space<vmem>> -> memref<1x1x64x128xf32, #tpu.memory_space<vmem>>
    %dma_wait3A_1007 = tpu.memref_squeeze %dma_wait3A_1006 : memref<1x1x64x128xf32, #tpu.memory_space<vmem>> -> memref<64x128xf32, #tpu.memory_space<vmem>>
    %dma_wait3A_1008 = arith.constant 0 : i32
    %dma_wait3A_1009 = tpu.memref_slice %arg2[%dma_wait3A_994, %add3A_146, %dma_wait3A_1008] : memref<50x16384x128xf32, #tpu.memory_space<hbm>> -> memref<1x64x128xf32, #tpu.memory_space<hbm>>
    %dma_wait3A_1010 = tpu.memref_squeeze %dma_wait3A_1009 : memref<1x64x128xf32, #tpu.memory_space<hbm>> -> memref<64x128xf32, #tpu.memory_space<hbm>>
    tpu.wait_dma2 semaphore(%arg6 : memref<!tpu.dma_semaphore, #tpu.memory_space<semaphore_mem>>) src(%dma_wait3A_1010 : memref<64x128xf32, #tpu.memory_space<hbm>>) dst(%dma_wait3A_1007 : memref<64x128xf32, #tpu.memory_space<vmem>>)
    %dma_wait3A_1011 = arith.constant 2 : i32
    %dma_wait3A_1012 = arith.constant 2 : i32
    %dma_wait3A_1013 = arith.constant 3 : i32
    %dma_wait3A_1014 = arith.constant 0 : i32
    %dma_wait3A_1015 = arith.constant 0 : i32
    %dma_wait3A_1016 = tpu.memref_slice %arg4[%dma_wait3A_1012, %dma_wait3A_1013, %dma_wait3A_1014, %dma_wait3A_1015] : memref<3x4x64x128xf32, #tpu.memory_space<vmem>> -> memref<1x1x64x128xf32, #tpu.memory_space<vmem>>
    %dma_wait3A_1017 = tpu.memref_squeeze %dma_wait3A_1016 : memref<1x1x64x128xf32, #tpu.memory_space<vmem>> -> memref<64x128xf32, #tpu.memory_space<vmem>>
    %dma_wait3A_1018 = arith.constant 0 : i32
    %dma_wait3A_1019 = tpu.memref_slice %arg2[%dma_wait3A_1011, %add3A_146, %dma_wait3A_1018] : memref<50x16384x128xf32, #tpu.memory_space<hbm>> -> memref<1x64x128xf32, #tpu.memory_space<hbm>>
    %dma_wait3A_1020 = tpu.memref_squeeze %dma_wait3A_1019 : memref<1x64x128xf32, #tpu.memory_space<hbm>> -> memref<64x128xf32, #tpu.memory_space<hbm>>
    %dma_wait3A_1021 = arith.constant 0 : i32
    %dma_wait3A_1022 = arith.constant 0 : i32
    %dma_wait3A_1023 = tpu.memref_slice %arg4[%dma_wait3A_1012, %dma_wait3A_1013, %dma_wait3A_1021, %dma_wait3A_1022] : memref<3x4x64x128xf32, #tpu.memory_space<vmem>> -> memref<1x1x64x128xf32, #tpu.memory_space<vmem>>
    %dma_wait3A_1024 = tpu.memref_squeeze %dma_wait3A_1023 : memref<1x1x64x128xf32, #tpu.memory_space<vmem>> -> memref<64x128xf32, #tpu.memory_space<vmem>>
    %dma_wait3A_1025 = arith.constant 0 : i32
    %dma_wait3A_1026 = tpu.memref_slice %arg2[%dma_wait3A_1011, %add3A_146, %dma_wait3A_1025] : memref<50x16384x128xf32, #tpu.memory_space<hbm>> -> memref<1x64x128xf32, #tpu.memory_space<hbm>>
    %dma_wait3A_1027 = tpu.memref_squeeze %dma_wait3A_1026 : memref<1x64x128xf32, #tpu.memory_space<hbm>> -> memref<64x128xf32, #tpu.memory_space<hbm>>
    tpu.wait_dma2 semaphore(%arg6 : memref<!tpu.dma_semaphore, #tpu.memory_space<semaphore_mem>>) src(%dma_wait3A_1027 : memref<64x128xf32, #tpu.memory_space<hbm>>) dst(%dma_wait3A_1024 : memref<64x128xf32, #tpu.memory_space<vmem>>)
    %add3A_1028 = arith.constant 0 : i32
    %add3A_1029 = vector.broadcast %add3A_1028 : i32 to vector<16xi32>
    %add3A_1030 = arith.addi %add3A_1029, %iota3A : vector<16xi32>
    %add3A_1031 = arith.constant 2 : i32
    %add3A_1032 = vector.broadcast %add3A_1031 : i32 to vector<16xi32>
    %add3A_1033 = arith.addi %mul3A_5, %add3A_1032 : vector<16xi32>
    %add3A_1034 = arith.constant 0 : i32
    %add3A_1035 = vector.broadcast %add3A_1034 : i32 to vector<16xi32>
    %add3A_1036 = arith.addi %mul3A_5, %add3A_1035 : vector<16xi32>
    %add3A_1037 = arith.constant 2 : i32
    %add3A_1038 = vector.broadcast %add3A_1037 : i32 to vector<16xi32>
    %add3A_1039 = arith.addi %mul3A_5, %add3A_1038 : vector<16xi32>
    %gather3A_1040 = tpu.vector_load_idx %arg4[%add3A_1033, %add3A_1036, %add3A_1030, %add3A_1039] : memref<3x4x64x128xf32, #tpu.memory_space<vmem>>[vector<16xi32>, vector<16xi32>, vector<16xi32>, vector<16xi32>], vector<16xf32>,
    %swap3A_1041 = arith.constant 0 : i32
    %swap3A_1042 = arith.index_cast %swap3A_1041 : i32 to index
    %swap3A_1043 = arith.constant 128 : index
    %swap3A_1044 = tpu.vector_load %arg5[%swap3A_1042, %swap3A_1043] {strides = array<i32>} : memref<4x512xf32, #tpu.memory_space<vmem>>, vector<16xf32>,
    tpu.vector_store %arg5[%swap3A_1042, %swap3A_1043], %gather3A_1040 {strides = array<i32>} : memref<4x512xf32, #tpu.memory_space<vmem>>, vector<16xf32>,
    %add3A_1045 = arith.constant 2 : i32
    %add3A_1046 = vector.broadcast %add3A_1045 : i32 to vector<16xi32>
    %add3A_1047 = arith.addi %mul3A_5, %add3A_1046 : vector<16xi32>
    %add3A_1048 = arith.constant 1 : i32
    %add3A_1049 = vector.broadcast %add3A_1048 : i32 to vector<16xi32>
    %add3A_1050 = arith.addi %mul3A_5, %add3A_1049 : vector<16xi32>
    %add3A_1051 = arith.constant 3 : i32
    %add3A_1052 = vector.broadcast %add3A_1051 : i32 to vector<16xi32>
    %add3A_1053 = arith.addi %mul3A_5, %add3A_1052 : vector<16xi32>
    %gather3A_1054 = tpu.vector_load_idx %arg4[%add3A_1047, %add3A_1050, %add3A_1030, %add3A_1053] : memref<3x4x64x128xf32, #tpu.memory_space<vmem>>[vector<16xi32>, vector<16xi32>, vector<16xi32>, vector<16xi32>], vector<16xf32>,
    %swap3A_1055 = arith.constant 1 : i32
    %swap3A_1056 = arith.index_cast %swap3A_1055 : i32 to index
    %swap3A_1057 = arith.constant 128 : index
    %swap3A_1058 = tpu.vector_load %arg5[%swap3A_1056, %swap3A_1057] {strides = array<i32>} : memref<4x512xf32, #tpu.memory_space<vmem>>, vector<16xf32>,
    tpu.vector_store %arg5[%swap3A_1056, %swap3A_1057], %gather3A_1054 {strides = array<i32>} : memref<4x512xf32, #tpu.memory_space<vmem>>, vector<16xf32>,
    %add3A_1059 = arith.constant 2 : i32
    %add3A_1060 = vector.broadcast %add3A_1059 : i32 to vector<16xi32>
    %add3A_1061 = arith.addi %mul3A_5, %add3A_1060 : vector<16xi32>
    %add3A_1062 = arith.constant 2 : i32
    %add3A_1063 = vector.broadcast %add3A_1062 : i32 to vector<16xi32>
    %add3A_1064 = arith.addi %mul3A_5, %add3A_1063 : vector<16xi32>
    %add3A_1065 = arith.constant 1 : i32
    %add3A_1066 = vector.broadcast %add3A_1065 : i32 to vector<16xi32>
    %add3A_1067 = arith.addi %mul3A_5, %add3A_1066 : vector<16xi32>
    %gather3A_1068 = tpu.vector_load_idx %arg4[%add3A_1061, %add3A_1064, %add3A_1030, %add3A_1067] : memref<3x4x64x128xf32, #tpu.memory_space<vmem>>[vector<16xi32>, vector<16xi32>, vector<16xi32>, vector<16xi32>], vector<16xf32>,
    %swap3A_1069 = arith.constant 2 : i32
    %swap3A_1070 = arith.index_cast %swap3A_1069 : i32 to index
    %swap3A_1071 = arith.constant 128 : index
    %swap3A_1072 = tpu.vector_load %arg5[%swap3A_1070, %swap3A_1071] {strides = array<i32>} : memref<4x512xf32, #tpu.memory_space<vmem>>, vector<16xf32>,
    tpu.vector_store %arg5[%swap3A_1070, %swap3A_1071], %gather3A_1068 {strides = array<i32>} : memref<4x512xf32, #tpu.memory_space<vmem>>, vector<16xf32>,
    %add3A_1073 = arith.constant 2 : i32
    %add3A_1074 = vector.broadcast %add3A_1073 : i32 to vector<16xi32>
    %add3A_1075 = arith.addi %mul3A_5, %add3A_1074 : vector<16xi32>
    %add3A_1076 = arith.constant 3 : i32
    %add3A_1077 = vector.broadcast %add3A_1076 : i32 to vector<16xi32>
    %add3A_1078 = arith.addi %mul3A_5, %add3A_1077 : vector<16xi32>
    %add3A_1079 = arith.constant 1 : i32
    %add3A_1080 = vector.broadcast %add3A_1079 : i32 to vector<16xi32>
    %add3A_1081 = arith.addi %mul3A_5, %add3A_1080 : vector<16xi32>
    %gather3A_1082 = tpu.vector_load_idx %arg4[%add3A_1075, %add3A_1078, %add3A_1030, %add3A_1081] : memref<3x4x64x128xf32, #tpu.memory_space<vmem>>[vector<16xi32>, vector<16xi32>, vector<16xi32>, vector<16xi32>], vector<16xf32>,
    %swap3A_1083 = arith.constant 3 : i32
    %swap3A_1084 = arith.index_cast %swap3A_1083 : i32 to index
    %swap3A_1085 = arith.constant 128 : index
    %swap3A_1086 = tpu.vector_load %arg5[%swap3A_1084, %swap3A_1085] {strides = array<i32>} : memref<4x512xf32, #tpu.memory_space<vmem>>, vector<16xf32>,
    tpu.vector_store %arg5[%swap3A_1084, %swap3A_1085], %gather3A_1082 {strides = array<i32>} : memref<4x512xf32, #tpu.memory_space<vmem>>, vector<16xf32>,
    %add3A_1087 = arith.constant 16 : i32
    %add3A_1088 = vector.broadcast %add3A_1087 : i32 to vector<16xi32>
    %add3A_1089 = arith.addi %add3A_1088, %iota3A : vector<16xi32>
    %add3A_1090 = arith.constant 2 : i32
    %add3A_1091 = vector.broadcast %add3A_1090 : i32 to vector<16xi32>
    %add3A_1092 = arith.addi %mul3A_5, %add3A_1091 : vector<16xi32>
    %add3A_1093 = arith.constant 0 : i32
    %add3A_1094 = vector.broadcast %add3A_1093 : i32 to vector<16xi32>
    %add3A_1095 = arith.addi %mul3A_5, %add3A_1094 : vector<16xi32>
    %add3A_1096 = arith.constant 2 : i32
    %add3A_1097 = vector.broadcast %add3A_1096 : i32 to vector<16xi32>
    %add3A_1098 = arith.addi %mul3A_5, %add3A_1097 : vector<16xi32>
    %gather3A_1099 = tpu.vector_load_idx %arg4[%add3A_1092, %add3A_1095, %add3A_1089, %add3A_1098] : memref<3x4x64x128xf32, #tpu.memory_space<vmem>>[vector<16xi32>, vector<16xi32>, vector<16xi32>, vector<16xi32>], vector<16xf32>,
    %swap3A_1100 = arith.constant 0 : i32
    %swap3A_1101 = arith.index_cast %swap3A_1100 : i32 to index
    %swap3A_1102 = arith.constant 144 : index
    %swap3A_1103 = tpu.vector_load %arg5[%swap3A_1101, %swap3A_1102] {strides = array<i32>} : memref<4x512xf32, #tpu.memory_space<vmem>>, vector<16xf32>,
    tpu.vector_store %arg5[%swap3A_1101, %swap3A_1102], %gather3A_1099 {strides = array<i32>} : memref<4x512xf32, #tpu.memory_space<vmem>>, vector<16xf32>,
    %add3A_1104 = arith.constant 2 : i32
    %add3A_1105 = vector.broadcast %add3A_1104 : i32 to vector<16xi32>
    %add3A_1106 = arith.addi %mul3A_5, %add3A_1105 : vector<16xi32>
    %add3A_1107 = arith.constant 1 : i32
    %add3A_1108 = vector.broadcast %add3A_1107 : i32 to vector<16xi32>
    %add3A_1109 = arith.addi %mul3A_5, %add3A_1108 : vector<16xi32>
    %add3A_1110 = arith.constant 3 : i32
    %add3A_1111 = vector.broadcast %add3A_1110 : i32 to vector<16xi32>
    %add3A_1112 = arith.addi %mul3A_5, %add3A_1111 : vector<16xi32>
    %gather3A_1113 = tpu.vector_load_idx %arg4[%add3A_1106, %add3A_1109, %add3A_1089, %add3A_1112] : memref<3x4x64x128xf32, #tpu.memory_space<vmem>>[vector<16xi32>, vector<16xi32>, vector<16xi32>, vector<16xi32>], vector<16xf32>,
    %swap3A_1114 = arith.constant 1 : i32
    %swap3A_1115 = arith.index_cast %swap3A_1114 : i32 to index
    %swap3A_1116 = arith.constant 144 : index
    %swap3A_1117 = tpu.vector_load %arg5[%swap3A_1115, %swap3A_1116] {strides = array<i32>} : memref<4x512xf32, #tpu.memory_space<vmem>>, vector<16xf32>,
    tpu.vector_store %arg5[%swap3A_1115, %swap3A_1116], %gather3A_1113 {strides = array<i32>} : memref<4x512xf32, #tpu.memory_space<vmem>>, vector<16xf32>,
    %add3A_1118 = arith.constant 2 : i32
    %add3A_1119 = vector.broadcast %add3A_1118 : i32 to vector<16xi32>
    %add3A_1120 = arith.addi %mul3A_5, %add3A_1119 : vector<16xi32>
    %add3A_1121 = arith.constant 2 : i32
    %add3A_1122 = vector.broadcast %add3A_1121 : i32 to vector<16xi32>
    %add3A_1123 = arith.addi %mul3A_5, %add3A_1122 : vector<16xi32>
    %add3A_1124 = arith.constant 1 : i32
    %add3A_1125 = vector.broadcast %add3A_1124 : i32 to vector<16xi32>
    %add3A_1126 = arith.addi %mul3A_5, %add3A_1125 : vector<16xi32>
    %gather3A_1127 = tpu.vector_load_idx %arg4[%add3A_1120, %add3A_1123, %add3A_1089, %add3A_1126] : memref<3x4x64x128xf32, #tpu.memory_space<vmem>>[vector<16xi32>, vector<16xi32>, vector<16xi32>, vector<16xi32>], vector<16xf32>,
    %swap3A_1128 = arith.constant 2 : i32
    %swap3A_1129 = arith.index_cast %swap3A_1128 : i32 to index
    %swap3A_1130 = arith.constant 144 : index
    %swap3A_1131 = tpu.vector_load %arg5[%swap3A_1129, %swap3A_1130] {strides = array<i32>} : memref<4x512xf32, #tpu.memory_space<vmem>>, vector<16xf32>,
    tpu.vector_store %arg5[%swap3A_1129, %swap3A_1130], %gather3A_1127 {strides = array<i32>} : memref<4x512xf32, #tpu.memory_space<vmem>>, vector<16xf32>,
    %add3A_1132 = arith.constant 2 : i32
    %add3A_1133 = vector.broadcast %add3A_1132 : i32 to vector<16xi32>
    %add3A_1134 = arith.addi %mul3A_5, %add3A_1133 : vector<16xi32>
    %add3A_1135 = arith.constant 3 : i32
    %add3A_1136 = vector.broadcast %add3A_1135 : i32 to vector<16xi32>
    %add3A_1137 = arith.addi %mul3A_5, %add3A_1136 : vector<16xi32>
    %add3A_1138 = arith.constant 1 : i32
    %add3A_1139 = vector.broadcast %add3A_1138 : i32 to vector<16xi32>
    %add3A_1140 = arith.addi %mul3A_5, %add3A_1139 : vector<16xi32>
    %gather3A_1141 = tpu.vector_load_idx %arg4[%add3A_1134, %add3A_1137, %add3A_1089, %add3A_1140] : memref<3x4x64x128xf32, #tpu.memory_space<vmem>>[vector<16xi32>, vector<16xi32>, vector<16xi32>, vector<16xi32>], vector<16xf32>,
    %swap3A_1142 = arith.constant 3 : i32
    %swap3A_1143 = arith.index_cast %swap3A_1142 : i32 to index
    %swap3A_1144 = arith.constant 144 : index
    %swap3A_1145 = tpu.vector_load %arg5[%swap3A_1143, %swap3A_1144] {strides = array<i32>} : memref<4x512xf32, #tpu.memory_space<vmem>>, vector<16xf32>,
    tpu.vector_store %arg5[%swap3A_1143, %swap3A_1144], %gather3A_1141 {strides = array<i32>} : memref<4x512xf32, #tpu.memory_space<vmem>>, vector<16xf32>,
    %add3A_1146 = arith.constant 32 : i32
    %add3A_1147 = vector.broadcast %add3A_1146 : i32 to vector<16xi32>
    %add3A_1148 = arith.addi %add3A_1147, %iota3A : vector<16xi32>
    %add3A_1149 = arith.constant 2 : i32
    %add3A_1150 = vector.broadcast %add3A_1149 : i32 to vector<16xi32>
    %add3A_1151 = arith.addi %mul3A_5, %add3A_1150 : vector<16xi32>
    %add3A_1152 = arith.constant 0 : i32
    %add3A_1153 = vector.broadcast %add3A_1152 : i32 to vector<16xi32>
    %add3A_1154 = arith.addi %mul3A_5, %add3A_1153 : vector<16xi32>
    %add3A_1155 = arith.constant 2 : i32
    %add3A_1156 = vector.broadcast %add3A_1155 : i32 to vector<16xi32>
    %add3A_1157 = arith.addi %mul3A_5, %add3A_1156 : vector<16xi32>
    %gather3A_1158 = tpu.vector_load_idx %arg4[%add3A_1151, %add3A_1154, %add3A_1148, %add3A_1157] : memref<3x4x64x128xf32, #tpu.memory_space<vmem>>[vector<16xi32>, vector<16xi32>, vector<16xi32>, vector<16xi32>], vector<16xf32>,
    %swap3A_1159 = arith.constant 0 : i32
    %swap3A_1160 = arith.index_cast %swap3A_1159 : i32 to index
    %swap3A_1161 = arith.constant 160 : index
    %swap3A_1162 = tpu.vector_load %arg5[%swap3A_1160, %swap3A_1161] {strides = array<i32>} : memref<4x512xf32, #tpu.memory_space<vmem>>, vector<16xf32>,
    tpu.vector_store %arg5[%swap3A_1160, %swap3A_1161], %gather3A_1158 {strides = array<i32>} : memref<4x512xf32, #tpu.memory_space<vmem>>, vector<16xf32>,
    %add3A_1163 = arith.constant 2 : i32
    %add3A_1164 = vector.broadcast %add3A_1163 : i32 to vector<16xi32>
    %add3A_1165 = arith.addi %mul3A_5, %add3A_1164 : vector<16xi32>
    %add3A_1166 = arith.constant 1 : i32
    %add3A_1167 = vector.broadcast %add3A_1166 : i32 to vector<16xi32>
    %add3A_1168 = arith.addi %mul3A_5, %add3A_1167 : vector<16xi32>
    %add3A_1169 = arith.constant 3 : i32
    %add3A_1170 = vector.broadcast %add3A_1169 : i32 to vector<16xi32>
    %add3A_1171 = arith.addi %mul3A_5, %add3A_1170 : vector<16xi32>
    %gather3A_1172 = tpu.vector_load_idx %arg4[%add3A_1165, %add3A_1168, %add3A_1148, %add3A_1171] : memref<3x4x64x128xf32, #tpu.memory_space<vmem>>[vector<16xi32>, vector<16xi32>, vector<16xi32>, vector<16xi32>], vector<16xf32>,
    %swap3A_1173 = arith.constant 1 : i32
    %swap3A_1174 = arith.index_cast %swap3A_1173 : i32 to index
    %swap3A_1175 = arith.constant 160 : index
    %swap3A_1176 = tpu.vector_load %arg5[%swap3A_1174, %swap3A_1175] {strides = array<i32>} : memref<4x512xf32, #tpu.memory_space<vmem>>, vector<16xf32>,
    tpu.vector_store %arg5[%swap3A_1174, %swap3A_1175], %gather3A_1172 {strides = array<i32>} : memref<4x512xf32, #tpu.memory_space<vmem>>, vector<16xf32>,
    %add3A_1177 = arith.constant 2 : i32
    %add3A_1178 = vector.broadcast %add3A_1177 : i32 to vector<16xi32>
    %add3A_1179 = arith.addi %mul3A_5, %add3A_1178 : vector<16xi32>
    %add3A_1180 = arith.constant 2 : i32
    %add3A_1181 = vector.broadcast %add3A_1180 : i32 to vector<16xi32>
    %add3A_1182 = arith.addi %mul3A_5, %add3A_1181 : vector<16xi32>
    %add3A_1183 = arith.constant 1 : i32
    %add3A_1184 = vector.broadcast %add3A_1183 : i32 to vector<16xi32>
    %add3A_1185 = arith.addi %mul3A_5, %add3A_1184 : vector<16xi32>
    %gather3A_1186 = tpu.vector_load_idx %arg4[%add3A_1179, %add3A_1182, %add3A_1148, %add3A_1185] : memref<3x4x64x128xf32, #tpu.memory_space<vmem>>[vector<16xi32>, vector<16xi32>, vector<16xi32>, vector<16xi32>], vector<16xf32>,
    %swap3A_1187 = arith.constant 2 : i32
    %swap3A_1188 = arith.index_cast %swap3A_1187 : i32 to index
    %swap3A_1189 = arith.constant 160 : index
    %swap3A_1190 = tpu.vector_load %arg5[%swap3A_1188, %swap3A_1189] {strides = array<i32>} : memref<4x512xf32, #tpu.memory_space<vmem>>, vector<16xf32>,
    tpu.vector_store %arg5[%swap3A_1188, %swap3A_1189], %gather3A_1186 {strides = array<i32>} : memref<4x512xf32, #tpu.memory_space<vmem>>, vector<16xf32>,
    %add3A_1191 = arith.constant 2 : i32
    %add3A_1192 = vector.broadcast %add3A_1191 : i32 to vector<16xi32>
    %add3A_1193 = arith.addi %mul3A_5, %add3A_1192 : vector<16xi32>
    %add3A_1194 = arith.constant 3 : i32
    %add3A_1195 = vector.broadcast %add3A_1194 : i32 to vector<16xi32>
    %add3A_1196 = arith.addi %mul3A_5, %add3A_1195 : vector<16xi32>
    %add3A_1197 = arith.constant 1 : i32
    %add3A_1198 = vector.broadcast %add3A_1197 : i32 to vector<16xi32>
    %add3A_1199 = arith.addi %mul3A_5, %add3A_1198 : vector<16xi32>
    %gather3A_1200 = tpu.vector_load_idx %arg4[%add3A_1193, %add3A_1196, %add3A_1148, %add3A_1199] : memref<3x4x64x128xf32, #tpu.memory_space<vmem>>[vector<16xi32>, vector<16xi32>, vector<16xi32>, vector<16xi32>], vector<16xf32>,
    %swap3A_1201 = arith.constant 3 : i32
    %swap3A_1202 = arith.index_cast %swap3A_1201 : i32 to index
    %swap3A_1203 = arith.constant 160 : index
    %swap3A_1204 = tpu.vector_load %arg5[%swap3A_1202, %swap3A_1203] {strides = array<i32>} : memref<4x512xf32, #tpu.memory_space<vmem>>, vector<16xf32>,
    tpu.vector_store %arg5[%swap3A_1202, %swap3A_1203], %gather3A_1200 {strides = array<i32>} : memref<4x512xf32, #tpu.memory_space<vmem>>, vector<16xf32>,
    %add3A_1205 = arith.constant 48 : i32
    %add3A_1206 = vector.broadcast %add3A_1205 : i32 to vector<16xi32>
    %add3A_1207 = arith.addi %add3A_1206, %iota3A : vector<16xi32>
    %add3A_1208 = arith.constant 2 : i32
    %add3A_1209 = vector.broadcast %add3A_1208 : i32 to vector<16xi32>
    %add3A_1210 = arith.addi %mul3A_5, %add3A_1209 : vector<16xi32>
    %add3A_1211 = arith.constant 0 : i32
    %add3A_1212 = vector.broadcast %add3A_1211 : i32 to vector<16xi32>
    %add3A_1213 = arith.addi %mul3A_5, %add3A_1212 : vector<16xi32>
    %add3A_1214 = arith.constant 2 : i32
    %add3A_1215 = vector.broadcast %add3A_1214 : i32 to vector<16xi32>
    %add3A_1216 = arith.addi %mul3A_5, %add3A_1215 : vector<16xi32>
    %gather3A_1217 = tpu.vector_load_idx %arg4[%add3A_1210, %add3A_1213, %add3A_1207, %add3A_1216] : memref<3x4x64x128xf32, #tpu.memory_space<vmem>>[vector<16xi32>, vector<16xi32>, vector<16xi32>, vector<16xi32>], vector<16xf32>,
    %swap3A_1218 = arith.constant 0 : i32
    %swap3A_1219 = arith.index_cast %swap3A_1218 : i32 to index
    %swap3A_1220 = arith.constant 176 : index
    %swap3A_1221 = tpu.vector_load %arg5[%swap3A_1219, %swap3A_1220] {strides = array<i32>} : memref<4x512xf32, #tpu.memory_space<vmem>>, vector<16xf32>,
    tpu.vector_store %arg5[%swap3A_1219, %swap3A_1220], %gather3A_1217 {strides = array<i32>} : memref<4x512xf32, #tpu.memory_space<vmem>>, vector<16xf32>,
    %add3A_1222 = arith.constant 2 : i32
    %add3A_1223 = vector.broadcast %add3A_1222 : i32 to vector<16xi32>
    %add3A_1224 = arith.addi %mul3A_5, %add3A_1223 : vector<16xi32>
    %add3A_1225 = arith.constant 1 : i32
    %add3A_1226 = vector.broadcast %add3A_1225 : i32 to vector<16xi32>
    %add3A_1227 = arith.addi %mul3A_5, %add3A_1226 : vector<16xi32>
    %add3A_1228 = arith.constant 3 : i32
    %add3A_1229 = vector.broadcast %add3A_1228 : i32 to vector<16xi32>
    %add3A_1230 = arith.addi %mul3A_5, %add3A_1229 : vector<16xi32>
    %gather3A_1231 = tpu.vector_load_idx %arg4[%add3A_1224, %add3A_1227, %add3A_1207, %add3A_1230] : memref<3x4x64x128xf32, #tpu.memory_space<vmem>>[vector<16xi32>, vector<16xi32>, vector<16xi32>, vector<16xi32>], vector<16xf32>,
    %swap3A_1232 = arith.constant 1 : i32
    %swap3A_1233 = arith.index_cast %swap3A_1232 : i32 to index
    %swap3A_1234 = arith.constant 176 : index
    %swap3A_1235 = tpu.vector_load %arg5[%swap3A_1233, %swap3A_1234] {strides = array<i32>} : memref<4x512xf32, #tpu.memory_space<vmem>>, vector<16xf32>,
    tpu.vector_store %arg5[%swap3A_1233, %swap3A_1234], %gather3A_1231 {strides = array<i32>} : memref<4x512xf32, #tpu.memory_space<vmem>>, vector<16xf32>,
    %add3A_1236 = arith.constant 2 : i32
    %add3A_1237 = vector.broadcast %add3A_1236 : i32 to vector<16xi32>
    %add3A_1238 = arith.addi %mul3A_5, %add3A_1237 : vector<16xi32>
    %add3A_1239 = arith.constant 2 : i32
    %add3A_1240 = vector.broadcast %add3A_1239 : i32 to vector<16xi32>
    %add3A_1241 = arith.addi %mul3A_5, %add3A_1240 : vector<16xi32>
    %add3A_1242 = arith.constant 1 : i32
    %add3A_1243 = vector.broadcast %add3A_1242 : i32 to vector<16xi32>
    %add3A_1244 = arith.addi %mul3A_5, %add3A_1243 : vector<16xi32>
    %gather3A_1245 = tpu.vector_load_idx %arg4[%add3A_1238, %add3A_1241, %add3A_1207, %add3A_1244] : memref<3x4x64x128xf32, #tpu.memory_space<vmem>>[vector<16xi32>, vector<16xi32>, vector<16xi32>, vector<16xi32>], vector<16xf32>,
    %swap3A_1246 = arith.constant 2 : i32
    %swap3A_1247 = arith.index_cast %swap3A_1246 : i32 to index
    %swap3A_1248 = arith.constant 176 : index
    %swap3A_1249 = tpu.vector_load %arg5[%swap3A_1247, %swap3A_1248] {strides = array<i32>} : memref<4x512xf32, #tpu.memory_space<vmem>>, vector<16xf32>,
    tpu.vector_store %arg5[%swap3A_1247, %swap3A_1248], %gather3A_1245 {strides = array<i32>} : memref<4x512xf32, #tpu.memory_space<vmem>>, vector<16xf32>,
    %add3A_1250 = arith.constant 2 : i32
    %add3A_1251 = vector.broadcast %add3A_1250 : i32 to vector<16xi32>
    %add3A_1252 = arith.addi %mul3A_5, %add3A_1251 : vector<16xi32>
    %add3A_1253 = arith.constant 3 : i32
    %add3A_1254 = vector.broadcast %add3A_1253 : i32 to vector<16xi32>
    %add3A_1255 = arith.addi %mul3A_5, %add3A_1254 : vector<16xi32>
    %add3A_1256 = arith.constant 1 : i32
    %add3A_1257 = vector.broadcast %add3A_1256 : i32 to vector<16xi32>
    %add3A_1258 = arith.addi %mul3A_5, %add3A_1257 : vector<16xi32>
    %gather3A_1259 = tpu.vector_load_idx %arg4[%add3A_1252, %add3A_1255, %add3A_1207, %add3A_1258] : memref<3x4x64x128xf32, #tpu.memory_space<vmem>>[vector<16xi32>, vector<16xi32>, vector<16xi32>, vector<16xi32>], vector<16xf32>,
    %swap3A_1260 = arith.constant 3 : i32
    %swap3A_1261 = arith.index_cast %swap3A_1260 : i32 to index
    %swap3A_1262 = arith.constant 176 : index
    %swap3A_1263 = tpu.vector_load %arg5[%swap3A_1261, %swap3A_1262] {strides = array<i32>} : memref<4x512xf32, #tpu.memory_space<vmem>>, vector<16xf32>,
    tpu.vector_store %arg5[%swap3A_1261, %swap3A_1262], %gather3A_1259 {strides = array<i32>} : memref<4x512xf32, #tpu.memory_space<vmem>>, vector<16xf32>,
    %add3A_1264 = arith.constant 320 : i32
    %add3A_1265 = arith.addi %mul3A_2, %add3A_1264 : i32
    %dma_start3A_1266 = arith.constant 1 : i32
    %dma_start3A_1267 = arith.constant 2 : i32
    %dma_start3A_1268 = arith.constant 0 : i32
    %dma_start3A_1269 = arith.constant 0 : i32
    %dma_start3A_1270 = arith.constant 0 : i32
    %dma_start3A_1271 = tpu.memref_slice %arg4[%dma_start3A_1267, %dma_start3A_1268, %dma_start3A_1269, %dma_start3A_1270] : memref<3x4x64x128xf32, #tpu.memory_space<vmem>> -> memref<1x1x64x128xf32, #tpu.memory_space<vmem>>
    %dma_start3A_1272 = tpu.memref_squeeze %dma_start3A_1271 : memref<1x1x64x128xf32, #tpu.memory_space<vmem>> -> memref<64x128xf32, #tpu.memory_space<vmem>>
    %dma_start3A_1273 = arith.constant 0 : i32
    %dma_start3A_1274 = tpu.memref_slice %arg2[%dma_start3A_1266, %add3A_1265, %dma_start3A_1273] : memref<50x16384x128xf32, #tpu.memory_space<hbm>> -> memref<1x64x128xf32, #tpu.memory_space<hbm>>
    %dma_start3A_1275 = tpu.memref_squeeze %dma_start3A_1274 : memref<1x64x128xf32, #tpu.memory_space<hbm>> -> memref<64x128xf32, #tpu.memory_space<hbm>>
    %dma_start3A_1276 = arith.constant 0 : i32
    %dma_start3A_1277 = arith.constant 0 : i32
    %dma_start3A_1278 = tpu.memref_slice %arg4[%dma_start3A_1267, %dma_start3A_1268, %dma_start3A_1276, %dma_start3A_1277] : memref<3x4x64x128xf32, #tpu.memory_space<vmem>> -> memref<1x1x64x128xf32, #tpu.memory_space<vmem>>
    %dma_start3A_1279 = tpu.memref_squeeze %dma_start3A_1278 : memref<1x1x64x128xf32, #tpu.memory_space<vmem>> -> memref<64x128xf32, #tpu.memory_space<vmem>>
    %dma_start3A_1280 = arith.constant 0 : i32
    %dma_start3A_1281 = tpu.memref_slice %arg2[%dma_start3A_1266, %add3A_1265, %dma_start3A_1280] : memref<50x16384x128xf32, #tpu.memory_space<hbm>> -> memref<1x64x128xf32, #tpu.memory_space<hbm>>
    %dma_start3A_1282 = tpu.memref_squeeze %dma_start3A_1281 : memref<1x64x128xf32, #tpu.memory_space<hbm>> -> memref<64x128xf32, #tpu.memory_space<hbm>>
    tpu.enqueue_dma source(%dma_start3A_1282 : memref<64x128xf32, #tpu.memory_space<hbm>>) target(%dma_start3A_1279 : memref<64x128xf32, #tpu.memory_space<vmem>>) target_semaphore(%arg6 : memref<!tpu.dma_semaphore, #tpu.memory_space<semaphore_mem>>)
    %dma_start3A_1283 = arith.constant 5 : i32
    %dma_start3A_1284 = arith.constant 2 : i32
    %dma_start3A_1285 = arith.constant 1 : i32
    %dma_start3A_1286 = arith.constant 0 : i32
    %dma_start3A_1287 = arith.constant 0 : i32
    %dma_start3A_1288 = tpu.memref_slice %arg4[%dma_start3A_1284, %dma_start3A_1285, %dma_start3A_1286, %dma_start3A_1287] : memref<3x4x64x128xf32, #tpu.memory_space<vmem>> -> memref<1x1x64x128xf32, #tpu.memory_space<vmem>>
    %dma_start3A_1289 = tpu.memref_squeeze %dma_start3A_1288 : memref<1x1x64x128xf32, #tpu.memory_space<vmem>> -> memref<64x128xf32, #tpu.memory_space<vmem>>
    %dma_start3A_1290 = arith.constant 0 : i32
    %dma_start3A_1291 = tpu.memref_slice %arg2[%dma_start3A_1283, %add3A_1265, %dma_start3A_1290] : memref<50x16384x128xf32, #tpu.memory_space<hbm>> -> memref<1x64x128xf32, #tpu.memory_space<hbm>>
    %dma_start3A_1292 = tpu.memref_squeeze %dma_start3A_1291 : memref<1x64x128xf32, #tpu.memory_space<hbm>> -> memref<64x128xf32, #tpu.memory_space<hbm>>
    %dma_start3A_1293 = arith.constant 0 : i32
    %dma_start3A_1294 = arith.constant 0 : i32
    %dma_start3A_1295 = tpu.memref_slice %arg4[%dma_start3A_1284, %dma_start3A_1285, %dma_start3A_1293, %dma_start3A_1294] : memref<3x4x64x128xf32, #tpu.memory_space<vmem>> -> memref<1x1x64x128xf32, #tpu.memory_space<vmem>>
    %dma_start3A_1296 = tpu.memref_squeeze %dma_start3A_1295 : memref<1x1x64x128xf32, #tpu.memory_space<vmem>> -> memref<64x128xf32, #tpu.memory_space<vmem>>
    %dma_start3A_1297 = arith.constant 0 : i32
    %dma_start3A_1298 = tpu.memref_slice %arg2[%dma_start3A_1283, %add3A_1265, %dma_start3A_1297] : memref<50x16384x128xf32, #tpu.memory_space<hbm>> -> memref<1x64x128xf32, #tpu.memory_space<hbm>>
    %dma_start3A_1299 = tpu.memref_squeeze %dma_start3A_1298 : memref<1x64x128xf32, #tpu.memory_space<hbm>> -> memref<64x128xf32, #tpu.memory_space<hbm>>
    tpu.enqueue_dma source(%dma_start3A_1299 : memref<64x128xf32, #tpu.memory_space<hbm>>) target(%dma_start3A_1296 : memref<64x128xf32, #tpu.memory_space<vmem>>) target_semaphore(%arg6 : memref<!tpu.dma_semaphore, #tpu.memory_space<semaphore_mem>>)
    %dma_start3A_1300 = arith.constant 3 : i32
    %dma_start3A_1301 = arith.constant 2 : i32
    %dma_start3A_1302 = arith.constant 2 : i32
    %dma_start3A_1303 = arith.constant 0 : i32
    %dma_start3A_1304 = arith.constant 0 : i32
    %dma_start3A_1305 = tpu.memref_slice %arg4[%dma_start3A_1301, %dma_start3A_1302, %dma_start3A_1303, %dma_start3A_1304] : memref<3x4x64x128xf32, #tpu.memory_space<vmem>> -> memref<1x1x64x128xf32, #tpu.memory_space<vmem>>
    %dma_start3A_1306 = tpu.memref_squeeze %dma_start3A_1305 : memref<1x1x64x128xf32, #tpu.memory_space<vmem>> -> memref<64x128xf32, #tpu.memory_space<vmem>>
    %dma_start3A_1307 = arith.constant 0 : i32
    %dma_start3A_1308 = tpu.memref_slice %arg2[%dma_start3A_1300, %add3A_1265, %dma_start3A_1307] : memref<50x16384x128xf32, #tpu.memory_space<hbm>> -> memref<1x64x128xf32, #tpu.memory_space<hbm>>
    %dma_start3A_1309 = tpu.memref_squeeze %dma_start3A_1308 : memref<1x64x128xf32, #tpu.memory_space<hbm>> -> memref<64x128xf32, #tpu.memory_space<hbm>>
    %dma_start3A_1310 = arith.constant 0 : i32
    %dma_start3A_1311 = arith.constant 0 : i32
    %dma_start3A_1312 = tpu.memref_slice %arg4[%dma_start3A_1301, %dma_start3A_1302, %dma_start3A_1310, %dma_start3A_1311] : memref<3x4x64x128xf32, #tpu.memory_space<vmem>> -> memref<1x1x64x128xf32, #tpu.memory_space<vmem>>
    %dma_start3A_1313 = tpu.memref_squeeze %dma_start3A_1312 : memref<1x1x64x128xf32, #tpu.memory_space<vmem>> -> memref<64x128xf32, #tpu.memory_space<vmem>>
    %dma_start3A_1314 = arith.constant 0 : i32
    %dma_start3A_1315 = tpu.memref_slice %arg2[%dma_start3A_1300, %add3A_1265, %dma_start3A_1314] : memref<50x16384x128xf32, #tpu.memory_space<hbm>> -> memref<1x64x128xf32, #tpu.memory_space<hbm>>
    %dma_start3A_1316 = tpu.memref_squeeze %dma_start3A_1315 : memref<1x64x128xf32, #tpu.memory_space<hbm>> -> memref<64x128xf32, #tpu.memory_space<hbm>>
    tpu.enqueue_dma source(%dma_start3A_1316 : memref<64x128xf32, #tpu.memory_space<hbm>>) target(%dma_start3A_1313 : memref<64x128xf32, #tpu.memory_space<vmem>>) target_semaphore(%arg6 : memref<!tpu.dma_semaphore, #tpu.memory_space<semaphore_mem>>)
    %dma_start3A_1317 = arith.constant 2 : i32
    %dma_start3A_1318 = arith.constant 2 : i32
    %dma_start3A_1319 = arith.constant 3 : i32
    %dma_start3A_1320 = arith.constant 0 : i32
    %dma_start3A_1321 = arith.constant 0 : i32
    %dma_start3A_1322 = tpu.memref_slice %arg4[%dma_start3A_1318, %dma_start3A_1319, %dma_start3A_1320, %dma_start3A_1321] : memref<3x4x64x128xf32, #tpu.memory_space<vmem>> -> memref<1x1x64x128xf32, #tpu.memory_space<vmem>>
    %dma_start3A_1323 = tpu.memref_squeeze %dma_start3A_1322 : memref<1x1x64x128xf32, #tpu.memory_space<vmem>> -> memref<64x128xf32, #tpu.memory_space<vmem>>
    %dma_start3A_1324 = arith.constant 0 : i32
    %dma_start3A_1325 = tpu.memref_slice %arg2[%dma_start3A_1317, %add3A_1265, %dma_start3A_1324] : memref<50x16384x128xf32, #tpu.memory_space<hbm>> -> memref<1x64x128xf32, #tpu.memory_space<hbm>>
    %dma_start3A_1326 = tpu.memref_squeeze %dma_start3A_1325 : memref<1x64x128xf32, #tpu.memory_space<hbm>> -> memref<64x128xf32, #tpu.memory_space<hbm>>
    %dma_start3A_1327 = arith.constant 0 : i32
    %dma_start3A_1328 = arith.constant 0 : i32
    %dma_start3A_1329 = tpu.memref_slice %arg4[%dma_start3A_1318, %dma_start3A_1319, %dma_start3A_1327, %dma_start3A_1328] : memref<3x4x64x128xf32, #tpu.memory_space<vmem>> -> memref<1x1x64x128xf32, #tpu.memory_space<vmem>>
    %dma_start3A_1330 = tpu.memref_squeeze %dma_start3A_1329 : memref<1x1x64x128xf32, #tpu.memory_space<vmem>> -> memref<64x128xf32, #tpu.memory_space<vmem>>
    %dma_start3A_1331 = arith.constant 0 : i32
    %dma_start3A_1332 = tpu.memref_slice %arg2[%dma_start3A_1317, %add3A_1265, %dma_start3A_1331] : memref<50x16384x128xf32, #tpu.memory_space<hbm>> -> memref<1x64x128xf32, #tpu.memory_space<hbm>>
    %dma_start3A_1333 = tpu.memref_squeeze %dma_start3A_1332 : memref<1x64x128xf32, #tpu.memory_space<hbm>> -> memref<64x128xf32, #tpu.memory_space<hbm>>
    tpu.enqueue_dma source(%dma_start3A_1333 : memref<64x128xf32, #tpu.memory_space<hbm>>) target(%dma_start3A_1330 : memref<64x128xf32, #tpu.memory_space<vmem>>) target_semaphore(%arg6 : memref<!tpu.dma_semaphore, #tpu.memory_space<semaphore_mem>>)
    %dma_wait3A_1334 = arith.constant 1 : i32
    %dma_wait3A_1335 = arith.constant 0 : i32
    %dma_wait3A_1336 = arith.constant 0 : i32
    %dma_wait3A_1337 = arith.constant 0 : i32
    %dma_wait3A_1338 = arith.constant 0 : i32
    %dma_wait3A_1339 = tpu.memref_slice %arg4[%dma_wait3A_1335, %dma_wait3A_1336, %dma_wait3A_1337, %dma_wait3A_1338] : memref<3x4x64x128xf32, #tpu.memory_space<vmem>> -> memref<1x1x64x128xf32, #tpu.memory_space<vmem>>
    %dma_wait3A_1340 = tpu.memref_squeeze %dma_wait3A_1339 : memref<1x1x64x128xf32, #tpu.memory_space<vmem>> -> memref<64x128xf32, #tpu.memory_space<vmem>>
    %dma_wait3A_1341 = arith.constant 0 : i32
    %dma_wait3A_1342 = tpu.memref_slice %arg2[%dma_wait3A_1334, %add3A_517, %dma_wait3A_1341] : memref<50x16384x128xf32, #tpu.memory_space<hbm>> -> memref<1x64x128xf32, #tpu.memory_space<hbm>>
    %dma_wait3A_1343 = tpu.memref_squeeze %dma_wait3A_1342 : memref<1x64x128xf32, #tpu.memory_space<hbm>> -> memref<64x128xf32, #tpu.memory_space<hbm>>
    %dma_wait3A_1344 = arith.constant 0 : i32
    %dma_wait3A_1345 = arith.constant 0 : i32
    %dma_wait3A_1346 = tpu.memref_slice %arg4[%dma_wait3A_1335, %dma_wait3A_1336, %dma_wait3A_1344, %dma_wait3A_1345] : memref<3x4x64x128xf32, #tpu.memory_space<vmem>> -> memref<1x1x64x128xf32, #tpu.memory_space<vmem>>
    %dma_wait3A_1347 = tpu.memref_squeeze %dma_wait3A_1346 : memref<1x1x64x128xf32, #tpu.memory_space<vmem>> -> memref<64x128xf32, #tpu.memory_space<vmem>>
    %dma_wait3A_1348 = arith.constant 0 : i32
    %dma_wait3A_1349 = tpu.memref_slice %arg2[%dma_wait3A_1334, %add3A_517, %dma_wait3A_1348] : memref<50x16384x128xf32, #tpu.memory_space<hbm>> -> memref<1x64x128xf32, #tpu.memory_space<hbm>>
    %dma_wait3A_1350 = tpu.memref_squeeze %dma_wait3A_1349 : memref<1x64x128xf32, #tpu.memory_space<hbm>> -> memref<64x128xf32, #tpu.memory_space<hbm>>
    tpu.wait_dma2 semaphore(%arg6 : memref<!tpu.dma_semaphore, #tpu.memory_space<semaphore_mem>>) src(%dma_wait3A_1350 : memref<64x128xf32, #tpu.memory_space<hbm>>) dst(%dma_wait3A_1347 : memref<64x128xf32, #tpu.memory_space<vmem>>)
    %dma_wait3A_1351 = arith.constant 5 : i32
    %dma_wait3A_1352 = arith.constant 0 : i32
    %dma_wait3A_1353 = arith.constant 1 : i32
    %dma_wait3A_1354 = arith.constant 0 : i32
    %dma_wait3A_1355 = arith.constant 0 : i32
    %dma_wait3A_1356 = tpu.memref_slice %arg4[%dma_wait3A_1352, %dma_wait3A_1353, %dma_wait3A_1354, %dma_wait3A_1355] : memref<3x4x64x128xf32, #tpu.memory_space<vmem>> -> memref<1x1x64x128xf32, #tpu.memory_space<vmem>>
    %dma_wait3A_1357 = tpu.memref_squeeze %dma_wait3A_1356 : memref<1x1x64x128xf32, #tpu.memory_space<vmem>> -> memref<64x128xf32, #tpu.memory_space<vmem>>
    %dma_wait3A_1358 = arith.constant 0 : i32
    %dma_wait3A_1359 = tpu.memref_slice %arg2[%dma_wait3A_1351, %add3A_517, %dma_wait3A_1358] : memref<50x16384x128xf32, #tpu.memory_space<hbm>> -> memref<1x64x128xf32, #tpu.memory_space<hbm>>
    %dma_wait3A_1360 = tpu.memref_squeeze %dma_wait3A_1359 : memref<1x64x128xf32, #tpu.memory_space<hbm>> -> memref<64x128xf32, #tpu.memory_space<hbm>>
    %dma_wait3A_1361 = arith.constant 0 : i32
    %dma_wait3A_1362 = arith.constant 0 : i32
    %dma_wait3A_1363 = tpu.memref_slice %arg4[%dma_wait3A_1352, %dma_wait3A_1353, %dma_wait3A_1361, %dma_wait3A_1362] : memref<3x4x64x128xf32, #tpu.memory_space<vmem>> -> memref<1x1x64x128xf32, #tpu.memory_space<vmem>>
    %dma_wait3A_1364 = tpu.memref_squeeze %dma_wait3A_1363 : memref<1x1x64x128xf32, #tpu.memory_space<vmem>> -> memref<64x128xf32, #tpu.memory_space<vmem>>
    %dma_wait3A_1365 = arith.constant 0 : i32
    %dma_wait3A_1366 = tpu.memref_slice %arg2[%dma_wait3A_1351, %add3A_517, %dma_wait3A_1365] : memref<50x16384x128xf32, #tpu.memory_space<hbm>> -> memref<1x64x128xf32, #tpu.memory_space<hbm>>
    %dma_wait3A_1367 = tpu.memref_squeeze %dma_wait3A_1366 : memref<1x64x128xf32, #tpu.memory_space<hbm>> -> memref<64x128xf32, #tpu.memory_space<hbm>>
    tpu.wait_dma2 semaphore(%arg6 : memref<!tpu.dma_semaphore, #tpu.memory_space<semaphore_mem>>) src(%dma_wait3A_1367 : memref<64x128xf32, #tpu.memory_space<hbm>>) dst(%dma_wait3A_1364 : memref<64x128xf32, #tpu.memory_space<vmem>>)
    %dma_wait3A_1368 = arith.constant 3 : i32
    %dma_wait3A_1369 = arith.constant 0 : i32
    %dma_wait3A_1370 = arith.constant 2 : i32
    %dma_wait3A_1371 = arith.constant 0 : i32
    %dma_wait3A_1372 = arith.constant 0 : i32
    %dma_wait3A_1373 = tpu.memref_slice %arg4[%dma_wait3A_1369, %dma_wait3A_1370, %dma_wait3A_1371, %dma_wait3A_1372] : memref<3x4x64x128xf32, #tpu.memory_space<vmem>> -> memref<1x1x64x128xf32, #tpu.memory_space<vmem>>
    %dma_wait3A_1374 = tpu.memref_squeeze %dma_wait3A_1373 : memref<1x1x64x128xf32, #tpu.memory_space<vmem>> -> memref<64x128xf32, #tpu.memory_space<vmem>>
    %dma_wait3A_1375 = arith.constant 0 : i32
    %dma_wait3A_1376 = tpu.memref_slice %arg2[%dma_wait3A_1368, %add3A_517, %dma_wait3A_1375] : memref<50x16384x128xf32, #tpu.memory_space<hbm>> -> memref<1x64x128xf32, #tpu.memory_space<hbm>>
    %dma_wait3A_1377 = tpu.memref_squeeze %dma_wait3A_1376 : memref<1x64x128xf32, #tpu.memory_space<hbm>> -> memref<64x128xf32, #tpu.memory_space<hbm>>
    %dma_wait3A_1378 = arith.constant 0 : i32
    %dma_wait3A_1379 = arith.constant 0 : i32
    %dma_wait3A_1380 = tpu.memref_slice %arg4[%dma_wait3A_1369, %dma_wait3A_1370, %dma_wait3A_1378, %dma_wait3A_1379] : memref<3x4x64x128xf32, #tpu.memory_space<vmem>> -> memref<1x1x64x128xf32, #tpu.memory_space<vmem>>
    %dma_wait3A_1381 = tpu.memref_squeeze %dma_wait3A_1380 : memref<1x1x64x128xf32, #tpu.memory_space<vmem>> -> memref<64x128xf32, #tpu.memory_space<vmem>>
    %dma_wait3A_1382 = arith.constant 0 : i32
    %dma_wait3A_1383 = tpu.memref_slice %arg2[%dma_wait3A_1368, %add3A_517, %dma_wait3A_1382] : memref<50x16384x128xf32, #tpu.memory_space<hbm>> -> memref<1x64x128xf32, #tpu.memory_space<hbm>>
    %dma_wait3A_1384 = tpu.memref_squeeze %dma_wait3A_1383 : memref<1x64x128xf32, #tpu.memory_space<hbm>> -> memref<64x128xf32, #tpu.memory_space<hbm>>
    tpu.wait_dma2 semaphore(%arg6 : memref<!tpu.dma_semaphore, #tpu.memory_space<semaphore_mem>>) src(%dma_wait3A_1384 : memref<64x128xf32, #tpu.memory_space<hbm>>) dst(%dma_wait3A_1381 : memref<64x128xf32, #tpu.memory_space<vmem>>)
    %dma_wait3A_1385 = arith.constant 2 : i32
    %dma_wait3A_1386 = arith.constant 0 : i32
    %dma_wait3A_1387 = arith.constant 3 : i32
    %dma_wait3A_1388 = arith.constant 0 : i32
    %dma_wait3A_1389 = arith.constant 0 : i32
    %dma_wait3A_1390 = tpu.memref_slice %arg4[%dma_wait3A_1386, %dma_wait3A_1387, %dma_wait3A_1388, %dma_wait3A_1389] : memref<3x4x64x128xf32, #tpu.memory_space<vmem>> -> memref<1x1x64x128xf32, #tpu.memory_space<vmem>>
    %dma_wait3A_1391 = tpu.memref_squeeze %dma_wait3A_1390 : memref<1x1x64x128xf32, #tpu.memory_space<vmem>> -> memref<64x128xf32, #tpu.memory_space<vmem>>
    %dma_wait3A_1392 = arith.constant 0 : i32
    %dma_wait3A_1393 = tpu.memref_slice %arg2[%dma_wait3A_1385, %add3A_517, %dma_wait3A_1392] : memref<50x16384x128xf32, #tpu.memory_space<hbm>> -> memref<1x64x128xf32, #tpu.memory_space<hbm>>
    %dma_wait3A_1394 = tpu.memref_squeeze %dma_wait3A_1393 : memref<1x64x128xf32, #tpu.memory_space<hbm>> -> memref<64x128xf32, #tpu.memory_space<hbm>>
    %dma_wait3A_1395 = arith.constant 0 : i32
    %dma_wait3A_1396 = arith.constant 0 : i32
    %dma_wait3A_1397 = tpu.memref_slice %arg4[%dma_wait3A_1386, %dma_wait3A_1387, %dma_wait3A_1395, %dma_wait3A_1396] : memref<3x4x64x128xf32, #tpu.memory_space<vmem>> -> memref<1x1x64x128xf32, #tpu.memory_space<vmem>>
    %dma_wait3A_1398 = tpu.memref_squeeze %dma_wait3A_1397 : memref<1x1x64x128xf32, #tpu.memory_space<vmem>> -> memref<64x128xf32, #tpu.memory_space<vmem>>
    %dma_wait3A_1399 = arith.constant 0 : i32
    %dma_wait3A_1400 = tpu.memref_slice %arg2[%dma_wait3A_1385, %add3A_517, %dma_wait3A_1399] : memref<50x16384x128xf32, #tpu.memory_space<hbm>> -> memref<1x64x128xf32, #tpu.memory_space<hbm>>
    %dma_wait3A_1401 = tpu.memref_squeeze %dma_wait3A_1400 : memref<1x64x128xf32, #tpu.memory_space<hbm>> -> memref<64x128xf32, #tpu.memory_space<hbm>>
    tpu.wait_dma2 semaphore(%arg6 : memref<!tpu.dma_semaphore, #tpu.memory_space<semaphore_mem>>) src(%dma_wait3A_1401 : memref<64x128xf32, #tpu.memory_space<hbm>>) dst(%dma_wait3A_1398 : memref<64x128xf32, #tpu.memory_space<vmem>>)
    %add3A_1402 = arith.constant 0 : i32
    %add3A_1403 = vector.broadcast %add3A_1402 : i32 to vector<16xi32>
    %add3A_1404 = arith.addi %add3A_1403, %iota3A : vector<16xi32>
    %add3A_1405 = arith.constant 0 : i32
    %add3A_1406 = vector.broadcast %add3A_1405 : i32 to vector<16xi32>
    %add3A_1407 = arith.addi %mul3A_5, %add3A_1406 : vector<16xi32>
    %add3A_1408 = arith.constant 0 : i32
    %add3A_1409 = vector.broadcast %add3A_1408 : i32 to vector<16xi32>
    %add3A_1410 = arith.addi %mul3A_5, %add3A_1409 : vector<16xi32>
    %add3A_1411 = arith.constant 2 : i32
    %add3A_1412 = vector.broadcast %add3A_1411 : i32 to vector<16xi32>
    %add3A_1413 = arith.addi %mul3A_5, %add3A_1412 : vector<16xi32>
    %gather3A_1414 = tpu.vector_load_idx %arg4[%add3A_1407, %add3A_1410, %add3A_1404, %add3A_1413] : memref<3x4x64x128xf32, #tpu.memory_space<vmem>>[vector<16xi32>, vector<16xi32>, vector<16xi32>, vector<16xi32>], vector<16xf32>,
    %swap3A_1415 = arith.constant 0 : i32
    %swap3A_1416 = arith.index_cast %swap3A_1415 : i32 to index
    %swap3A_1417 = arith.constant 192 : index
    %swap3A_1418 = tpu.vector_load %arg5[%swap3A_1416, %swap3A_1417] {strides = array<i32>} : memref<4x512xf32, #tpu.memory_space<vmem>>, vector<16xf32>,
    tpu.vector_store %arg5[%swap3A_1416, %swap3A_1417], %gather3A_1414 {strides = array<i32>} : memref<4x512xf32, #tpu.memory_space<vmem>>, vector<16xf32>,
    %add3A_1419 = arith.constant 0 : i32
    %add3A_1420 = vector.broadcast %add3A_1419 : i32 to vector<16xi32>
    %add3A_1421 = arith.addi %mul3A_5, %add3A_1420 : vector<16xi32>
    %add3A_1422 = arith.constant 1 : i32
    %add3A_1423 = vector.broadcast %add3A_1422 : i32 to vector<16xi32>
    %add3A_1424 = arith.addi %mul3A_5, %add3A_1423 : vector<16xi32>
    %add3A_1425 = arith.constant 3 : i32
    %add3A_1426 = vector.broadcast %add3A_1425 : i32 to vector<16xi32>
    %add3A_1427 = arith.addi %mul3A_5, %add3A_1426 : vector<16xi32>
    %gather3A_1428 = tpu.vector_load_idx %arg4[%add3A_1421, %add3A_1424, %add3A_1404, %add3A_1427] : memref<3x4x64x128xf32, #tpu.memory_space<vmem>>[vector<16xi32>, vector<16xi32>, vector<16xi32>, vector<16xi32>], vector<16xf32>,
    %swap3A_1429 = arith.constant 1 : i32
    %swap3A_1430 = arith.index_cast %swap3A_1429 : i32 to index
    %swap3A_1431 = arith.constant 192 : index
    %swap3A_1432 = tpu.vector_load %arg5[%swap3A_1430, %swap3A_1431] {strides = array<i32>} : memref<4x512xf32, #tpu.memory_space<vmem>>, vector<16xf32>,
    tpu.vector_store %arg5[%swap3A_1430, %swap3A_1431], %gather3A_1428 {strides = array<i32>} : memref<4x512xf32, #tpu.memory_space<vmem>>, vector<16xf32>,
    %add3A_1433 = arith.constant 0 : i32
    %add3A_1434 = vector.broadcast %add3A_1433 : i32 to vector<16xi32>
    %add3A_1435 = arith.addi %mul3A_5, %add3A_1434 : vector<16xi32>
    %add3A_1436 = arith.constant 2 : i32
    %add3A_1437 = vector.broadcast %add3A_1436 : i32 to vector<16xi32>
    %add3A_1438 = arith.addi %mul3A_5, %add3A_1437 : vector<16xi32>
    %add3A_1439 = arith.constant 1 : i32
    %add3A_1440 = vector.broadcast %add3A_1439 : i32 to vector<16xi32>
    %add3A_1441 = arith.addi %mul3A_5, %add3A_1440 : vector<16xi32>
    %gather3A_1442 = tpu.vector_load_idx %arg4[%add3A_1435, %add3A_1438, %add3A_1404, %add3A_1441] : memref<3x4x64x128xf32, #tpu.memory_space<vmem>>[vector<16xi32>, vector<16xi32>, vector<16xi32>, vector<16xi32>], vector<16xf32>,
    %swap3A_1443 = arith.constant 2 : i32
    %swap3A_1444 = arith.index_cast %swap3A_1443 : i32 to index
    %swap3A_1445 = arith.constant 192 : index
    %swap3A_1446 = tpu.vector_load %arg5[%swap3A_1444, %swap3A_1445] {strides = array<i32>} : memref<4x512xf32, #tpu.memory_space<vmem>>, vector<16xf32>,
    tpu.vector_store %arg5[%swap3A_1444, %swap3A_1445], %gather3A_1442 {strides = array<i32>} : memref<4x512xf32, #tpu.memory_space<vmem>>, vector<16xf32>,
    %add3A_1447 = arith.constant 0 : i32
    %add3A_1448 = vector.broadcast %add3A_1447 : i32 to vector<16xi32>
    %add3A_1449 = arith.addi %mul3A_5, %add3A_1448 : vector<16xi32>
    %add3A_1450 = arith.constant 3 : i32
    %add3A_1451 = vector.broadcast %add3A_1450 : i32 to vector<16xi32>
    %add3A_1452 = arith.addi %mul3A_5, %add3A_1451 : vector<16xi32>
    %add3A_1453 = arith.constant 1 : i32
    %add3A_1454 = vector.broadcast %add3A_1453 : i32 to vector<16xi32>
    %add3A_1455 = arith.addi %mul3A_5, %add3A_1454 : vector<16xi32>
    %gather3A_1456 = tpu.vector_load_idx %arg4[%add3A_1449, %add3A_1452, %add3A_1404, %add3A_1455] : memref<3x4x64x128xf32, #tpu.memory_space<vmem>>[vector<16xi32>, vector<16xi32>, vector<16xi32>, vector<16xi32>], vector<16xf32>,
    %swap3A_1457 = arith.constant 3 : i32
    %swap3A_1458 = arith.index_cast %swap3A_1457 : i32 to index
    %swap3A_1459 = arith.constant 192 : index
    %swap3A_1460 = tpu.vector_load %arg5[%swap3A_1458, %swap3A_1459] {strides = array<i32>} : memref<4x512xf32, #tpu.memory_space<vmem>>, vector<16xf32>,
    tpu.vector_store %arg5[%swap3A_1458, %swap3A_1459], %gather3A_1456 {strides = array<i32>} : memref<4x512xf32, #tpu.memory_space<vmem>>, vector<16xf32>,
    %add3A_1461 = arith.constant 16 : i32
    %add3A_1462 = vector.broadcast %add3A_1461 : i32 to vector<16xi32>
    %add3A_1463 = arith.addi %add3A_1462, %iota3A : vector<16xi32>
    %add3A_1464 = arith.constant 0 : i32
    %add3A_1465 = vector.broadcast %add3A_1464 : i32 to vector<16xi32>
    %add3A_1466 = arith.addi %mul3A_5, %add3A_1465 : vector<16xi32>
    %add3A_1467 = arith.constant 0 : i32
    %add3A_1468 = vector.broadcast %add3A_1467 : i32 to vector<16xi32>
    %add3A_1469 = arith.addi %mul3A_5, %add3A_1468 : vector<16xi32>
    %add3A_1470 = arith.constant 2 : i32
    %add3A_1471 = vector.broadcast %add3A_1470 : i32 to vector<16xi32>
    %add3A_1472 = arith.addi %mul3A_5, %add3A_1471 : vector<16xi32>
    %gather3A_1473 = tpu.vector_load_idx %arg4[%add3A_1466, %add3A_1469, %add3A_1463, %add3A_1472] : memref<3x4x64x128xf32, #tpu.memory_space<vmem>>[vector<16xi32>, vector<16xi32>, vector<16xi32>, vector<16xi32>], vector<16xf32>,
    %swap3A_1474 = arith.constant 0 : i32
    %swap3A_1475 = arith.index_cast %swap3A_1474 : i32 to index
    %swap3A_1476 = arith.constant 208 : index
    %swap3A_1477 = tpu.vector_load %arg5[%swap3A_1475, %swap3A_1476] {strides = array<i32>} : memref<4x512xf32, #tpu.memory_space<vmem>>, vector<16xf32>,
    tpu.vector_store %arg5[%swap3A_1475, %swap3A_1476], %gather3A_1473 {strides = array<i32>} : memref<4x512xf32, #tpu.memory_space<vmem>>, vector<16xf32>,
    %add3A_1478 = arith.constant 0 : i32
    %add3A_1479 = vector.broadcast %add3A_1478 : i32 to vector<16xi32>
    %add3A_1480 = arith.addi %mul3A_5, %add3A_1479 : vector<16xi32>
    %add3A_1481 = arith.constant 1 : i32
    %add3A_1482 = vector.broadcast %add3A_1481 : i32 to vector<16xi32>
    %add3A_1483 = arith.addi %mul3A_5, %add3A_1482 : vector<16xi32>
    %add3A_1484 = arith.constant 3 : i32
    %add3A_1485 = vector.broadcast %add3A_1484 : i32 to vector<16xi32>
    %add3A_1486 = arith.addi %mul3A_5, %add3A_1485 : vector<16xi32>
    %gather3A_1487 = tpu.vector_load_idx %arg4[%add3A_1480, %add3A_1483, %add3A_1463, %add3A_1486] : memref<3x4x64x128xf32, #tpu.memory_space<vmem>>[vector<16xi32>, vector<16xi32>, vector<16xi32>, vector<16xi32>], vector<16xf32>,
    %swap3A_1488 = arith.constant 1 : i32
    %swap3A_1489 = arith.index_cast %swap3A_1488 : i32 to index
    %swap3A_1490 = arith.constant 208 : index
    %swap3A_1491 = tpu.vector_load %arg5[%swap3A_1489, %swap3A_1490] {strides = array<i32>} : memref<4x512xf32, #tpu.memory_space<vmem>>, vector<16xf32>,
    tpu.vector_store %arg5[%swap3A_1489, %swap3A_1490], %gather3A_1487 {strides = array<i32>} : memref<4x512xf32, #tpu.memory_space<vmem>>, vector<16xf32>,
    %add3A_1492 = arith.constant 0 : i32
    %add3A_1493 = vector.broadcast %add3A_1492 : i32 to vector<16xi32>
    %add3A_1494 = arith.addi %mul3A_5, %add3A_1493 : vector<16xi32>
    %add3A_1495 = arith.constant 2 : i32
    %add3A_1496 = vector.broadcast %add3A_1495 : i32 to vector<16xi32>
    %add3A_1497 = arith.addi %mul3A_5, %add3A_1496 : vector<16xi32>
    %add3A_1498 = arith.constant 1 : i32
    %add3A_1499 = vector.broadcast %add3A_1498 : i32 to vector<16xi32>
    %add3A_1500 = arith.addi %mul3A_5, %add3A_1499 : vector<16xi32>
    %gather3A_1501 = tpu.vector_load_idx %arg4[%add3A_1494, %add3A_1497, %add3A_1463, %add3A_1500] : memref<3x4x64x128xf32, #tpu.memory_space<vmem>>[vector<16xi32>, vector<16xi32>, vector<16xi32>, vector<16xi32>], vector<16xf32>,
    %swap3A_1502 = arith.constant 2 : i32
    %swap3A_1503 = arith.index_cast %swap3A_1502 : i32 to index
    %swap3A_1504 = arith.constant 208 : index
    %swap3A_1505 = tpu.vector_load %arg5[%swap3A_1503, %swap3A_1504] {strides = array<i32>} : memref<4x512xf32, #tpu.memory_space<vmem>>, vector<16xf32>,
    tpu.vector_store %arg5[%swap3A_1503, %swap3A_1504], %gather3A_1501 {strides = array<i32>} : memref<4x512xf32, #tpu.memory_space<vmem>>, vector<16xf32>,
    %add3A_1506 = arith.constant 0 : i32
    %add3A_1507 = vector.broadcast %add3A_1506 : i32 to vector<16xi32>
    %add3A_1508 = arith.addi %mul3A_5, %add3A_1507 : vector<16xi32>
    %add3A_1509 = arith.constant 3 : i32
    %add3A_1510 = vector.broadcast %add3A_1509 : i32 to vector<16xi32>
    %add3A_1511 = arith.addi %mul3A_5, %add3A_1510 : vector<16xi32>
    %add3A_1512 = arith.constant 1 : i32
    %add3A_1513 = vector.broadcast %add3A_1512 : i32 to vector<16xi32>
    %add3A_1514 = arith.addi %mul3A_5, %add3A_1513 : vector<16xi32>
    %gather3A_1515 = tpu.vector_load_idx %arg4[%add3A_1508, %add3A_1511, %add3A_1463, %add3A_1514] : memref<3x4x64x128xf32, #tpu.memory_space<vmem>>[vector<16xi32>, vector<16xi32>, vector<16xi32>, vector<16xi32>], vector<16xf32>,
    %swap3A_1516 = arith.constant 3 : i32
    %swap3A_1517 = arith.index_cast %swap3A_1516 : i32 to index
    %swap3A_1518 = arith.constant 208 : index
    %swap3A_1519 = tpu.vector_load %arg5[%swap3A_1517, %swap3A_1518] {strides = array<i32>} : memref<4x512xf32, #tpu.memory_space<vmem>>, vector<16xf32>,
    tpu.vector_store %arg5[%swap3A_1517, %swap3A_1518], %gather3A_1515 {strides = array<i32>} : memref<4x512xf32, #tpu.memory_space<vmem>>, vector<16xf32>,
    %add3A_1520 = arith.constant 32 : i32
    %add3A_1521 = vector.broadcast %add3A_1520 : i32 to vector<16xi32>
    %add3A_1522 = arith.addi %add3A_1521, %iota3A : vector<16xi32>
    %add3A_1523 = arith.constant 0 : i32
    %add3A_1524 = vector.broadcast %add3A_1523 : i32 to vector<16xi32>
    %add3A_1525 = arith.addi %mul3A_5, %add3A_1524 : vector<16xi32>
    %add3A_1526 = arith.constant 0 : i32
    %add3A_1527 = vector.broadcast %add3A_1526 : i32 to vector<16xi32>
    %add3A_1528 = arith.addi %mul3A_5, %add3A_1527 : vector<16xi32>
    %add3A_1529 = arith.constant 2 : i32
    %add3A_1530 = vector.broadcast %add3A_1529 : i32 to vector<16xi32>
    %add3A_1531 = arith.addi %mul3A_5, %add3A_1530 : vector<16xi32>
    %gather3A_1532 = tpu.vector_load_idx %arg4[%add3A_1525, %add3A_1528, %add3A_1522, %add3A_1531] : memref<3x4x64x128xf32, #tpu.memory_space<vmem>>[vector<16xi32>, vector<16xi32>, vector<16xi32>, vector<16xi32>], vector<16xf32>,
    %swap3A_1533 = arith.constant 0 : i32
    %swap3A_1534 = arith.index_cast %swap3A_1533 : i32 to index
    %swap3A_1535 = arith.constant 224 : index
    %swap3A_1536 = tpu.vector_load %arg5[%swap3A_1534, %swap3A_1535] {strides = array<i32>} : memref<4x512xf32, #tpu.memory_space<vmem>>, vector<16xf32>,
    tpu.vector_store %arg5[%swap3A_1534, %swap3A_1535], %gather3A_1532 {strides = array<i32>} : memref<4x512xf32, #tpu.memory_space<vmem>>, vector<16xf32>,
    %add3A_1537 = arith.constant 0 : i32
    %add3A_1538 = vector.broadcast %add3A_1537 : i32 to vector<16xi32>
    %add3A_1539 = arith.addi %mul3A_5, %add3A_1538 : vector<16xi32>
    %add3A_1540 = arith.constant 1 : i32
    %add3A_1541 = vector.broadcast %add3A_1540 : i32 to vector<16xi32>
    %add3A_1542 = arith.addi %mul3A_5, %add3A_1541 : vector<16xi32>
    %add3A_1543 = arith.constant 3 : i32
    %add3A_1544 = vector.broadcast %add3A_1543 : i32 to vector<16xi32>
    %add3A_1545 = arith.addi %mul3A_5, %add3A_1544 : vector<16xi32>
    %gather3A_1546 = tpu.vector_load_idx %arg4[%add3A_1539, %add3A_1542, %add3A_1522, %add3A_1545] : memref<3x4x64x128xf32, #tpu.memory_space<vmem>>[vector<16xi32>, vector<16xi32>, vector<16xi32>, vector<16xi32>], vector<16xf32>,
    %swap3A_1547 = arith.constant 1 : i32
    %swap3A_1548 = arith.index_cast %swap3A_1547 : i32 to index
    %swap3A_1549 = arith.constant 224 : index
    %swap3A_1550 = tpu.vector_load %arg5[%swap3A_1548, %swap3A_1549] {strides = array<i32>} : memref<4x512xf32, #tpu.memory_space<vmem>>, vector<16xf32>,
    tpu.vector_store %arg5[%swap3A_1548, %swap3A_1549], %gather3A_1546 {strides = array<i32>} : memref<4x512xf32, #tpu.memory_space<vmem>>, vector<16xf32>,
    %add3A_1551 = arith.constant 0 : i32
    %add3A_1552 = vector.broadcast %add3A_1551 : i32 to vector<16xi32>
    %add3A_1553 = arith.addi %mul3A_5, %add3A_1552 : vector<16xi32>
    %add3A_1554 = arith.constant 2 : i32
    %add3A_1555 = vector.broadcast %add3A_1554 : i32 to vector<16xi32>
    %add3A_1556 = arith.addi %mul3A_5, %add3A_1555 : vector<16xi32>
    %add3A_1557 = arith.constant 1 : i32
    %add3A_1558 = vector.broadcast %add3A_1557 : i32 to vector<16xi32>
    %add3A_1559 = arith.addi %mul3A_5, %add3A_1558 : vector<16xi32>
    %gather3A_1560 = tpu.vector_load_idx %arg4[%add3A_1553, %add3A_1556, %add3A_1522, %add3A_1559] : memref<3x4x64x128xf32, #tpu.memory_space<vmem>>[vector<16xi32>, vector<16xi32>, vector<16xi32>, vector<16xi32>], vector<16xf32>,
    %swap3A_1561 = arith.constant 2 : i32
    %swap3A_1562 = arith.index_cast %swap3A_1561 : i32 to index
    %swap3A_1563 = arith.constant 224 : index
    %swap3A_1564 = tpu.vector_load %arg5[%swap3A_1562, %swap3A_1563] {strides = array<i32>} : memref<4x512xf32, #tpu.memory_space<vmem>>, vector<16xf32>,
    tpu.vector_store %arg5[%swap3A_1562, %swap3A_1563], %gather3A_1560 {strides = array<i32>} : memref<4x512xf32, #tpu.memory_space<vmem>>, vector<16xf32>,
    %add3A_1565 = arith.constant 0 : i32
    %add3A_1566 = vector.broadcast %add3A_1565 : i32 to vector<16xi32>
    %add3A_1567 = arith.addi %mul3A_5, %add3A_1566 : vector<16xi32>
    %add3A_1568 = arith.constant 3 : i32
    %add3A_1569 = vector.broadcast %add3A_1568 : i32 to vector<16xi32>
    %add3A_1570 = arith.addi %mul3A_5, %add3A_1569 : vector<16xi32>
    %add3A_1571 = arith.constant 1 : i32
    %add3A_1572 = vector.broadcast %add3A_1571 : i32 to vector<16xi32>
    %add3A_1573 = arith.addi %mul3A_5, %add3A_1572 : vector<16xi32>
    %gather3A_1574 = tpu.vector_load_idx %arg4[%add3A_1567, %add3A_1570, %add3A_1522, %add3A_1573] : memref<3x4x64x128xf32, #tpu.memory_space<vmem>>[vector<16xi32>, vector<16xi32>, vector<16xi32>, vector<16xi32>], vector<16xf32>,
    %swap3A_1575 = arith.constant 3 : i32
    %swap3A_1576 = arith.index_cast %swap3A_1575 : i32 to index
    %swap3A_1577 = arith.constant 224 : index
    %swap3A_1578 = tpu.vector_load %arg5[%swap3A_1576, %swap3A_1577] {strides = array<i32>} : memref<4x512xf32, #tpu.memory_space<vmem>>, vector<16xf32>,
    tpu.vector_store %arg5[%swap3A_1576, %swap3A_1577], %gather3A_1574 {strides = array<i32>} : memref<4x512xf32, #tpu.memory_space<vmem>>, vector<16xf32>,
    %add3A_1579 = arith.constant 48 : i32
    %add3A_1580 = vector.broadcast %add3A_1579 : i32 to vector<16xi32>
    %add3A_1581 = arith.addi %add3A_1580, %iota3A : vector<16xi32>
    %add3A_1582 = arith.constant 0 : i32
    %add3A_1583 = vector.broadcast %add3A_1582 : i32 to vector<16xi32>
    %add3A_1584 = arith.addi %mul3A_5, %add3A_1583 : vector<16xi32>
    %add3A_1585 = arith.constant 0 : i32
    %add3A_1586 = vector.broadcast %add3A_1585 : i32 to vector<16xi32>
    %add3A_1587 = arith.addi %mul3A_5, %add3A_1586 : vector<16xi32>
    %add3A_1588 = arith.constant 2 : i32
    %add3A_1589 = vector.broadcast %add3A_1588 : i32 to vector<16xi32>
    %add3A_1590 = arith.addi %mul3A_5, %add3A_1589 : vector<16xi32>
    %gather3A_1591 = tpu.vector_load_idx %arg4[%add3A_1584, %add3A_1587, %add3A_1581, %add3A_1590] : memref<3x4x64x128xf32, #tpu.memory_space<vmem>>[vector<16xi32>, vector<16xi32>, vector<16xi32>, vector<16xi32>], vector<16xf32>,
    %swap3A_1592 = arith.constant 0 : i32
    %swap3A_1593 = arith.index_cast %swap3A_1592 : i32 to index
    %swap3A_1594 = arith.constant 240 : index
    %swap3A_1595 = tpu.vector_load %arg5[%swap3A_1593, %swap3A_1594] {strides = array<i32>} : memref<4x512xf32, #tpu.memory_space<vmem>>, vector<16xf32>,
    tpu.vector_store %arg5[%swap3A_1593, %swap3A_1594], %gather3A_1591 {strides = array<i32>} : memref<4x512xf32, #tpu.memory_space<vmem>>, vector<16xf32>,
    %add3A_1596 = arith.constant 0 : i32
    %add3A_1597 = vector.broadcast %add3A_1596 : i32 to vector<16xi32>
    %add3A_1598 = arith.addi %mul3A_5, %add3A_1597 : vector<16xi32>
    %add3A_1599 = arith.constant 1 : i32
    %add3A_1600 = vector.broadcast %add3A_1599 : i32 to vector<16xi32>
    %add3A_1601 = arith.addi %mul3A_5, %add3A_1600 : vector<16xi32>
    %add3A_1602 = arith.constant 3 : i32
    %add3A_1603 = vector.broadcast %add3A_1602 : i32 to vector<16xi32>
    %add3A_1604 = arith.addi %mul3A_5, %add3A_1603 : vector<16xi32>
    %gather3A_1605 = tpu.vector_load_idx %arg4[%add3A_1598, %add3A_1601, %add3A_1581, %add3A_1604] : memref<3x4x64x128xf32, #tpu.memory_space<vmem>>[vector<16xi32>, vector<16xi32>, vector<16xi32>, vector<16xi32>], vector<16xf32>,
    %swap3A_1606 = arith.constant 1 : i32
    %swap3A_1607 = arith.index_cast %swap3A_1606 : i32 to index
    %swap3A_1608 = arith.constant 240 : index
    %swap3A_1609 = tpu.vector_load %arg5[%swap3A_1607, %swap3A_1608] {strides = array<i32>} : memref<4x512xf32, #tpu.memory_space<vmem>>, vector<16xf32>,
    tpu.vector_store %arg5[%swap3A_1607, %swap3A_1608], %gather3A_1605 {strides = array<i32>} : memref<4x512xf32, #tpu.memory_space<vmem>>, vector<16xf32>,
    %add3A_1610 = arith.constant 0 : i32
    %add3A_1611 = vector.broadcast %add3A_1610 : i32 to vector<16xi32>
    %add3A_1612 = arith.addi %mul3A_5, %add3A_1611 : vector<16xi32>
    %add3A_1613 = arith.constant 2 : i32
    %add3A_1614 = vector.broadcast %add3A_1613 : i32 to vector<16xi32>
    %add3A_1615 = arith.addi %mul3A_5, %add3A_1614 : vector<16xi32>
    %add3A_1616 = arith.constant 1 : i32
    %add3A_1617 = vector.broadcast %add3A_1616 : i32 to vector<16xi32>
    %add3A_1618 = arith.addi %mul3A_5, %add3A_1617 : vector<16xi32>
    %gather3A_1619 = tpu.vector_load_idx %arg4[%add3A_1612, %add3A_1615, %add3A_1581, %add3A_1618] : memref<3x4x64x128xf32, #tpu.memory_space<vmem>>[vector<16xi32>, vector<16xi32>, vector<16xi32>, vector<16xi32>], vector<16xf32>,
    %swap3A_1620 = arith.constant 2 : i32
    %swap3A_1621 = arith.index_cast %swap3A_1620 : i32 to index
    %swap3A_1622 = arith.constant 240 : index
    %swap3A_1623 = tpu.vector_load %arg5[%swap3A_1621, %swap3A_1622] {strides = array<i32>} : memref<4x512xf32, #tpu.memory_space<vmem>>, vector<16xf32>,
    tpu.vector_store %arg5[%swap3A_1621, %swap3A_1622], %gather3A_1619 {strides = array<i32>} : memref<4x512xf32, #tpu.memory_space<vmem>>, vector<16xf32>,
    %add3A_1624 = arith.constant 0 : i32
    %add3A_1625 = vector.broadcast %add3A_1624 : i32 to vector<16xi32>
    %add3A_1626 = arith.addi %mul3A_5, %add3A_1625 : vector<16xi32>
    %add3A_1627 = arith.constant 3 : i32
    %add3A_1628 = vector.broadcast %add3A_1627 : i32 to vector<16xi32>
    %add3A_1629 = arith.addi %mul3A_5, %add3A_1628 : vector<16xi32>
    %add3A_1630 = arith.constant 1 : i32
    %add3A_1631 = vector.broadcast %add3A_1630 : i32 to vector<16xi32>
    %add3A_1632 = arith.addi %mul3A_5, %add3A_1631 : vector<16xi32>
    %gather3A_1633 = tpu.vector_load_idx %arg4[%add3A_1626, %add3A_1629, %add3A_1581, %add3A_1632] : memref<3x4x64x128xf32, #tpu.memory_space<vmem>>[vector<16xi32>, vector<16xi32>, vector<16xi32>, vector<16xi32>], vector<16xf32>,
    %swap3A_1634 = arith.constant 3 : i32
    %swap3A_1635 = arith.index_cast %swap3A_1634 : i32 to index
    %swap3A_1636 = arith.constant 240 : index
    %swap3A_1637 = tpu.vector_load %arg5[%swap3A_1635, %swap3A_1636] {strides = array<i32>} : memref<4x512xf32, #tpu.memory_space<vmem>>, vector<16xf32>,
    tpu.vector_store %arg5[%swap3A_1635, %swap3A_1636], %gather3A_1633 {strides = array<i32>} : memref<4x512xf32, #tpu.memory_space<vmem>>, vector<16xf32>,
    %add3A_1638 = arith.constant 384 : i32
    %add3A_1639 = arith.addi %mul3A_2, %add3A_1638 : i32
    %dma_start3A_1640 = arith.constant 1 : i32
    %dma_start3A_1641 = arith.constant 0 : i32
    %dma_start3A_1642 = arith.constant 0 : i32
    %dma_start3A_1643 = arith.constant 0 : i32
    %dma_start3A_1644 = arith.constant 0 : i32
    %dma_start3A_1645 = tpu.memref_slice %arg4[%dma_start3A_1641, %dma_start3A_1642, %dma_start3A_1643, %dma_start3A_1644] : memref<3x4x64x128xf32, #tpu.memory_space<vmem>> -> memref<1x1x64x128xf32, #tpu.memory_space<vmem>>
    %dma_start3A_1646 = tpu.memref_squeeze %dma_start3A_1645 : memref<1x1x64x128xf32, #tpu.memory_space<vmem>> -> memref<64x128xf32, #tpu.memory_space<vmem>>
    %dma_start3A_1647 = arith.constant 0 : i32
    %dma_start3A_1648 = tpu.memref_slice %arg2[%dma_start3A_1640, %add3A_1639, %dma_start3A_1647] : memref<50x16384x128xf32, #tpu.memory_space<hbm>> -> memref<1x64x128xf32, #tpu.memory_space<hbm>>
    %dma_start3A_1649 = tpu.memref_squeeze %dma_start3A_1648 : memref<1x64x128xf32, #tpu.memory_space<hbm>> -> memref<64x128xf32, #tpu.memory_space<hbm>>
    %dma_start3A_1650 = arith.constant 0 : i32
    %dma_start3A_1651 = arith.constant 0 : i32
    %dma_start3A_1652 = tpu.memref_slice %arg4[%dma_start3A_1641, %dma_start3A_1642, %dma_start3A_1650, %dma_start3A_1651] : memref<3x4x64x128xf32, #tpu.memory_space<vmem>> -> memref<1x1x64x128xf32, #tpu.memory_space<vmem>>
    %dma_start3A_1653 = tpu.memref_squeeze %dma_start3A_1652 : memref<1x1x64x128xf32, #tpu.memory_space<vmem>> -> memref<64x128xf32, #tpu.memory_space<vmem>>
    %dma_start3A_1654 = arith.constant 0 : i32
    %dma_start3A_1655 = tpu.memref_slice %arg2[%dma_start3A_1640, %add3A_1639, %dma_start3A_1654] : memref<50x16384x128xf32, #tpu.memory_space<hbm>> -> memref<1x64x128xf32, #tpu.memory_space<hbm>>
    %dma_start3A_1656 = tpu.memref_squeeze %dma_start3A_1655 : memref<1x64x128xf32, #tpu.memory_space<hbm>> -> memref<64x128xf32, #tpu.memory_space<hbm>>
    tpu.enqueue_dma source(%dma_start3A_1656 : memref<64x128xf32, #tpu.memory_space<hbm>>) target(%dma_start3A_1653 : memref<64x128xf32, #tpu.memory_space<vmem>>) target_semaphore(%arg6 : memref<!tpu.dma_semaphore, #tpu.memory_space<semaphore_mem>>)
    %dma_start3A_1657 = arith.constant 5 : i32
    %dma_start3A_1658 = arith.constant 0 : i32
    %dma_start3A_1659 = arith.constant 1 : i32
    %dma_start3A_1660 = arith.constant 0 : i32
    %dma_start3A_1661 = arith.constant 0 : i32
    %dma_start3A_1662 = tpu.memref_slice %arg4[%dma_start3A_1658, %dma_start3A_1659, %dma_start3A_1660, %dma_start3A_1661] : memref<3x4x64x128xf32, #tpu.memory_space<vmem>> -> memref<1x1x64x128xf32, #tpu.memory_space<vmem>>
    %dma_start3A_1663 = tpu.memref_squeeze %dma_start3A_1662 : memref<1x1x64x128xf32, #tpu.memory_space<vmem>> -> memref<64x128xf32, #tpu.memory_space<vmem>>
    %dma_start3A_1664 = arith.constant 0 : i32
    %dma_start3A_1665 = tpu.memref_slice %arg2[%dma_start3A_1657, %add3A_1639, %dma_start3A_1664] : memref<50x16384x128xf32, #tpu.memory_space<hbm>> -> memref<1x64x128xf32, #tpu.memory_space<hbm>>
    %dma_start3A_1666 = tpu.memref_squeeze %dma_start3A_1665 : memref<1x64x128xf32, #tpu.memory_space<hbm>> -> memref<64x128xf32, #tpu.memory_space<hbm>>
    %dma_start3A_1667 = arith.constant 0 : i32
    %dma_start3A_1668 = arith.constant 0 : i32
    %dma_start3A_1669 = tpu.memref_slice %arg4[%dma_start3A_1658, %dma_start3A_1659, %dma_start3A_1667, %dma_start3A_1668] : memref<3x4x64x128xf32, #tpu.memory_space<vmem>> -> memref<1x1x64x128xf32, #tpu.memory_space<vmem>>
    %dma_start3A_1670 = tpu.memref_squeeze %dma_start3A_1669 : memref<1x1x64x128xf32, #tpu.memory_space<vmem>> -> memref<64x128xf32, #tpu.memory_space<vmem>>
    %dma_start3A_1671 = arith.constant 0 : i32
    %dma_start3A_1672 = tpu.memref_slice %arg2[%dma_start3A_1657, %add3A_1639, %dma_start3A_1671] : memref<50x16384x128xf32, #tpu.memory_space<hbm>> -> memref<1x64x128xf32, #tpu.memory_space<hbm>>
    %dma_start3A_1673 = tpu.memref_squeeze %dma_start3A_1672 : memref<1x64x128xf32, #tpu.memory_space<hbm>> -> memref<64x128xf32, #tpu.memory_space<hbm>>
    tpu.enqueue_dma source(%dma_start3A_1673 : memref<64x128xf32, #tpu.memory_space<hbm>>) target(%dma_start3A_1670 : memref<64x128xf32, #tpu.memory_space<vmem>>) target_semaphore(%arg6 : memref<!tpu.dma_semaphore, #tpu.memory_space<semaphore_mem>>)
    %dma_start3A_1674 = arith.constant 3 : i32
    %dma_start3A_1675 = arith.constant 0 : i32
    %dma_start3A_1676 = arith.constant 2 : i32
    %dma_start3A_1677 = arith.constant 0 : i32
    %dma_start3A_1678 = arith.constant 0 : i32
    %dma_start3A_1679 = tpu.memref_slice %arg4[%dma_start3A_1675, %dma_start3A_1676, %dma_start3A_1677, %dma_start3A_1678] : memref<3x4x64x128xf32, #tpu.memory_space<vmem>> -> memref<1x1x64x128xf32, #tpu.memory_space<vmem>>
    %dma_start3A_1680 = tpu.memref_squeeze %dma_start3A_1679 : memref<1x1x64x128xf32, #tpu.memory_space<vmem>> -> memref<64x128xf32, #tpu.memory_space<vmem>>
    %dma_start3A_1681 = arith.constant 0 : i32
    %dma_start3A_1682 = tpu.memref_slice %arg2[%dma_start3A_1674, %add3A_1639, %dma_start3A_1681] : memref<50x16384x128xf32, #tpu.memory_space<hbm>> -> memref<1x64x128xf32, #tpu.memory_space<hbm>>
    %dma_start3A_1683 = tpu.memref_squeeze %dma_start3A_1682 : memref<1x64x128xf32, #tpu.memory_space<hbm>> -> memref<64x128xf32, #tpu.memory_space<hbm>>
    %dma_start3A_1684 = arith.constant 0 : i32
    %dma_start3A_1685 = arith.constant 0 : i32
    %dma_start3A_1686 = tpu.memref_slice %arg4[%dma_start3A_1675, %dma_start3A_1676, %dma_start3A_1684, %dma_start3A_1685] : memref<3x4x64x128xf32, #tpu.memory_space<vmem>> -> memref<1x1x64x128xf32, #tpu.memory_space<vmem>>
    %dma_start3A_1687 = tpu.memref_squeeze %dma_start3A_1686 : memref<1x1x64x128xf32, #tpu.memory_space<vmem>> -> memref<64x128xf32, #tpu.memory_space<vmem>>
    %dma_start3A_1688 = arith.constant 0 : i32
    %dma_start3A_1689 = tpu.memref_slice %arg2[%dma_start3A_1674, %add3A_1639, %dma_start3A_1688] : memref<50x16384x128xf32, #tpu.memory_space<hbm>> -> memref<1x64x128xf32, #tpu.memory_space<hbm>>
    %dma_start3A_1690 = tpu.memref_squeeze %dma_start3A_1689 : memref<1x64x128xf32, #tpu.memory_space<hbm>> -> memref<64x128xf32, #tpu.memory_space<hbm>>
    tpu.enqueue_dma source(%dma_start3A_1690 : memref<64x128xf32, #tpu.memory_space<hbm>>) target(%dma_start3A_1687 : memref<64x128xf32, #tpu.memory_space<vmem>>) target_semaphore(%arg6 : memref<!tpu.dma_semaphore, #tpu.memory_space<semaphore_mem>>)
    %dma_start3A_1691 = arith.constant 2 : i32
    %dma_start3A_1692 = arith.constant 0 : i32
    %dma_start3A_1693 = arith.constant 3 : i32
    %dma_start3A_1694 = arith.constant 0 : i32
    %dma_start3A_1695 = arith.constant 0 : i32
    %dma_start3A_1696 = tpu.memref_slice %arg4[%dma_start3A_1692, %dma_start3A_1693, %dma_start3A_1694, %dma_start3A_1695] : memref<3x4x64x128xf32, #tpu.memory_space<vmem>> -> memref<1x1x64x128xf32, #tpu.memory_space<vmem>>
    %dma_start3A_1697 = tpu.memref_squeeze %dma_start3A_1696 : memref<1x1x64x128xf32, #tpu.memory_space<vmem>> -> memref<64x128xf32, #tpu.memory_space<vmem>>
    %dma_start3A_1698 = arith.constant 0 : i32
    %dma_start3A_1699 = tpu.memref_slice %arg2[%dma_start3A_1691, %add3A_1639, %dma_start3A_1698] : memref<50x16384x128xf32, #tpu.memory_space<hbm>> -> memref<1x64x128xf32, #tpu.memory_space<hbm>>
    %dma_start3A_1700 = tpu.memref_squeeze %dma_start3A_1699 : memref<1x64x128xf32, #tpu.memory_space<hbm>> -> memref<64x128xf32, #tpu.memory_space<hbm>>
    %dma_start3A_1701 = arith.constant 0 : i32
    %dma_start3A_1702 = arith.constant 0 : i32
    %dma_start3A_1703 = tpu.memref_slice %arg4[%dma_start3A_1692, %dma_start3A_1693, %dma_start3A_1701, %dma_start3A_1702] : memref<3x4x64x128xf32, #tpu.memory_space<vmem>> -> memref<1x1x64x128xf32, #tpu.memory_space<vmem>>
    %dma_start3A_1704 = tpu.memref_squeeze %dma_start3A_1703 : memref<1x1x64x128xf32, #tpu.memory_space<vmem>> -> memref<64x128xf32, #tpu.memory_space<vmem>>
    %dma_start3A_1705 = arith.constant 0 : i32
    %dma_start3A_1706 = tpu.memref_slice %arg2[%dma_start3A_1691, %add3A_1639, %dma_start3A_1705] : memref<50x16384x128xf32, #tpu.memory_space<hbm>> -> memref<1x64x128xf32, #tpu.memory_space<hbm>>
    %dma_start3A_1707 = tpu.memref_squeeze %dma_start3A_1706 : memref<1x64x128xf32, #tpu.memory_space<hbm>> -> memref<64x128xf32, #tpu.memory_space<hbm>>
    tpu.enqueue_dma source(%dma_start3A_1707 : memref<64x128xf32, #tpu.memory_space<hbm>>) target(%dma_start3A_1704 : memref<64x128xf32, #tpu.memory_space<vmem>>) target_semaphore(%arg6 : memref<!tpu.dma_semaphore, #tpu.memory_space<semaphore_mem>>)
    %dma_wait3A_1708 = arith.constant 1 : i32
    %dma_wait3A_1709 = arith.constant 1 : i32
    %dma_wait3A_1710 = arith.constant 0 : i32
    %dma_wait3A_1711 = arith.constant 0 : i32
    %dma_wait3A_1712 = arith.constant 0 : i32
    %dma_wait3A_1713 = tpu.memref_slice %arg4[%dma_wait3A_1709, %dma_wait3A_1710, %dma_wait3A_1711, %dma_wait3A_1712] : memref<3x4x64x128xf32, #tpu.memory_space<vmem>> -> memref<1x1x64x128xf32, #tpu.memory_space<vmem>>
    %dma_wait3A_1714 = tpu.memref_squeeze %dma_wait3A_1713 : memref<1x1x64x128xf32, #tpu.memory_space<vmem>> -> memref<64x128xf32, #tpu.memory_space<vmem>>
    %dma_wait3A_1715 = arith.constant 0 : i32
    %dma_wait3A_1716 = tpu.memref_slice %arg2[%dma_wait3A_1708, %add3A_891, %dma_wait3A_1715] : memref<50x16384x128xf32, #tpu.memory_space<hbm>> -> memref<1x64x128xf32, #tpu.memory_space<hbm>>
    %dma_wait3A_1717 = tpu.memref_squeeze %dma_wait3A_1716 : memref<1x64x128xf32, #tpu.memory_space<hbm>> -> memref<64x128xf32, #tpu.memory_space<hbm>>
    %dma_wait3A_1718 = arith.constant 0 : i32
    %dma_wait3A_1719 = arith.constant 0 : i32
    %dma_wait3A_1720 = tpu.memref_slice %arg4[%dma_wait3A_1709, %dma_wait3A_1710, %dma_wait3A_1718, %dma_wait3A_1719] : memref<3x4x64x128xf32, #tpu.memory_space<vmem>> -> memref<1x1x64x128xf32, #tpu.memory_space<vmem>>
    %dma_wait3A_1721 = tpu.memref_squeeze %dma_wait3A_1720 : memref<1x1x64x128xf32, #tpu.memory_space<vmem>> -> memref<64x128xf32, #tpu.memory_space<vmem>>
    %dma_wait3A_1722 = arith.constant 0 : i32
    %dma_wait3A_1723 = tpu.memref_slice %arg2[%dma_wait3A_1708, %add3A_891, %dma_wait3A_1722] : memref<50x16384x128xf32, #tpu.memory_space<hbm>> -> memref<1x64x128xf32, #tpu.memory_space<hbm>>
    %dma_wait3A_1724 = tpu.memref_squeeze %dma_wait3A_1723 : memref<1x64x128xf32, #tpu.memory_space<hbm>> -> memref<64x128xf32, #tpu.memory_space<hbm>>
    tpu.wait_dma2 semaphore(%arg6 : memref<!tpu.dma_semaphore, #tpu.memory_space<semaphore_mem>>) src(%dma_wait3A_1724 : memref<64x128xf32, #tpu.memory_space<hbm>>) dst(%dma_wait3A_1721 : memref<64x128xf32, #tpu.memory_space<vmem>>)
    %dma_wait3A_1725 = arith.constant 5 : i32
    %dma_wait3A_1726 = arith.constant 1 : i32
    %dma_wait3A_1727 = arith.constant 1 : i32
    %dma_wait3A_1728 = arith.constant 0 : i32
    %dma_wait3A_1729 = arith.constant 0 : i32
    %dma_wait3A_1730 = tpu.memref_slice %arg4[%dma_wait3A_1726, %dma_wait3A_1727, %dma_wait3A_1728, %dma_wait3A_1729] : memref<3x4x64x128xf32, #tpu.memory_space<vmem>> -> memref<1x1x64x128xf32, #tpu.memory_space<vmem>>
    %dma_wait3A_1731 = tpu.memref_squeeze %dma_wait3A_1730 : memref<1x1x64x128xf32, #tpu.memory_space<vmem>> -> memref<64x128xf32, #tpu.memory_space<vmem>>
    %dma_wait3A_1732 = arith.constant 0 : i32
    %dma_wait3A_1733 = tpu.memref_slice %arg2[%dma_wait3A_1725, %add3A_891, %dma_wait3A_1732] : memref<50x16384x128xf32, #tpu.memory_space<hbm>> -> memref<1x64x128xf32, #tpu.memory_space<hbm>>
    %dma_wait3A_1734 = tpu.memref_squeeze %dma_wait3A_1733 : memref<1x64x128xf32, #tpu.memory_space<hbm>> -> memref<64x128xf32, #tpu.memory_space<hbm>>
    %dma_wait3A_1735 = arith.constant 0 : i32
    %dma_wait3A_1736 = arith.constant 0 : i32
    %dma_wait3A_1737 = tpu.memref_slice %arg4[%dma_wait3A_1726, %dma_wait3A_1727, %dma_wait3A_1735, %dma_wait3A_1736] : memref<3x4x64x128xf32, #tpu.memory_space<vmem>> -> memref<1x1x64x128xf32, #tpu.memory_space<vmem>>
    %dma_wait3A_1738 = tpu.memref_squeeze %dma_wait3A_1737 : memref<1x1x64x128xf32, #tpu.memory_space<vmem>> -> memref<64x128xf32, #tpu.memory_space<vmem>>
    %dma_wait3A_1739 = arith.constant 0 : i32
    %dma_wait3A_1740 = tpu.memref_slice %arg2[%dma_wait3A_1725, %add3A_891, %dma_wait3A_1739] : memref<50x16384x128xf32, #tpu.memory_space<hbm>> -> memref<1x64x128xf32, #tpu.memory_space<hbm>>
    %dma_wait3A_1741 = tpu.memref_squeeze %dma_wait3A_1740 : memref<1x64x128xf32, #tpu.memory_space<hbm>> -> memref<64x128xf32, #tpu.memory_space<hbm>>
    tpu.wait_dma2 semaphore(%arg6 : memref<!tpu.dma_semaphore, #tpu.memory_space<semaphore_mem>>) src(%dma_wait3A_1741 : memref<64x128xf32, #tpu.memory_space<hbm>>) dst(%dma_wait3A_1738 : memref<64x128xf32, #tpu.memory_space<vmem>>)
    %dma_wait3A_1742 = arith.constant 3 : i32
    %dma_wait3A_1743 = arith.constant 1 : i32
    %dma_wait3A_1744 = arith.constant 2 : i32
    %dma_wait3A_1745 = arith.constant 0 : i32
    %dma_wait3A_1746 = arith.constant 0 : i32
    %dma_wait3A_1747 = tpu.memref_slice %arg4[%dma_wait3A_1743, %dma_wait3A_1744, %dma_wait3A_1745, %dma_wait3A_1746] : memref<3x4x64x128xf32, #tpu.memory_space<vmem>> -> memref<1x1x64x128xf32, #tpu.memory_space<vmem>>
    %dma_wait3A_1748 = tpu.memref_squeeze %dma_wait3A_1747 : memref<1x1x64x128xf32, #tpu.memory_space<vmem>> -> memref<64x128xf32, #tpu.memory_space<vmem>>
    %dma_wait3A_1749 = arith.constant 0 : i32
    %dma_wait3A_1750 = tpu.memref_slice %arg2[%dma_wait3A_1742, %add3A_891, %dma_wait3A_1749] : memref<50x16384x128xf32, #tpu.memory_space<hbm>> -> memref<1x64x128xf32, #tpu.memory_space<hbm>>
    %dma_wait3A_1751 = tpu.memref_squeeze %dma_wait3A_1750 : memref<1x64x128xf32, #tpu.memory_space<hbm>> -> memref<64x128xf32, #tpu.memory_space<hbm>>
    %dma_wait3A_1752 = arith.constant 0 : i32
    %dma_wait3A_1753 = arith.constant 0 : i32
    %dma_wait3A_1754 = tpu.memref_slice %arg4[%dma_wait3A_1743, %dma_wait3A_1744, %dma_wait3A_1752, %dma_wait3A_1753] : memref<3x4x64x128xf32, #tpu.memory_space<vmem>> -> memref<1x1x64x128xf32, #tpu.memory_space<vmem>>
    %dma_wait3A_1755 = tpu.memref_squeeze %dma_wait3A_1754 : memref<1x1x64x128xf32, #tpu.memory_space<vmem>> -> memref<64x128xf32, #tpu.memory_space<vmem>>
    %dma_wait3A_1756 = arith.constant 0 : i32
    %dma_wait3A_1757 = tpu.memref_slice %arg2[%dma_wait3A_1742, %add3A_891, %dma_wait3A_1756] : memref<50x16384x128xf32, #tpu.memory_space<hbm>> -> memref<1x64x128xf32, #tpu.memory_space<hbm>>
    %dma_wait3A_1758 = tpu.memref_squeeze %dma_wait3A_1757 : memref<1x64x128xf32, #tpu.memory_space<hbm>> -> memref<64x128xf32, #tpu.memory_space<hbm>>
    tpu.wait_dma2 semaphore(%arg6 : memref<!tpu.dma_semaphore, #tpu.memory_space<semaphore_mem>>) src(%dma_wait3A_1758 : memref<64x128xf32, #tpu.memory_space<hbm>>) dst(%dma_wait3A_1755 : memref<64x128xf32, #tpu.memory_space<vmem>>)
    %dma_wait3A_1759 = arith.constant 2 : i32
    %dma_wait3A_1760 = arith.constant 1 : i32
    %dma_wait3A_1761 = arith.constant 3 : i32
    %dma_wait3A_1762 = arith.constant 0 : i32
    %dma_wait3A_1763 = arith.constant 0 : i32
    %dma_wait3A_1764 = tpu.memref_slice %arg4[%dma_wait3A_1760, %dma_wait3A_1761, %dma_wait3A_1762, %dma_wait3A_1763] : memref<3x4x64x128xf32, #tpu.memory_space<vmem>> -> memref<1x1x64x128xf32, #tpu.memory_space<vmem>>
    %dma_wait3A_1765 = tpu.memref_squeeze %dma_wait3A_1764 : memref<1x1x64x128xf32, #tpu.memory_space<vmem>> -> memref<64x128xf32, #tpu.memory_space<vmem>>
    %dma_wait3A_1766 = arith.constant 0 : i32
    %dma_wait3A_1767 = tpu.memref_slice %arg2[%dma_wait3A_1759, %add3A_891, %dma_wait3A_1766] : memref<50x16384x128xf32, #tpu.memory_space<hbm>> -> memref<1x64x128xf32, #tpu.memory_space<hbm>>
    %dma_wait3A_1768 = tpu.memref_squeeze %dma_wait3A_1767 : memref<1x64x128xf32, #tpu.memory_space<hbm>> -> memref<64x128xf32, #tpu.memory_space<hbm>>
    %dma_wait3A_1769 = arith.constant 0 : i32
    %dma_wait3A_1770 = arith.constant 0 : i32
    %dma_wait3A_1771 = tpu.memref_slice %arg4[%dma_wait3A_1760, %dma_wait3A_1761, %dma_wait3A_1769, %dma_wait3A_1770] : memref<3x4x64x128xf32, #tpu.memory_space<vmem>> -> memref<1x1x64x128xf32, #tpu.memory_space<vmem>>
    %dma_wait3A_1772 = tpu.memref_squeeze %dma_wait3A_1771 : memref<1x1x64x128xf32, #tpu.memory_space<vmem>> -> memref<64x128xf32, #tpu.memory_space<vmem>>
    %dma_wait3A_1773 = arith.constant 0 : i32
    %dma_wait3A_1774 = tpu.memref_slice %arg2[%dma_wait3A_1759, %add3A_891, %dma_wait3A_1773] : memref<50x16384x128xf32, #tpu.memory_space<hbm>> -> memref<1x64x128xf32, #tpu.memory_space<hbm>>
    %dma_wait3A_1775 = tpu.memref_squeeze %dma_wait3A_1774 : memref<1x64x128xf32, #tpu.memory_space<hbm>> -> memref<64x128xf32, #tpu.memory_space<hbm>>
    tpu.wait_dma2 semaphore(%arg6 : memref<!tpu.dma_semaphore, #tpu.memory_space<semaphore_mem>>) src(%dma_wait3A_1775 : memref<64x128xf32, #tpu.memory_space<hbm>>) dst(%dma_wait3A_1772 : memref<64x128xf32, #tpu.memory_space<vmem>>)
    %add3A_1776 = arith.constant 0 : i32
    %add3A_1777 = vector.broadcast %add3A_1776 : i32 to vector<16xi32>
    %add3A_1778 = arith.addi %add3A_1777, %iota3A : vector<16xi32>
    %add3A_1779 = arith.constant 1 : i32
    %add3A_1780 = vector.broadcast %add3A_1779 : i32 to vector<16xi32>
    %add3A_1781 = arith.addi %mul3A_5, %add3A_1780 : vector<16xi32>
    %add3A_1782 = arith.constant 0 : i32
    %add3A_1783 = vector.broadcast %add3A_1782 : i32 to vector<16xi32>
    %add3A_1784 = arith.addi %mul3A_5, %add3A_1783 : vector<16xi32>
    %add3A_1785 = arith.constant 2 : i32
    %add3A_1786 = vector.broadcast %add3A_1785 : i32 to vector<16xi32>
    %add3A_1787 = arith.addi %mul3A_5, %add3A_1786 : vector<16xi32>
    %gather3A_1788 = tpu.vector_load_idx %arg4[%add3A_1781, %add3A_1784, %add3A_1778, %add3A_1787] : memref<3x4x64x128xf32, #tpu.memory_space<vmem>>[vector<16xi32>, vector<16xi32>, vector<16xi32>, vector<16xi32>], vector<16xf32>,
    %swap3A_1789 = arith.constant 0 : i32
    %swap3A_1790 = arith.index_cast %swap3A_1789 : i32 to index
    %swap3A_1791 = arith.constant 256 : index
    %swap3A_1792 = tpu.vector_load %arg5[%swap3A_1790, %swap3A_1791] {strides = array<i32>} : memref<4x512xf32, #tpu.memory_space<vmem>>, vector<16xf32>,
    tpu.vector_store %arg5[%swap3A_1790, %swap3A_1791], %gather3A_1788 {strides = array<i32>} : memref<4x512xf32, #tpu.memory_space<vmem>>, vector<16xf32>,
    %add3A_1793 = arith.constant 1 : i32
    %add3A_1794 = vector.broadcast %add3A_1793 : i32 to vector<16xi32>
    %add3A_1795 = arith.addi %mul3A_5, %add3A_1794 : vector<16xi32>
    %add3A_1796 = arith.constant 1 : i32
    %add3A_1797 = vector.broadcast %add3A_1796 : i32 to vector<16xi32>
    %add3A_1798 = arith.addi %mul3A_5, %add3A_1797 : vector<16xi32>
    %add3A_1799 = arith.constant 3 : i32
    %add3A_1800 = vector.broadcast %add3A_1799 : i32 to vector<16xi32>
    %add3A_1801 = arith.addi %mul3A_5, %add3A_1800 : vector<16xi32>
    %gather3A_1802 = tpu.vector_load_idx %arg4[%add3A_1795, %add3A_1798, %add3A_1778, %add3A_1801] : memref<3x4x64x128xf32, #tpu.memory_space<vmem>>[vector<16xi32>, vector<16xi32>, vector<16xi32>, vector<16xi32>], vector<16xf32>,
    %swap3A_1803 = arith.constant 1 : i32
    %swap3A_1804 = arith.index_cast %swap3A_1803 : i32 to index
    %swap3A_1805 = arith.constant 256 : index
    %swap3A_1806 = tpu.vector_load %arg5[%swap3A_1804, %swap3A_1805] {strides = array<i32>} : memref<4x512xf32, #tpu.memory_space<vmem>>, vector<16xf32>,
    tpu.vector_store %arg5[%swap3A_1804, %swap3A_1805], %gather3A_1802 {strides = array<i32>} : memref<4x512xf32, #tpu.memory_space<vmem>>, vector<16xf32>,
    %add3A_1807 = arith.constant 1 : i32
    %add3A_1808 = vector.broadcast %add3A_1807 : i32 to vector<16xi32>
    %add3A_1809 = arith.addi %mul3A_5, %add3A_1808 : vector<16xi32>
    %add3A_1810 = arith.constant 2 : i32
    %add3A_1811 = vector.broadcast %add3A_1810 : i32 to vector<16xi32>
    %add3A_1812 = arith.addi %mul3A_5, %add3A_1811 : vector<16xi32>
    %add3A_1813 = arith.constant 1 : i32
    %add3A_1814 = vector.broadcast %add3A_1813 : i32 to vector<16xi32>
    %add3A_1815 = arith.addi %mul3A_5, %add3A_1814 : vector<16xi32>
    %gather3A_1816 = tpu.vector_load_idx %arg4[%add3A_1809, %add3A_1812, %add3A_1778, %add3A_1815] : memref<3x4x64x128xf32, #tpu.memory_space<vmem>>[vector<16xi32>, vector<16xi32>, vector<16xi32>, vector<16xi32>], vector<16xf32>,
    %swap3A_1817 = arith.constant 2 : i32
    %swap3A_1818 = arith.index_cast %swap3A_1817 : i32 to index
    %swap3A_1819 = arith.constant 256 : index
    %swap3A_1820 = tpu.vector_load %arg5[%swap3A_1818, %swap3A_1819] {strides = array<i32>} : memref<4x512xf32, #tpu.memory_space<vmem>>, vector<16xf32>,
    tpu.vector_store %arg5[%swap3A_1818, %swap3A_1819], %gather3A_1816 {strides = array<i32>} : memref<4x512xf32, #tpu.memory_space<vmem>>, vector<16xf32>,
    %add3A_1821 = arith.constant 1 : i32
    %add3A_1822 = vector.broadcast %add3A_1821 : i32 to vector<16xi32>
    %add3A_1823 = arith.addi %mul3A_5, %add3A_1822 : vector<16xi32>
    %add3A_1824 = arith.constant 3 : i32
    %add3A_1825 = vector.broadcast %add3A_1824 : i32 to vector<16xi32>
    %add3A_1826 = arith.addi %mul3A_5, %add3A_1825 : vector<16xi32>
    %add3A_1827 = arith.constant 1 : i32
    %add3A_1828 = vector.broadcast %add3A_1827 : i32 to vector<16xi32>
    %add3A_1829 = arith.addi %mul3A_5, %add3A_1828 : vector<16xi32>
    %gather3A_1830 = tpu.vector_load_idx %arg4[%add3A_1823, %add3A_1826, %add3A_1778, %add3A_1829] : memref<3x4x64x128xf32, #tpu.memory_space<vmem>>[vector<16xi32>, vector<16xi32>, vector<16xi32>, vector<16xi32>], vector<16xf32>,
    %swap3A_1831 = arith.constant 3 : i32
    %swap3A_1832 = arith.index_cast %swap3A_1831 : i32 to index
    %swap3A_1833 = arith.constant 256 : index
    %swap3A_1834 = tpu.vector_load %arg5[%swap3A_1832, %swap3A_1833] {strides = array<i32>} : memref<4x512xf32, #tpu.memory_space<vmem>>, vector<16xf32>,
    tpu.vector_store %arg5[%swap3A_1832, %swap3A_1833], %gather3A_1830 {strides = array<i32>} : memref<4x512xf32, #tpu.memory_space<vmem>>, vector<16xf32>,
    %add3A_1835 = arith.constant 16 : i32
    %add3A_1836 = vector.broadcast %add3A_1835 : i32 to vector<16xi32>
    %add3A_1837 = arith.addi %add3A_1836, %iota3A : vector<16xi32>
    %add3A_1838 = arith.constant 1 : i32
    %add3A_1839 = vector.broadcast %add3A_1838 : i32 to vector<16xi32>
    %add3A_1840 = arith.addi %mul3A_5, %add3A_1839 : vector<16xi32>
    %add3A_1841 = arith.constant 0 : i32
    %add3A_1842 = vector.broadcast %add3A_1841 : i32 to vector<16xi32>
    %add3A_1843 = arith.addi %mul3A_5, %add3A_1842 : vector<16xi32>
    %add3A_1844 = arith.constant 2 : i32
    %add3A_1845 = vector.broadcast %add3A_1844 : i32 to vector<16xi32>
    %add3A_1846 = arith.addi %mul3A_5, %add3A_1845 : vector<16xi32>
    %gather3A_1847 = tpu.vector_load_idx %arg4[%add3A_1840, %add3A_1843, %add3A_1837, %add3A_1846] : memref<3x4x64x128xf32, #tpu.memory_space<vmem>>[vector<16xi32>, vector<16xi32>, vector<16xi32>, vector<16xi32>], vector<16xf32>,
    %swap3A_1848 = arith.constant 0 : i32
    %swap3A_1849 = arith.index_cast %swap3A_1848 : i32 to index
    %swap3A_1850 = arith.constant 272 : index
    %swap3A_1851 = tpu.vector_load %arg5[%swap3A_1849, %swap3A_1850] {strides = array<i32>} : memref<4x512xf32, #tpu.memory_space<vmem>>, vector<16xf32>,
    tpu.vector_store %arg5[%swap3A_1849, %swap3A_1850], %gather3A_1847 {strides = array<i32>} : memref<4x512xf32, #tpu.memory_space<vmem>>, vector<16xf32>,
    %add3A_1852 = arith.constant 1 : i32
    %add3A_1853 = vector.broadcast %add3A_1852 : i32 to vector<16xi32>
    %add3A_1854 = arith.addi %mul3A_5, %add3A_1853 : vector<16xi32>
    %add3A_1855 = arith.constant 1 : i32
    %add3A_1856 = vector.broadcast %add3A_1855 : i32 to vector<16xi32>
    %add3A_1857 = arith.addi %mul3A_5, %add3A_1856 : vector<16xi32>
    %add3A_1858 = arith.constant 3 : i32
    %add3A_1859 = vector.broadcast %add3A_1858 : i32 to vector<16xi32>
    %add3A_1860 = arith.addi %mul3A_5, %add3A_1859 : vector<16xi32>
    %gather3A_1861 = tpu.vector_load_idx %arg4[%add3A_1854, %add3A_1857, %add3A_1837, %add3A_1860] : memref<3x4x64x128xf32, #tpu.memory_space<vmem>>[vector<16xi32>, vector<16xi32>, vector<16xi32>, vector<16xi32>], vector<16xf32>,
    %swap3A_1862 = arith.constant 1 : i32
    %swap3A_1863 = arith.index_cast %swap3A_1862 : i32 to index
    %swap3A_1864 = arith.constant 272 : index
    %swap3A_1865 = tpu.vector_load %arg5[%swap3A_1863, %swap3A_1864] {strides = array<i32>} : memref<4x512xf32, #tpu.memory_space<vmem>>, vector<16xf32>,
    tpu.vector_store %arg5[%swap3A_1863, %swap3A_1864], %gather3A_1861 {strides = array<i32>} : memref<4x512xf32, #tpu.memory_space<vmem>>, vector<16xf32>,
    %add3A_1866 = arith.constant 1 : i32
    %add3A_1867 = vector.broadcast %add3A_1866 : i32 to vector<16xi32>
    %add3A_1868 = arith.addi %mul3A_5, %add3A_1867 : vector<16xi32>
    %add3A_1869 = arith.constant 2 : i32
    %add3A_1870 = vector.broadcast %add3A_1869 : i32 to vector<16xi32>
    %add3A_1871 = arith.addi %mul3A_5, %add3A_1870 : vector<16xi32>
    %add3A_1872 = arith.constant 1 : i32
    %add3A_1873 = vector.broadcast %add3A_1872 : i32 to vector<16xi32>
    %add3A_1874 = arith.addi %mul3A_5, %add3A_1873 : vector<16xi32>
    %gather3A_1875 = tpu.vector_load_idx %arg4[%add3A_1868, %add3A_1871, %add3A_1837, %add3A_1874] : memref<3x4x64x128xf32, #tpu.memory_space<vmem>>[vector<16xi32>, vector<16xi32>, vector<16xi32>, vector<16xi32>], vector<16xf32>,
    %swap3A_1876 = arith.constant 2 : i32
    %swap3A_1877 = arith.index_cast %swap3A_1876 : i32 to index
    %swap3A_1878 = arith.constant 272 : index
    %swap3A_1879 = tpu.vector_load %arg5[%swap3A_1877, %swap3A_1878] {strides = array<i32>} : memref<4x512xf32, #tpu.memory_space<vmem>>, vector<16xf32>,
    tpu.vector_store %arg5[%swap3A_1877, %swap3A_1878], %gather3A_1875 {strides = array<i32>} : memref<4x512xf32, #tpu.memory_space<vmem>>, vector<16xf32>,
    %add3A_1880 = arith.constant 1 : i32
    %add3A_1881 = vector.broadcast %add3A_1880 : i32 to vector<16xi32>
    %add3A_1882 = arith.addi %mul3A_5, %add3A_1881 : vector<16xi32>
    %add3A_1883 = arith.constant 3 : i32
    %add3A_1884 = vector.broadcast %add3A_1883 : i32 to vector<16xi32>
    %add3A_1885 = arith.addi %mul3A_5, %add3A_1884 : vector<16xi32>
    %add3A_1886 = arith.constant 1 : i32
    %add3A_1887 = vector.broadcast %add3A_1886 : i32 to vector<16xi32>
    %add3A_1888 = arith.addi %mul3A_5, %add3A_1887 : vector<16xi32>
    %gather3A_1889 = tpu.vector_load_idx %arg4[%add3A_1882, %add3A_1885, %add3A_1837, %add3A_1888] : memref<3x4x64x128xf32, #tpu.memory_space<vmem>>[vector<16xi32>, vector<16xi32>, vector<16xi32>, vector<16xi32>], vector<16xf32>,
    %swap3A_1890 = arith.constant 3 : i32
    %swap3A_1891 = arith.index_cast %swap3A_1890 : i32 to index
    %swap3A_1892 = arith.constant 272 : index
    %swap3A_1893 = tpu.vector_load %arg5[%swap3A_1891, %swap3A_1892] {strides = array<i32>} : memref<4x512xf32, #tpu.memory_space<vmem>>, vector<16xf32>,
    tpu.vector_store %arg5[%swap3A_1891, %swap3A_1892], %gather3A_1889 {strides = array<i32>} : memref<4x512xf32, #tpu.memory_space<vmem>>, vector<16xf32>,
    %add3A_1894 = arith.constant 32 : i32
    %add3A_1895 = vector.broadcast %add3A_1894 : i32 to vector<16xi32>
    %add3A_1896 = arith.addi %add3A_1895, %iota3A : vector<16xi32>
    %add3A_1897 = arith.constant 1 : i32
    %add3A_1898 = vector.broadcast %add3A_1897 : i32 to vector<16xi32>
    %add3A_1899 = arith.addi %mul3A_5, %add3A_1898 : vector<16xi32>
    %add3A_1900 = arith.constant 0 : i32
    %add3A_1901 = vector.broadcast %add3A_1900 : i32 to vector<16xi32>
    %add3A_1902 = arith.addi %mul3A_5, %add3A_1901 : vector<16xi32>
    %add3A_1903 = arith.constant 2 : i32
    %add3A_1904 = vector.broadcast %add3A_1903 : i32 to vector<16xi32>
    %add3A_1905 = arith.addi %mul3A_5, %add3A_1904 : vector<16xi32>
    %gather3A_1906 = tpu.vector_load_idx %arg4[%add3A_1899, %add3A_1902, %add3A_1896, %add3A_1905] : memref<3x4x64x128xf32, #tpu.memory_space<vmem>>[vector<16xi32>, vector<16xi32>, vector<16xi32>, vector<16xi32>], vector<16xf32>,
    %swap3A_1907 = arith.constant 0 : i32
    %swap3A_1908 = arith.index_cast %swap3A_1907 : i32 to index
    %swap3A_1909 = arith.constant 288 : index
    %swap3A_1910 = tpu.vector_load %arg5[%swap3A_1908, %swap3A_1909] {strides = array<i32>} : memref<4x512xf32, #tpu.memory_space<vmem>>, vector<16xf32>,
    tpu.vector_store %arg5[%swap3A_1908, %swap3A_1909], %gather3A_1906 {strides = array<i32>} : memref<4x512xf32, #tpu.memory_space<vmem>>, vector<16xf32>,
    %add3A_1911 = arith.constant 1 : i32
    %add3A_1912 = vector.broadcast %add3A_1911 : i32 to vector<16xi32>
    %add3A_1913 = arith.addi %mul3A_5, %add3A_1912 : vector<16xi32>
    %add3A_1914 = arith.constant 1 : i32
    %add3A_1915 = vector.broadcast %add3A_1914 : i32 to vector<16xi32>
    %add3A_1916 = arith.addi %mul3A_5, %add3A_1915 : vector<16xi32>
    %add3A_1917 = arith.constant 3 : i32
    %add3A_1918 = vector.broadcast %add3A_1917 : i32 to vector<16xi32>
    %add3A_1919 = arith.addi %mul3A_5, %add3A_1918 : vector<16xi32>
    %gather3A_1920 = tpu.vector_load_idx %arg4[%add3A_1913, %add3A_1916, %add3A_1896, %add3A_1919] : memref<3x4x64x128xf32, #tpu.memory_space<vmem>>[vector<16xi32>, vector<16xi32>, vector<16xi32>, vector<16xi32>], vector<16xf32>,
    %swap3A_1921 = arith.constant 1 : i32
    %swap3A_1922 = arith.index_cast %swap3A_1921 : i32 to index
    %swap3A_1923 = arith.constant 288 : index
    %swap3A_1924 = tpu.vector_load %arg5[%swap3A_1922, %swap3A_1923] {strides = array<i32>} : memref<4x512xf32, #tpu.memory_space<vmem>>, vector<16xf32>,
    tpu.vector_store %arg5[%swap3A_1922, %swap3A_1923], %gather3A_1920 {strides = array<i32>} : memref<4x512xf32, #tpu.memory_space<vmem>>, vector<16xf32>,
    %add3A_1925 = arith.constant 1 : i32
    %add3A_1926 = vector.broadcast %add3A_1925 : i32 to vector<16xi32>
    %add3A_1927 = arith.addi %mul3A_5, %add3A_1926 : vector<16xi32>
    %add3A_1928 = arith.constant 2 : i32
    %add3A_1929 = vector.broadcast %add3A_1928 : i32 to vector<16xi32>
    %add3A_1930 = arith.addi %mul3A_5, %add3A_1929 : vector<16xi32>
    %add3A_1931 = arith.constant 1 : i32
    %add3A_1932 = vector.broadcast %add3A_1931 : i32 to vector<16xi32>
    %add3A_1933 = arith.addi %mul3A_5, %add3A_1932 : vector<16xi32>
    %gather3A_1934 = tpu.vector_load_idx %arg4[%add3A_1927, %add3A_1930, %add3A_1896, %add3A_1933] : memref<3x4x64x128xf32, #tpu.memory_space<vmem>>[vector<16xi32>, vector<16xi32>, vector<16xi32>, vector<16xi32>], vector<16xf32>,
    %swap3A_1935 = arith.constant 2 : i32
    %swap3A_1936 = arith.index_cast %swap3A_1935 : i32 to index
    %swap3A_1937 = arith.constant 288 : index
    %swap3A_1938 = tpu.vector_load %arg5[%swap3A_1936, %swap3A_1937] {strides = array<i32>} : memref<4x512xf32, #tpu.memory_space<vmem>>, vector<16xf32>,
    tpu.vector_store %arg5[%swap3A_1936, %swap3A_1937], %gather3A_1934 {strides = array<i32>} : memref<4x512xf32, #tpu.memory_space<vmem>>, vector<16xf32>,
    %add3A_1939 = arith.constant 1 : i32
    %add3A_1940 = vector.broadcast %add3A_1939 : i32 to vector<16xi32>
    %add3A_1941 = arith.addi %mul3A_5, %add3A_1940 : vector<16xi32>
    %add3A_1942 = arith.constant 3 : i32
    %add3A_1943 = vector.broadcast %add3A_1942 : i32 to vector<16xi32>
    %add3A_1944 = arith.addi %mul3A_5, %add3A_1943 : vector<16xi32>
    %add3A_1945 = arith.constant 1 : i32
    %add3A_1946 = vector.broadcast %add3A_1945 : i32 to vector<16xi32>
    %add3A_1947 = arith.addi %mul3A_5, %add3A_1946 : vector<16xi32>
    %gather3A_1948 = tpu.vector_load_idx %arg4[%add3A_1941, %add3A_1944, %add3A_1896, %add3A_1947] : memref<3x4x64x128xf32, #tpu.memory_space<vmem>>[vector<16xi32>, vector<16xi32>, vector<16xi32>, vector<16xi32>], vector<16xf32>,
    %swap3A_1949 = arith.constant 3 : i32
    %swap3A_1950 = arith.index_cast %swap3A_1949 : i32 to index
    %swap3A_1951 = arith.constant 288 : index
    %swap3A_1952 = tpu.vector_load %arg5[%swap3A_1950, %swap3A_1951] {strides = array<i32>} : memref<4x512xf32, #tpu.memory_space<vmem>>, vector<16xf32>,
    tpu.vector_store %arg5[%swap3A_1950, %swap3A_1951], %gather3A_1948 {strides = array<i32>} : memref<4x512xf32, #tpu.memory_space<vmem>>, vector<16xf32>,
    %add3A_1953 = arith.constant 48 : i32
    %add3A_1954 = vector.broadcast %add3A_1953 : i32 to vector<16xi32>
    %add3A_1955 = arith.addi %add3A_1954, %iota3A : vector<16xi32>
    %add3A_1956 = arith.constant 1 : i32
    %add3A_1957 = vector.broadcast %add3A_1956 : i32 to vector<16xi32>
    %add3A_1958 = arith.addi %mul3A_5, %add3A_1957 : vector<16xi32>
    %add3A_1959 = arith.constant 0 : i32
    %add3A_1960 = vector.broadcast %add3A_1959 : i32 to vector<16xi32>
    %add3A_1961 = arith.addi %mul3A_5, %add3A_1960 : vector<16xi32>
    %add3A_1962 = arith.constant 2 : i32
    %add3A_1963 = vector.broadcast %add3A_1962 : i32 to vector<16xi32>
    %add3A_1964 = arith.addi %mul3A_5, %add3A_1963 : vector<16xi32>
    %gather3A_1965 = tpu.vector_load_idx %arg4[%add3A_1958, %add3A_1961, %add3A_1955, %add3A_1964] : memref<3x4x64x128xf32, #tpu.memory_space<vmem>>[vector<16xi32>, vector<16xi32>, vector<16xi32>, vector<16xi32>], vector<16xf32>,
    %swap3A_1966 = arith.constant 0 : i32
    %swap3A_1967 = arith.index_cast %swap3A_1966 : i32 to index
    %swap3A_1968 = arith.constant 304 : index
    %swap3A_1969 = tpu.vector_load %arg5[%swap3A_1967, %swap3A_1968] {strides = array<i32>} : memref<4x512xf32, #tpu.memory_space<vmem>>, vector<16xf32>,
    tpu.vector_store %arg5[%swap3A_1967, %swap3A_1968], %gather3A_1965 {strides = array<i32>} : memref<4x512xf32, #tpu.memory_space<vmem>>, vector<16xf32>,
    %add3A_1970 = arith.constant 1 : i32
    %add3A_1971 = vector.broadcast %add3A_1970 : i32 to vector<16xi32>
    %add3A_1972 = arith.addi %mul3A_5, %add3A_1971 : vector<16xi32>
    %add3A_1973 = arith.constant 1 : i32
    %add3A_1974 = vector.broadcast %add3A_1973 : i32 to vector<16xi32>
    %add3A_1975 = arith.addi %mul3A_5, %add3A_1974 : vector<16xi32>
    %add3A_1976 = arith.constant 3 : i32
    %add3A_1977 = vector.broadcast %add3A_1976 : i32 to vector<16xi32>
    %add3A_1978 = arith.addi %mul3A_5, %add3A_1977 : vector<16xi32>
    %gather3A_1979 = tpu.vector_load_idx %arg4[%add3A_1972, %add3A_1975, %add3A_1955, %add3A_1978] : memref<3x4x64x128xf32, #tpu.memory_space<vmem>>[vector<16xi32>, vector<16xi32>, vector<16xi32>, vector<16xi32>], vector<16xf32>,
    %swap3A_1980 = arith.constant 1 : i32
    %swap3A_1981 = arith.index_cast %swap3A_1980 : i32 to index
    %swap3A_1982 = arith.constant 304 : index
    %swap3A_1983 = tpu.vector_load %arg5[%swap3A_1981, %swap3A_1982] {strides = array<i32>} : memref<4x512xf32, #tpu.memory_space<vmem>>, vector<16xf32>,
    tpu.vector_store %arg5[%swap3A_1981, %swap3A_1982], %gather3A_1979 {strides = array<i32>} : memref<4x512xf32, #tpu.memory_space<vmem>>, vector<16xf32>,
    %add3A_1984 = arith.constant 1 : i32
    %add3A_1985 = vector.broadcast %add3A_1984 : i32 to vector<16xi32>
    %add3A_1986 = arith.addi %mul3A_5, %add3A_1985 : vector<16xi32>
    %add3A_1987 = arith.constant 2 : i32
    %add3A_1988 = vector.broadcast %add3A_1987 : i32 to vector<16xi32>
    %add3A_1989 = arith.addi %mul3A_5, %add3A_1988 : vector<16xi32>
    %add3A_1990 = arith.constant 1 : i32
    %add3A_1991 = vector.broadcast %add3A_1990 : i32 to vector<16xi32>
    %add3A_1992 = arith.addi %mul3A_5, %add3A_1991 : vector<16xi32>
    %gather3A_1993 = tpu.vector_load_idx %arg4[%add3A_1986, %add3A_1989, %add3A_1955, %add3A_1992] : memref<3x4x64x128xf32, #tpu.memory_space<vmem>>[vector<16xi32>, vector<16xi32>, vector<16xi32>, vector<16xi32>], vector<16xf32>,
    %swap3A_1994 = arith.constant 2 : i32
    %swap3A_1995 = arith.index_cast %swap3A_1994 : i32 to index
    %swap3A_1996 = arith.constant 304 : index
    %swap3A_1997 = tpu.vector_load %arg5[%swap3A_1995, %swap3A_1996] {strides = array<i32>} : memref<4x512xf32, #tpu.memory_space<vmem>>, vector<16xf32>,
    tpu.vector_store %arg5[%swap3A_1995, %swap3A_1996], %gather3A_1993 {strides = array<i32>} : memref<4x512xf32, #tpu.memory_space<vmem>>, vector<16xf32>,
    %add3A_1998 = arith.constant 1 : i32
    %add3A_1999 = vector.broadcast %add3A_1998 : i32 to vector<16xi32>
    %add3A_2000 = arith.addi %mul3A_5, %add3A_1999 : vector<16xi32>
    %add3A_2001 = arith.constant 3 : i32
    %add3A_2002 = vector.broadcast %add3A_2001 : i32 to vector<16xi32>
    %add3A_2003 = arith.addi %mul3A_5, %add3A_2002 : vector<16xi32>
    %add3A_2004 = arith.constant 1 : i32
    %add3A_2005 = vector.broadcast %add3A_2004 : i32 to vector<16xi32>
    %add3A_2006 = arith.addi %mul3A_5, %add3A_2005 : vector<16xi32>
    %gather3A_2007 = tpu.vector_load_idx %arg4[%add3A_2000, %add3A_2003, %add3A_1955, %add3A_2006] : memref<3x4x64x128xf32, #tpu.memory_space<vmem>>[vector<16xi32>, vector<16xi32>, vector<16xi32>, vector<16xi32>], vector<16xf32>,
    %swap3A_2008 = arith.constant 3 : i32
    %swap3A_2009 = arith.index_cast %swap3A_2008 : i32 to index
    %swap3A_2010 = arith.constant 304 : index
    %swap3A_2011 = tpu.vector_load %arg5[%swap3A_2009, %swap3A_2010] {strides = array<i32>} : memref<4x512xf32, #tpu.memory_space<vmem>>, vector<16xf32>,
    tpu.vector_store %arg5[%swap3A_2009, %swap3A_2010], %gather3A_2007 {strides = array<i32>} : memref<4x512xf32, #tpu.memory_space<vmem>>, vector<16xf32>,
    %add3A_2012 = arith.constant 448 : i32
    %add3A_2013 = arith.addi %mul3A_2, %add3A_2012 : i32
    %dma_start3A_2014 = arith.constant 1 : i32
    %dma_start3A_2015 = arith.constant 1 : i32
    %dma_start3A_2016 = arith.constant 0 : i32
    %dma_start3A_2017 = arith.constant 0 : i32
    %dma_start3A_2018 = arith.constant 0 : i32
    %dma_start3A_2019 = tpu.memref_slice %arg4[%dma_start3A_2015, %dma_start3A_2016, %dma_start3A_2017, %dma_start3A_2018] : memref<3x4x64x128xf32, #tpu.memory_space<vmem>> -> memref<1x1x64x128xf32, #tpu.memory_space<vmem>>
    %dma_start3A_2020 = tpu.memref_squeeze %dma_start3A_2019 : memref<1x1x64x128xf32, #tpu.memory_space<vmem>> -> memref<64x128xf32, #tpu.memory_space<vmem>>
    %dma_start3A_2021 = arith.constant 0 : i32
    %dma_start3A_2022 = tpu.memref_slice %arg2[%dma_start3A_2014, %add3A_2013, %dma_start3A_2021] : memref<50x16384x128xf32, #tpu.memory_space<hbm>> -> memref<1x64x128xf32, #tpu.memory_space<hbm>>
    %dma_start3A_2023 = tpu.memref_squeeze %dma_start3A_2022 : memref<1x64x128xf32, #tpu.memory_space<hbm>> -> memref<64x128xf32, #tpu.memory_space<hbm>>
    %dma_start3A_2024 = arith.constant 0 : i32
    %dma_start3A_2025 = arith.constant 0 : i32
    %dma_start3A_2026 = tpu.memref_slice %arg4[%dma_start3A_2015, %dma_start3A_2016, %dma_start3A_2024, %dma_start3A_2025] : memref<3x4x64x128xf32, #tpu.memory_space<vmem>> -> memref<1x1x64x128xf32, #tpu.memory_space<vmem>>
    %dma_start3A_2027 = tpu.memref_squeeze %dma_start3A_2026 : memref<1x1x64x128xf32, #tpu.memory_space<vmem>> -> memref<64x128xf32, #tpu.memory_space<vmem>>
    %dma_start3A_2028 = arith.constant 0 : i32
    %dma_start3A_2029 = tpu.memref_slice %arg2[%dma_start3A_2014, %add3A_2013, %dma_start3A_2028] : memref<50x16384x128xf32, #tpu.memory_space<hbm>> -> memref<1x64x128xf32, #tpu.memory_space<hbm>>
    %dma_start3A_2030 = tpu.memref_squeeze %dma_start3A_2029 : memref<1x64x128xf32, #tpu.memory_space<hbm>> -> memref<64x128xf32, #tpu.memory_space<hbm>>
    tpu.enqueue_dma source(%dma_start3A_2030 : memref<64x128xf32, #tpu.memory_space<hbm>>) target(%dma_start3A_2027 : memref<64x128xf32, #tpu.memory_space<vmem>>) target_semaphore(%arg6 : memref<!tpu.dma_semaphore, #tpu.memory_space<semaphore_mem>>)
    %dma_start3A_2031 = arith.constant 5 : i32
    %dma_start3A_2032 = arith.constant 1 : i32
    %dma_start3A_2033 = arith.constant 1 : i32
    %dma_start3A_2034 = arith.constant 0 : i32
    %dma_start3A_2035 = arith.constant 0 : i32
    %dma_start3A_2036 = tpu.memref_slice %arg4[%dma_start3A_2032, %dma_start3A_2033, %dma_start3A_2034, %dma_start3A_2035] : memref<3x4x64x128xf32, #tpu.memory_space<vmem>> -> memref<1x1x64x128xf32, #tpu.memory_space<vmem>>
    %dma_start3A_2037 = tpu.memref_squeeze %dma_start3A_2036 : memref<1x1x64x128xf32, #tpu.memory_space<vmem>> -> memref<64x128xf32, #tpu.memory_space<vmem>>
    %dma_start3A_2038 = arith.constant 0 : i32
    %dma_start3A_2039 = tpu.memref_slice %arg2[%dma_start3A_2031, %add3A_2013, %dma_start3A_2038] : memref<50x16384x128xf32, #tpu.memory_space<hbm>> -> memref<1x64x128xf32, #tpu.memory_space<hbm>>
    %dma_start3A_2040 = tpu.memref_squeeze %dma_start3A_2039 : memref<1x64x128xf32, #tpu.memory_space<hbm>> -> memref<64x128xf32, #tpu.memory_space<hbm>>
    %dma_start3A_2041 = arith.constant 0 : i32
    %dma_start3A_2042 = arith.constant 0 : i32
    %dma_start3A_2043 = tpu.memref_slice %arg4[%dma_start3A_2032, %dma_start3A_2033, %dma_start3A_2041, %dma_start3A_2042] : memref<3x4x64x128xf32, #tpu.memory_space<vmem>> -> memref<1x1x64x128xf32, #tpu.memory_space<vmem>>
    %dma_start3A_2044 = tpu.memref_squeeze %dma_start3A_2043 : memref<1x1x64x128xf32, #tpu.memory_space<vmem>> -> memref<64x128xf32, #tpu.memory_space<vmem>>
    %dma_start3A_2045 = arith.constant 0 : i32
    %dma_start3A_2046 = tpu.memref_slice %arg2[%dma_start3A_2031, %add3A_2013, %dma_start3A_2045] : memref<50x16384x128xf32, #tpu.memory_space<hbm>> -> memref<1x64x128xf32, #tpu.memory_space<hbm>>
    %dma_start3A_2047 = tpu.memref_squeeze %dma_start3A_2046 : memref<1x64x128xf32, #tpu.memory_space<hbm>> -> memref<64x128xf32, #tpu.memory_space<hbm>>
    tpu.enqueue_dma source(%dma_start3A_2047 : memref<64x128xf32, #tpu.memory_space<hbm>>) target(%dma_start3A_2044 : memref<64x128xf32, #tpu.memory_space<vmem>>) target_semaphore(%arg6 : memref<!tpu.dma_semaphore, #tpu.memory_space<semaphore_mem>>)
    %dma_start3A_2048 = arith.constant 3 : i32
    %dma_start3A_2049 = arith.constant 1 : i32
    %dma_start3A_2050 = arith.constant 2 : i32
    %dma_start3A_2051 = arith.constant 0 : i32
    %dma_start3A_2052 = arith.constant 0 : i32
    %dma_start3A_2053 = tpu.memref_slice %arg4[%dma_start3A_2049, %dma_start3A_2050, %dma_start3A_2051, %dma_start3A_2052] : memref<3x4x64x128xf32, #tpu.memory_space<vmem>> -> memref<1x1x64x128xf32, #tpu.memory_space<vmem>>
    %dma_start3A_2054 = tpu.memref_squeeze %dma_start3A_2053 : memref<1x1x64x128xf32, #tpu.memory_space<vmem>> -> memref<64x128xf32, #tpu.memory_space<vmem>>
    %dma_start3A_2055 = arith.constant 0 : i32
    %dma_start3A_2056 = tpu.memref_slice %arg2[%dma_start3A_2048, %add3A_2013, %dma_start3A_2055] : memref<50x16384x128xf32, #tpu.memory_space<hbm>> -> memref<1x64x128xf32, #tpu.memory_space<hbm>>
    %dma_start3A_2057 = tpu.memref_squeeze %dma_start3A_2056 : memref<1x64x128xf32, #tpu.memory_space<hbm>> -> memref<64x128xf32, #tpu.memory_space<hbm>>
    %dma_start3A_2058 = arith.constant 0 : i32
    %dma_start3A_2059 = arith.constant 0 : i32
    %dma_start3A_2060 = tpu.memref_slice %arg4[%dma_start3A_2049, %dma_start3A_2050, %dma_start3A_2058, %dma_start3A_2059] : memref<3x4x64x128xf32, #tpu.memory_space<vmem>> -> memref<1x1x64x128xf32, #tpu.memory_space<vmem>>
    %dma_start3A_2061 = tpu.memref_squeeze %dma_start3A_2060 : memref<1x1x64x128xf32, #tpu.memory_space<vmem>> -> memref<64x128xf32, #tpu.memory_space<vmem>>
    %dma_start3A_2062 = arith.constant 0 : i32
    %dma_start3A_2063 = tpu.memref_slice %arg2[%dma_start3A_2048, %add3A_2013, %dma_start3A_2062] : memref<50x16384x128xf32, #tpu.memory_space<hbm>> -> memref<1x64x128xf32, #tpu.memory_space<hbm>>
    %dma_start3A_2064 = tpu.memref_squeeze %dma_start3A_2063 : memref<1x64x128xf32, #tpu.memory_space<hbm>> -> memref<64x128xf32, #tpu.memory_space<hbm>>
    tpu.enqueue_dma source(%dma_start3A_2064 : memref<64x128xf32, #tpu.memory_space<hbm>>) target(%dma_start3A_2061 : memref<64x128xf32, #tpu.memory_space<vmem>>) target_semaphore(%arg6 : memref<!tpu.dma_semaphore, #tpu.memory_space<semaphore_mem>>)
    %dma_start3A_2065 = arith.constant 2 : i32
    %dma_start3A_2066 = arith.constant 1 : i32
    %dma_start3A_2067 = arith.constant 3 : i32
    %dma_start3A_2068 = arith.constant 0 : i32
    %dma_start3A_2069 = arith.constant 0 : i32
    %dma_start3A_2070 = tpu.memref_slice %arg4[%dma_start3A_2066, %dma_start3A_2067, %dma_start3A_2068, %dma_start3A_2069] : memref<3x4x64x128xf32, #tpu.memory_space<vmem>> -> memref<1x1x64x128xf32, #tpu.memory_space<vmem>>
    %dma_start3A_2071 = tpu.memref_squeeze %dma_start3A_2070 : memref<1x1x64x128xf32, #tpu.memory_space<vmem>> -> memref<64x128xf32, #tpu.memory_space<vmem>>
    %dma_start3A_2072 = arith.constant 0 : i32
    %dma_start3A_2073 = tpu.memref_slice %arg2[%dma_start3A_2065, %add3A_2013, %dma_start3A_2072] : memref<50x16384x128xf32, #tpu.memory_space<hbm>> -> memref<1x64x128xf32, #tpu.memory_space<hbm>>
    %dma_start3A_2074 = tpu.memref_squeeze %dma_start3A_2073 : memref<1x64x128xf32, #tpu.memory_space<hbm>> -> memref<64x128xf32, #tpu.memory_space<hbm>>
    %dma_start3A_2075 = arith.constant 0 : i32
    %dma_start3A_2076 = arith.constant 0 : i32
    %dma_start3A_2077 = tpu.memref_slice %arg4[%dma_start3A_2066, %dma_start3A_2067, %dma_start3A_2075, %dma_start3A_2076] : memref<3x4x64x128xf32, #tpu.memory_space<vmem>> -> memref<1x1x64x128xf32, #tpu.memory_space<vmem>>
    %dma_start3A_2078 = tpu.memref_squeeze %dma_start3A_2077 : memref<1x1x64x128xf32, #tpu.memory_space<vmem>> -> memref<64x128xf32, #tpu.memory_space<vmem>>
    %dma_start3A_2079 = arith.constant 0 : i32
    %dma_start3A_2080 = tpu.memref_slice %arg2[%dma_start3A_2065, %add3A_2013, %dma_start3A_2079] : memref<50x16384x128xf32, #tpu.memory_space<hbm>> -> memref<1x64x128xf32, #tpu.memory_space<hbm>>
    %dma_start3A_2081 = tpu.memref_squeeze %dma_start3A_2080 : memref<1x64x128xf32, #tpu.memory_space<hbm>> -> memref<64x128xf32, #tpu.memory_space<hbm>>
    tpu.enqueue_dma source(%dma_start3A_2081 : memref<64x128xf32, #tpu.memory_space<hbm>>) target(%dma_start3A_2078 : memref<64x128xf32, #tpu.memory_space<vmem>>) target_semaphore(%arg6 : memref<!tpu.dma_semaphore, #tpu.memory_space<semaphore_mem>>)
    %dma_wait3A_2082 = arith.constant 1 : i32
    %dma_wait3A_2083 = arith.constant 2 : i32
    %dma_wait3A_2084 = arith.constant 0 : i32
    %dma_wait3A_2085 = arith.constant 0 : i32
    %dma_wait3A_2086 = arith.constant 0 : i32
    %dma_wait3A_2087 = tpu.memref_slice %arg4[%dma_wait3A_2083, %dma_wait3A_2084, %dma_wait3A_2085, %dma_wait3A_2086] : memref<3x4x64x128xf32, #tpu.memory_space<vmem>> -> memref<1x1x64x128xf32, #tpu.memory_space<vmem>>
    %dma_wait3A_2088 = tpu.memref_squeeze %dma_wait3A_2087 : memref<1x1x64x128xf32, #tpu.memory_space<vmem>> -> memref<64x128xf32, #tpu.memory_space<vmem>>
    %dma_wait3A_2089 = arith.constant 0 : i32
    %dma_wait3A_2090 = tpu.memref_slice %arg2[%dma_wait3A_2082, %add3A_1265, %dma_wait3A_2089] : memref<50x16384x128xf32, #tpu.memory_space<hbm>> -> memref<1x64x128xf32, #tpu.memory_space<hbm>>
    %dma_wait3A_2091 = tpu.memref_squeeze %dma_wait3A_2090 : memref<1x64x128xf32, #tpu.memory_space<hbm>> -> memref<64x128xf32, #tpu.memory_space<hbm>>
    %dma_wait3A_2092 = arith.constant 0 : i32
    %dma_wait3A_2093 = arith.constant 0 : i32
    %dma_wait3A_2094 = tpu.memref_slice %arg4[%dma_wait3A_2083, %dma_wait3A_2084, %dma_wait3A_2092, %dma_wait3A_2093] : memref<3x4x64x128xf32, #tpu.memory_space<vmem>> -> memref<1x1x64x128xf32, #tpu.memory_space<vmem>>
    %dma_wait3A_2095 = tpu.memref_squeeze %dma_wait3A_2094 : memref<1x1x64x128xf32, #tpu.memory_space<vmem>> -> memref<64x128xf32, #tpu.memory_space<vmem>>
    %dma_wait3A_2096 = arith.constant 0 : i32
    %dma_wait3A_2097 = tpu.memref_slice %arg2[%dma_wait3A_2082, %add3A_1265, %dma_wait3A_2096] : memref<50x16384x128xf32, #tpu.memory_space<hbm>> -> memref<1x64x128xf32, #tpu.memory_space<hbm>>
    %dma_wait3A_2098 = tpu.memref_squeeze %dma_wait3A_2097 : memref<1x64x128xf32, #tpu.memory_space<hbm>> -> memref<64x128xf32, #tpu.memory_space<hbm>>
    tpu.wait_dma2 semaphore(%arg6 : memref<!tpu.dma_semaphore, #tpu.memory_space<semaphore_mem>>) src(%dma_wait3A_2098 : memref<64x128xf32, #tpu.memory_space<hbm>>) dst(%dma_wait3A_2095 : memref<64x128xf32, #tpu.memory_space<vmem>>)
    %dma_wait3A_2099 = arith.constant 5 : i32
    %dma_wait3A_2100 = arith.constant 2 : i32
    %dma_wait3A_2101 = arith.constant 1 : i32
    %dma_wait3A_2102 = arith.constant 0 : i32
    %dma_wait3A_2103 = arith.constant 0 : i32
    %dma_wait3A_2104 = tpu.memref_slice %arg4[%dma_wait3A_2100, %dma_wait3A_2101, %dma_wait3A_2102, %dma_wait3A_2103] : memref<3x4x64x128xf32, #tpu.memory_space<vmem>> -> memref<1x1x64x128xf32, #tpu.memory_space<vmem>>
    %dma_wait3A_2105 = tpu.memref_squeeze %dma_wait3A_2104 : memref<1x1x64x128xf32, #tpu.memory_space<vmem>> -> memref<64x128xf32, #tpu.memory_space<vmem>>
    %dma_wait3A_2106 = arith.constant 0 : i32
    %dma_wait3A_2107 = tpu.memref_slice %arg2[%dma_wait3A_2099, %add3A_1265, %dma_wait3A_2106] : memref<50x16384x128xf32, #tpu.memory_space<hbm>> -> memref<1x64x128xf32, #tpu.memory_space<hbm>>
    %dma_wait3A_2108 = tpu.memref_squeeze %dma_wait3A_2107 : memref<1x64x128xf32, #tpu.memory_space<hbm>> -> memref<64x128xf32, #tpu.memory_space<hbm>>
    %dma_wait3A_2109 = arith.constant 0 : i32
    %dma_wait3A_2110 = arith.constant 0 : i32
    %dma_wait3A_2111 = tpu.memref_slice %arg4[%dma_wait3A_2100, %dma_wait3A_2101, %dma_wait3A_2109, %dma_wait3A_2110] : memref<3x4x64x128xf32, #tpu.memory_space<vmem>> -> memref<1x1x64x128xf32, #tpu.memory_space<vmem>>
    %dma_wait3A_2112 = tpu.memref_squeeze %dma_wait3A_2111 : memref<1x1x64x128xf32, #tpu.memory_space<vmem>> -> memref<64x128xf32, #tpu.memory_space<vmem>>
    %dma_wait3A_2113 = arith.constant 0 : i32
    %dma_wait3A_2114 = tpu.memref_slice %arg2[%dma_wait3A_2099, %add3A_1265, %dma_wait3A_2113] : memref<50x16384x128xf32, #tpu.memory_space<hbm>> -> memref<1x64x128xf32, #tpu.memory_space<hbm>>
    %dma_wait3A_2115 = tpu.memref_squeeze %dma_wait3A_2114 : memref<1x64x128xf32, #tpu.memory_space<hbm>> -> memref<64x128xf32, #tpu.memory_space<hbm>>
    tpu.wait_dma2 semaphore(%arg6 : memref<!tpu.dma_semaphore, #tpu.memory_space<semaphore_mem>>) src(%dma_wait3A_2115 : memref<64x128xf32, #tpu.memory_space<hbm>>) dst(%dma_wait3A_2112 : memref<64x128xf32, #tpu.memory_space<vmem>>)
    %dma_wait3A_2116 = arith.constant 3 : i32
    %dma_wait3A_2117 = arith.constant 2 : i32
    %dma_wait3A_2118 = arith.constant 2 : i32
    %dma_wait3A_2119 = arith.constant 0 : i32
    %dma_wait3A_2120 = arith.constant 0 : i32
    %dma_wait3A_2121 = tpu.memref_slice %arg4[%dma_wait3A_2117, %dma_wait3A_2118, %dma_wait3A_2119, %dma_wait3A_2120] : memref<3x4x64x128xf32, #tpu.memory_space<vmem>> -> memref<1x1x64x128xf32, #tpu.memory_space<vmem>>
    %dma_wait3A_2122 = tpu.memref_squeeze %dma_wait3A_2121 : memref<1x1x64x128xf32, #tpu.memory_space<vmem>> -> memref<64x128xf32, #tpu.memory_space<vmem>>
    %dma_wait3A_2123 = arith.constant 0 : i32
    %dma_wait3A_2124 = tpu.memref_slice %arg2[%dma_wait3A_2116, %add3A_1265, %dma_wait3A_2123] : memref<50x16384x128xf32, #tpu.memory_space<hbm>> -> memref<1x64x128xf32, #tpu.memory_space<hbm>>
    %dma_wait3A_2125 = tpu.memref_squeeze %dma_wait3A_2124 : memref<1x64x128xf32, #tpu.memory_space<hbm>> -> memref<64x128xf32, #tpu.memory_space<hbm>>
    %dma_wait3A_2126 = arith.constant 0 : i32
    %dma_wait3A_2127 = arith.constant 0 : i32
    %dma_wait3A_2128 = tpu.memref_slice %arg4[%dma_wait3A_2117, %dma_wait3A_2118, %dma_wait3A_2126, %dma_wait3A_2127] : memref<3x4x64x128xf32, #tpu.memory_space<vmem>> -> memref<1x1x64x128xf32, #tpu.memory_space<vmem>>
    %dma_wait3A_2129 = tpu.memref_squeeze %dma_wait3A_2128 : memref<1x1x64x128xf32, #tpu.memory_space<vmem>> -> memref<64x128xf32, #tpu.memory_space<vmem>>
    %dma_wait3A_2130 = arith.constant 0 : i32
    %dma_wait3A_2131 = tpu.memref_slice %arg2[%dma_wait3A_2116, %add3A_1265, %dma_wait3A_2130] : memref<50x16384x128xf32, #tpu.memory_space<hbm>> -> memref<1x64x128xf32, #tpu.memory_space<hbm>>
    %dma_wait3A_2132 = tpu.memref_squeeze %dma_wait3A_2131 : memref<1x64x128xf32, #tpu.memory_space<hbm>> -> memref<64x128xf32, #tpu.memory_space<hbm>>
    tpu.wait_dma2 semaphore(%arg6 : memref<!tpu.dma_semaphore, #tpu.memory_space<semaphore_mem>>) src(%dma_wait3A_2132 : memref<64x128xf32, #tpu.memory_space<hbm>>) dst(%dma_wait3A_2129 : memref<64x128xf32, #tpu.memory_space<vmem>>)
    %dma_wait3A_2133 = arith.constant 2 : i32
    %dma_wait3A_2134 = arith.constant 2 : i32
    %dma_wait3A_2135 = arith.constant 3 : i32
    %dma_wait3A_2136 = arith.constant 0 : i32
    %dma_wait3A_2137 = arith.constant 0 : i32
    %dma_wait3A_2138 = tpu.memref_slice %arg4[%dma_wait3A_2134, %dma_wait3A_2135, %dma_wait3A_2136, %dma_wait3A_2137] : memref<3x4x64x128xf32, #tpu.memory_space<vmem>> -> memref<1x1x64x128xf32, #tpu.memory_space<vmem>>
    %dma_wait3A_2139 = tpu.memref_squeeze %dma_wait3A_2138 : memref<1x1x64x128xf32, #tpu.memory_space<vmem>> -> memref<64x128xf32, #tpu.memory_space<vmem>>
    %dma_wait3A_2140 = arith.constant 0 : i32
    %dma_wait3A_2141 = tpu.memref_slice %arg2[%dma_wait3A_2133, %add3A_1265, %dma_wait3A_2140] : memref<50x16384x128xf32, #tpu.memory_space<hbm>> -> memref<1x64x128xf32, #tpu.memory_space<hbm>>
    %dma_wait3A_2142 = tpu.memref_squeeze %dma_wait3A_2141 : memref<1x64x128xf32, #tpu.memory_space<hbm>> -> memref<64x128xf32, #tpu.memory_space<hbm>>
    %dma_wait3A_2143 = arith.constant 0 : i32
    %dma_wait3A_2144 = arith.constant 0 : i32
    %dma_wait3A_2145 = tpu.memref_slice %arg4[%dma_wait3A_2134, %dma_wait3A_2135, %dma_wait3A_2143, %dma_wait3A_2144] : memref<3x4x64x128xf32, #tpu.memory_space<vmem>> -> memref<1x1x64x128xf32, #tpu.memory_space<vmem>>
    %dma_wait3A_2146 = tpu.memref_squeeze %dma_wait3A_2145 : memref<1x1x64x128xf32, #tpu.memory_space<vmem>> -> memref<64x128xf32, #tpu.memory_space<vmem>>
    %dma_wait3A_2147 = arith.constant 0 : i32
    %dma_wait3A_2148 = tpu.memref_slice %arg2[%dma_wait3A_2133, %add3A_1265, %dma_wait3A_2147] : memref<50x16384x128xf32, #tpu.memory_space<hbm>> -> memref<1x64x128xf32, #tpu.memory_space<hbm>>
    %dma_wait3A_2149 = tpu.memref_squeeze %dma_wait3A_2148 : memref<1x64x128xf32, #tpu.memory_space<hbm>> -> memref<64x128xf32, #tpu.memory_space<hbm>>
    tpu.wait_dma2 semaphore(%arg6 : memref<!tpu.dma_semaphore, #tpu.memory_space<semaphore_mem>>) src(%dma_wait3A_2149 : memref<64x128xf32, #tpu.memory_space<hbm>>) dst(%dma_wait3A_2146 : memref<64x128xf32, #tpu.memory_space<vmem>>)
    %add3A_2150 = arith.constant 0 : i32
    %add3A_2151 = vector.broadcast %add3A_2150 : i32 to vector<16xi32>
    %add3A_2152 = arith.addi %add3A_2151, %iota3A : vector<16xi32>
    %add3A_2153 = arith.constant 2 : i32
    %add3A_2154 = vector.broadcast %add3A_2153 : i32 to vector<16xi32>
    %add3A_2155 = arith.addi %mul3A_5, %add3A_2154 : vector<16xi32>
    %add3A_2156 = arith.constant 0 : i32
    %add3A_2157 = vector.broadcast %add3A_2156 : i32 to vector<16xi32>
    %add3A_2158 = arith.addi %mul3A_5, %add3A_2157 : vector<16xi32>
    %add3A_2159 = arith.constant 2 : i32
    %add3A_2160 = vector.broadcast %add3A_2159 : i32 to vector<16xi32>
    %add3A_2161 = arith.addi %mul3A_5, %add3A_2160 : vector<16xi32>
    %gather3A_2162 = tpu.vector_load_idx %arg4[%add3A_2155, %add3A_2158, %add3A_2152, %add3A_2161] : memref<3x4x64x128xf32, #tpu.memory_space<vmem>>[vector<16xi32>, vector<16xi32>, vector<16xi32>, vector<16xi32>], vector<16xf32>,
    %swap3A_2163 = arith.constant 0 : i32
    %swap3A_2164 = arith.index_cast %swap3A_2163 : i32 to index
    %swap3A_2165 = arith.constant 320 : index
    %swap3A_2166 = tpu.vector_load %arg5[%swap3A_2164, %swap3A_2165] {strides = array<i32>} : memref<4x512xf32, #tpu.memory_space<vmem>>, vector<16xf32>,
    tpu.vector_store %arg5[%swap3A_2164, %swap3A_2165], %gather3A_2162 {strides = array<i32>} : memref<4x512xf32, #tpu.memory_space<vmem>>, vector<16xf32>,
    %add3A_2167 = arith.constant 2 : i32
    %add3A_2168 = vector.broadcast %add3A_2167 : i32 to vector<16xi32>
    %add3A_2169 = arith.addi %mul3A_5, %add3A_2168 : vector<16xi32>
    %add3A_2170 = arith.constant 1 : i32
    %add3A_2171 = vector.broadcast %add3A_2170 : i32 to vector<16xi32>
    %add3A_2172 = arith.addi %mul3A_5, %add3A_2171 : vector<16xi32>
    %add3A_2173 = arith.constant 3 : i32
    %add3A_2174 = vector.broadcast %add3A_2173 : i32 to vector<16xi32>
    %add3A_2175 = arith.addi %mul3A_5, %add3A_2174 : vector<16xi32>
    %gather3A_2176 = tpu.vector_load_idx %arg4[%add3A_2169, %add3A_2172, %add3A_2152, %add3A_2175] : memref<3x4x64x128xf32, #tpu.memory_space<vmem>>[vector<16xi32>, vector<16xi32>, vector<16xi32>, vector<16xi32>], vector<16xf32>,
    %swap3A_2177 = arith.constant 1 : i32
    %swap3A_2178 = arith.index_cast %swap3A_2177 : i32 to index
    %swap3A_2179 = arith.constant 320 : index
    %swap3A_2180 = tpu.vector_load %arg5[%swap3A_2178, %swap3A_2179] {strides = array<i32>} : memref<4x512xf32, #tpu.memory_space<vmem>>, vector<16xf32>,
    tpu.vector_store %arg5[%swap3A_2178, %swap3A_2179], %gather3A_2176 {strides = array<i32>} : memref<4x512xf32, #tpu.memory_space<vmem>>, vector<16xf32>,
    %add3A_2181 = arith.constant 2 : i32
    %add3A_2182 = vector.broadcast %add3A_2181 : i32 to vector<16xi32>
    %add3A_2183 = arith.addi %mul3A_5, %add3A_2182 : vector<16xi32>
    %add3A_2184 = arith.constant 2 : i32
    %add3A_2185 = vector.broadcast %add3A_2184 : i32 to vector<16xi32>
    %add3A_2186 = arith.addi %mul3A_5, %add3A_2185 : vector<16xi32>
    %add3A_2187 = arith.constant 1 : i32
    %add3A_2188 = vector.broadcast %add3A_2187 : i32 to vector<16xi32>
    %add3A_2189 = arith.addi %mul3A_5, %add3A_2188 : vector<16xi32>
    %gather3A_2190 = tpu.vector_load_idx %arg4[%add3A_2183, %add3A_2186, %add3A_2152, %add3A_2189] : memref<3x4x64x128xf32, #tpu.memory_space<vmem>>[vector<16xi32>, vector<16xi32>, vector<16xi32>, vector<16xi32>], vector<16xf32>,
    %swap3A_2191 = arith.constant 2 : i32
    %swap3A_2192 = arith.index_cast %swap3A_2191 : i32 to index
    %swap3A_2193 = arith.constant 320 : index
    %swap3A_2194 = tpu.vector_load %arg5[%swap3A_2192, %swap3A_2193] {strides = array<i32>} : memref<4x512xf32, #tpu.memory_space<vmem>>, vector<16xf32>,
    tpu.vector_store %arg5[%swap3A_2192, %swap3A_2193], %gather3A_2190 {strides = array<i32>} : memref<4x512xf32, #tpu.memory_space<vmem>>, vector<16xf32>,
    %add3A_2195 = arith.constant 2 : i32
    %add3A_2196 = vector.broadcast %add3A_2195 : i32 to vector<16xi32>
    %add3A_2197 = arith.addi %mul3A_5, %add3A_2196 : vector<16xi32>
    %add3A_2198 = arith.constant 3 : i32
    %add3A_2199 = vector.broadcast %add3A_2198 : i32 to vector<16xi32>
    %add3A_2200 = arith.addi %mul3A_5, %add3A_2199 : vector<16xi32>
    %add3A_2201 = arith.constant 1 : i32
    %add3A_2202 = vector.broadcast %add3A_2201 : i32 to vector<16xi32>
    %add3A_2203 = arith.addi %mul3A_5, %add3A_2202 : vector<16xi32>
    %gather3A_2204 = tpu.vector_load_idx %arg4[%add3A_2197, %add3A_2200, %add3A_2152, %add3A_2203] : memref<3x4x64x128xf32, #tpu.memory_space<vmem>>[vector<16xi32>, vector<16xi32>, vector<16xi32>, vector<16xi32>], vector<16xf32>,
    %swap3A_2205 = arith.constant 3 : i32
    %swap3A_2206 = arith.index_cast %swap3A_2205 : i32 to index
    %swap3A_2207 = arith.constant 320 : index
    %swap3A_2208 = tpu.vector_load %arg5[%swap3A_2206, %swap3A_2207] {strides = array<i32>} : memref<4x512xf32, #tpu.memory_space<vmem>>, vector<16xf32>,
    tpu.vector_store %arg5[%swap3A_2206, %swap3A_2207], %gather3A_2204 {strides = array<i32>} : memref<4x512xf32, #tpu.memory_space<vmem>>, vector<16xf32>,
    %add3A_2209 = arith.constant 16 : i32
    %add3A_2210 = vector.broadcast %add3A_2209 : i32 to vector<16xi32>
    %add3A_2211 = arith.addi %add3A_2210, %iota3A : vector<16xi32>
    %add3A_2212 = arith.constant 2 : i32
    %add3A_2213 = vector.broadcast %add3A_2212 : i32 to vector<16xi32>
    %add3A_2214 = arith.addi %mul3A_5, %add3A_2213 : vector<16xi32>
    %add3A_2215 = arith.constant 0 : i32
    %add3A_2216 = vector.broadcast %add3A_2215 : i32 to vector<16xi32>
    %add3A_2217 = arith.addi %mul3A_5, %add3A_2216 : vector<16xi32>
    %add3A_2218 = arith.constant 2 : i32
    %add3A_2219 = vector.broadcast %add3A_2218 : i32 to vector<16xi32>
    %add3A_2220 = arith.addi %mul3A_5, %add3A_2219 : vector<16xi32>
    %gather3A_2221 = tpu.vector_load_idx %arg4[%add3A_2214, %add3A_2217, %add3A_2211, %add3A_2220] : memref<3x4x64x128xf32, #tpu.memory_space<vmem>>[vector<16xi32>, vector<16xi32>, vector<16xi32>, vector<16xi32>], vector<16xf32>,
    %swap3A_2222 = arith.constant 0 : i32
    %swap3A_2223 = arith.index_cast %swap3A_2222 : i32 to index
    %swap3A_2224 = arith.constant 336 : index
    %swap3A_2225 = tpu.vector_load %arg5[%swap3A_2223, %swap3A_2224] {strides = array<i32>} : memref<4x512xf32, #tpu.memory_space<vmem>>, vector<16xf32>,
    tpu.vector_store %arg5[%swap3A_2223, %swap3A_2224], %gather3A_2221 {strides = array<i32>} : memref<4x512xf32, #tpu.memory_space<vmem>>, vector<16xf32>,
    %add3A_2226 = arith.constant 2 : i32
    %add3A_2227 = vector.broadcast %add3A_2226 : i32 to vector<16xi32>
    %add3A_2228 = arith.addi %mul3A_5, %add3A_2227 : vector<16xi32>
    %add3A_2229 = arith.constant 1 : i32
    %add3A_2230 = vector.broadcast %add3A_2229 : i32 to vector<16xi32>
    %add3A_2231 = arith.addi %mul3A_5, %add3A_2230 : vector<16xi32>
    %add3A_2232 = arith.constant 3 : i32
    %add3A_2233 = vector.broadcast %add3A_2232 : i32 to vector<16xi32>
    %add3A_2234 = arith.addi %mul3A_5, %add3A_2233 : vector<16xi32>
    %gather3A_2235 = tpu.vector_load_idx %arg4[%add3A_2228, %add3A_2231, %add3A_2211, %add3A_2234] : memref<3x4x64x128xf32, #tpu.memory_space<vmem>>[vector<16xi32>, vector<16xi32>, vector<16xi32>, vector<16xi32>], vector<16xf32>,
    %swap3A_2236 = arith.constant 1 : i32
    %swap3A_2237 = arith.index_cast %swap3A_2236 : i32 to index
    %swap3A_2238 = arith.constant 336 : index
    %swap3A_2239 = tpu.vector_load %arg5[%swap3A_2237, %swap3A_2238] {strides = array<i32>} : memref<4x512xf32, #tpu.memory_space<vmem>>, vector<16xf32>,
    tpu.vector_store %arg5[%swap3A_2237, %swap3A_2238], %gather3A_2235 {strides = array<i32>} : memref<4x512xf32, #tpu.memory_space<vmem>>, vector<16xf32>,
    %add3A_2240 = arith.constant 2 : i32
    %add3A_2241 = vector.broadcast %add3A_2240 : i32 to vector<16xi32>
    %add3A_2242 = arith.addi %mul3A_5, %add3A_2241 : vector<16xi32>
    %add3A_2243 = arith.constant 2 : i32
    %add3A_2244 = vector.broadcast %add3A_2243 : i32 to vector<16xi32>
    %add3A_2245 = arith.addi %mul3A_5, %add3A_2244 : vector<16xi32>
    %add3A_2246 = arith.constant 1 : i32
    %add3A_2247 = vector.broadcast %add3A_2246 : i32 to vector<16xi32>
    %add3A_2248 = arith.addi %mul3A_5, %add3A_2247 : vector<16xi32>
    %gather3A_2249 = tpu.vector_load_idx %arg4[%add3A_2242, %add3A_2245, %add3A_2211, %add3A_2248] : memref<3x4x64x128xf32, #tpu.memory_space<vmem>>[vector<16xi32>, vector<16xi32>, vector<16xi32>, vector<16xi32>], vector<16xf32>,
    %swap3A_2250 = arith.constant 2 : i32
    %swap3A_2251 = arith.index_cast %swap3A_2250 : i32 to index
    %swap3A_2252 = arith.constant 336 : index
    %swap3A_2253 = tpu.vector_load %arg5[%swap3A_2251, %swap3A_2252] {strides = array<i32>} : memref<4x512xf32, #tpu.memory_space<vmem>>, vector<16xf32>,
    tpu.vector_store %arg5[%swap3A_2251, %swap3A_2252], %gather3A_2249 {strides = array<i32>} : memref<4x512xf32, #tpu.memory_space<vmem>>, vector<16xf32>,
    %add3A_2254 = arith.constant 2 : i32
    %add3A_2255 = vector.broadcast %add3A_2254 : i32 to vector<16xi32>
    %add3A_2256 = arith.addi %mul3A_5, %add3A_2255 : vector<16xi32>
    %add3A_2257 = arith.constant 3 : i32
    %add3A_2258 = vector.broadcast %add3A_2257 : i32 to vector<16xi32>
    %add3A_2259 = arith.addi %mul3A_5, %add3A_2258 : vector<16xi32>
    %add3A_2260 = arith.constant 1 : i32
    %add3A_2261 = vector.broadcast %add3A_2260 : i32 to vector<16xi32>
    %add3A_2262 = arith.addi %mul3A_5, %add3A_2261 : vector<16xi32>
    %gather3A_2263 = tpu.vector_load_idx %arg4[%add3A_2256, %add3A_2259, %add3A_2211, %add3A_2262] : memref<3x4x64x128xf32, #tpu.memory_space<vmem>>[vector<16xi32>, vector<16xi32>, vector<16xi32>, vector<16xi32>], vector<16xf32>,
    %swap3A_2264 = arith.constant 3 : i32
    %swap3A_2265 = arith.index_cast %swap3A_2264 : i32 to index
    %swap3A_2266 = arith.constant 336 : index
    %swap3A_2267 = tpu.vector_load %arg5[%swap3A_2265, %swap3A_2266] {strides = array<i32>} : memref<4x512xf32, #tpu.memory_space<vmem>>, vector<16xf32>,
    tpu.vector_store %arg5[%swap3A_2265, %swap3A_2266], %gather3A_2263 {strides = array<i32>} : memref<4x512xf32, #tpu.memory_space<vmem>>, vector<16xf32>,
    %add3A_2268 = arith.constant 32 : i32
    %add3A_2269 = vector.broadcast %add3A_2268 : i32 to vector<16xi32>
    %add3A_2270 = arith.addi %add3A_2269, %iota3A : vector<16xi32>
    %add3A_2271 = arith.constant 2 : i32
    %add3A_2272 = vector.broadcast %add3A_2271 : i32 to vector<16xi32>
    %add3A_2273 = arith.addi %mul3A_5, %add3A_2272 : vector<16xi32>
    %add3A_2274 = arith.constant 0 : i32
    %add3A_2275 = vector.broadcast %add3A_2274 : i32 to vector<16xi32>
    %add3A_2276 = arith.addi %mul3A_5, %add3A_2275 : vector<16xi32>
    %add3A_2277 = arith.constant 2 : i32
    %add3A_2278 = vector.broadcast %add3A_2277 : i32 to vector<16xi32>
    %add3A_2279 = arith.addi %mul3A_5, %add3A_2278 : vector<16xi32>
    %gather3A_2280 = tpu.vector_load_idx %arg4[%add3A_2273, %add3A_2276, %add3A_2270, %add3A_2279] : memref<3x4x64x128xf32, #tpu.memory_space<vmem>>[vector<16xi32>, vector<16xi32>, vector<16xi32>, vector<16xi32>], vector<16xf32>,
    %swap3A_2281 = arith.constant 0 : i32
    %swap3A_2282 = arith.index_cast %swap3A_2281 : i32 to index
    %swap3A_2283 = arith.constant 352 : index
    %swap3A_2284 = tpu.vector_load %arg5[%swap3A_2282, %swap3A_2283] {strides = array<i32>} : memref<4x512xf32, #tpu.memory_space<vmem>>, vector<16xf32>,
    tpu.vector_store %arg5[%swap3A_2282, %swap3A_2283], %gather3A_2280 {strides = array<i32>} : memref<4x512xf32, #tpu.memory_space<vmem>>, vector<16xf32>,
    %add3A_2285 = arith.constant 2 : i32
    %add3A_2286 = vector.broadcast %add3A_2285 : i32 to vector<16xi32>
    %add3A_2287 = arith.addi %mul3A_5, %add3A_2286 : vector<16xi32>
    %add3A_2288 = arith.constant 1 : i32
    %add3A_2289 = vector.broadcast %add3A_2288 : i32 to vector<16xi32>
    %add3A_2290 = arith.addi %mul3A_5, %add3A_2289 : vector<16xi32>
    %add3A_2291 = arith.constant 3 : i32
    %add3A_2292 = vector.broadcast %add3A_2291 : i32 to vector<16xi32>
    %add3A_2293 = arith.addi %mul3A_5, %add3A_2292 : vector<16xi32>
    %gather3A_2294 = tpu.vector_load_idx %arg4[%add3A_2287, %add3A_2290, %add3A_2270, %add3A_2293] : memref<3x4x64x128xf32, #tpu.memory_space<vmem>>[vector<16xi32>, vector<16xi32>, vector<16xi32>, vector<16xi32>], vector<16xf32>,
    %swap3A_2295 = arith.constant 1 : i32
    %swap3A_2296 = arith.index_cast %swap3A_2295 : i32 to index
    %swap3A_2297 = arith.constant 352 : index
    %swap3A_2298 = tpu.vector_load %arg5[%swap3A_2296, %swap3A_2297] {strides = array<i32>} : memref<4x512xf32, #tpu.memory_space<vmem>>, vector<16xf32>,
    tpu.vector_store %arg5[%swap3A_2296, %swap3A_2297], %gather3A_2294 {strides = array<i32>} : memref<4x512xf32, #tpu.memory_space<vmem>>, vector<16xf32>,
    %add3A_2299 = arith.constant 2 : i32
    %add3A_2300 = vector.broadcast %add3A_2299 : i32 to vector<16xi32>
    %add3A_2301 = arith.addi %mul3A_5, %add3A_2300 : vector<16xi32>
    %add3A_2302 = arith.constant 2 : i32
    %add3A_2303 = vector.broadcast %add3A_2302 : i32 to vector<16xi32>
    %add3A_2304 = arith.addi %mul3A_5, %add3A_2303 : vector<16xi32>
    %add3A_2305 = arith.constant 1 : i32
    %add3A_2306 = vector.broadcast %add3A_2305 : i32 to vector<16xi32>
    %add3A_2307 = arith.addi %mul3A_5, %add3A_2306 : vector<16xi32>
    %gather3A_2308 = tpu.vector_load_idx %arg4[%add3A_2301, %add3A_2304, %add3A_2270, %add3A_2307] : memref<3x4x64x128xf32, #tpu.memory_space<vmem>>[vector<16xi32>, vector<16xi32>, vector<16xi32>, vector<16xi32>], vector<16xf32>,
    %swap3A_2309 = arith.constant 2 : i32
    %swap3A_2310 = arith.index_cast %swap3A_2309 : i32 to index
    %swap3A_2311 = arith.constant 352 : index
    %swap3A_2312 = tpu.vector_load %arg5[%swap3A_2310, %swap3A_2311] {strides = array<i32>} : memref<4x512xf32, #tpu.memory_space<vmem>>, vector<16xf32>,
    tpu.vector_store %arg5[%swap3A_2310, %swap3A_2311], %gather3A_2308 {strides = array<i32>} : memref<4x512xf32, #tpu.memory_space<vmem>>, vector<16xf32>,
    %add3A_2313 = arith.constant 2 : i32
    %add3A_2314 = vector.broadcast %add3A_2313 : i32 to vector<16xi32>
    %add3A_2315 = arith.addi %mul3A_5, %add3A_2314 : vector<16xi32>
    %add3A_2316 = arith.constant 3 : i32
    %add3A_2317 = vector.broadcast %add3A_2316 : i32 to vector<16xi32>
    %add3A_2318 = arith.addi %mul3A_5, %add3A_2317 : vector<16xi32>
    %add3A_2319 = arith.constant 1 : i32
    %add3A_2320 = vector.broadcast %add3A_2319 : i32 to vector<16xi32>
    %add3A_2321 = arith.addi %mul3A_5, %add3A_2320 : vector<16xi32>
    %gather3A_2322 = tpu.vector_load_idx %arg4[%add3A_2315, %add3A_2318, %add3A_2270, %add3A_2321] : memref<3x4x64x128xf32, #tpu.memory_space<vmem>>[vector<16xi32>, vector<16xi32>, vector<16xi32>, vector<16xi32>], vector<16xf32>,
    %swap3A_2323 = arith.constant 3 : i32
    %swap3A_2324 = arith.index_cast %swap3A_2323 : i32 to index
    %swap3A_2325 = arith.constant 352 : index
    %swap3A_2326 = tpu.vector_load %arg5[%swap3A_2324, %swap3A_2325] {strides = array<i32>} : memref<4x512xf32, #tpu.memory_space<vmem>>, vector<16xf32>,
    tpu.vector_store %arg5[%swap3A_2324, %swap3A_2325], %gather3A_2322 {strides = array<i32>} : memref<4x512xf32, #tpu.memory_space<vmem>>, vector<16xf32>,
    %add3A_2327 = arith.constant 48 : i32
    %add3A_2328 = vector.broadcast %add3A_2327 : i32 to vector<16xi32>
    %add3A_2329 = arith.addi %add3A_2328, %iota3A : vector<16xi32>
    %add3A_2330 = arith.constant 2 : i32
    %add3A_2331 = vector.broadcast %add3A_2330 : i32 to vector<16xi32>
    %add3A_2332 = arith.addi %mul3A_5, %add3A_2331 : vector<16xi32>
    %add3A_2333 = arith.constant 0 : i32
    %add3A_2334 = vector.broadcast %add3A_2333 : i32 to vector<16xi32>
    %add3A_2335 = arith.addi %mul3A_5, %add3A_2334 : vector<16xi32>
    %add3A_2336 = arith.constant 2 : i32
    %add3A_2337 = vector.broadcast %add3A_2336 : i32 to vector<16xi32>
    %add3A_2338 = arith.addi %mul3A_5, %add3A_2337 : vector<16xi32>
    %gather3A_2339 = tpu.vector_load_idx %arg4[%add3A_2332, %add3A_2335, %add3A_2329, %add3A_2338] : memref<3x4x64x128xf32, #tpu.memory_space<vmem>>[vector<16xi32>, vector<16xi32>, vector<16xi32>, vector<16xi32>], vector<16xf32>,
    %swap3A_2340 = arith.constant 0 : i32
    %swap3A_2341 = arith.index_cast %swap3A_2340 : i32 to index
    %swap3A_2342 = arith.constant 368 : index
    %swap3A_2343 = tpu.vector_load %arg5[%swap3A_2341, %swap3A_2342] {strides = array<i32>} : memref<4x512xf32, #tpu.memory_space<vmem>>, vector<16xf32>,
    tpu.vector_store %arg5[%swap3A_2341, %swap3A_2342], %gather3A_2339 {strides = array<i32>} : memref<4x512xf32, #tpu.memory_space<vmem>>, vector<16xf32>,
    %add3A_2344 = arith.constant 2 : i32
    %add3A_2345 = vector.broadcast %add3A_2344 : i32 to vector<16xi32>
    %add3A_2346 = arith.addi %mul3A_5, %add3A_2345 : vector<16xi32>
    %add3A_2347 = arith.constant 1 : i32
    %add3A_2348 = vector.broadcast %add3A_2347 : i32 to vector<16xi32>
    %add3A_2349 = arith.addi %mul3A_5, %add3A_2348 : vector<16xi32>
    %add3A_2350 = arith.constant 3 : i32
    %add3A_2351 = vector.broadcast %add3A_2350 : i32 to vector<16xi32>
    %add3A_2352 = arith.addi %mul3A_5, %add3A_2351 : vector<16xi32>
    %gather3A_2353 = tpu.vector_load_idx %arg4[%add3A_2346, %add3A_2349, %add3A_2329, %add3A_2352] : memref<3x4x64x128xf32, #tpu.memory_space<vmem>>[vector<16xi32>, vector<16xi32>, vector<16xi32>, vector<16xi32>], vector<16xf32>,
    %swap3A_2354 = arith.constant 1 : i32
    %swap3A_2355 = arith.index_cast %swap3A_2354 : i32 to index
    %swap3A_2356 = arith.constant 368 : index
    %swap3A_2357 = tpu.vector_load %arg5[%swap3A_2355, %swap3A_2356] {strides = array<i32>} : memref<4x512xf32, #tpu.memory_space<vmem>>, vector<16xf32>,
    tpu.vector_store %arg5[%swap3A_2355, %swap3A_2356], %gather3A_2353 {strides = array<i32>} : memref<4x512xf32, #tpu.memory_space<vmem>>, vector<16xf32>,
    %add3A_2358 = arith.constant 2 : i32
    %add3A_2359 = vector.broadcast %add3A_2358 : i32 to vector<16xi32>
    %add3A_2360 = arith.addi %mul3A_5, %add3A_2359 : vector<16xi32>
    %add3A_2361 = arith.constant 2 : i32
    %add3A_2362 = vector.broadcast %add3A_2361 : i32 to vector<16xi32>
    %add3A_2363 = arith.addi %mul3A_5, %add3A_2362 : vector<16xi32>
    %add3A_2364 = arith.constant 1 : i32
    %add3A_2365 = vector.broadcast %add3A_2364 : i32 to vector<16xi32>
    %add3A_2366 = arith.addi %mul3A_5, %add3A_2365 : vector<16xi32>
    %gather3A_2367 = tpu.vector_load_idx %arg4[%add3A_2360, %add3A_2363, %add3A_2329, %add3A_2366] : memref<3x4x64x128xf32, #tpu.memory_space<vmem>>[vector<16xi32>, vector<16xi32>, vector<16xi32>, vector<16xi32>], vector<16xf32>,
    %swap3A_2368 = arith.constant 2 : i32
    %swap3A_2369 = arith.index_cast %swap3A_2368 : i32 to index
    %swap3A_2370 = arith.constant 368 : index
    %swap3A_2371 = tpu.vector_load %arg5[%swap3A_2369, %swap3A_2370] {strides = array<i32>} : memref<4x512xf32, #tpu.memory_space<vmem>>, vector<16xf32>,
    tpu.vector_store %arg5[%swap3A_2369, %swap3A_2370], %gather3A_2367 {strides = array<i32>} : memref<4x512xf32, #tpu.memory_space<vmem>>, vector<16xf32>,
    %add3A_2372 = arith.constant 2 : i32
    %add3A_2373 = vector.broadcast %add3A_2372 : i32 to vector<16xi32>
    %add3A_2374 = arith.addi %mul3A_5, %add3A_2373 : vector<16xi32>
    %add3A_2375 = arith.constant 3 : i32
    %add3A_2376 = vector.broadcast %add3A_2375 : i32 to vector<16xi32>
    %add3A_2377 = arith.addi %mul3A_5, %add3A_2376 : vector<16xi32>
    %add3A_2378 = arith.constant 1 : i32
    %add3A_2379 = vector.broadcast %add3A_2378 : i32 to vector<16xi32>
    %add3A_2380 = arith.addi %mul3A_5, %add3A_2379 : vector<16xi32>
    %gather3A_2381 = tpu.vector_load_idx %arg4[%add3A_2374, %add3A_2377, %add3A_2329, %add3A_2380] : memref<3x4x64x128xf32, #tpu.memory_space<vmem>>[vector<16xi32>, vector<16xi32>, vector<16xi32>, vector<16xi32>], vector<16xf32>,
    %swap3A_2382 = arith.constant 3 : i32
    %swap3A_2383 = arith.index_cast %swap3A_2382 : i32 to index
    %swap3A_2384 = arith.constant 368 : index
    %swap3A_2385 = tpu.vector_load %arg5[%swap3A_2383, %swap3A_2384] {strides = array<i32>} : memref<4x512xf32, #tpu.memory_space<vmem>>, vector<16xf32>,
    tpu.vector_store %arg5[%swap3A_2383, %swap3A_2384], %gather3A_2381 {strides = array<i32>} : memref<4x512xf32, #tpu.memory_space<vmem>>, vector<16xf32>,
    %dma_wait3A_2386 = arith.constant 1 : i32
    %dma_wait3A_2387 = arith.constant 0 : i32
    %dma_wait3A_2388 = arith.constant 0 : i32
    %dma_wait3A_2389 = arith.constant 0 : i32
    %dma_wait3A_2390 = arith.constant 0 : i32
    %dma_wait3A_2391 = tpu.memref_slice %arg4[%dma_wait3A_2387, %dma_wait3A_2388, %dma_wait3A_2389, %dma_wait3A_2390] : memref<3x4x64x128xf32, #tpu.memory_space<vmem>> -> memref<1x1x64x128xf32, #tpu.memory_space<vmem>>
    %dma_wait3A_2392 = tpu.memref_squeeze %dma_wait3A_2391 : memref<1x1x64x128xf32, #tpu.memory_space<vmem>> -> memref<64x128xf32, #tpu.memory_space<vmem>>
    %dma_wait3A_2393 = arith.constant 0 : i32
    %dma_wait3A_2394 = tpu.memref_slice %arg2[%dma_wait3A_2386, %add3A_1639, %dma_wait3A_2393] : memref<50x16384x128xf32, #tpu.memory_space<hbm>> -> memref<1x64x128xf32, #tpu.memory_space<hbm>>
    %dma_wait3A_2395 = tpu.memref_squeeze %dma_wait3A_2394 : memref<1x64x128xf32, #tpu.memory_space<hbm>> -> memref<64x128xf32, #tpu.memory_space<hbm>>
    %dma_wait3A_2396 = arith.constant 0 : i32
    %dma_wait3A_2397 = arith.constant 0 : i32
    %dma_wait3A_2398 = tpu.memref_slice %arg4[%dma_wait3A_2387, %dma_wait3A_2388, %dma_wait3A_2396, %dma_wait3A_2397] : memref<3x4x64x128xf32, #tpu.memory_space<vmem>> -> memref<1x1x64x128xf32, #tpu.memory_space<vmem>>
    %dma_wait3A_2399 = tpu.memref_squeeze %dma_wait3A_2398 : memref<1x1x64x128xf32, #tpu.memory_space<vmem>> -> memref<64x128xf32, #tpu.memory_space<vmem>>
    %dma_wait3A_2400 = arith.constant 0 : i32
    %dma_wait3A_2401 = tpu.memref_slice %arg2[%dma_wait3A_2386, %add3A_1639, %dma_wait3A_2400] : memref<50x16384x128xf32, #tpu.memory_space<hbm>> -> memref<1x64x128xf32, #tpu.memory_space<hbm>>
    %dma_wait3A_2402 = tpu.memref_squeeze %dma_wait3A_2401 : memref<1x64x128xf32, #tpu.memory_space<hbm>> -> memref<64x128xf32, #tpu.memory_space<hbm>>
    tpu.wait_dma2 semaphore(%arg6 : memref<!tpu.dma_semaphore, #tpu.memory_space<semaphore_mem>>) src(%dma_wait3A_2402 : memref<64x128xf32, #tpu.memory_space<hbm>>) dst(%dma_wait3A_2399 : memref<64x128xf32, #tpu.memory_space<vmem>>)
    %dma_wait3A_2403 = arith.constant 5 : i32
    %dma_wait3A_2404 = arith.constant 0 : i32
    %dma_wait3A_2405 = arith.constant 1 : i32
    %dma_wait3A_2406 = arith.constant 0 : i32
    %dma_wait3A_2407 = arith.constant 0 : i32
    %dma_wait3A_2408 = tpu.memref_slice %arg4[%dma_wait3A_2404, %dma_wait3A_2405, %dma_wait3A_2406, %dma_wait3A_2407] : memref<3x4x64x128xf32, #tpu.memory_space<vmem>> -> memref<1x1x64x128xf32, #tpu.memory_space<vmem>>
    %dma_wait3A_2409 = tpu.memref_squeeze %dma_wait3A_2408 : memref<1x1x64x128xf32, #tpu.memory_space<vmem>> -> memref<64x128xf32, #tpu.memory_space<vmem>>
    %dma_wait3A_2410 = arith.constant 0 : i32
    %dma_wait3A_2411 = tpu.memref_slice %arg2[%dma_wait3A_2403, %add3A_1639, %dma_wait3A_2410] : memref<50x16384x128xf32, #tpu.memory_space<hbm>> -> memref<1x64x128xf32, #tpu.memory_space<hbm>>
    %dma_wait3A_2412 = tpu.memref_squeeze %dma_wait3A_2411 : memref<1x64x128xf32, #tpu.memory_space<hbm>> -> memref<64x128xf32, #tpu.memory_space<hbm>>
    %dma_wait3A_2413 = arith.constant 0 : i32
    %dma_wait3A_2414 = arith.constant 0 : i32
    %dma_wait3A_2415 = tpu.memref_slice %arg4[%dma_wait3A_2404, %dma_wait3A_2405, %dma_wait3A_2413, %dma_wait3A_2414] : memref<3x4x64x128xf32, #tpu.memory_space<vmem>> -> memref<1x1x64x128xf32, #tpu.memory_space<vmem>>
    %dma_wait3A_2416 = tpu.memref_squeeze %dma_wait3A_2415 : memref<1x1x64x128xf32, #tpu.memory_space<vmem>> -> memref<64x128xf32, #tpu.memory_space<vmem>>
    %dma_wait3A_2417 = arith.constant 0 : i32
    %dma_wait3A_2418 = tpu.memref_slice %arg2[%dma_wait3A_2403, %add3A_1639, %dma_wait3A_2417] : memref<50x16384x128xf32, #tpu.memory_space<hbm>> -> memref<1x64x128xf32, #tpu.memory_space<hbm>>
    %dma_wait3A_2419 = tpu.memref_squeeze %dma_wait3A_2418 : memref<1x64x128xf32, #tpu.memory_space<hbm>> -> memref<64x128xf32, #tpu.memory_space<hbm>>
    tpu.wait_dma2 semaphore(%arg6 : memref<!tpu.dma_semaphore, #tpu.memory_space<semaphore_mem>>) src(%dma_wait3A_2419 : memref<64x128xf32, #tpu.memory_space<hbm>>) dst(%dma_wait3A_2416 : memref<64x128xf32, #tpu.memory_space<vmem>>)
    %dma_wait3A_2420 = arith.constant 3 : i32
    %dma_wait3A_2421 = arith.constant 0 : i32
    %dma_wait3A_2422 = arith.constant 2 : i32
    %dma_wait3A_2423 = arith.constant 0 : i32
    %dma_wait3A_2424 = arith.constant 0 : i32
    %dma_wait3A_2425 = tpu.memref_slice %arg4[%dma_wait3A_2421, %dma_wait3A_2422, %dma_wait3A_2423, %dma_wait3A_2424] : memref<3x4x64x128xf32, #tpu.memory_space<vmem>> -> memref<1x1x64x128xf32, #tpu.memory_space<vmem>>
    %dma_wait3A_2426 = tpu.memref_squeeze %dma_wait3A_2425 : memref<1x1x64x128xf32, #tpu.memory_space<vmem>> -> memref<64x128xf32, #tpu.memory_space<vmem>>
    %dma_wait3A_2427 = arith.constant 0 : i32
    %dma_wait3A_2428 = tpu.memref_slice %arg2[%dma_wait3A_2420, %add3A_1639, %dma_wait3A_2427] : memref<50x16384x128xf32, #tpu.memory_space<hbm>> -> memref<1x64x128xf32, #tpu.memory_space<hbm>>
    %dma_wait3A_2429 = tpu.memref_squeeze %dma_wait3A_2428 : memref<1x64x128xf32, #tpu.memory_space<hbm>> -> memref<64x128xf32, #tpu.memory_space<hbm>>
    %dma_wait3A_2430 = arith.constant 0 : i32
    %dma_wait3A_2431 = arith.constant 0 : i32
    %dma_wait3A_2432 = tpu.memref_slice %arg4[%dma_wait3A_2421, %dma_wait3A_2422, %dma_wait3A_2430, %dma_wait3A_2431] : memref<3x4x64x128xf32, #tpu.memory_space<vmem>> -> memref<1x1x64x128xf32, #tpu.memory_space<vmem>>
    %dma_wait3A_2433 = tpu.memref_squeeze %dma_wait3A_2432 : memref<1x1x64x128xf32, #tpu.memory_space<vmem>> -> memref<64x128xf32, #tpu.memory_space<vmem>>
    %dma_wait3A_2434 = arith.constant 0 : i32
    %dma_wait3A_2435 = tpu.memref_slice %arg2[%dma_wait3A_2420, %add3A_1639, %dma_wait3A_2434] : memref<50x16384x128xf32, #tpu.memory_space<hbm>> -> memref<1x64x128xf32, #tpu.memory_space<hbm>>
    %dma_wait3A_2436 = tpu.memref_squeeze %dma_wait3A_2435 : memref<1x64x128xf32, #tpu.memory_space<hbm>> -> memref<64x128xf32, #tpu.memory_space<hbm>>
    tpu.wait_dma2 semaphore(%arg6 : memref<!tpu.dma_semaphore, #tpu.memory_space<semaphore_mem>>) src(%dma_wait3A_2436 : memref<64x128xf32, #tpu.memory_space<hbm>>) dst(%dma_wait3A_2433 : memref<64x128xf32, #tpu.memory_space<vmem>>)
    %dma_wait3A_2437 = arith.constant 2 : i32
    %dma_wait3A_2438 = arith.constant 0 : i32
    %dma_wait3A_2439 = arith.constant 3 : i32
    %dma_wait3A_2440 = arith.constant 0 : i32
    %dma_wait3A_2441 = arith.constant 0 : i32
    %dma_wait3A_2442 = tpu.memref_slice %arg4[%dma_wait3A_2438, %dma_wait3A_2439, %dma_wait3A_2440, %dma_wait3A_2441] : memref<3x4x64x128xf32, #tpu.memory_space<vmem>> -> memref<1x1x64x128xf32, #tpu.memory_space<vmem>>
    %dma_wait3A_2443 = tpu.memref_squeeze %dma_wait3A_2442 : memref<1x1x64x128xf32, #tpu.memory_space<vmem>> -> memref<64x128xf32, #tpu.memory_space<vmem>>
    %dma_wait3A_2444 = arith.constant 0 : i32
    %dma_wait3A_2445 = tpu.memref_slice %arg2[%dma_wait3A_2437, %add3A_1639, %dma_wait3A_2444] : memref<50x16384x128xf32, #tpu.memory_space<hbm>> -> memref<1x64x128xf32, #tpu.memory_space<hbm>>
    %dma_wait3A_2446 = tpu.memref_squeeze %dma_wait3A_2445 : memref<1x64x128xf32, #tpu.memory_space<hbm>> -> memref<64x128xf32, #tpu.memory_space<hbm>>
    %dma_wait3A_2447 = arith.constant 0 : i32
    %dma_wait3A_2448 = arith.constant 0 : i32
    %dma_wait3A_2449 = tpu.memref_slice %arg4[%dma_wait3A_2438, %dma_wait3A_2439, %dma_wait3A_2447, %dma_wait3A_2448] : memref<3x4x64x128xf32, #tpu.memory_space<vmem>> -> memref<1x1x64x128xf32, #tpu.memory_space<vmem>>
    %dma_wait3A_2450 = tpu.memref_squeeze %dma_wait3A_2449 : memref<1x1x64x128xf32, #tpu.memory_space<vmem>> -> memref<64x128xf32, #tpu.memory_space<vmem>>
    %dma_wait3A_2451 = arith.constant 0 : i32
    %dma_wait3A_2452 = tpu.memref_slice %arg2[%dma_wait3A_2437, %add3A_1639, %dma_wait3A_2451] : memref<50x16384x128xf32, #tpu.memory_space<hbm>> -> memref<1x64x128xf32, #tpu.memory_space<hbm>>
    %dma_wait3A_2453 = tpu.memref_squeeze %dma_wait3A_2452 : memref<1x64x128xf32, #tpu.memory_space<hbm>> -> memref<64x128xf32, #tpu.memory_space<hbm>>
    tpu.wait_dma2 semaphore(%arg6 : memref<!tpu.dma_semaphore, #tpu.memory_space<semaphore_mem>>) src(%dma_wait3A_2453 : memref<64x128xf32, #tpu.memory_space<hbm>>) dst(%dma_wait3A_2450 : memref<64x128xf32, #tpu.memory_space<vmem>>)
    %add3A_2454 = arith.constant 0 : i32
    %add3A_2455 = vector.broadcast %add3A_2454 : i32 to vector<16xi32>
    %add3A_2456 = arith.addi %add3A_2455, %iota3A : vector<16xi32>
    %add3A_2457 = arith.constant 0 : i32
    %add3A_2458 = vector.broadcast %add3A_2457 : i32 to vector<16xi32>
    %add3A_2459 = arith.addi %mul3A_5, %add3A_2458 : vector<16xi32>
    %add3A_2460 = arith.constant 0 : i32
    %add3A_2461 = vector.broadcast %add3A_2460 : i32 to vector<16xi32>
    %add3A_2462 = arith.addi %mul3A_5, %add3A_2461 : vector<16xi32>
    %add3A_2463 = arith.constant 2 : i32
    %add3A_2464 = vector.broadcast %add3A_2463 : i32 to vector<16xi32>
    %add3A_2465 = arith.addi %mul3A_5, %add3A_2464 : vector<16xi32>
    %gather3A_2466 = tpu.vector_load_idx %arg4[%add3A_2459, %add3A_2462, %add3A_2456, %add3A_2465] : memref<3x4x64x128xf32, #tpu.memory_space<vmem>>[vector<16xi32>, vector<16xi32>, vector<16xi32>, vector<16xi32>], vector<16xf32>,
    %swap3A_2467 = arith.constant 0 : i32
    %swap3A_2468 = arith.index_cast %swap3A_2467 : i32 to index
    %swap3A_2469 = arith.constant 384 : index
    %swap3A_2470 = tpu.vector_load %arg5[%swap3A_2468, %swap3A_2469] {strides = array<i32>} : memref<4x512xf32, #tpu.memory_space<vmem>>, vector<16xf32>,
    tpu.vector_store %arg5[%swap3A_2468, %swap3A_2469], %gather3A_2466 {strides = array<i32>} : memref<4x512xf32, #tpu.memory_space<vmem>>, vector<16xf32>,
    %add3A_2471 = arith.constant 0 : i32
    %add3A_2472 = vector.broadcast %add3A_2471 : i32 to vector<16xi32>
    %add3A_2473 = arith.addi %mul3A_5, %add3A_2472 : vector<16xi32>
    %add3A_2474 = arith.constant 1 : i32
    %add3A_2475 = vector.broadcast %add3A_2474 : i32 to vector<16xi32>
    %add3A_2476 = arith.addi %mul3A_5, %add3A_2475 : vector<16xi32>
    %add3A_2477 = arith.constant 3 : i32
    %add3A_2478 = vector.broadcast %add3A_2477 : i32 to vector<16xi32>
    %add3A_2479 = arith.addi %mul3A_5, %add3A_2478 : vector<16xi32>
    %gather3A_2480 = tpu.vector_load_idx %arg4[%add3A_2473, %add3A_2476, %add3A_2456, %add3A_2479] : memref<3x4x64x128xf32, #tpu.memory_space<vmem>>[vector<16xi32>, vector<16xi32>, vector<16xi32>, vector<16xi32>], vector<16xf32>,
    %swap3A_2481 = arith.constant 1 : i32
    %swap3A_2482 = arith.index_cast %swap3A_2481 : i32 to index
    %swap3A_2483 = arith.constant 384 : index
    %swap3A_2484 = tpu.vector_load %arg5[%swap3A_2482, %swap3A_2483] {strides = array<i32>} : memref<4x512xf32, #tpu.memory_space<vmem>>, vector<16xf32>,
    tpu.vector_store %arg5[%swap3A_2482, %swap3A_2483], %gather3A_2480 {strides = array<i32>} : memref<4x512xf32, #tpu.memory_space<vmem>>, vector<16xf32>,
    %add3A_2485 = arith.constant 0 : i32
    %add3A_2486 = vector.broadcast %add3A_2485 : i32 to vector<16xi32>
    %add3A_2487 = arith.addi %mul3A_5, %add3A_2486 : vector<16xi32>
    %add3A_2488 = arith.constant 2 : i32
    %add3A_2489 = vector.broadcast %add3A_2488 : i32 to vector<16xi32>
    %add3A_2490 = arith.addi %mul3A_5, %add3A_2489 : vector<16xi32>
    %add3A_2491 = arith.constant 1 : i32
    %add3A_2492 = vector.broadcast %add3A_2491 : i32 to vector<16xi32>
    %add3A_2493 = arith.addi %mul3A_5, %add3A_2492 : vector<16xi32>
    %gather3A_2494 = tpu.vector_load_idx %arg4[%add3A_2487, %add3A_2490, %add3A_2456, %add3A_2493] : memref<3x4x64x128xf32, #tpu.memory_space<vmem>>[vector<16xi32>, vector<16xi32>, vector<16xi32>, vector<16xi32>], vector<16xf32>,
    %swap3A_2495 = arith.constant 2 : i32
    %swap3A_2496 = arith.index_cast %swap3A_2495 : i32 to index
    %swap3A_2497 = arith.constant 384 : index
    %swap3A_2498 = tpu.vector_load %arg5[%swap3A_2496, %swap3A_2497] {strides = array<i32>} : memref<4x512xf32, #tpu.memory_space<vmem>>, vector<16xf32>,
    tpu.vector_store %arg5[%swap3A_2496, %swap3A_2497], %gather3A_2494 {strides = array<i32>} : memref<4x512xf32, #tpu.memory_space<vmem>>, vector<16xf32>,
    %add3A_2499 = arith.constant 0 : i32
    %add3A_2500 = vector.broadcast %add3A_2499 : i32 to vector<16xi32>
    %add3A_2501 = arith.addi %mul3A_5, %add3A_2500 : vector<16xi32>
    %add3A_2502 = arith.constant 3 : i32
    %add3A_2503 = vector.broadcast %add3A_2502 : i32 to vector<16xi32>
    %add3A_2504 = arith.addi %mul3A_5, %add3A_2503 : vector<16xi32>
    %add3A_2505 = arith.constant 1 : i32
    %add3A_2506 = vector.broadcast %add3A_2505 : i32 to vector<16xi32>
    %add3A_2507 = arith.addi %mul3A_5, %add3A_2506 : vector<16xi32>
    %gather3A_2508 = tpu.vector_load_idx %arg4[%add3A_2501, %add3A_2504, %add3A_2456, %add3A_2507] : memref<3x4x64x128xf32, #tpu.memory_space<vmem>>[vector<16xi32>, vector<16xi32>, vector<16xi32>, vector<16xi32>], vector<16xf32>,
    %swap3A_2509 = arith.constant 3 : i32
    %swap3A_2510 = arith.index_cast %swap3A_2509 : i32 to index
    %swap3A_2511 = arith.constant 384 : index
    %swap3A_2512 = tpu.vector_load %arg5[%swap3A_2510, %swap3A_2511] {strides = array<i32>} : memref<4x512xf32, #tpu.memory_space<vmem>>, vector<16xf32>,
    tpu.vector_store %arg5[%swap3A_2510, %swap3A_2511], %gather3A_2508 {strides = array<i32>} : memref<4x512xf32, #tpu.memory_space<vmem>>, vector<16xf32>,
    %add3A_2513 = arith.constant 16 : i32
    %add3A_2514 = vector.broadcast %add3A_2513 : i32 to vector<16xi32>
    %add3A_2515 = arith.addi %add3A_2514, %iota3A : vector<16xi32>
    %add3A_2516 = arith.constant 0 : i32
    %add3A_2517 = vector.broadcast %add3A_2516 : i32 to vector<16xi32>
    %add3A_2518 = arith.addi %mul3A_5, %add3A_2517 : vector<16xi32>
    %add3A_2519 = arith.constant 0 : i32
    %add3A_2520 = vector.broadcast %add3A_2519 : i32 to vector<16xi32>
    %add3A_2521 = arith.addi %mul3A_5, %add3A_2520 : vector<16xi32>
    %add3A_2522 = arith.constant 2 : i32
    %add3A_2523 = vector.broadcast %add3A_2522 : i32 to vector<16xi32>
    %add3A_2524 = arith.addi %mul3A_5, %add3A_2523 : vector<16xi32>
    %gather3A_2525 = tpu.vector_load_idx %arg4[%add3A_2518, %add3A_2521, %add3A_2515, %add3A_2524] : memref<3x4x64x128xf32, #tpu.memory_space<vmem>>[vector<16xi32>, vector<16xi32>, vector<16xi32>, vector<16xi32>], vector<16xf32>,
    %swap3A_2526 = arith.constant 0 : i32
    %swap3A_2527 = arith.index_cast %swap3A_2526 : i32 to index
    %swap3A_2528 = arith.constant 400 : index
    %swap3A_2529 = tpu.vector_load %arg5[%swap3A_2527, %swap3A_2528] {strides = array<i32>} : memref<4x512xf32, #tpu.memory_space<vmem>>, vector<16xf32>,
    tpu.vector_store %arg5[%swap3A_2527, %swap3A_2528], %gather3A_2525 {strides = array<i32>} : memref<4x512xf32, #tpu.memory_space<vmem>>, vector<16xf32>,
    %add3A_2530 = arith.constant 0 : i32
    %add3A_2531 = vector.broadcast %add3A_2530 : i32 to vector<16xi32>
    %add3A_2532 = arith.addi %mul3A_5, %add3A_2531 : vector<16xi32>
    %add3A_2533 = arith.constant 1 : i32
    %add3A_2534 = vector.broadcast %add3A_2533 : i32 to vector<16xi32>
    %add3A_2535 = arith.addi %mul3A_5, %add3A_2534 : vector<16xi32>
    %add3A_2536 = arith.constant 3 : i32
    %add3A_2537 = vector.broadcast %add3A_2536 : i32 to vector<16xi32>
    %add3A_2538 = arith.addi %mul3A_5, %add3A_2537 : vector<16xi32>
    %gather3A_2539 = tpu.vector_load_idx %arg4[%add3A_2532, %add3A_2535, %add3A_2515, %add3A_2538] : memref<3x4x64x128xf32, #tpu.memory_space<vmem>>[vector<16xi32>, vector<16xi32>, vector<16xi32>, vector<16xi32>], vector<16xf32>,
    %swap3A_2540 = arith.constant 1 : i32
    %swap3A_2541 = arith.index_cast %swap3A_2540 : i32 to index
    %swap3A_2542 = arith.constant 400 : index
    %swap3A_2543 = tpu.vector_load %arg5[%swap3A_2541, %swap3A_2542] {strides = array<i32>} : memref<4x512xf32, #tpu.memory_space<vmem>>, vector<16xf32>,
    tpu.vector_store %arg5[%swap3A_2541, %swap3A_2542], %gather3A_2539 {strides = array<i32>} : memref<4x512xf32, #tpu.memory_space<vmem>>, vector<16xf32>,
    %add3A_2544 = arith.constant 0 : i32
    %add3A_2545 = vector.broadcast %add3A_2544 : i32 to vector<16xi32>
    %add3A_2546 = arith.addi %mul3A_5, %add3A_2545 : vector<16xi32>
    %add3A_2547 = arith.constant 2 : i32
    %add3A_2548 = vector.broadcast %add3A_2547 : i32 to vector<16xi32>
    %add3A_2549 = arith.addi %mul3A_5, %add3A_2548 : vector<16xi32>
    %add3A_2550 = arith.constant 1 : i32
    %add3A_2551 = vector.broadcast %add3A_2550 : i32 to vector<16xi32>
    %add3A_2552 = arith.addi %mul3A_5, %add3A_2551 : vector<16xi32>
    %gather3A_2553 = tpu.vector_load_idx %arg4[%add3A_2546, %add3A_2549, %add3A_2515, %add3A_2552] : memref<3x4x64x128xf32, #tpu.memory_space<vmem>>[vector<16xi32>, vector<16xi32>, vector<16xi32>, vector<16xi32>], vector<16xf32>,
    %swap3A_2554 = arith.constant 2 : i32
    %swap3A_2555 = arith.index_cast %swap3A_2554 : i32 to index
    %swap3A_2556 = arith.constant 400 : index
    %swap3A_2557 = tpu.vector_load %arg5[%swap3A_2555, %swap3A_2556] {strides = array<i32>} : memref<4x512xf32, #tpu.memory_space<vmem>>, vector<16xf32>,
    tpu.vector_store %arg5[%swap3A_2555, %swap3A_2556], %gather3A_2553 {strides = array<i32>} : memref<4x512xf32, #tpu.memory_space<vmem>>, vector<16xf32>,
    %add3A_2558 = arith.constant 0 : i32
    %add3A_2559 = vector.broadcast %add3A_2558 : i32 to vector<16xi32>
    %add3A_2560 = arith.addi %mul3A_5, %add3A_2559 : vector<16xi32>
    %add3A_2561 = arith.constant 3 : i32
    %add3A_2562 = vector.broadcast %add3A_2561 : i32 to vector<16xi32>
    %add3A_2563 = arith.addi %mul3A_5, %add3A_2562 : vector<16xi32>
    %add3A_2564 = arith.constant 1 : i32
    %add3A_2565 = vector.broadcast %add3A_2564 : i32 to vector<16xi32>
    %add3A_2566 = arith.addi %mul3A_5, %add3A_2565 : vector<16xi32>
    %gather3A_2567 = tpu.vector_load_idx %arg4[%add3A_2560, %add3A_2563, %add3A_2515, %add3A_2566] : memref<3x4x64x128xf32, #tpu.memory_space<vmem>>[vector<16xi32>, vector<16xi32>, vector<16xi32>, vector<16xi32>], vector<16xf32>,
    %swap3A_2568 = arith.constant 3 : i32
    %swap3A_2569 = arith.index_cast %swap3A_2568 : i32 to index
    %swap3A_2570 = arith.constant 400 : index
    %swap3A_2571 = tpu.vector_load %arg5[%swap3A_2569, %swap3A_2570] {strides = array<i32>} : memref<4x512xf32, #tpu.memory_space<vmem>>, vector<16xf32>,
    tpu.vector_store %arg5[%swap3A_2569, %swap3A_2570], %gather3A_2567 {strides = array<i32>} : memref<4x512xf32, #tpu.memory_space<vmem>>, vector<16xf32>,
    %add3A_2572 = arith.constant 32 : i32
    %add3A_2573 = vector.broadcast %add3A_2572 : i32 to vector<16xi32>
    %add3A_2574 = arith.addi %add3A_2573, %iota3A : vector<16xi32>
    %add3A_2575 = arith.constant 0 : i32
    %add3A_2576 = vector.broadcast %add3A_2575 : i32 to vector<16xi32>
    %add3A_2577 = arith.addi %mul3A_5, %add3A_2576 : vector<16xi32>
    %add3A_2578 = arith.constant 0 : i32
    %add3A_2579 = vector.broadcast %add3A_2578 : i32 to vector<16xi32>
    %add3A_2580 = arith.addi %mul3A_5, %add3A_2579 : vector<16xi32>
    %add3A_2581 = arith.constant 2 : i32
    %add3A_2582 = vector.broadcast %add3A_2581 : i32 to vector<16xi32>
    %add3A_2583 = arith.addi %mul3A_5, %add3A_2582 : vector<16xi32>
    %gather3A_2584 = tpu.vector_load_idx %arg4[%add3A_2577, %add3A_2580, %add3A_2574, %add3A_2583] : memref<3x4x64x128xf32, #tpu.memory_space<vmem>>[vector<16xi32>, vector<16xi32>, vector<16xi32>, vector<16xi32>], vector<16xf32>,
    %swap3A_2585 = arith.constant 0 : i32
    %swap3A_2586 = arith.index_cast %swap3A_2585 : i32 to index
    %swap3A_2587 = arith.constant 416 : index
    %swap3A_2588 = tpu.vector_load %arg5[%swap3A_2586, %swap3A_2587] {strides = array<i32>} : memref<4x512xf32, #tpu.memory_space<vmem>>, vector<16xf32>,
    tpu.vector_store %arg5[%swap3A_2586, %swap3A_2587], %gather3A_2584 {strides = array<i32>} : memref<4x512xf32, #tpu.memory_space<vmem>>, vector<16xf32>,
    %add3A_2589 = arith.constant 0 : i32
    %add3A_2590 = vector.broadcast %add3A_2589 : i32 to vector<16xi32>
    %add3A_2591 = arith.addi %mul3A_5, %add3A_2590 : vector<16xi32>
    %add3A_2592 = arith.constant 1 : i32
    %add3A_2593 = vector.broadcast %add3A_2592 : i32 to vector<16xi32>
    %add3A_2594 = arith.addi %mul3A_5, %add3A_2593 : vector<16xi32>
    %add3A_2595 = arith.constant 3 : i32
    %add3A_2596 = vector.broadcast %add3A_2595 : i32 to vector<16xi32>
    %add3A_2597 = arith.addi %mul3A_5, %add3A_2596 : vector<16xi32>
    %gather3A_2598 = tpu.vector_load_idx %arg4[%add3A_2591, %add3A_2594, %add3A_2574, %add3A_2597] : memref<3x4x64x128xf32, #tpu.memory_space<vmem>>[vector<16xi32>, vector<16xi32>, vector<16xi32>, vector<16xi32>], vector<16xf32>,
    %swap3A_2599 = arith.constant 1 : i32
    %swap3A_2600 = arith.index_cast %swap3A_2599 : i32 to index
    %swap3A_2601 = arith.constant 416 : index
    %swap3A_2602 = tpu.vector_load %arg5[%swap3A_2600, %swap3A_2601] {strides = array<i32>} : memref<4x512xf32, #tpu.memory_space<vmem>>, vector<16xf32>,
    tpu.vector_store %arg5[%swap3A_2600, %swap3A_2601], %gather3A_2598 {strides = array<i32>} : memref<4x512xf32, #tpu.memory_space<vmem>>, vector<16xf32>,
    %add3A_2603 = arith.constant 0 : i32
    %add3A_2604 = vector.broadcast %add3A_2603 : i32 to vector<16xi32>
    %add3A_2605 = arith.addi %mul3A_5, %add3A_2604 : vector<16xi32>
    %add3A_2606 = arith.constant 2 : i32
    %add3A_2607 = vector.broadcast %add3A_2606 : i32 to vector<16xi32>
    %add3A_2608 = arith.addi %mul3A_5, %add3A_2607 : vector<16xi32>
    %add3A_2609 = arith.constant 1 : i32
    %add3A_2610 = vector.broadcast %add3A_2609 : i32 to vector<16xi32>
    %add3A_2611 = arith.addi %mul3A_5, %add3A_2610 : vector<16xi32>
    %gather3A_2612 = tpu.vector_load_idx %arg4[%add3A_2605, %add3A_2608, %add3A_2574, %add3A_2611] : memref<3x4x64x128xf32, #tpu.memory_space<vmem>>[vector<16xi32>, vector<16xi32>, vector<16xi32>, vector<16xi32>], vector<16xf32>,
    %swap3A_2613 = arith.constant 2 : i32
    %swap3A_2614 = arith.index_cast %swap3A_2613 : i32 to index
    %swap3A_2615 = arith.constant 416 : index
    %swap3A_2616 = tpu.vector_load %arg5[%swap3A_2614, %swap3A_2615] {strides = array<i32>} : memref<4x512xf32, #tpu.memory_space<vmem>>, vector<16xf32>,
    tpu.vector_store %arg5[%swap3A_2614, %swap3A_2615], %gather3A_2612 {strides = array<i32>} : memref<4x512xf32, #tpu.memory_space<vmem>>, vector<16xf32>,
    %add3A_2617 = arith.constant 0 : i32
    %add3A_2618 = vector.broadcast %add3A_2617 : i32 to vector<16xi32>
    %add3A_2619 = arith.addi %mul3A_5, %add3A_2618 : vector<16xi32>
    %add3A_2620 = arith.constant 3 : i32
    %add3A_2621 = vector.broadcast %add3A_2620 : i32 to vector<16xi32>
    %add3A_2622 = arith.addi %mul3A_5, %add3A_2621 : vector<16xi32>
    %add3A_2623 = arith.constant 1 : i32
    %add3A_2624 = vector.broadcast %add3A_2623 : i32 to vector<16xi32>
    %add3A_2625 = arith.addi %mul3A_5, %add3A_2624 : vector<16xi32>
    %gather3A_2626 = tpu.vector_load_idx %arg4[%add3A_2619, %add3A_2622, %add3A_2574, %add3A_2625] : memref<3x4x64x128xf32, #tpu.memory_space<vmem>>[vector<16xi32>, vector<16xi32>, vector<16xi32>, vector<16xi32>], vector<16xf32>,
    %swap3A_2627 = arith.constant 3 : i32
    %swap3A_2628 = arith.index_cast %swap3A_2627 : i32 to index
    %swap3A_2629 = arith.constant 416 : index
    %swap3A_2630 = tpu.vector_load %arg5[%swap3A_2628, %swap3A_2629] {strides = array<i32>} : memref<4x512xf32, #tpu.memory_space<vmem>>, vector<16xf32>,
    tpu.vector_store %arg5[%swap3A_2628, %swap3A_2629], %gather3A_2626 {strides = array<i32>} : memref<4x512xf32, #tpu.memory_space<vmem>>, vector<16xf32>,
    %add3A_2631 = arith.constant 48 : i32
    %add3A_2632 = vector.broadcast %add3A_2631 : i32 to vector<16xi32>
    %add3A_2633 = arith.addi %add3A_2632, %iota3A : vector<16xi32>
    %add3A_2634 = arith.constant 0 : i32
    %add3A_2635 = vector.broadcast %add3A_2634 : i32 to vector<16xi32>
    %add3A_2636 = arith.addi %mul3A_5, %add3A_2635 : vector<16xi32>
    %add3A_2637 = arith.constant 0 : i32
    %add3A_2638 = vector.broadcast %add3A_2637 : i32 to vector<16xi32>
    %add3A_2639 = arith.addi %mul3A_5, %add3A_2638 : vector<16xi32>
    %add3A_2640 = arith.constant 2 : i32
    %add3A_2641 = vector.broadcast %add3A_2640 : i32 to vector<16xi32>
    %add3A_2642 = arith.addi %mul3A_5, %add3A_2641 : vector<16xi32>
    %gather3A_2643 = tpu.vector_load_idx %arg4[%add3A_2636, %add3A_2639, %add3A_2633, %add3A_2642] : memref<3x4x64x128xf32, #tpu.memory_space<vmem>>[vector<16xi32>, vector<16xi32>, vector<16xi32>, vector<16xi32>], vector<16xf32>,
    %swap3A_2644 = arith.constant 0 : i32
    %swap3A_2645 = arith.index_cast %swap3A_2644 : i32 to index
    %swap3A_2646 = arith.constant 432 : index
    %swap3A_2647 = tpu.vector_load %arg5[%swap3A_2645, %swap3A_2646] {strides = array<i32>} : memref<4x512xf32, #tpu.memory_space<vmem>>, vector<16xf32>,
    tpu.vector_store %arg5[%swap3A_2645, %swap3A_2646], %gather3A_2643 {strides = array<i32>} : memref<4x512xf32, #tpu.memory_space<vmem>>, vector<16xf32>,
    %add3A_2648 = arith.constant 0 : i32
    %add3A_2649 = vector.broadcast %add3A_2648 : i32 to vector<16xi32>
    %add3A_2650 = arith.addi %mul3A_5, %add3A_2649 : vector<16xi32>
    %add3A_2651 = arith.constant 1 : i32
    %add3A_2652 = vector.broadcast %add3A_2651 : i32 to vector<16xi32>
    %add3A_2653 = arith.addi %mul3A_5, %add3A_2652 : vector<16xi32>
    %add3A_2654 = arith.constant 3 : i32
    %add3A_2655 = vector.broadcast %add3A_2654 : i32 to vector<16xi32>
    %add3A_2656 = arith.addi %mul3A_5, %add3A_2655 : vector<16xi32>
    %gather3A_2657 = tpu.vector_load_idx %arg4[%add3A_2650, %add3A_2653, %add3A_2633, %add3A_2656] : memref<3x4x64x128xf32, #tpu.memory_space<vmem>>[vector<16xi32>, vector<16xi32>, vector<16xi32>, vector<16xi32>], vector<16xf32>,
    %swap3A_2658 = arith.constant 1 : i32
    %swap3A_2659 = arith.index_cast %swap3A_2658 : i32 to index
    %swap3A_2660 = arith.constant 432 : index
    %swap3A_2661 = tpu.vector_load %arg5[%swap3A_2659, %swap3A_2660] {strides = array<i32>} : memref<4x512xf32, #tpu.memory_space<vmem>>, vector<16xf32>,
    tpu.vector_store %arg5[%swap3A_2659, %swap3A_2660], %gather3A_2657 {strides = array<i32>} : memref<4x512xf32, #tpu.memory_space<vmem>>, vector<16xf32>,
    %add3A_2662 = arith.constant 0 : i32
    %add3A_2663 = vector.broadcast %add3A_2662 : i32 to vector<16xi32>
    %add3A_2664 = arith.addi %mul3A_5, %add3A_2663 : vector<16xi32>
    %add3A_2665 = arith.constant 2 : i32
    %add3A_2666 = vector.broadcast %add3A_2665 : i32 to vector<16xi32>
    %add3A_2667 = arith.addi %mul3A_5, %add3A_2666 : vector<16xi32>
    %add3A_2668 = arith.constant 1 : i32
    %add3A_2669 = vector.broadcast %add3A_2668 : i32 to vector<16xi32>
    %add3A_2670 = arith.addi %mul3A_5, %add3A_2669 : vector<16xi32>
    %gather3A_2671 = tpu.vector_load_idx %arg4[%add3A_2664, %add3A_2667, %add3A_2633, %add3A_2670] : memref<3x4x64x128xf32, #tpu.memory_space<vmem>>[vector<16xi32>, vector<16xi32>, vector<16xi32>, vector<16xi32>], vector<16xf32>,
    %swap3A_2672 = arith.constant 2 : i32
    %swap3A_2673 = arith.index_cast %swap3A_2672 : i32 to index
    %swap3A_2674 = arith.constant 432 : index
    %swap3A_2675 = tpu.vector_load %arg5[%swap3A_2673, %swap3A_2674] {strides = array<i32>} : memref<4x512xf32, #tpu.memory_space<vmem>>, vector<16xf32>,
    tpu.vector_store %arg5[%swap3A_2673, %swap3A_2674], %gather3A_2671 {strides = array<i32>} : memref<4x512xf32, #tpu.memory_space<vmem>>, vector<16xf32>,
    %add3A_2676 = arith.constant 0 : i32
    %add3A_2677 = vector.broadcast %add3A_2676 : i32 to vector<16xi32>
    %add3A_2678 = arith.addi %mul3A_5, %add3A_2677 : vector<16xi32>
    %add3A_2679 = arith.constant 3 : i32
    %add3A_2680 = vector.broadcast %add3A_2679 : i32 to vector<16xi32>
    %add3A_2681 = arith.addi %mul3A_5, %add3A_2680 : vector<16xi32>
    %add3A_2682 = arith.constant 1 : i32
    %add3A_2683 = vector.broadcast %add3A_2682 : i32 to vector<16xi32>
    %add3A_2684 = arith.addi %mul3A_5, %add3A_2683 : vector<16xi32>
    %gather3A_2685 = tpu.vector_load_idx %arg4[%add3A_2678, %add3A_2681, %add3A_2633, %add3A_2684] : memref<3x4x64x128xf32, #tpu.memory_space<vmem>>[vector<16xi32>, vector<16xi32>, vector<16xi32>, vector<16xi32>], vector<16xf32>,
    %swap3A_2686 = arith.constant 3 : i32
    %swap3A_2687 = arith.index_cast %swap3A_2686 : i32 to index
    %swap3A_2688 = arith.constant 432 : index
    %swap3A_2689 = tpu.vector_load %arg5[%swap3A_2687, %swap3A_2688] {strides = array<i32>} : memref<4x512xf32, #tpu.memory_space<vmem>>, vector<16xf32>,
    tpu.vector_store %arg5[%swap3A_2687, %swap3A_2688], %gather3A_2685 {strides = array<i32>} : memref<4x512xf32, #tpu.memory_space<vmem>>, vector<16xf32>,
    %dma_wait3A_2690 = arith.constant 1 : i32
    %dma_wait3A_2691 = arith.constant 1 : i32
    %dma_wait3A_2692 = arith.constant 0 : i32
    %dma_wait3A_2693 = arith.constant 0 : i32
    %dma_wait3A_2694 = arith.constant 0 : i32
    %dma_wait3A_2695 = tpu.memref_slice %arg4[%dma_wait3A_2691, %dma_wait3A_2692, %dma_wait3A_2693, %dma_wait3A_2694] : memref<3x4x64x128xf32, #tpu.memory_space<vmem>> -> memref<1x1x64x128xf32, #tpu.memory_space<vmem>>
    %dma_wait3A_2696 = tpu.memref_squeeze %dma_wait3A_2695 : memref<1x1x64x128xf32, #tpu.memory_space<vmem>> -> memref<64x128xf32, #tpu.memory_space<vmem>>
    %dma_wait3A_2697 = arith.constant 0 : i32
    %dma_wait3A_2698 = tpu.memref_slice %arg2[%dma_wait3A_2690, %add3A_2013, %dma_wait3A_2697] : memref<50x16384x128xf32, #tpu.memory_space<hbm>> -> memref<1x64x128xf32, #tpu.memory_space<hbm>>
    %dma_wait3A_2699 = tpu.memref_squeeze %dma_wait3A_2698 : memref<1x64x128xf32, #tpu.memory_space<hbm>> -> memref<64x128xf32, #tpu.memory_space<hbm>>
    %dma_wait3A_2700 = arith.constant 0 : i32
    %dma_wait3A_2701 = arith.constant 0 : i32
    %dma_wait3A_2702 = tpu.memref_slice %arg4[%dma_wait3A_2691, %dma_wait3A_2692, %dma_wait3A_2700, %dma_wait3A_2701] : memref<3x4x64x128xf32, #tpu.memory_space<vmem>> -> memref<1x1x64x128xf32, #tpu.memory_space<vmem>>
    %dma_wait3A_2703 = tpu.memref_squeeze %dma_wait3A_2702 : memref<1x1x64x128xf32, #tpu.memory_space<vmem>> -> memref<64x128xf32, #tpu.memory_space<vmem>>
    %dma_wait3A_2704 = arith.constant 0 : i32
    %dma_wait3A_2705 = tpu.memref_slice %arg2[%dma_wait3A_2690, %add3A_2013, %dma_wait3A_2704] : memref<50x16384x128xf32, #tpu.memory_space<hbm>> -> memref<1x64x128xf32, #tpu.memory_space<hbm>>
    %dma_wait3A_2706 = tpu.memref_squeeze %dma_wait3A_2705 : memref<1x64x128xf32, #tpu.memory_space<hbm>> -> memref<64x128xf32, #tpu.memory_space<hbm>>
    tpu.wait_dma2 semaphore(%arg6 : memref<!tpu.dma_semaphore, #tpu.memory_space<semaphore_mem>>) src(%dma_wait3A_2706 : memref<64x128xf32, #tpu.memory_space<hbm>>) dst(%dma_wait3A_2703 : memref<64x128xf32, #tpu.memory_space<vmem>>)
    %dma_wait3A_2707 = arith.constant 5 : i32
    %dma_wait3A_2708 = arith.constant 1 : i32
    %dma_wait3A_2709 = arith.constant 1 : i32
    %dma_wait3A_2710 = arith.constant 0 : i32
    %dma_wait3A_2711 = arith.constant 0 : i32
    %dma_wait3A_2712 = tpu.memref_slice %arg4[%dma_wait3A_2708, %dma_wait3A_2709, %dma_wait3A_2710, %dma_wait3A_2711] : memref<3x4x64x128xf32, #tpu.memory_space<vmem>> -> memref<1x1x64x128xf32, #tpu.memory_space<vmem>>
    %dma_wait3A_2713 = tpu.memref_squeeze %dma_wait3A_2712 : memref<1x1x64x128xf32, #tpu.memory_space<vmem>> -> memref<64x128xf32, #tpu.memory_space<vmem>>
    %dma_wait3A_2714 = arith.constant 0 : i32
    %dma_wait3A_2715 = tpu.memref_slice %arg2[%dma_wait3A_2707, %add3A_2013, %dma_wait3A_2714] : memref<50x16384x128xf32, #tpu.memory_space<hbm>> -> memref<1x64x128xf32, #tpu.memory_space<hbm>>
    %dma_wait3A_2716 = tpu.memref_squeeze %dma_wait3A_2715 : memref<1x64x128xf32, #tpu.memory_space<hbm>> -> memref<64x128xf32, #tpu.memory_space<hbm>>
    %dma_wait3A_2717 = arith.constant 0 : i32
    %dma_wait3A_2718 = arith.constant 0 : i32
    %dma_wait3A_2719 = tpu.memref_slice %arg4[%dma_wait3A_2708, %dma_wait3A_2709, %dma_wait3A_2717, %dma_wait3A_2718] : memref<3x4x64x128xf32, #tpu.memory_space<vmem>> -> memref<1x1x64x128xf32, #tpu.memory_space<vmem>>
    %dma_wait3A_2720 = tpu.memref_squeeze %dma_wait3A_2719 : memref<1x1x64x128xf32, #tpu.memory_space<vmem>> -> memref<64x128xf32, #tpu.memory_space<vmem>>
    %dma_wait3A_2721 = arith.constant 0 : i32
    %dma_wait3A_2722 = tpu.memref_slice %arg2[%dma_wait3A_2707, %add3A_2013, %dma_wait3A_2721] : memref<50x16384x128xf32, #tpu.memory_space<hbm>> -> memref<1x64x128xf32, #tpu.memory_space<hbm>>
    %dma_wait3A_2723 = tpu.memref_squeeze %dma_wait3A_2722 : memref<1x64x128xf32, #tpu.memory_space<hbm>> -> memref<64x128xf32, #tpu.memory_space<hbm>>
    tpu.wait_dma2 semaphore(%arg6 : memref<!tpu.dma_semaphore, #tpu.memory_space<semaphore_mem>>) src(%dma_wait3A_2723 : memref<64x128xf32, #tpu.memory_space<hbm>>) dst(%dma_wait3A_2720 : memref<64x128xf32, #tpu.memory_space<vmem>>)
    %dma_wait3A_2724 = arith.constant 3 : i32
    %dma_wait3A_2725 = arith.constant 1 : i32
    %dma_wait3A_2726 = arith.constant 2 : i32
    %dma_wait3A_2727 = arith.constant 0 : i32
    %dma_wait3A_2728 = arith.constant 0 : i32
    %dma_wait3A_2729 = tpu.memref_slice %arg4[%dma_wait3A_2725, %dma_wait3A_2726, %dma_wait3A_2727, %dma_wait3A_2728] : memref<3x4x64x128xf32, #tpu.memory_space<vmem>> -> memref<1x1x64x128xf32, #tpu.memory_space<vmem>>
    %dma_wait3A_2730 = tpu.memref_squeeze %dma_wait3A_2729 : memref<1x1x64x128xf32, #tpu.memory_space<vmem>> -> memref<64x128xf32, #tpu.memory_space<vmem>>
    %dma_wait3A_2731 = arith.constant 0 : i32
    %dma_wait3A_2732 = tpu.memref_slice %arg2[%dma_wait3A_2724, %add3A_2013, %dma_wait3A_2731] : memref<50x16384x128xf32, #tpu.memory_space<hbm>> -> memref<1x64x128xf32, #tpu.memory_space<hbm>>
    %dma_wait3A_2733 = tpu.memref_squeeze %dma_wait3A_2732 : memref<1x64x128xf32, #tpu.memory_space<hbm>> -> memref<64x128xf32, #tpu.memory_space<hbm>>
    %dma_wait3A_2734 = arith.constant 0 : i32
    %dma_wait3A_2735 = arith.constant 0 : i32
    %dma_wait3A_2736 = tpu.memref_slice %arg4[%dma_wait3A_2725, %dma_wait3A_2726, %dma_wait3A_2734, %dma_wait3A_2735] : memref<3x4x64x128xf32, #tpu.memory_space<vmem>> -> memref<1x1x64x128xf32, #tpu.memory_space<vmem>>
    %dma_wait3A_2737 = tpu.memref_squeeze %dma_wait3A_2736 : memref<1x1x64x128xf32, #tpu.memory_space<vmem>> -> memref<64x128xf32, #tpu.memory_space<vmem>>
    %dma_wait3A_2738 = arith.constant 0 : i32
    %dma_wait3A_2739 = tpu.memref_slice %arg2[%dma_wait3A_2724, %add3A_2013, %dma_wait3A_2738] : memref<50x16384x128xf32, #tpu.memory_space<hbm>> -> memref<1x64x128xf32, #tpu.memory_space<hbm>>
    %dma_wait3A_2740 = tpu.memref_squeeze %dma_wait3A_2739 : memref<1x64x128xf32, #tpu.memory_space<hbm>> -> memref<64x128xf32, #tpu.memory_space<hbm>>
    tpu.wait_dma2 semaphore(%arg6 : memref<!tpu.dma_semaphore, #tpu.memory_space<semaphore_mem>>) src(%dma_wait3A_2740 : memref<64x128xf32, #tpu.memory_space<hbm>>) dst(%dma_wait3A_2737 : memref<64x128xf32, #tpu.memory_space<vmem>>)
    %dma_wait3A_2741 = arith.constant 2 : i32
    %dma_wait3A_2742 = arith.constant 1 : i32
    %dma_wait3A_2743 = arith.constant 3 : i32
    %dma_wait3A_2744 = arith.constant 0 : i32
    %dma_wait3A_2745 = arith.constant 0 : i32
    %dma_wait3A_2746 = tpu.memref_slice %arg4[%dma_wait3A_2742, %dma_wait3A_2743, %dma_wait3A_2744, %dma_wait3A_2745] : memref<3x4x64x128xf32, #tpu.memory_space<vmem>> -> memref<1x1x64x128xf32, #tpu.memory_space<vmem>>
    %dma_wait3A_2747 = tpu.memref_squeeze %dma_wait3A_2746 : memref<1x1x64x128xf32, #tpu.memory_space<vmem>> -> memref<64x128xf32, #tpu.memory_space<vmem>>
    %dma_wait3A_2748 = arith.constant 0 : i32
    %dma_wait3A_2749 = tpu.memref_slice %arg2[%dma_wait3A_2741, %add3A_2013, %dma_wait3A_2748] : memref<50x16384x128xf32, #tpu.memory_space<hbm>> -> memref<1x64x128xf32, #tpu.memory_space<hbm>>
    %dma_wait3A_2750 = tpu.memref_squeeze %dma_wait3A_2749 : memref<1x64x128xf32, #tpu.memory_space<hbm>> -> memref<64x128xf32, #tpu.memory_space<hbm>>
    %dma_wait3A_2751 = arith.constant 0 : i32
    %dma_wait3A_2752 = arith.constant 0 : i32
    %dma_wait3A_2753 = tpu.memref_slice %arg4[%dma_wait3A_2742, %dma_wait3A_2743, %dma_wait3A_2751, %dma_wait3A_2752] : memref<3x4x64x128xf32, #tpu.memory_space<vmem>> -> memref<1x1x64x128xf32, #tpu.memory_space<vmem>>
    %dma_wait3A_2754 = tpu.memref_squeeze %dma_wait3A_2753 : memref<1x1x64x128xf32, #tpu.memory_space<vmem>> -> memref<64x128xf32, #tpu.memory_space<vmem>>
    %dma_wait3A_2755 = arith.constant 0 : i32
    %dma_wait3A_2756 = tpu.memref_slice %arg2[%dma_wait3A_2741, %add3A_2013, %dma_wait3A_2755] : memref<50x16384x128xf32, #tpu.memory_space<hbm>> -> memref<1x64x128xf32, #tpu.memory_space<hbm>>
    %dma_wait3A_2757 = tpu.memref_squeeze %dma_wait3A_2756 : memref<1x64x128xf32, #tpu.memory_space<hbm>> -> memref<64x128xf32, #tpu.memory_space<hbm>>
    tpu.wait_dma2 semaphore(%arg6 : memref<!tpu.dma_semaphore, #tpu.memory_space<semaphore_mem>>) src(%dma_wait3A_2757 : memref<64x128xf32, #tpu.memory_space<hbm>>) dst(%dma_wait3A_2754 : memref<64x128xf32, #tpu.memory_space<vmem>>)
    %add3A_2758 = arith.constant 0 : i32
    %add3A_2759 = vector.broadcast %add3A_2758 : i32 to vector<16xi32>
    %add3A_2760 = arith.addi %add3A_2759, %iota3A : vector<16xi32>
    %add3A_2761 = arith.constant 1 : i32
    %add3A_2762 = vector.broadcast %add3A_2761 : i32 to vector<16xi32>
    %add3A_2763 = arith.addi %mul3A_5, %add3A_2762 : vector<16xi32>
    %add3A_2764 = arith.constant 0 : i32
    %add3A_2765 = vector.broadcast %add3A_2764 : i32 to vector<16xi32>
    %add3A_2766 = arith.addi %mul3A_5, %add3A_2765 : vector<16xi32>
    %add3A_2767 = arith.constant 2 : i32
    %add3A_2768 = vector.broadcast %add3A_2767 : i32 to vector<16xi32>
    %add3A_2769 = arith.addi %mul3A_5, %add3A_2768 : vector<16xi32>
    %gather3A_2770 = tpu.vector_load_idx %arg4[%add3A_2763, %add3A_2766, %add3A_2760, %add3A_2769] : memref<3x4x64x128xf32, #tpu.memory_space<vmem>>[vector<16xi32>, vector<16xi32>, vector<16xi32>, vector<16xi32>], vector<16xf32>,
    %swap3A_2771 = arith.constant 0 : i32
    %swap3A_2772 = arith.index_cast %swap3A_2771 : i32 to index
    %swap3A_2773 = arith.constant 448 : index
    %swap3A_2774 = tpu.vector_load %arg5[%swap3A_2772, %swap3A_2773] {strides = array<i32>} : memref<4x512xf32, #tpu.memory_space<vmem>>, vector<16xf32>,
    tpu.vector_store %arg5[%swap3A_2772, %swap3A_2773], %gather3A_2770 {strides = array<i32>} : memref<4x512xf32, #tpu.memory_space<vmem>>, vector<16xf32>,
    %add3A_2775 = arith.constant 1 : i32
    %add3A_2776 = vector.broadcast %add3A_2775 : i32 to vector<16xi32>
    %add3A_2777 = arith.addi %mul3A_5, %add3A_2776 : vector<16xi32>
    %add3A_2778 = arith.constant 1 : i32
    %add3A_2779 = vector.broadcast %add3A_2778 : i32 to vector<16xi32>
    %add3A_2780 = arith.addi %mul3A_5, %add3A_2779 : vector<16xi32>
    %add3A_2781 = arith.constant 3 : i32
    %add3A_2782 = vector.broadcast %add3A_2781 : i32 to vector<16xi32>
    %add3A_2783 = arith.addi %mul3A_5, %add3A_2782 : vector<16xi32>
    %gather3A_2784 = tpu.vector_load_idx %arg4[%add3A_2777, %add3A_2780, %add3A_2760, %add3A_2783] : memref<3x4x64x128xf32, #tpu.memory_space<vmem>>[vector<16xi32>, vector<16xi32>, vector<16xi32>, vector<16xi32>], vector<16xf32>,
    %swap3A_2785 = arith.constant 1 : i32
    %swap3A_2786 = arith.index_cast %swap3A_2785 : i32 to index
    %swap3A_2787 = arith.constant 448 : index
    %swap3A_2788 = tpu.vector_load %arg5[%swap3A_2786, %swap3A_2787] {strides = array<i32>} : memref<4x512xf32, #tpu.memory_space<vmem>>, vector<16xf32>,
    tpu.vector_store %arg5[%swap3A_2786, %swap3A_2787], %gather3A_2784 {strides = array<i32>} : memref<4x512xf32, #tpu.memory_space<vmem>>, vector<16xf32>,
    %add3A_2789 = arith.constant 1 : i32
    %add3A_2790 = vector.broadcast %add3A_2789 : i32 to vector<16xi32>
    %add3A_2791 = arith.addi %mul3A_5, %add3A_2790 : vector<16xi32>
    %add3A_2792 = arith.constant 2 : i32
    %add3A_2793 = vector.broadcast %add3A_2792 : i32 to vector<16xi32>
    %add3A_2794 = arith.addi %mul3A_5, %add3A_2793 : vector<16xi32>
    %add3A_2795 = arith.constant 1 : i32
    %add3A_2796 = vector.broadcast %add3A_2795 : i32 to vector<16xi32>
    %add3A_2797 = arith.addi %mul3A_5, %add3A_2796 : vector<16xi32>
    %gather3A_2798 = tpu.vector_load_idx %arg4[%add3A_2791, %add3A_2794, %add3A_2760, %add3A_2797] : memref<3x4x64x128xf32, #tpu.memory_space<vmem>>[vector<16xi32>, vector<16xi32>, vector<16xi32>, vector<16xi32>], vector<16xf32>,
    %swap3A_2799 = arith.constant 2 : i32
    %swap3A_2800 = arith.index_cast %swap3A_2799 : i32 to index
    %swap3A_2801 = arith.constant 448 : index
    %swap3A_2802 = tpu.vector_load %arg5[%swap3A_2800, %swap3A_2801] {strides = array<i32>} : memref<4x512xf32, #tpu.memory_space<vmem>>, vector<16xf32>,
    tpu.vector_store %arg5[%swap3A_2800, %swap3A_2801], %gather3A_2798 {strides = array<i32>} : memref<4x512xf32, #tpu.memory_space<vmem>>, vector<16xf32>,
    %add3A_2803 = arith.constant 1 : i32
    %add3A_2804 = vector.broadcast %add3A_2803 : i32 to vector<16xi32>
    %add3A_2805 = arith.addi %mul3A_5, %add3A_2804 : vector<16xi32>
    %add3A_2806 = arith.constant 3 : i32
    %add3A_2807 = vector.broadcast %add3A_2806 : i32 to vector<16xi32>
    %add3A_2808 = arith.addi %mul3A_5, %add3A_2807 : vector<16xi32>
    %add3A_2809 = arith.constant 1 : i32
    %add3A_2810 = vector.broadcast %add3A_2809 : i32 to vector<16xi32>
    %add3A_2811 = arith.addi %mul3A_5, %add3A_2810 : vector<16xi32>
    %gather3A_2812 = tpu.vector_load_idx %arg4[%add3A_2805, %add3A_2808, %add3A_2760, %add3A_2811] : memref<3x4x64x128xf32, #tpu.memory_space<vmem>>[vector<16xi32>, vector<16xi32>, vector<16xi32>, vector<16xi32>], vector<16xf32>,
    %swap3A_2813 = arith.constant 3 : i32
    %swap3A_2814 = arith.index_cast %swap3A_2813 : i32 to index
    %swap3A_2815 = arith.constant 448 : index
    %swap3A_2816 = tpu.vector_load %arg5[%swap3A_2814, %swap3A_2815] {strides = array<i32>} : memref<4x512xf32, #tpu.memory_space<vmem>>, vector<16xf32>,
    tpu.vector_store %arg5[%swap3A_2814, %swap3A_2815], %gather3A_2812 {strides = array<i32>} : memref<4x512xf32, #tpu.memory_space<vmem>>, vector<16xf32>,
    %add3A_2817 = arith.constant 16 : i32
    %add3A_2818 = vector.broadcast %add3A_2817 : i32 to vector<16xi32>
    %add3A_2819 = arith.addi %add3A_2818, %iota3A : vector<16xi32>
    %add3A_2820 = arith.constant 1 : i32
    %add3A_2821 = vector.broadcast %add3A_2820 : i32 to vector<16xi32>
    %add3A_2822 = arith.addi %mul3A_5, %add3A_2821 : vector<16xi32>
    %add3A_2823 = arith.constant 0 : i32
    %add3A_2824 = vector.broadcast %add3A_2823 : i32 to vector<16xi32>
    %add3A_2825 = arith.addi %mul3A_5, %add3A_2824 : vector<16xi32>
    %add3A_2826 = arith.constant 2 : i32
    %add3A_2827 = vector.broadcast %add3A_2826 : i32 to vector<16xi32>
    %add3A_2828 = arith.addi %mul3A_5, %add3A_2827 : vector<16xi32>
    %gather3A_2829 = tpu.vector_load_idx %arg4[%add3A_2822, %add3A_2825, %add3A_2819, %add3A_2828] : memref<3x4x64x128xf32, #tpu.memory_space<vmem>>[vector<16xi32>, vector<16xi32>, vector<16xi32>, vector<16xi32>], vector<16xf32>,
    %swap3A_2830 = arith.constant 0 : i32
    %swap3A_2831 = arith.index_cast %swap3A_2830 : i32 to index
    %swap3A_2832 = arith.constant 464 : index
    %swap3A_2833 = tpu.vector_load %arg5[%swap3A_2831, %swap3A_2832] {strides = array<i32>} : memref<4x512xf32, #tpu.memory_space<vmem>>, vector<16xf32>,
    tpu.vector_store %arg5[%swap3A_2831, %swap3A_2832], %gather3A_2829 {strides = array<i32>} : memref<4x512xf32, #tpu.memory_space<vmem>>, vector<16xf32>,
    %add3A_2834 = arith.constant 1 : i32
    %add3A_2835 = vector.broadcast %add3A_2834 : i32 to vector<16xi32>
    %add3A_2836 = arith.addi %mul3A_5, %add3A_2835 : vector<16xi32>
    %add3A_2837 = arith.constant 1 : i32
    %add3A_2838 = vector.broadcast %add3A_2837 : i32 to vector<16xi32>
    %add3A_2839 = arith.addi %mul3A_5, %add3A_2838 : vector<16xi32>
    %add3A_2840 = arith.constant 3 : i32
    %add3A_2841 = vector.broadcast %add3A_2840 : i32 to vector<16xi32>
    %add3A_2842 = arith.addi %mul3A_5, %add3A_2841 : vector<16xi32>
    %gather3A_2843 = tpu.vector_load_idx %arg4[%add3A_2836, %add3A_2839, %add3A_2819, %add3A_2842] : memref<3x4x64x128xf32, #tpu.memory_space<vmem>>[vector<16xi32>, vector<16xi32>, vector<16xi32>, vector<16xi32>], vector<16xf32>,
    %swap3A_2844 = arith.constant 1 : i32
    %swap3A_2845 = arith.index_cast %swap3A_2844 : i32 to index
    %swap3A_2846 = arith.constant 464 : index
    %swap3A_2847 = tpu.vector_load %arg5[%swap3A_2845, %swap3A_2846] {strides = array<i32>} : memref<4x512xf32, #tpu.memory_space<vmem>>, vector<16xf32>,
    tpu.vector_store %arg5[%swap3A_2845, %swap3A_2846], %gather3A_2843 {strides = array<i32>} : memref<4x512xf32, #tpu.memory_space<vmem>>, vector<16xf32>,
    %add3A_2848 = arith.constant 1 : i32
    %add3A_2849 = vector.broadcast %add3A_2848 : i32 to vector<16xi32>
    %add3A_2850 = arith.addi %mul3A_5, %add3A_2849 : vector<16xi32>
    %add3A_2851 = arith.constant 2 : i32
    %add3A_2852 = vector.broadcast %add3A_2851 : i32 to vector<16xi32>
    %add3A_2853 = arith.addi %mul3A_5, %add3A_2852 : vector<16xi32>
    %add3A_2854 = arith.constant 1 : i32
    %add3A_2855 = vector.broadcast %add3A_2854 : i32 to vector<16xi32>
    %add3A_2856 = arith.addi %mul3A_5, %add3A_2855 : vector<16xi32>
    %gather3A_2857 = tpu.vector_load_idx %arg4[%add3A_2850, %add3A_2853, %add3A_2819, %add3A_2856] : memref<3x4x64x128xf32, #tpu.memory_space<vmem>>[vector<16xi32>, vector<16xi32>, vector<16xi32>, vector<16xi32>], vector<16xf32>,
    %swap3A_2858 = arith.constant 2 : i32
    %swap3A_2859 = arith.index_cast %swap3A_2858 : i32 to index
    %swap3A_2860 = arith.constant 464 : index
    %swap3A_2861 = tpu.vector_load %arg5[%swap3A_2859, %swap3A_2860] {strides = array<i32>} : memref<4x512xf32, #tpu.memory_space<vmem>>, vector<16xf32>,
    tpu.vector_store %arg5[%swap3A_2859, %swap3A_2860], %gather3A_2857 {strides = array<i32>} : memref<4x512xf32, #tpu.memory_space<vmem>>, vector<16xf32>,
    %add3A_2862 = arith.constant 1 : i32
    %add3A_2863 = vector.broadcast %add3A_2862 : i32 to vector<16xi32>
    %add3A_2864 = arith.addi %mul3A_5, %add3A_2863 : vector<16xi32>
    %add3A_2865 = arith.constant 3 : i32
    %add3A_2866 = vector.broadcast %add3A_2865 : i32 to vector<16xi32>
    %add3A_2867 = arith.addi %mul3A_5, %add3A_2866 : vector<16xi32>
    %add3A_2868 = arith.constant 1 : i32
    %add3A_2869 = vector.broadcast %add3A_2868 : i32 to vector<16xi32>
    %add3A_2870 = arith.addi %mul3A_5, %add3A_2869 : vector<16xi32>
    %gather3A_2871 = tpu.vector_load_idx %arg4[%add3A_2864, %add3A_2867, %add3A_2819, %add3A_2870] : memref<3x4x64x128xf32, #tpu.memory_space<vmem>>[vector<16xi32>, vector<16xi32>, vector<16xi32>, vector<16xi32>], vector<16xf32>,
    %swap3A_2872 = arith.constant 3 : i32
    %swap3A_2873 = arith.index_cast %swap3A_2872 : i32 to index
    %swap3A_2874 = arith.constant 464 : index
    %swap3A_2875 = tpu.vector_load %arg5[%swap3A_2873, %swap3A_2874] {strides = array<i32>} : memref<4x512xf32, #tpu.memory_space<vmem>>, vector<16xf32>,
    tpu.vector_store %arg5[%swap3A_2873, %swap3A_2874], %gather3A_2871 {strides = array<i32>} : memref<4x512xf32, #tpu.memory_space<vmem>>, vector<16xf32>,
    %add3A_2876 = arith.constant 32 : i32
    %add3A_2877 = vector.broadcast %add3A_2876 : i32 to vector<16xi32>
    %add3A_2878 = arith.addi %add3A_2877, %iota3A : vector<16xi32>
    %add3A_2879 = arith.constant 1 : i32
    %add3A_2880 = vector.broadcast %add3A_2879 : i32 to vector<16xi32>
    %add3A_2881 = arith.addi %mul3A_5, %add3A_2880 : vector<16xi32>
    %add3A_2882 = arith.constant 0 : i32
    %add3A_2883 = vector.broadcast %add3A_2882 : i32 to vector<16xi32>
    %add3A_2884 = arith.addi %mul3A_5, %add3A_2883 : vector<16xi32>
    %add3A_2885 = arith.constant 2 : i32
    %add3A_2886 = vector.broadcast %add3A_2885 : i32 to vector<16xi32>
    %add3A_2887 = arith.addi %mul3A_5, %add3A_2886 : vector<16xi32>
    %gather3A_2888 = tpu.vector_load_idx %arg4[%add3A_2881, %add3A_2884, %add3A_2878, %add3A_2887] : memref<3x4x64x128xf32, #tpu.memory_space<vmem>>[vector<16xi32>, vector<16xi32>, vector<16xi32>, vector<16xi32>], vector<16xf32>,
    %swap3A_2889 = arith.constant 0 : i32
    %swap3A_2890 = arith.index_cast %swap3A_2889 : i32 to index
    %swap3A_2891 = arith.constant 480 : index
    %swap3A_2892 = tpu.vector_load %arg5[%swap3A_2890, %swap3A_2891] {strides = array<i32>} : memref<4x512xf32, #tpu.memory_space<vmem>>, vector<16xf32>,
    tpu.vector_store %arg5[%swap3A_2890, %swap3A_2891], %gather3A_2888 {strides = array<i32>} : memref<4x512xf32, #tpu.memory_space<vmem>>, vector<16xf32>,
    %add3A_2893 = arith.constant 1 : i32
    %add3A_2894 = vector.broadcast %add3A_2893 : i32 to vector<16xi32>
    %add3A_2895 = arith.addi %mul3A_5, %add3A_2894 : vector<16xi32>
    %add3A_2896 = arith.constant 1 : i32
    %add3A_2897 = vector.broadcast %add3A_2896 : i32 to vector<16xi32>
    %add3A_2898 = arith.addi %mul3A_5, %add3A_2897 : vector<16xi32>
    %add3A_2899 = arith.constant 3 : i32
    %add3A_2900 = vector.broadcast %add3A_2899 : i32 to vector<16xi32>
    %add3A_2901 = arith.addi %mul3A_5, %add3A_2900 : vector<16xi32>
    %gather3A_2902 = tpu.vector_load_idx %arg4[%add3A_2895, %add3A_2898, %add3A_2878, %add3A_2901] : memref<3x4x64x128xf32, #tpu.memory_space<vmem>>[vector<16xi32>, vector<16xi32>, vector<16xi32>, vector<16xi32>], vector<16xf32>,
    %swap3A_2903 = arith.constant 1 : i32
    %swap3A_2904 = arith.index_cast %swap3A_2903 : i32 to index
    %swap3A_2905 = arith.constant 480 : index
    %swap3A_2906 = tpu.vector_load %arg5[%swap3A_2904, %swap3A_2905] {strides = array<i32>} : memref<4x512xf32, #tpu.memory_space<vmem>>, vector<16xf32>,
    tpu.vector_store %arg5[%swap3A_2904, %swap3A_2905], %gather3A_2902 {strides = array<i32>} : memref<4x512xf32, #tpu.memory_space<vmem>>, vector<16xf32>,
    %add3A_2907 = arith.constant 1 : i32
    %add3A_2908 = vector.broadcast %add3A_2907 : i32 to vector<16xi32>
    %add3A_2909 = arith.addi %mul3A_5, %add3A_2908 : vector<16xi32>
    %add3A_2910 = arith.constant 2 : i32
    %add3A_2911 = vector.broadcast %add3A_2910 : i32 to vector<16xi32>
    %add3A_2912 = arith.addi %mul3A_5, %add3A_2911 : vector<16xi32>
    %add3A_2913 = arith.constant 1 : i32
    %add3A_2914 = vector.broadcast %add3A_2913 : i32 to vector<16xi32>
    %add3A_2915 = arith.addi %mul3A_5, %add3A_2914 : vector<16xi32>
    %gather3A_2916 = tpu.vector_load_idx %arg4[%add3A_2909, %add3A_2912, %add3A_2878, %add3A_2915] : memref<3x4x64x128xf32, #tpu.memory_space<vmem>>[vector<16xi32>, vector<16xi32>, vector<16xi32>, vector<16xi32>], vector<16xf32>,
    %swap3A_2917 = arith.constant 2 : i32
    %swap3A_2918 = arith.index_cast %swap3A_2917 : i32 to index
    %swap3A_2919 = arith.constant 480 : index
    %swap3A_2920 = tpu.vector_load %arg5[%swap3A_2918, %swap3A_2919] {strides = array<i32>} : memref<4x512xf32, #tpu.memory_space<vmem>>, vector<16xf32>,
    tpu.vector_store %arg5[%swap3A_2918, %swap3A_2919], %gather3A_2916 {strides = array<i32>} : memref<4x512xf32, #tpu.memory_space<vmem>>, vector<16xf32>,
    %add3A_2921 = arith.constant 1 : i32
    %add3A_2922 = vector.broadcast %add3A_2921 : i32 to vector<16xi32>
    %add3A_2923 = arith.addi %mul3A_5, %add3A_2922 : vector<16xi32>
    %add3A_2924 = arith.constant 3 : i32
    %add3A_2925 = vector.broadcast %add3A_2924 : i32 to vector<16xi32>
    %add3A_2926 = arith.addi %mul3A_5, %add3A_2925 : vector<16xi32>
    %add3A_2927 = arith.constant 1 : i32
    %add3A_2928 = vector.broadcast %add3A_2927 : i32 to vector<16xi32>
    %add3A_2929 = arith.addi %mul3A_5, %add3A_2928 : vector<16xi32>
    %gather3A_2930 = tpu.vector_load_idx %arg4[%add3A_2923, %add3A_2926, %add3A_2878, %add3A_2929] : memref<3x4x64x128xf32, #tpu.memory_space<vmem>>[vector<16xi32>, vector<16xi32>, vector<16xi32>, vector<16xi32>], vector<16xf32>,
    %swap3A_2931 = arith.constant 3 : i32
    %swap3A_2932 = arith.index_cast %swap3A_2931 : i32 to index
    %swap3A_2933 = arith.constant 480 : index
    %swap3A_2934 = tpu.vector_load %arg5[%swap3A_2932, %swap3A_2933] {strides = array<i32>} : memref<4x512xf32, #tpu.memory_space<vmem>>, vector<16xf32>,
    tpu.vector_store %arg5[%swap3A_2932, %swap3A_2933], %gather3A_2930 {strides = array<i32>} : memref<4x512xf32, #tpu.memory_space<vmem>>, vector<16xf32>,
    %add3A_2935 = arith.constant 48 : i32
    %add3A_2936 = vector.broadcast %add3A_2935 : i32 to vector<16xi32>
    %add3A_2937 = arith.addi %add3A_2936, %iota3A : vector<16xi32>
    %add3A_2938 = arith.constant 1 : i32
    %add3A_2939 = vector.broadcast %add3A_2938 : i32 to vector<16xi32>
    %add3A_2940 = arith.addi %mul3A_5, %add3A_2939 : vector<16xi32>
    %add3A_2941 = arith.constant 0 : i32
    %add3A_2942 = vector.broadcast %add3A_2941 : i32 to vector<16xi32>
    %add3A_2943 = arith.addi %mul3A_5, %add3A_2942 : vector<16xi32>
    %add3A_2944 = arith.constant 2 : i32
    %add3A_2945 = vector.broadcast %add3A_2944 : i32 to vector<16xi32>
    %add3A_2946 = arith.addi %mul3A_5, %add3A_2945 : vector<16xi32>
    %gather3A_2947 = tpu.vector_load_idx %arg4[%add3A_2940, %add3A_2943, %add3A_2937, %add3A_2946] : memref<3x4x64x128xf32, #tpu.memory_space<vmem>>[vector<16xi32>, vector<16xi32>, vector<16xi32>, vector<16xi32>], vector<16xf32>,
    %swap3A_2948 = arith.constant 0 : i32
    %swap3A_2949 = arith.index_cast %swap3A_2948 : i32 to index
    %swap3A_2950 = arith.constant 496 : index
    %swap3A_2951 = tpu.vector_load %arg5[%swap3A_2949, %swap3A_2950] {strides = array<i32>} : memref<4x512xf32, #tpu.memory_space<vmem>>, vector<16xf32>,
    tpu.vector_store %arg5[%swap3A_2949, %swap3A_2950], %gather3A_2947 {strides = array<i32>} : memref<4x512xf32, #tpu.memory_space<vmem>>, vector<16xf32>,
    %add3A_2952 = arith.constant 1 : i32
    %add3A_2953 = vector.broadcast %add3A_2952 : i32 to vector<16xi32>
    %add3A_2954 = arith.addi %mul3A_5, %add3A_2953 : vector<16xi32>
    %add3A_2955 = arith.constant 1 : i32
    %add3A_2956 = vector.broadcast %add3A_2955 : i32 to vector<16xi32>
    %add3A_2957 = arith.addi %mul3A_5, %add3A_2956 : vector<16xi32>
    %add3A_2958 = arith.constant 3 : i32
    %add3A_2959 = vector.broadcast %add3A_2958 : i32 to vector<16xi32>
    %add3A_2960 = arith.addi %mul3A_5, %add3A_2959 : vector<16xi32>
    %gather3A_2961 = tpu.vector_load_idx %arg4[%add3A_2954, %add3A_2957, %add3A_2937, %add3A_2960] : memref<3x4x64x128xf32, #tpu.memory_space<vmem>>[vector<16xi32>, vector<16xi32>, vector<16xi32>, vector<16xi32>], vector<16xf32>,
    %swap3A_2962 = arith.constant 1 : i32
    %swap3A_2963 = arith.index_cast %swap3A_2962 : i32 to index
    %swap3A_2964 = arith.constant 496 : index
    %swap3A_2965 = tpu.vector_load %arg5[%swap3A_2963, %swap3A_2964] {strides = array<i32>} : memref<4x512xf32, #tpu.memory_space<vmem>>, vector<16xf32>,
    tpu.vector_store %arg5[%swap3A_2963, %swap3A_2964], %gather3A_2961 {strides = array<i32>} : memref<4x512xf32, #tpu.memory_space<vmem>>, vector<16xf32>,
    %add3A_2966 = arith.constant 1 : i32
    %add3A_2967 = vector.broadcast %add3A_2966 : i32 to vector<16xi32>
    %add3A_2968 = arith.addi %mul3A_5, %add3A_2967 : vector<16xi32>
    %add3A_2969 = arith.constant 2 : i32
    %add3A_2970 = vector.broadcast %add3A_2969 : i32 to vector<16xi32>
    %add3A_2971 = arith.addi %mul3A_5, %add3A_2970 : vector<16xi32>
    %add3A_2972 = arith.constant 1 : i32
    %add3A_2973 = vector.broadcast %add3A_2972 : i32 to vector<16xi32>
    %add3A_2974 = arith.addi %mul3A_5, %add3A_2973 : vector<16xi32>
    %gather3A_2975 = tpu.vector_load_idx %arg4[%add3A_2968, %add3A_2971, %add3A_2937, %add3A_2974] : memref<3x4x64x128xf32, #tpu.memory_space<vmem>>[vector<16xi32>, vector<16xi32>, vector<16xi32>, vector<16xi32>], vector<16xf32>,
    %swap3A_2976 = arith.constant 2 : i32
    %swap3A_2977 = arith.index_cast %swap3A_2976 : i32 to index
    %swap3A_2978 = arith.constant 496 : index
    %swap3A_2979 = tpu.vector_load %arg5[%swap3A_2977, %swap3A_2978] {strides = array<i32>} : memref<4x512xf32, #tpu.memory_space<vmem>>, vector<16xf32>,
    tpu.vector_store %arg5[%swap3A_2977, %swap3A_2978], %gather3A_2975 {strides = array<i32>} : memref<4x512xf32, #tpu.memory_space<vmem>>, vector<16xf32>,
    %add3A_2980 = arith.constant 1 : i32
    %add3A_2981 = vector.broadcast %add3A_2980 : i32 to vector<16xi32>
    %add3A_2982 = arith.addi %mul3A_5, %add3A_2981 : vector<16xi32>
    %add3A_2983 = arith.constant 3 : i32
    %add3A_2984 = vector.broadcast %add3A_2983 : i32 to vector<16xi32>
    %add3A_2985 = arith.addi %mul3A_5, %add3A_2984 : vector<16xi32>
    %add3A_2986 = arith.constant 1 : i32
    %add3A_2987 = vector.broadcast %add3A_2986 : i32 to vector<16xi32>
    %add3A_2988 = arith.addi %mul3A_5, %add3A_2987 : vector<16xi32>
    %gather3A_2989 = tpu.vector_load_idx %arg4[%add3A_2982, %add3A_2985, %add3A_2937, %add3A_2988] : memref<3x4x64x128xf32, #tpu.memory_space<vmem>>[vector<16xi32>, vector<16xi32>, vector<16xi32>, vector<16xi32>], vector<16xf32>,
    %swap3A_2990 = arith.constant 3 : i32
    %swap3A_2991 = arith.index_cast %swap3A_2990 : i32 to index
    %swap3A_2992 = arith.constant 496 : index
    %swap3A_2993 = tpu.vector_load %arg5[%swap3A_2991, %swap3A_2992] {strides = array<i32>} : memref<4x512xf32, #tpu.memory_space<vmem>>, vector<16xf32>,
    tpu.vector_store %arg5[%swap3A_2991, %swap3A_2992], %gather3A_2989 {strides = array<i32>} : memref<4x512xf32, #tpu.memory_space<vmem>>, vector<16xf32>,
    "tpu.region"() ({
      %run_scoped3A = tpu.sem_alloc : memref<!tpu.dma_semaphore, #tpu.memory_space<semaphore_mem>>
      %dma_start3A_2994 = arith.constant 0 : i32
      %dma_start3A_2995 = tpu.memref_slice %arg3[%dma_start3A_2994, %mul3A_2] : memref<4x16384xf32, #tpu.memory_space<hbm>> -> memref<4x512xf32, #tpu.memory_space<hbm>>
      %dma_start3A_2996 = arith.constant 0 : i32
      %dma_start3A_2997 = tpu.memref_slice %arg3[%dma_start3A_2996, %mul3A_2] : memref<4x16384xf32, #tpu.memory_space<hbm>> -> memref<4x512xf32, #tpu.memory_space<hbm>>
      tpu.enqueue_dma source(%arg5 : memref<4x512xf32, #tpu.memory_space<vmem>>) target(%dma_start3A_2997 : memref<4x512xf32, #tpu.memory_space<hbm>>) target_semaphore(%run_scoped3A : memref<!tpu.dma_semaphore, #tpu.memory_space<semaphore_mem>>)
      %dma_wait3A_2998 = arith.constant 0 : i32
      %dma_wait3A_2999 = tpu.memref_slice %arg3[%dma_wait3A_2998, %mul3A_2] : memref<4x16384xf32, #tpu.memory_space<hbm>> -> memref<4x512xf32, #tpu.memory_space<hbm>>
      %dma_wait3A_3000 = arith.constant 0 : i32
      %dma_wait3A_3001 = tpu.memref_slice %arg3[%dma_wait3A_3000, %mul3A_2] : memref<4x16384xf32, #tpu.memory_space<hbm>> -> memref<4x512xf32, #tpu.memory_space<hbm>>
      tpu.wait_dma2 semaphore(%run_scoped3A : memref<!tpu.dma_semaphore, #tpu.memory_space<semaphore_mem>>) src(%arg5 : memref<4x512xf32, #tpu.memory_space<vmem>>) dst(%dma_wait3A_3001 : memref<4x512xf32, #tpu.memory_space<hbm>>)
      tpu.yield
    }) : () -> ()
    return
  }
}

</mosaic_0001>

<sc_bundles>
// kernel: _sc_call.3.cloned.1.call-start
scs
__scs_entry_jumppad:
0x0: {  	(pc) =	sbr.rel $0x88, $3  }
0x1: {  	(tag) =	ssettag $0x0;
	lr =	simm.s32 $0x1  }
0x2: {  	[smem:$0x3FA0] =	sst lr;
	_ =	strace $0xD0000000  }
0x3: {  	_ = 	snop  }
0x4: {  	_ = 	snop  }
0x5: {  	_ = 	snop  }
0x6: {  	_ = 	snop  }
0x7: {  	_ = 	snop  }
__scs_overlays_trampoline_lowered:
0x8: {  	[smem:$0x3FAF] =	sst s0  }
0x9: {  	[smem:$0x3FB0] =	sst s1  }
0xa: {  	[smem:$0x3FB1] =	sst s2  }
0xb: {  	[smem:$0x3FB2] =	sst s3  }
0xc: {  	[smem:$0x3FB3] =	sst s4  }
0xd: {  	[smem:$0x3FB4] =	sst s5  }
0xe: {  	[smem:$0x3FB5] =	sst s6  }
0xf: {  	[smem:$0x3FB6] =	sst s7  }
0x10: {  	[smem:$0x3FB7] =	sst s8  }
0x11: {  	[smem:$0x3FB8] =	sst s9;
	s0 =	simm.s32 @!p0 $0x0  }
0x12: {  	s1 =	sld [smem:$0x3F9E];
	s0 =	simm.s32 @p0 $0x1  }
0x13: {  	[smem:$0x3FB9] =	sst s0;
	s0 =	simm.s32 @!p1 $0x0  }
0x14: {  	s2 =	sld [smem:$0x3F9D];
	s0 =	simm.s32 @p1 $0x1  }
0x15: {  	[smem:$0x3FBA] =	sst s0;
	s0 =	simm.s32 @!p2 $0x0  }
0x16: {  	s3 =	sld [smem:$0x3FDB];
	s0 =	simm.s32 @p2 $0x1  }
0x17: {  	s4 =	simm.s32 $0x1BF5;
	[smem:$0x3FBC] =	sst s0  }
0x18: {  	s0 =	sld [smem:$0x3F9F];
	_ =	swait.ge [sflag:s4], $0x0  }
0x19: {  	s7 =	sld [smem:$0x3FA0]  }
0x1a: {  	s8 =	sadd.s32 $0xFFFFE003, lr  }
0x1b: {  	s9 =	sadd.s32 $0xFFFFFEF7, lr;
	s5 =	simm.s32 $0xFFFFFFFF;
	p2 =	slt.u32 s8, $0xFFFFF086  }
0x1c: {  	p1 =	slt.u32 s9, $0xF7A;
	s5 =	simm.s32 @!p2 $0x0  }
0x1d: {  	s5 =	simm.s32 @p1 $0x1;
	p0 =	seq.s32 s7, s2  }
0x1e: {  	s7 =	smul.u32 @!p0 $0xF7A, s2;
	p2 =	seq.s32 @!p0 s5, $0x0  }
0x1f: {  	s9 =	smul.u32 $0xF7A, s1;
	s8 =	simm.s32 @!p0 $0x1BF5;
	p2 =	por !p2, p0  }
0x20: {  	[sflag:s8] =	ssyncset.s32 @!p0 $0xFFFFF086;
	s6 =	sadd.s32 @!p0 s3, s7;
	s7 =	simm.s32 @!p0 $0x108  }
0x21: {  	s3 =	sadd.s32 s3, s9;
	s6 =	sadd.s32 @!p0 $0x88, s6;
	s7 =	simm.s32 @p2 $0x1082  }
0x22: {  	[simem:s7], [sflag:s8] =	dma.local @!p0 [hbm:s6], $0xF7A  }
0x23: {  	s9 =	sor.u32 $0xD0000000, s2;
	s6 =	simm.s32 $0x108;
	_ =	swait.ge @!p0 [sflag:s8], $0x0  }
0x24: {  	s3 =	sadd.s32 $0x88, s3;
	s6 =	simm.s32 @!p1 $0x1082;
	[sflag:s4] =	ssyncset.s32 $0xFFFFF086  }
0x25: {  	[simem:s6], [sflag:s4] =	dma.local [hbm:s3], $0xF7A  }
0x26: {  	[smem:$0x3FA0] =	sst s1;
	(tag) =	ssettag s2;
	_ =	strace s9  }
0x27: {  	s1 =	sld [smem:$0x3FB0]  }
0x28: {  	s2 =	sld [smem:$0x3FB1]  }
0x29: {  	s4 =	sld [smem:$0x3FB3]  }
0x2a: {  	p0 =	seq.s32 s5, $0x0;
	s5 =	sld [smem:$0x3FB4]  }
0x2b: {  	s6 =	sld [smem:$0x3FB5]  }
0x2c: {  	s7 =	sld [smem:$0x3FB6]  }
0x2d: {  	s3 =	simm.s32 $0x108;
	s8 =	sld [smem:$0x3FB7]  }
0x2e: {  	s3 =	simm.s32 @!p0 $0x1082;
	s9 =	sld [smem:$0x3FB8]  }
0x2f: {  	lr =	sadd.s32 s0, s3;
	s0 =	sld [smem:$0x3FAF]  }
0x30: {  	s3 =	sld [smem:$0x3FB2]  }
0x31: {  	[smem:$0x3FBB] =	sst s10  }
0x32: {  	s10 =	sld [smem:$0x3FB9];
	_ =	sdelay $0x3  }
0x33: {  	p0 =	seq.s32 s10, $0x1;
	s10 =	sld [smem:$0x3FBB];
	_ =	sdelay $0x3  }
0x34: {  	[smem:$0x3FBB] =	sst s10  }
0x35: {  	s10 =	sld [smem:$0x3FBA];
	_ =	sdelay $0x3  }
0x36: {  	p1 =	seq.s32 s10, $0x1;
	s10 =	sld [smem:$0x3FBB];
	_ =	sdelay $0x3  }
0x37: {  	[smem:$0x3FBB] =	sst s10  }
0x38: {  	s10 =	sld [smem:$0x3FBC]  }
0x39: {  	_ = 	snop;
	(pc) =	sbr.ind lr, $3  }
0x3a: {  	_ = 	snop  }
0x3b: {  	_ = 	snop  }
0x3c: {  	p2 =	seq.s32 s10, $0x1;
	s10 =	sld [smem:$0x3FBB]  }
0x3d: {  	_ =	shalt  }
0x3e: {  	_ =	shalt  }
0x3f: {  	_ =	shalt  }
0x40: {  	_ =	shalt  }
0x41: {  	_ =	shalt  }
0x42: {  	_ =	shalt  }
0x43: {  	_ =	shalt  }
0x44: {  	_ =	shalt  }
0x45: {  	_ =	shalt  }
0x46: {  	_ =	shalt  }
0x47: {  	_ =	shalt  }
0x48: {  	_ =	shalt  }
0x49: {  	_ =	shalt  }
0x4a: {  	_ =	shalt  }
0x4b: {  	_ =	shalt  }
0x4c: {  	_ =	shalt  }
0x4d: {  	_ =	shalt  }
0x4e: {  	_ =	shalt  }
0x4f: {  	_ =	shalt  }
0x50: {  	_ =	shalt  }
0x51: {  	_ =	shalt  }
0x52: {  	_ =	shalt  }
0x53: {  	_ =	shalt  }
0x54: {  	_ =	shalt  }
0x55: {  	_ =	shalt  }
0x56: {  	_ =	shalt  }
0x57: {  	_ =	shalt  }
0x58: {  	_ =	shalt  }
0x59: {  	_ =	shalt  }
0x5a: {  	_ =	shalt  }
0x5b: {  	_ =	shalt  }
0x5c: {  	_ =	shalt  }
0x5d: {  	_ =	shalt  }
0x5e: {  	_ =	shalt  }
0x5f: {  	_ =	shalt  }
0x60: {  	_ =	shalt  }
0x61: {  	_ =	shalt  }
0x62: {  	_ =	shalt  }
0x63: {  	_ =	shalt  }
0x64: {  	_ =	shalt  }
0x65: {  	_ =	shalt  }
0x66: {  	_ =	shalt  }
0x67: {  	_ =	shalt  }
0x68: {  	_ =	shalt  }
0x69: {  	_ =	shalt  }
0x6a: {  	_ =	shalt  }
0x6b: {  	_ =	shalt  }
0x6c: {  	_ =	shalt  }
0x6d: {  	_ =	shalt  }
0x6e: {  	_ =	shalt  }
0x6f: {  	_ =	shalt  }
0x70: {  	_ =	shalt  }
0x71: {  	_ =	shalt  }
0x72: {  	_ =	shalt  }
0x73: {  	_ =	shalt  }
0x74: {  	_ =	shalt  }
0x75: {  	_ =	shalt  }
0x76: {  	_ =	shalt  }
0x77: {  	_ =	shalt  }
0x78: {  	_ =	shalt  }
0x79: {  	_ =	shalt  }
0x7a: {  	_ =	shalt  }
0x7b: {  	_ =	shalt  }
0x7c: {  	_ =	shalt  }
0x7d: {  	_ =	shalt  }
0x7e: {  	_ =	shalt  }
0x7f: {  	_ =	shalt  }
0x80: {  	_ =	shalt  }
0x81: {  	_ =	shalt  }
0x82: {  	_ =	shalt  }
0x83: {  	_ =	shalt  }
0x84: {  	_ =	shalt  }
0x85: {  	_ =	shalt  }
0x86: {  	_ =	shalt  }
0x87: {  	_ =	shalt  }
.Lfunc_end0:
.L_simem_size_0:
called_computation_lowered:
.L_overlay_start_0:
0x88: {  	s2 =	sld [smem:$0x3FD9]  }
0x89: {  	s3 =	sld [smem:$0x3FFE];
	_ =	sdelay $0x1  }
0x8a: {  	s1 =	srdreg.scid  }
0x8b: {  	s0 =	sand.u32 $0x1, s1  }
0x8c: {  	s18 =	sshll.u32 s0, $0xA;
	s2 =	sadd.s32 s3, s2  }
0x8d: {  	s2 =	sadd.s32 s2, s18  }
0x8e: {  	[smem:$0x3FC7] =	sst s2  }
0x8f: {  	_ = 	snop  }
0x90: {  	s2 =	sld [smem:$0x3FC9]  }
0x91: {  	s19 =	sld [smem:$0x3FD0];
	(tm) =	ssettm $0x1  }
0x92: {  	s4 =	sld [smem:$0x3FFB];
	_ =	sdelay $0x3  }
0x93: {  	_ =	strace s4  }
0x94: {  	s4 =	sld [smem:$0x3FFC];
	_ =	sdelay $0x3  }
0x95: {  	_ =	strace s4  }
0x96: {  	s4 =	sld [smem:$0x3FFD];
	_ =	sdelay $0x3  }
0x97: {  	_ =	strace s4  }
0x98: {  	_ =	strace $0x8FFFFFFF  }
0x99: {  	s20 =	sld [smem:$0x3FDB];
	_ =	sdelay $0x1  }
0x9a: {  	s5 =	simm.s32 $_scs_section_size  }
0x9b: {  	s6 =	simm.s32 $_size__tile_overlayer_lowered;
	s7 =	simm.s32 $_tile_overlayer_lowered  }
0x9c: {  	s23 =	simm.s32 $0x1BFF;
	s22 =	sshll.u32 s7, $0x1;
	s4 =	sadd.s32 s5, s20  }
0x9d: {  	s8 =	simm.s32 $0x0;
	s21 =	sshll.u32 s6, $0x1;
	s6 =	sadd.s32 s22, s4  }
0x9e: {  	[timem:s8], [sflag:s23] =	dma.local [hbm:s6], s21  }
0x9f: {  	_ =	swait.ge [sflag:s23], s21  }
0xa0: {  	s5 =	ssub.s32 $0x0, s21;
	[sflag:s23] =	ssyncset.done $0x0  }
0xa1: {  	[sflag:s23] =	ssyncadd.s32 s5;
	_ =	sdelay $0x1  }
0xa2: {  	s24 =	simm.s32 $0x1B8B  }
0xa3: {  	_ =	swait.ge [sflag:s24], $0x1  }
0xa4: {  	[sflag:s24] =	ssyncset.done $0x0  }
0xa5: {  	s25 =	simm.s32 $0x1B8E;
	[sflag:s24] =	ssyncadd.s32 $0xFFFFFFFF  }
0xa6: {  	s26 =	simm.s32 $execute0_lowered;
	[smem:$0x3FD2] =	sst s25  }
0xa7: {  	s5 =	sshll.u32 s26, $0x1;
	_ =	strace $0x80000046;
	[dreg:$0x1] =	wrdreg $0xFFFFFFFF  }
0xa8: {  	s28 =	simm.s32 $_size_execute0_lowered;
	s4 =	sadd.s32 s4, s5;
	[dreg:$0x0] =	wrdreg $0x0  }
0xa9: {  	s5 =	sshll.u32 s28, $0x1;
	[dreg:$0x2] =	wrdreg s4  }
0xaa: {  	[dreg:$0x3] =	wrdreg s5  }
0xab: {  	[dreg:$0x4] =	wrdreg $0xC0  }
0xac: {  	_ =	task [dreg:s8], $0x5FFFF  }
0xad: {  	[dreg:$0x1] =	wrdreg $0xFFFFFFFF  }
0xae: {  	[dreg:$0x0] =	wrdreg $0x60  }
0xaf: {  	[dreg:$0x2] =	wrdreg s2  }
0xb0: {  	[dreg:$0x3] =	wrdreg s19  }
0xb1: {  	[dreg:$0x4] =	wrdreg $0x9  }
0xb2: {  	_ =	task.clear_ibuf [dreg:s8], $0x5FFFF;
	_ =	strace $0x90000046  }
0xb3: {  	s29 =	simm.s32 $0x9;
	_ =	strace $0x80000048  }
0xb4: {  	_ =	swait.ge [sflag:s29], $0x1  }
0xb5: {  	[sflag:s29] =	ssyncadd.s32 $0xFFFFFFFF  }
0xb6: {  	_ =	strace $0x90000048  }
0xb7: {  	_ =	sfence  }
0xb8: {  	s30 =	sld [smem:$0x0];
	_ =	sdelay $0x2  }
0xb9: {  	s31 =	sshll.u32 s1, $0xD;
	s1 =	sshrl.u32 s1, $0x2  }
0xba: {  	s3 =	sand.u32 $0x4000, s31;
	s1 =	sadd.s32 s1, s30  }
0xbb: {  	s0 =	sor.u32 s3, s0;
	s1 =	sshll.u32 s1, $0x11  }
0xbc: {  	s0 =	sor.u32 s1, s0  }
0xbd: {  	s0 =	sadd.s32 $0x8F2B, s0  }
0xbe: {  	[sflag:s0] =	ssyncadd.remote.s32 $0x1  }
0xbf: {  	_ =	sfence.sel $0xFFFF  }
0xc0: {  	[dreg:$0x0] =	wrdreg $0xFFFFFFFF;
	(pc) =	sbr.abs _section_cstart, $3  }
0xc1: {  	[dreg:$0x1] =	wrdreg $0xFFFFFFFF  }
0xc2: {  	_ =	task.clear_ibuf [dreg:s8], $0x2FFFF;
	_ =	strace $0x9FFFFFFF  }
0xc3: {  	(tm) =	ssettm $0x7FFFFFFF  }
tec
execute0_lowered:
.L_overlay_start_1:
0x0: {  	(tag) =	ssettag $0x1  }
0x1: {  	s1 =	srdreg.scid  }
0x2: {  	s0 =	stileid.u32;
	s3 =	sand.u32 $0x1, s1  }
0x3: {  	s2 =	sshll.u32 s0, $0xA;
	s5 =	sshll.u32 s3, $0x9  }
0x4: {  	s14 =	sor.u32 s5, s2  }
0x5: {  	s4 =	rddreg [dreg:$0x0];
	s5 =	sshll.u32 s14, $0x4  }
0x6: {  	s0 =	rddreg [dreg:$0x1];
	s2 =	simm.s32 $0x0;
	s15 =	sadd.s32 s5, s4  }
0x7: {  	[smem:$0x7FF] =	sst s2;
	s4 =	sadd.s32 $0x40000, s15  }
0x8: {  	_ =	strace $0x80000047;
	s8 =	sadd.s32 $0x140000, s15;
	[dreg:$0x3] =	wrdreg s4  }
0x9: {  	s9 =	sadd.s32 $0xC0000, s15;
	[dreg:$0x4] =	wrdreg s8  }
0xa: {  	s10 =	sadd.s32 $0x80000, s15;
	[dreg:$0x5] =	wrdreg s9  }
0xb: {  	s11 =	sadd.s32 $0x40400, s15;
	[dreg:$0x6] =	wrdreg s10  }
0xc: {  	s12 =	sadd.s32 $0x140400, s15;
	[dreg:$0x7] =	wrdreg s11  }
0xd: {  	s13 =	sadd.s32 $0xC0400, s15;
	[dreg:$0x8] =	wrdreg s12  }
0xe: {  	s16 =	sadd.s32 $0x80400, s15;
	[dreg:$0x9] =	wrdreg s13  }
0xf: {  	v0 =	vlaneseq.u32;
	s17 =	sadd.s32 $0x40800, s15;
	[dreg:$0xa] =	wrdreg s16  }
0x10: {  	v47 =	vmul.u32 $0x80, v0;
	s18 =	sadd.s32 $0x140800, s15;
	[dreg:$0xb] =	wrdreg s17  }
0x11: {  	s28 =	simm.s32 $0x14000;
	s19 =	sadd.s32 $0xC0800, s15;
	[dreg:$0xc] =	wrdreg s18  }
0x12: {  	s29 =	simm.s32 $0x16000;
	v1 =	vor.u32 $0x2003, v47;
	v2 =	vor.u32 $0x4001, v47;
	v3 =	vor.u32 $0x6001, v47;
	s20 =	sadd.s32 $0x80800, s15;
	[dreg:$0xd] =	wrdreg s19  }
0x13: {  	s30 =	simm.s32 $0x1;
	v4 =	vor.u32 $0x802, v47;
	v5 =	vor.u32 $0x2803, v47;
	v6 =	vor.u32 $0x4801, v47;
	s21 =	sadd.s32 $0x40C00, s15;
	[dreg:$0xe] =	wrdreg s20  }
0x14: {  	s1 =	simm.s32 $0x2;
	v7 =	vor.u32 $0x6801, v47;
	v8 =	vor.u32 $0x1002, v47;
	v9 =	vor.u32 $0x3003, v47;
	s22 =	sadd.s32 $0x140C00, s15;
	[dreg:$0xf] =	wrdreg s21  }
0x15: {  	s3 =	ssub.s32 $0x2, s3;
	v10 =	vor.u32 $0x5001, v47;
	v11 =	vor.u32 $0x7001, v47;
	v12 =	vor.u32 $0x1802, v47;
	s23 =	sadd.s32 $0xC0C00, s15;
	[dreg:$0x10] =	wrdreg s22  }
0x16: {  	s25 =	sshrl.u32 s3, $0x1;
	v13 =	vor.u32 $0x3803, v47;
	v14 =	vor.u32 $0x5801, v47;
	v15 =	vor.u32 $0x7801, v47;
	s24 =	sadd.s32 $0x80C00, s15;
	[dreg:$0x11] =	wrdreg s23  }
0x17: {  	v16 =	vor.u32 $0x8002, v47;
	v17 =	vor.u32 $0xA003, v47;
	v18 =	vor.u32 $0xC001, v47;
	s26 =	sadd.s32 $0x41000, s15;
	s31 =	sadd.s32 $0x141000, s15;
	[dreg:$0x12] =	wrdreg s24  }
0x18: {  	v19 =	vor.u32 $0xE001, v47;
	v20 =	vor.u32 $0x8802, v47;
	v21 =	vor.u32 $0xA803, v47;
	s7 =	sadd.s32 $0xC1000, s15;
	s5 =	sadd.s32 $0x141400, s15;
	[dreg:$0x13] =	wrdreg s26  }
0x19: {  	v22 =	vor.u32 $0xC801, v47;
	v23 =	vor.u32 $0xE801, v47;
	v24 =	vor.u32 $0x9002, v47;
	s6 =	sadd.s32 $0xC1400, s15;
	s17 =	ssub.s32 s3, s25;
	[dreg:$0x14] =	wrdreg s31  }
0x1a: {  	v25 =	vor.u32 $0xB003, v47;
	v26 =	vor.u32 $0xD001, v47;
	v27 =	vor.u32 $0xF001, v47;
	s3 =	sadd.s32 $0x81000, s15;
	s4 =	sadd.s32 $0x41400, s15;
	[dreg:$0x15] =	wrdreg s7  }
0x1b: {  	v0 =	vor.u32 $0x2, v47;
	v28 =	vor.u32 $0x9802, v47;
	v29 =	vor.u32 $0xB803, v47;
	s7 =	sadd.s32 $0x81400, s15;
	s8 =	sadd.s32 $0x141800, s15;
	s9 =	sadd.s32 $0x41800, s15  }
0x1c: {  	v30 =	vor.u32 $0xD801, v47;
	v31 =	vor.u32 $0xF801, v47;
	v32 =	vor.u32 $0x10002, v47;
	s10 =	sadd.s32 $0xC1800, s15;
	s11 =	sadd.s32 $0x81800, s15;
	s12 =	sadd.s32 $0x41C00, s15  }
0x1d: {  	v33 =	vor.u32 $0x12003, v47;
	v34 =	vor.u32 $0x14001, v47;
	v35 =	vor.u32 $0x16001, v47;
	s13 =	sadd.s32 $0x141C00, s15;
	s16 =	sshrl.u32 s14, $0x1;
	s14 =	sadd.s32 $0xC1C00, s15  }
0x1e: {  	v36 =	vor.u32 $0x10802, v47;
	v37 =	vor.u32 $0x12803, v47;
	v38 =	vor.u32 $0x14801, v47;
	s15 =	sadd.s32 $0x81C00, s15;
	s18 =	simm.s32 $0x2000;
	s19 =	simm.s32 $0x4000  }
0x1f: {  	v39 =	vor.u32 $0x16801, v47;
	v40 =	vor.u32 $0x11002, v47;
	v41 =	vor.u32 $0x13003, v47;
	s20 =	simm.s32 $0x6000;
	s21 =	simm.s32 $0x8000;
	s22 =	simm.s32 $0xA000  }
0x20: {  	v42 =	vor.u32 $0x15001, v47;
	v43 =	vor.u32 $0x17001, v47;
	v44 =	vor.u32 $0x11802, v47;
	s23 =	simm.s32 $0xC000;
	s24 =	simm.s32 $0xE000;
	s25 =	simm.s32 $0x10000  }
0x21: {  	v45 =	vor.u32 $0x13803, v47;
	v46 =	vor.u32 $0x15801, v47;
	v47 =	vor.u32 $0x17801, v47;
	s26 =	simm.s32 $0x12000;
	s16 =	sadd.s32 s0, s16;
	s17 =	smax.u32 s17, $0x1  }
.LBB2_1:
0x22: {  	s0 =	rddreg [dreg:$0x3]  }
0x23: {  	[tilespmem:s2], [sflag:$0x1] =	stream.linear.gather [hbm4b:s0+s2], $0x2000, $0x38;
	[tilespmem:$0x18800] =	vst v63  }
0x24: {  	s31 =	rddreg [dreg:$0x4]  }
0x25: {  	[tilespmem:s18], [sflag:$0x1] =	stream.linear.gather [hbm4b:s31+s2], $0x2000, $0x38;
	[tilespmem:$0x18800] =	vst v63  }
0x26: {  	s0 =	rddreg [dreg:$0x5]  }
0x27: {  	[tilespmem:s19], [sflag:$0x1] =	stream.linear.gather [hbm4b:s0+s2], $0x2000, $0x38;
	[tilespmem:$0x18800] =	vst v63  }
0x28: {  	s31 =	rddreg [dreg:$0x6]  }
0x29: {  	[tilespmem:s20], [sflag:$0x1] =	stream.linear.gather [hbm4b:s31+s2], $0x2000, $0x38;
	[tilespmem:$0x18800] =	vst v63  }
0x2a: {  	s0 =	rddreg [dreg:$0x7]  }
0x2b: {  	[tilespmem:s21], [sflag:$0x1] =	stream.linear.gather [hbm4b:s0+s2], $0x2000, $0x38;
	[tilespmem:$0x18800] =	vst v63  }
0x2c: {  	s31 =	rddreg [dreg:$0x8]  }
0x2d: {  	[tilespmem:s22], [sflag:$0x1] =	stream.linear.gather [hbm4b:s31+s2], $0x2000, $0x38;
	[tilespmem:$0x18800] =	vst v63  }
0x2e: {  	s0 =	rddreg [dreg:$0x9]  }
0x2f: {  	[tilespmem:s23], [sflag:$0x1] =	stream.linear.gather [hbm4b:s0+s2], $0x2000, $0x38;
	[tilespmem:$0x18800] =	vst v63  }
0x30: {  	s31 =	rddreg [dreg:$0xa]  }
0x31: {  	[tilespmem:s24], [sflag:$0x1] =	stream.linear.gather [hbm4b:s31+s2], $0x2000, $0x38;
	[tilespmem:$0x18800] =	vst v63  }
0x32: {  	s0 =	rddreg [dreg:$0xb]  }
0x33: {  	[tilespmem:s25], [sflag:$0x1] =	stream.linear.gather [hbm4b:s0+s2], $0x2000, $0x38;
	[tilespmem:$0x18800] =	vst v63  }
0x34: {  	s31 =	rddreg [dreg:$0xc]  }
0x35: {  	[tilespmem:s26], [sflag:$0x1] =	stream.linear.gather [hbm4b:s31+s2], $0x2000, $0x38;
	[tilespmem:$0x18800] =	vst v63  }
0x36: {  	s0 =	rddreg [dreg:$0xd]  }
0x37: {  	[tilespmem:s28], [sflag:$0x1] =	stream.linear.gather [hbm4b:s0+s2], $0x2000, $0x38;
	[tilespmem:$0x18800] =	vst v63  }
0x38: {  	s31 =	rddreg [dreg:$0xe]  }
0x39: {  	[tilespmem:s29], [sflag:$0x1] =	stream.linear.gather [hbm4b:s31+s2], $0x2000, $0x38;
	[tilespmem:$0x18800] =	vst v63  }
0x3a: {  	_ =	swait.ge [sflag:s30], $0x2000  }
0x3b: {  	[sflag:s30] =	ssyncset.done $0x0  }
0x3c: {  	[sflag:s30] =	ssyncadd.s32 $0xFFFFE000  }
0x3d: {  	_ =	swait.ge [sflag:s30], $0x2000  }
0x3e: {  	[sflag:s30] =	ssyncset.done $0x0  }
0x3f: {  	[sflag:s30] =	ssyncadd.s32 $0xFFFFE000  }
0x40: {  	_ =	swait.ge [sflag:s30], $0x2000  }
0x41: {  	[sflag:s30] =	ssyncset.done $0x0  }
0x42: {  	[sflag:s30] =	ssyncadd.s32 $0xFFFFE000  }
0x43: {  	_ =	swait.ge [sflag:s30], $0x2000  }
0x44: {  	[sflag:s30] =	ssyncset.done $0x0  }
0x45: {  	[sflag:s30] =	ssyncadd.s32 $0xFFFFE000  }
0x46: {  	v48 =	vld.idx.msk [tilespmem:v0+s2+$0x0], $0xffff;
	_ =	sdelay $0x4  }
0x47: {  	[tilespmem:$0x18000] =	vst v48  }
0x48: {  	v48 =	vld.idx.msk [tilespmem:v1+s2+$0x0], $0xffff;
	_ =	sdelay $0x4  }
0x49: {  	[tilespmem:$0x18080] =	vst v48  }
0x4a: {  	v48 =	vld.idx.msk [tilespmem:v2+s2+$0x0], $0xffff;
	_ =	sdelay $0x4  }
0x4b: {  	[tilespmem:$0x18100] =	vst v48  }
0x4c: {  	v48 =	vld.idx.msk [tilespmem:v3+s2+$0x0], $0xffff;
	_ =	sdelay $0x4  }
0x4d: {  	[tilespmem:$0x18180] =	vst v48  }
0x4e: {  	v48 =	vld.idx.msk [tilespmem:v4+s2+$0x0], $0xffff;
	_ =	sdelay $0x4  }
0x4f: {  	[tilespmem:$0x18010] =	vst v48  }
0x50: {  	v48 =	vld.idx.msk [tilespmem:v5+s2+$0x0], $0xffff;
	_ =	sdelay $0x4  }
0x51: {  	[tilespmem:$0x18090] =	vst v48  }
0x52: {  	v48 =	vld.idx.msk [tilespmem:v6+s2+$0x0], $0xffff;
	_ =	sdelay $0x4  }
0x53: {  	[tilespmem:$0x18110] =	vst v48  }
0x54: {  	v48 =	vld.idx.msk [tilespmem:v7+s2+$0x0], $0xffff;
	_ =	sdelay $0x4  }
0x55: {  	[tilespmem:$0x18190] =	vst v48  }
0x56: {  	v48 =	vld.idx.msk [tilespmem:v8+s2+$0x0], $0xffff;
	_ =	sdelay $0x4  }
0x57: {  	[tilespmem:$0x18020] =	vst v48  }
0x58: {  	v48 =	vld.idx.msk [tilespmem:v9+s2+$0x0], $0xffff;
	_ =	sdelay $0x4  }
0x59: {  	[tilespmem:$0x180A0] =	vst v48  }
0x5a: {  	v48 =	vld.idx.msk [tilespmem:v10+s2+$0x0], $0xffff;
	_ =	sdelay $0x4  }
0x5b: {  	[tilespmem:$0x18120] =	vst v48  }
0x5c: {  	v48 =	vld.idx.msk [tilespmem:v11+s2+$0x0], $0xffff;
	_ =	sdelay $0x4  }
0x5d: {  	[tilespmem:$0x181A0] =	vst v48  }
0x5e: {  	v48 =	vld.idx.msk [tilespmem:v12+s2+$0x0], $0xffff;
	_ =	sdelay $0x4  }
0x5f: {  	[tilespmem:$0x18030] =	vst v48  }
0x60: {  	v48 =	vld.idx.msk [tilespmem:v13+s2+$0x0], $0xffff;
	_ =	sdelay $0x4  }
0x61: {  	[tilespmem:$0x180B0] =	vst v48  }
0x62: {  	v48 =	vld.idx.msk [tilespmem:v14+s2+$0x0], $0xffff;
	_ =	sdelay $0x4  }
0x63: {  	[tilespmem:$0x18130] =	vst v48  }
0x64: {  	v48 =	vld.idx.msk [tilespmem:v15+s2+$0x0], $0xffff;
	_ =	sdelay $0x4  }
0x65: {  	s0 =	rddreg [dreg:$0xf];
	[tilespmem:$0x181B0] =	vst v48  }
0x66: {  	[tilespmem:s2], [sflag:$0x1] =	stream.linear.gather [hbm4b:s0+s2], $0x2000, $0x38;
	[tilespmem:$0x18800] =	vst v63  }
0x67: {  	s31 =	rddreg [dreg:$0x10]  }
0x68: {  	[tilespmem:s18], [sflag:$0x1] =	stream.linear.gather [hbm4b:s31+s2], $0x2000, $0x38;
	[tilespmem:$0x18800] =	vst v63  }
0x69: {  	s0 =	rddreg [dreg:$0x11]  }
0x6a: {  	[tilespmem:s19], [sflag:$0x1] =	stream.linear.gather [hbm4b:s0+s2], $0x2000, $0x38;
	[tilespmem:$0x18800] =	vst v63  }
0x6b: {  	s31 =	rddreg [dreg:$0x12]  }
0x6c: {  	[tilespmem:s20], [sflag:$0x1] =	stream.linear.gather [hbm4b:s31+s2], $0x2000, $0x38;
	[tilespmem:$0x18800] =	vst v63  }
0x6d: {  	_ =	swait.ge [sflag:s30], $0x2000  }
0x6e: {  	[sflag:s30] =	ssyncset.done $0x0  }
0x6f: {  	[sflag:s30] =	ssyncadd.s32 $0xFFFFE000  }
0x70: {  	_ =	swait.ge [sflag:s30], $0x2000  }
0x71: {  	[sflag:s30] =	ssyncset.done $0x0  }
0x72: {  	[sflag:s30] =	ssyncadd.s32 $0xFFFFE000  }
0x73: {  	_ =	swait.ge [sflag:s30], $0x2000  }
0x74: {  	[sflag:s30] =	ssyncset.done $0x0  }
0x75: {  	[sflag:s30] =	ssyncadd.s32 $0xFFFFE000  }
0x76: {  	_ =	swait.ge [sflag:s30], $0x2000  }
0x77: {  	[sflag:s30] =	ssyncset.done $0x0  }
0x78: {  	[sflag:s30] =	ssyncadd.s32 $0xFFFFE000  }
0x79: {  	v57 =	vld.idx.msk [tilespmem:v16+s2+$0x0], $0xffff;
	_ =	sdelay $0x4  }
0x7a: {  	[tilespmem:$0x18040] =	vst v57  }
0x7b: {  	v48 =	vld.idx.msk [tilespmem:v17+s2+$0x0], $0xffff;
	_ =	sdelay $0x4  }
0x7c: {  	[tilespmem:$0x180C0] =	vst v48  }
0x7d: {  	v48 =	vld.idx.msk [tilespmem:v18+s2+$0x0], $0xffff;
	_ =	sdelay $0x4  }
0x7e: {  	[tilespmem:$0x18140] =	vst v48  }
0x7f: {  	v48 =	vld.idx.msk [tilespmem:v19+s2+$0x0], $0xffff;
	_ =	sdelay $0x4  }
0x80: {  	[tilespmem:$0x181C0] =	vst v48  }
0x81: {  	v48 =	vld.idx.msk [tilespmem:v20+s2+$0x0], $0xffff;
	_ =	sdelay $0x4  }
0x82: {  	[tilespmem:$0x18050] =	vst v48  }
0x83: {  	v48 =	vld.idx.msk [tilespmem:v21+s2+$0x0], $0xffff;
	_ =	sdelay $0x4  }
0x84: {  	[tilespmem:$0x180D0] =	vst v48  }
0x85: {  	v48 =	vld.idx.msk [tilespmem:v22+s2+$0x0], $0xffff;
	_ =	sdelay $0x4  }
0x86: {  	[tilespmem:$0x18150] =	vst v48  }
0x87: {  	v48 =	vld.idx.msk [tilespmem:v23+s2+$0x0], $0xffff;
	_ =	sdelay $0x4  }
0x88: {  	[tilespmem:$0x181D0] =	vst v48  }
0x89: {  	v48 =	vld.idx.msk [tilespmem:v24+s2+$0x0], $0xffff;
	_ =	sdelay $0x4  }
0x8a: {  	[tilespmem:$0x18060] =	vst v48  }
0x8b: {  	v48 =	vld.idx.msk [tilespmem:v25+s2+$0x0], $0xffff;
	_ =	sdelay $0x4  }
0x8c: {  	[tilespmem:$0x180E0] =	vst v48  }
0x8d: {  	v48 =	vld.idx.msk [tilespmem:v26+s2+$0x0], $0xffff;
	_ =	sdelay $0x4  }
0x8e: {  	[tilespmem:$0x18160] =	vst v48  }
0x8f: {  	v48 =	vld.idx.msk [tilespmem:v27+s2+$0x0], $0xffff;
	_ =	sdelay $0x4  }
0x90: {  	[tilespmem:$0x181E0] =	vst v48  }
0x91: {  	v48 =	vld.idx.msk [tilespmem:v28+s2+$0x0], $0xffff;
	_ =	sdelay $0x4  }
0x92: {  	[tilespmem:$0x18070] =	vst v48  }
0x93: {  	v48 =	vld.idx.msk [tilespmem:v29+s2+$0x0], $0xffff;
	_ =	sdelay $0x4  }
0x94: {  	[tilespmem:$0x180F0] =	vst v48  }
0x95: {  	v48 =	vld.idx.msk [tilespmem:v30+s2+$0x0], $0xffff;
	_ =	sdelay $0x4  }
0x96: {  	[tilespmem:$0x18170] =	vst v48  }
0x97: {  	v48 =	vld.idx.msk [tilespmem:v31+s2+$0x0], $0xffff;
	_ =	sdelay $0x4  }
0x98: {  	s0 =	rddreg [dreg:$0x13];
	[tilespmem:$0x181F0] =	vst v48  }
0x99: {  	[tilespmem:s21], [sflag:$0x1] =	stream.linear.gather [hbm4b:s0+s2], $0x2000, $0x38;
	[tilespmem:$0x18800] =	vst v63  }
0x9a: {  	s31 =	rddreg [dreg:$0x14]  }
0x9b: {  	[tilespmem:s22], [sflag:$0x1] =	stream.linear.gather [hbm4b:s31+s2], $0x2000, $0x38;
	[tilespmem:$0x18800] =	vst v63  }
0x9c: {  	s0 =	rddreg [dreg:$0x15]  }
0x9d: {  	[tilespmem:s23], [sflag:$0x1] =	stream.linear.gather [hbm4b:s0+s2], $0x2000, $0x38;
	[tilespmem:$0x18800] =	vst v63  }
0x9e: {  	_ = 	snop  }
0x9f: {  	[tilespmem:s24], [sflag:$0x1] =	stream.linear.gather [hbm4b:s3+s2], $0x2000, $0x38;
	[tilespmem:$0x18800] =	vst v63  }
0xa0: {  	_ =	swait.ge [sflag:s30], $0x2000  }
0xa1: {  	[sflag:s30] =	ssyncset.done $0x0  }
0xa2: {  	[sflag:s30] =	ssyncadd.s32 $0xFFFFE000  }
0xa3: {  	_ =	swait.ge [sflag:s30], $0x2000  }
0xa4: {  	[sflag:s30] =	ssyncset.done $0x0  }
0xa5: {  	[sflag:s30] =	ssyncadd.s32 $0xFFFFE000  }
0xa6: {  	_ =	swait.ge [sflag:s30], $0x2000  }
0xa7: {  	[sflag:s30] =	ssyncset.done $0x0  }
0xa8: {  	[sflag:s30] =	ssyncadd.s32 $0xFFFFE000  }
0xa9: {  	_ =	swait.ge [sflag:s30], $0x2000  }
0xaa: {  	[sflag:s30] =	ssyncset.done $0x0  }
0xab: {  	[sflag:s30] =	ssyncadd.s32 $0xFFFFE000  }
0xac: {  	v58 =	vld.idx.msk [tilespmem:v32+s2+$0x0], $0xffff;
	_ =	sdelay $0x4  }
0xad: {  	[tilespmem:$0x18200] =	vst v58  }
0xae: {  	v48 =	vld.idx.msk [tilespmem:v33+s2+$0x0], $0xffff;
	_ =	sdelay $0x4  }
0xaf: {  	[tilespmem:$0x18280] =	vst v48  }
0xb0: {  	v48 =	vld.idx.msk [tilespmem:v34+s2+$0x0], $0xffff;
	_ =	sdelay $0x4  }
0xb1: {  	[tilespmem:$0x18300] =	vst v48  }
0xb2: {  	v48 =	vld.idx.msk [tilespmem:v35+s2+$0x0], $0xffff;
	_ =	sdelay $0x4  }
0xb3: {  	[tilespmem:$0x18380] =	vst v48  }
0xb4: {  	v48 =	vld.idx.msk [tilespmem:v36+s2+$0x0], $0xffff;
	_ =	sdelay $0x4  }
0xb5: {  	[tilespmem:$0x18210] =	vst v48  }
0xb6: {  	v48 =	vld.idx.msk [tilespmem:v37+s2+$0x0], $0xffff;
	_ =	sdelay $0x4  }
0xb7: {  	[tilespmem:$0x18290] =	vst v48  }
0xb8: {  	v48 =	vld.idx.msk [tilespmem:v38+s2+$0x0], $0xffff;
	_ =	sdelay $0x4  }
0xb9: {  	[tilespmem:$0x18310] =	vst v48  }
0xba: {  	v48 =	vld.idx.msk [tilespmem:v39+s2+$0x0], $0xffff;
	_ =	sdelay $0x4  }
0xbb: {  	[tilespmem:$0x18390] =	vst v48  }
0xbc: {  	v48 =	vld.idx.msk [tilespmem:v40+s2+$0x0], $0xffff;
	_ =	sdelay $0x4  }
0xbd: {  	[tilespmem:$0x18220] =	vst v48  }
0xbe: {  	v48 =	vld.idx.msk [tilespmem:v41+s2+$0x0], $0xffff;
	_ =	sdelay $0x4  }
0xbf: {  	[tilespmem:$0x182A0] =	vst v48  }
0xc0: {  	v48 =	vld.idx.msk [tilespmem:v42+s2+$0x0], $0xffff;
	_ =	sdelay $0x4  }
0xc1: {  	[tilespmem:$0x18320] =	vst v48  }
0xc2: {  	v48 =	vld.idx.msk [tilespmem:v43+s2+$0x0], $0xffff;
	_ =	sdelay $0x4  }
0xc3: {  	[tilespmem:$0x183A0] =	vst v48  }
0xc4: {  	v48 =	vld.idx.msk [tilespmem:v44+s2+$0x0], $0xffff;
	_ =	sdelay $0x4  }
0xc5: {  	[tilespmem:$0x18230] =	vst v48  }
0xc6: {  	v48 =	vld.idx.msk [tilespmem:v45+s2+$0x0], $0xffff;
	_ =	sdelay $0x4  }
0xc7: {  	[tilespmem:$0x182B0] =	vst v48  }
0xc8: {  	v48 =	vld.idx.msk [tilespmem:v46+s2+$0x0], $0xffff;
	_ =	sdelay $0x4  }
0xc9: {  	[tilespmem:$0x18330] =	vst v48  }
0xca: {  	v48 =	vld.idx.msk [tilespmem:v47+s2+$0x0], $0xffff;
	_ =	sdelay $0x4  }
0xcb: {  	[tilespmem:$0x183B0] =	vst v48  }
0xcc: {  	[tilespmem:s25], [sflag:$0x1] =	stream.linear.gather [hbm4b:s4+s2], $0x2000, $0x38;
	[tilespmem:$0x18800] =	vst v63  }
0xcd: {  	_ = 	snop  }
0xce: {  	[tilespmem:s26], [sflag:$0x1] =	stream.linear.gather [hbm4b:s5+s2], $0x2000, $0x38;
	[tilespmem:$0x18800] =	vst v63  }
0xcf: {  	_ = 	snop  }
0xd0: {  	[tilespmem:s28], [sflag:$0x1] =	stream.linear.gather [hbm4b:s6+s2], $0x2000, $0x38;
	[tilespmem:$0x18800] =	vst v63  }
0xd1: {  	_ = 	snop  }
0xd2: {  	[tilespmem:s29], [sflag:$0x1] =	stream.linear.gather [hbm4b:s7+s2], $0x2000, $0x38;
	[tilespmem:$0x18800] =	vst v63  }
0xd3: {  	_ =	swait.ge [sflag:s30], $0x2000  }
0xd4: {  	[sflag:s30] =	ssyncset.done $0x0  }
0xd5: {  	[sflag:s30] =	ssyncadd.s32 $0xFFFFE000  }
0xd6: {  	_ =	swait.ge [sflag:s30], $0x2000  }
0xd7: {  	[sflag:s30] =	ssyncset.done $0x0  }
0xd8: {  	[sflag:s30] =	ssyncadd.s32 $0xFFFFE000  }
0xd9: {  	_ =	swait.ge [sflag:s30], $0x2000  }
0xda: {  	[sflag:s30] =	ssyncset.done $0x0  }
0xdb: {  	[sflag:s30] =	ssyncadd.s32 $0xFFFFE000  }
0xdc: {  	_ =	swait.ge [sflag:s30], $0x2000  }
0xdd: {  	[sflag:s30] =	ssyncset.done $0x0  }
0xde: {  	[sflag:s30] =	ssyncadd.s32 $0xFFFFE000  }
0xdf: {  	v59 =	vld.idx.msk [tilespmem:v0+s2+$0x0], $0xffff;
	_ =	sdelay $0x4  }
0xe0: {  	[tilespmem:$0x18240] =	vst v59  }
0xe1: {  	v48 =	vld.idx.msk [tilespmem:v1+s2+$0x0], $0xffff;
	_ =	sdelay $0x4  }
0xe2: {  	[tilespmem:$0x182C0] =	vst v48  }
0xe3: {  	v48 =	vld.idx.msk [tilespmem:v2+s2+$0x0], $0xffff;
	_ =	sdelay $0x4  }
0xe4: {  	[tilespmem:$0x18340] =	vst v48  }
0xe5: {  	v48 =	vld.idx.msk [tilespmem:v3+s2+$0x0], $0xffff;
	_ =	sdelay $0x4  }
0xe6: {  	[tilespmem:$0x183C0] =	vst v48  }
0xe7: {  	v48 =	vld.idx.msk [tilespmem:v4+s2+$0x0], $0xffff;
	_ =	sdelay $0x4  }
0xe8: {  	[tilespmem:$0x18250] =	vst v48  }
0xe9: {  	v48 =	vld.idx.msk [tilespmem:v5+s2+$0x0], $0xffff;
	_ =	sdelay $0x4  }
0xea: {  	[tilespmem:$0x182D0] =	vst v48  }
0xeb: {  	v48 =	vld.idx.msk [tilespmem:v6+s2+$0x0], $0xffff;
	_ =	sdelay $0x4  }
0xec: {  	[tilespmem:$0x18350] =	vst v48  }
0xed: {  	v48 =	vld.idx.msk [tilespmem:v7+s2+$0x0], $0xffff;
	_ =	sdelay $0x4  }
0xee: {  	[tilespmem:$0x183D0] =	vst v48  }
0xef: {  	v48 =	vld.idx.msk [tilespmem:v8+s2+$0x0], $0xffff;
	_ =	sdelay $0x4  }
0xf0: {  	[tilespmem:$0x18260] =	vst v48  }
0xf1: {  	v48 =	vld.idx.msk [tilespmem:v9+s2+$0x0], $0xffff;
	_ =	sdelay $0x4  }
0xf2: {  	[tilespmem:$0x182E0] =	vst v48  }
0xf3: {  	v48 =	vld.idx.msk [tilespmem:v10+s2+$0x0], $0xffff;
	_ =	sdelay $0x4  }
0xf4: {  	[tilespmem:$0x18360] =	vst v48  }
0xf5: {  	v48 =	vld.idx.msk [tilespmem:v11+s2+$0x0], $0xffff;
	_ =	sdelay $0x4  }
0xf6: {  	[tilespmem:$0x183E0] =	vst v48  }
0xf7: {  	v48 =	vld.idx.msk [tilespmem:v12+s2+$0x0], $0xffff;
	_ =	sdelay $0x4  }
0xf8: {  	[tilespmem:$0x18270] =	vst v48  }
0xf9: {  	v48 =	vld.idx.msk [tilespmem:v13+s2+$0x0], $0xffff;
	_ =	sdelay $0x4  }
0xfa: {  	[tilespmem:$0x182F0] =	vst v48  }
0xfb: {  	v48 =	vld.idx.msk [tilespmem:v14+s2+$0x0], $0xffff;
	_ =	sdelay $0x4  }
0xfc: {  	[tilespmem:$0x18370] =	vst v48  }
0xfd: {  	v48 =	vld.idx.msk [tilespmem:v15+s2+$0x0], $0xffff;
	_ =	sdelay $0x4  }
0xfe: {  	[tilespmem:$0x183F0] =	vst v48  }
0xff: {  	[tilespmem:s2], [sflag:$0x1] =	stream.linear.gather [hbm4b:s9+s2], $0x2000, $0x38;
	[tilespmem:$0x18800] =	vst v63  }
0x100: {  	_ = 	snop  }
0x101: {  	[tilespmem:s18], [sflag:$0x1] =	stream.linear.gather [hbm4b:s8+s2], $0x2000, $0x38;
	[tilespmem:$0x18800] =	vst v63  }
0x102: {  	_ = 	snop  }
0x103: {  	[tilespmem:s19], [sflag:$0x1] =	stream.linear.gather [hbm4b:s10+s2], $0x2000, $0x38;
	[tilespmem:$0x18800] =	vst v63  }
0x104: {  	_ = 	snop  }
0x105: {  	[tilespmem:s20], [sflag:$0x1] =	stream.linear.gather [hbm4b:s11+s2], $0x2000, $0x38;
	[tilespmem:$0x18800] =	vst v63  }
0x106: {  	_ =	swait.ge [sflag:s30], $0x2000  }
0x107: {  	[sflag:s30] =	ssyncset.done $0x0  }
0x108: {  	[sflag:s30] =	ssyncadd.s32 $0xFFFFE000  }
0x109: {  	_ =	swait.ge [sflag:s30], $0x2000  }
0x10a: {  	[sflag:s30] =	ssyncset.done $0x0  }
0x10b: {  	[sflag:s30] =	ssyncadd.s32 $0xFFFFE000  }
0x10c: {  	_ =	swait.ge [sflag:s30], $0x2000  }
0x10d: {  	[sflag:s30] =	ssyncset.done $0x0  }
0x10e: {  	[sflag:s30] =	ssyncadd.s32 $0xFFFFE000  }
0x10f: {  	_ =	swait.ge [sflag:s30], $0x2000  }
0x110: {  	[sflag:s30] =	ssyncset.done $0x0  }
0x111: {  	[sflag:s30] =	ssyncadd.s32 $0xFFFFE000  }
0x112: {  	v60 =	vld.idx.msk [tilespmem:v16+s2+$0x0], $0xffff;
	_ =	sdelay $0x4  }
0x113: {  	[tilespmem:$0x18400] =	vst v60  }
0x114: {  	v48 =	vld.idx.msk [tilespmem:v17+s2+$0x0], $0xffff;
	_ =	sdelay $0x4  }
0x115: {  	[tilespmem:$0x18480] =	vst v48  }
0x116: {  	v48 =	vld.idx.msk [tilespmem:v18+s2+$0x0], $0xffff;
	_ =	sdelay $0x4  }
0x117: {  	[tilespmem:$0x18500] =	vst v48  }
0x118: {  	v48 =	vld.idx.msk [tilespmem:v19+s2+$0x0], $0xffff;
	_ =	sdelay $0x4  }
0x119: {  	[tilespmem:$0x18580] =	vst v48  }
0x11a: {  	v48 =	vld.idx.msk [tilespmem:v20+s2+$0x0], $0xffff;
	_ =	sdelay $0x4  }
0x11b: {  	[tilespmem:$0x18410] =	vst v48  }
0x11c: {  	v48 =	vld.idx.msk [tilespmem:v21+s2+$0x0], $0xffff;
	_ =	sdelay $0x4  }
0x11d: {  	[tilespmem:$0x18490] =	vst v48  }
0x11e: {  	v48 =	vld.idx.msk [tilespmem:v22+s2+$0x0], $0xffff;
	_ =	sdelay $0x4  }
0x11f: {  	[tilespmem:$0x18510] =	vst v48  }
0x120: {  	v48 =	vld.idx.msk [tilespmem:v23+s2+$0x0], $0xffff;
	_ =	sdelay $0x4  }
0x121: {  	[tilespmem:$0x18590] =	vst v48  }
0x122: {  	v48 =	vld.idx.msk [tilespmem:v24+s2+$0x0], $0xffff;
	_ =	sdelay $0x4  }
0x123: {  	[tilespmem:$0x18420] =	vst v48  }
0x124: {  	v48 =	vld.idx.msk [tilespmem:v25+s2+$0x0], $0xffff;
	_ =	sdelay $0x4  }
0x125: {  	[tilespmem:$0x184A0] =	vst v48  }
0x126: {  	v48 =	vld.idx.msk [tilespmem:v26+s2+$0x0], $0xffff;
	_ =	sdelay $0x4  }
0x127: {  	[tilespmem:$0x18520] =	vst v48  }
0x128: {  	v48 =	vld.idx.msk [tilespmem:v27+s2+$0x0], $0xffff;
	_ =	sdelay $0x4  }
0x129: {  	[tilespmem:$0x185A0] =	vst v48  }
0x12a: {  	v48 =	vld.idx.msk [tilespmem:v28+s2+$0x0], $0xffff;
	_ =	sdelay $0x4  }
0x12b: {  	[tilespmem:$0x18430] =	vst v48  }
0x12c: {  	v48 =	vld.idx.msk [tilespmem:v29+s2+$0x0], $0xffff;
	_ =	sdelay $0x4  }
0x12d: {  	[tilespmem:$0x184B0] =	vst v48  }
0x12e: {  	v48 =	vld.idx.msk [tilespmem:v30+s2+$0x0], $0xffff;
	_ =	sdelay $0x4  }
0x12f: {  	[tilespmem:$0x18530] =	vst v48  }
0x130: {  	v48 =	vld.idx.msk [tilespmem:v31+s2+$0x0], $0xffff;
	_ =	sdelay $0x4  }
0x131: {  	[tilespmem:$0x185B0] =	vst v48  }
0x132: {  	[tilespmem:s21], [sflag:$0x1] =	stream.linear.gather [hbm4b:s12+s2], $0x2000, $0x38;
	[tilespmem:$0x18800] =	vst v63  }
0x133: {  	_ = 	snop  }
0x134: {  	[tilespmem:s22], [sflag:$0x1] =	stream.linear.gather [hbm4b:s13+s2], $0x2000, $0x38;
	[tilespmem:$0x18800] =	vst v63  }
0x135: {  	_ = 	snop  }
0x136: {  	[tilespmem:s23], [sflag:$0x1] =	stream.linear.gather [hbm4b:s14+s2], $0x2000, $0x38;
	[tilespmem:$0x18800] =	vst v63  }
0x137: {  	_ = 	snop  }
0x138: {  	[tilespmem:s24], [sflag:$0x1] =	stream.linear.gather [hbm4b:s15+s2], $0x2000, $0x38;
	[tilespmem:$0x18800] =	vst v63  }
0x139: {  	_ =	swait.ge [sflag:s30], $0x2000  }
0x13a: {  	[sflag:s30] =	ssyncset.done $0x0  }
0x13b: {  	[sflag:s30] =	ssyncadd.s32 $0xFFFFE000  }
0x13c: {  	_ =	swait.ge [sflag:s30], $0x2000  }
0x13d: {  	[sflag:s30] =	ssyncset.done $0x0  }
0x13e: {  	[sflag:s30] =	ssyncadd.s32 $0xFFFFE000  }
0x13f: {  	_ =	swait.ge [sflag:s30], $0x2000  }
0x140: {  	[sflag:s30] =	ssyncset.done $0x0  }
0x141: {  	[sflag:s30] =	ssyncadd.s32 $0xFFFFE000  }
0x142: {  	_ =	swait.ge [sflag:s30], $0x2000  }
0x143: {  	[sflag:s30] =	ssyncset.done $0x0  }
0x144: {  	[sflag:s30] =	ssyncadd.s32 $0xFFFFE000  }
0x145: {  	v61 =	vld.idx.msk [tilespmem:v32+s2+$0x0], $0xffff;
	_ =	sdelay $0x4  }
0x146: {  	[tilespmem:$0x18440] =	vst v61  }
0x147: {  	v48 =	vld.idx.msk [tilespmem:v33+s2+$0x0], $0xffff;
	_ =	sdelay $0x4  }
0x148: {  	[tilespmem:$0x184C0] =	vst v48  }
0x149: {  	v48 =	vld.idx.msk [tilespmem:v34+s2+$0x0], $0xffff;
	_ =	sdelay $0x4  }
0x14a: {  	[tilespmem:$0x18540] =	vst v48  }
0x14b: {  	v48 =	vld.idx.msk [tilespmem:v35+s2+$0x0], $0xffff;
	_ =	sdelay $0x4  }
0x14c: {  	[tilespmem:$0x185C0] =	vst v48  }
0x14d: {  	v48 =	vld.idx.msk [tilespmem:v36+s2+$0x0], $0xffff;
	_ =	sdelay $0x4  }
0x14e: {  	[tilespmem:$0x18450] =	vst v48  }
0x14f: {  	v48 =	vld.idx.msk [tilespmem:v37+s2+$0x0], $0xffff;
	_ =	sdelay $0x4  }
0x150: {  	[tilespmem:$0x184D0] =	vst v48  }
0x151: {  	v48 =	vld.idx.msk [tilespmem:v38+s2+$0x0], $0xffff;
	_ =	sdelay $0x4  }
0x152: {  	[tilespmem:$0x18550] =	vst v48  }
0x153: {  	v48 =	vld.idx.msk [tilespmem:v39+s2+$0x0], $0xffff;
	_ =	sdelay $0x4  }
0x154: {  	[tilespmem:$0x185D0] =	vst v48  }
0x155: {  	v48 =	vld.idx.msk [tilespmem:v40+s2+$0x0], $0xffff;
	_ =	sdelay $0x4  }
0x156: {  	[tilespmem:$0x18460] =	vst v48  }
0x157: {  	v48 =	vld.idx.msk [tilespmem:v41+s2+$0x0], $0xffff;
	_ =	sdelay $0x4  }
0x158: {  	[tilespmem:$0x184E0] =	vst v48  }
0x159: {  	v48 =	vld.idx.msk [tilespmem:v42+s2+$0x0], $0xffff;
	_ =	sdelay $0x4  }
0x15a: {  	[tilespmem:$0x18560] =	vst v48  }
0x15b: {  	v48 =	vld.idx.msk [tilespmem:v43+s2+$0x0], $0xffff;
	_ =	sdelay $0x4  }
0x15c: {  	[tilespmem:$0x185E0] =	vst v48  }
0x15d: {  	v48 =	vld.idx.msk [tilespmem:v44+s2+$0x0], $0xffff;
	_ =	sdelay $0x4  }
0x15e: {  	[tilespmem:$0x18470] =	vst v48  }
0x15f: {  	v48 =	vld.idx.msk [tilespmem:v45+s2+$0x0], $0xffff;
	_ =	sdelay $0x4  }
0x160: {  	[tilespmem:$0x184F0] =	vst v48  }
0x161: {  	v48 =	vld.idx.msk [tilespmem:v46+s2+$0x0], $0xffff;
	_ =	sdelay $0x4  }
0x162: {  	[tilespmem:$0x18570] =	vst v48  }
0x163: {  	v48 =	vld.idx.msk [tilespmem:v47+s2+$0x0], $0xffff;
	_ =	sdelay $0x4  }
0x164: {  	[tilespmem:$0x185F0] =	vst v48  }
0x165: {  	_ =	swait.ge [sflag:s30], $0x2000  }
0x166: {  	[sflag:s30] =	ssyncset.done $0x0  }
0x167: {  	[sflag:s30] =	ssyncadd.s32 $0xFFFFE000  }
0x168: {  	_ =	swait.ge [sflag:s30], $0x2000  }
0x169: {  	[sflag:s30] =	ssyncset.done $0x0  }
0x16a: {  	[sflag:s30] =	ssyncadd.s32 $0xFFFFE000  }
0x16b: {  	_ =	swait.ge [sflag:s30], $0x2000  }
0x16c: {  	[sflag:s30] =	ssyncset.done $0x0  }
0x16d: {  	[sflag:s30] =	ssyncadd.s32 $0xFFFFE000  }
0x16e: {  	_ =	swait.ge [sflag:s30], $0x2000  }
0x16f: {  	[sflag:s30] =	ssyncset.done $0x0  }
0x170: {  	[sflag:s30] =	ssyncadd.s32 $0xFFFFE000  }
0x171: {  	v62 =	vld.idx.msk [tilespmem:v0+s2+$0x0], $0xffff;
	_ =	sdelay $0x4  }
0x172: {  	[tilespmem:$0x18600] =	vst v62  }
0x173: {  	v48 =	vld.idx.msk [tilespmem:v1+s2+$0x0], $0xffff;
	_ =	sdelay $0x4  }
0x174: {  	[tilespmem:$0x18680] =	vst v48  }
0x175: {  	v48 =	vld.idx.msk [tilespmem:v2+s2+$0x0], $0xffff;
	_ =	sdelay $0x4  }
0x176: {  	[tilespmem:$0x18700] =	vst v48  }
0x177: {  	v48 =	vld.idx.msk [tilespmem:v3+s2+$0x0], $0xffff;
	_ =	sdelay $0x4  }
0x178: {  	[tilespmem:$0x18780] =	vst v48  }
0x179: {  	v48 =	vld.idx.msk [tilespmem:v4+s2+$0x0], $0xffff;
	_ =	sdelay $0x4  }
0x17a: {  	[tilespmem:$0x18610] =	vst v48  }
0x17b: {  	v48 =	vld.idx.msk [tilespmem:v5+s2+$0x0], $0xffff;
	_ =	sdelay $0x4  }
0x17c: {  	[tilespmem:$0x18690] =	vst v48  }
0x17d: {  	v48 =	vld.idx.msk [tilespmem:v6+s2+$0x0], $0xffff;
	_ =	sdelay $0x4  }
0x17e: {  	[tilespmem:$0x18710] =	vst v48  }
0x17f: {  	v48 =	vld.idx.msk [tilespmem:v7+s2+$0x0], $0xffff;
	_ =	sdelay $0x4  }
0x180: {  	[tilespmem:$0x18790] =	vst v48  }
0x181: {  	v48 =	vld.idx.msk [tilespmem:v8+s2+$0x0], $0xffff;
	_ =	sdelay $0x4  }
0x182: {  	[tilespmem:$0x18620] =	vst v48  }
0x183: {  	v48 =	vld.idx.msk [tilespmem:v9+s2+$0x0], $0xffff;
	_ =	sdelay $0x4  }
0x184: {  	[tilespmem:$0x186A0] =	vst v48  }
0x185: {  	v48 =	vld.idx.msk [tilespmem:v10+s2+$0x0], $0xffff;
	_ =	sdelay $0x4  }
0x186: {  	[tilespmem:$0x18720] =	vst v48  }
0x187: {  	v48 =	vld.idx.msk [tilespmem:v11+s2+$0x0], $0xffff;
	_ =	sdelay $0x4  }
0x188: {  	[tilespmem:$0x187A0] =	vst v48  }
0x189: {  	v48 =	vld.idx.msk [tilespmem:v12+s2+$0x0], $0xffff;
	_ =	sdelay $0x4  }
0x18a: {  	[tilespmem:$0x18630] =	vst v48  }
0x18b: {  	v48 =	vld.idx.msk [tilespmem:v13+s2+$0x0], $0xffff;
	_ =	sdelay $0x4  }
0x18c: {  	[tilespmem:$0x186B0] =	vst v48  }
0x18d: {  	v48 =	vld.idx.msk [tilespmem:v14+s2+$0x0], $0xffff;
	_ =	sdelay $0x4  }
0x18e: {  	[tilespmem:$0x18730] =	vst v48  }
0x18f: {  	v48 =	vld.idx.msk [tilespmem:v15+s2+$0x0], $0xffff;
	_ =	sdelay $0x4  }
0x190: {  	[tilespmem:$0x187B0] =	vst v48  }
0x191: {  	_ =	swait.ge [sflag:s30], $0x2000  }
0x192: {  	[sflag:s30] =	ssyncset.done $0x0  }
0x193: {  	[sflag:s30] =	ssyncadd.s32 $0xFFFFE000  }
0x194: {  	_ =	swait.ge [sflag:s30], $0x2000  }
0x195: {  	[sflag:s30] =	ssyncset.done $0x0  }
0x196: {  	[sflag:s30] =	ssyncadd.s32 $0xFFFFE000  }
0x197: {  	_ =	swait.ge [sflag:s30], $0x2000  }
0x198: {  	[sflag:s30] =	ssyncset.done $0x0  }
0x199: {  	[sflag:s30] =	ssyncadd.s32 $0xFFFFE000  }
0x19a: {  	_ =	swait.ge [sflag:s30], $0x2000  }
0x19b: {  	[sflag:s30] =	ssyncset.done $0x0  }
0x19c: {  	[sflag:s30] =	ssyncadd.s32 $0xFFFFE000  }
0x19d: {  	v63 =	vld.idx.msk [tilespmem:v16+s2+$0x0], $0xffff;
	_ =	sdelay $0x4  }
0x19e: {  	[tilespmem:$0x18640] =	vst v63  }
0x19f: {  	v48 =	vld.idx.msk [tilespmem:v17+s2+$0x0], $0xffff;
	_ =	sdelay $0x4  }
0x1a0: {  	[tilespmem:$0x186C0] =	vst v48  }
0x1a1: {  	v48 =	vld.idx.msk [tilespmem:v18+s2+$0x0], $0xffff;
	_ =	sdelay $0x4  }
0x1a2: {  	[tilespmem:$0x18740] =	vst v48  }
0x1a3: {  	v48 =	vld.idx.msk [tilespmem:v19+s2+$0x0], $0xffff;
	_ =	sdelay $0x4  }
0x1a4: {  	[tilespmem:$0x187C0] =	vst v48  }
0x1a5: {  	v48 =	vld.idx.msk [tilespmem:v20+s2+$0x0], $0xffff;
	_ =	sdelay $0x4  }
0x1a6: {  	[tilespmem:$0x18650] =	vst v48  }
0x1a7: {  	v48 =	vld.idx.msk [tilespmem:v21+s2+$0x0], $0xffff;
	_ =	sdelay $0x4  }
0x1a8: {  	[tilespmem:$0x186D0] =	vst v48  }
0x1a9: {  	v48 =	vld.idx.msk [tilespmem:v22+s2+$0x0], $0xffff;
	_ =	sdelay $0x4  }
0x1aa: {  	[tilespmem:$0x18750] =	vst v48  }
0x1ab: {  	v48 =	vld.idx.msk [tilespmem:v23+s2+$0x0], $0xffff;
	_ =	sdelay $0x4  }
0x1ac: {  	[tilespmem:$0x187D0] =	vst v48  }
0x1ad: {  	v48 =	vld.idx.msk [tilespmem:v24+s2+$0x0], $0xffff;
	_ =	sdelay $0x4  }
0x1ae: {  	[tilespmem:$0x18660] =	vst v48  }
0x1af: {  	v48 =	vld.idx.msk [tilespmem:v25+s2+$0x0], $0xffff;
	_ =	sdelay $0x4  }
0x1b0: {  	[tilespmem:$0x186E0] =	vst v48  }
0x1b1: {  	v48 =	vld.idx.msk [tilespmem:v26+s2+$0x0], $0xffff;
	_ =	sdelay $0x4  }
0x1b2: {  	[tilespmem:$0x18760] =	vst v48  }
0x1b3: {  	v48 =	vld.idx.msk [tilespmem:v27+s2+$0x0], $0xffff;
	_ =	sdelay $0x4  }
0x1b4: {  	[tilespmem:$0x187E0] =	vst v48  }
0x1b5: {  	v48 =	vld.idx.msk [tilespmem:v28+s2+$0x0], $0xffff;
	_ =	sdelay $0x4  }
0x1b6: {  	[tilespmem:$0x18670] =	vst v48  }
0x1b7: {  	v48 =	vld.idx.msk [tilespmem:v29+s2+$0x0], $0xffff;
	_ =	sdelay $0x4  }
0x1b8: {  	[tilespmem:$0x186F0] =	vst v48  }
0x1b9: {  	v48 =	vld.idx.msk [tilespmem:v30+s2+$0x0], $0xffff;
	_ =	sdelay $0x4  }
0x1ba: {  	[tilespmem:$0x18770] =	vst v48  }
0x1bb: {  	v48 =	vld.idx.msk [tilespmem:v31+s2+$0x0], $0xffff;
	_ =	sdelay $0x3  }
0x1bc: {  	p0 =	sne.s32 s17, $0x1  }
.Ltmp0:
0x1bd: {  	s31 =	simm.s32 $0x18000;
	[tilespmem:$0x187F0] =	vst v48;
	(pc) =	sbr.rel @p0 .LBB2_1-.Ltmp0, $4  }
0x1be: {  	[hbm4b:s16+s2] =	stream.linear.scatter [tilespmem:s31], [sflag:$0x2], $0x800, $0x38;
	[tilespmem:$0x18800] =	vst v63  }
0x1bf: {  	_ =	swait.ge [sflag:s1], $0x800  }
0x1c0: {  	[sflag:s1] =	ssyncset.done $0x0  }
0x1c1: {  	s17 =	sadd.s32 $0xFFFFFFFF, s17;
	[sflag:s1] =	ssyncadd.s32 $0xFFFFF800  }
0x1c2: {  	_ =	sfence.sel $0x180000  }
0x1c3: {  	[bflag:$0x0] =	sbarrier.arrive $0xFFFF  }
0x1c4: {  	_ =	strace $0x90000047  }
0x1c5: {  	s0 =	stileid.u32;
	[bflag:$0x2] =	sbarrier.arrive $0xFFFF  }
0x1c6: {  	p0 =	sne.s32 s0, $0x0;
	s0 =	rddreg [dreg:$0x2]  }
0x1c7: {  	s0 =	sadd.s32 @!p0 $0x100000, s0  }
0x1c8: {  	[sflag:s0] =	ssyncadd.tile.s32 @!p0 $0x1;
	_ =	shalt  }
.Lfunc_end2:
_tile_overlayer_lowered:
.L_overlay_start_2:
0x1c9: {  	(tag) =	ssettag $0x2  }
0x1ca: {  	s0 =	rddreg [dreg:$0x0];
	s2 =	stileid.u32  }
0x1cb: {  	s1 =	rddreg [dreg:$0x1];
	p0 =	sne.s32 s2, $0x0  }
0x1cc: {  	s3 =	rddreg [dreg:$0x2];
	[bflag:$0x3] =	sbarrier.arrive $0xFFFF;
	s2 =	simm.s32 @!p0 $0x1C02  }
0x1cd: {  	[timem:s3], [sflag:s2] =	dma.local @!p0 [hbm:s0], s1  }
0x1ce: {  	s0 =	simm.s32 @!p0 $0x2  }
0x1cf: {  	_ =	swait.ge @!p0 [sflag:s0], s1  }
0x1d0: {  	s1 =	ssub.s32 @!p0 $0x0, s1;
	[sflag:s0] =	ssyncset.done @!p0 $0x0  }
0x1d1: {  	[sflag:s0] =	ssyncadd.s32 @!p0 s1  }
0x1d2: {  	[bflag:$0x3] =	sbarrier.arrive $0xFFFF  }
0x1d3: {  	_ =	shalt  }

</sc_bundles>
